<compile_context>
chip_gen: v7x
topology: tpu7x:2x2x1
jax: 0.10.2.dev20260603
libtpu: 0.0.44.dev20260713+nightly
codegen_flags: <defaults>
</compile_context>

<pallas_src>
import functools

import jax
import jax.numpy as jnp
import numpy as np
from jax import lax
from jax.experimental import pallas as pl
from jax.experimental.pallas import tpu as pltpu
from jax.experimental.pallas import tpu_sc as plsc

B, S, D, H, F = 1, 2048, 1024, 16, 8
E, K, I = 8, 2, 4096
HD = D // H
HH = HD // 2
CAP = 768
SBLK = 256
NSB = S // SBLK
IBLK = 1024
NIB = I // IBLK

_f32 = jnp.float32
_bf16 = jnp.bfloat16


def _dims(*sems):
    return pltpu.CompilerParams(dimension_semantics=sems)



def _qkv_body(x_ref, fp_ref, ws_ref, wb_ref, fr_ref,
              wq_ref, wqr_ref, wk_ref, wkr_ref, wv_ref,
              q_ref, k_ref, v_ref):
    x = x_ref[...]
    mu = jnp.mean(x, axis=1, keepdims=True)
    var = jnp.mean((x - mu) ** 2, axis=1, keepdims=True)
    xn = (x - mu) / jnp.sqrt(var + 1e-6)
    fp = fp_ref[...]
    scale = jax.lax.dot_general(fp, ws_ref[...], (((1,), (0,)), ((), ())),
                                preferred_element_type=_f32)
    shift = jax.lax.dot_general(fp, wb_ref[...], (((1,), (0,)), ((), ())),
                                preferred_element_type=_f32)
    h = xn * (1.0 + scale) + shift

    def mm(w_ref):
        return jax.lax.dot_general(h, w_ref[...], (((1,), (0,)), ((), ())),
                                   preferred_element_type=_f32)

    q1, q2 = mm(wq_ref), mm(wqr_ref)
    k1, k2 = mm(wk_ref), mm(wkr_ref)
    v_ref[...] = mm(wv_ref)

    fr = fr_ref[...]
    cos = jnp.cos(fr)
    sin = jnp.sin(fr)
    cosT = jnp.concatenate([cos] * H, axis=1)
    sinT = jnp.concatenate([sin] * H, axis=1)
    q_ref[...] = jnp.concatenate(
        [q1 * cosT - q2 * sinT, q1 * sinT + q2 * cosT], axis=1)
    k_ref[...] = jnp.concatenate(
        [k1 * cosT - k2 * sinT, k1 * sinT + k2 * cosT], axis=1)


def _qkv_call(x2, fp, ws, wb, freqs, wqa, wqb, wka, wkb, wv):
    return pl.pallas_call(
        _qkv_body,
        grid=(NSB,),
        in_specs=[
            pl.BlockSpec((SBLK, D), lambda i: (i, 0)),
            pl.BlockSpec((1, F), lambda i: (0, 0)),
            pl.BlockSpec((F, D), lambda i: (0, 0)),
            pl.BlockSpec((F, D), lambda i: (0, 0)),
            pl.BlockSpec((SBLK, HH), lambda i: (i, 0)),
            pl.BlockSpec((D, D // 2), lambda i: (0, 0)),
            pl.BlockSpec((D, D // 2), lambda i: (0, 0)),
            pl.BlockSpec((D, D // 2), lambda i: (0, 0)),
            pl.BlockSpec((D, D // 2), lambda i: (0, 0)),
            pl.BlockSpec((D, D), lambda i: (0, 0)),
        ],
        out_specs=[
            pl.BlockSpec((SBLK, D), lambda i: (i, 0)),
            pl.BlockSpec((SBLK, D), lambda i: (i, 0)),
            pl.BlockSpec((SBLK, D), lambda i: (i, 0)),
        ],
        out_shape=[jax.ShapeDtypeStruct((S, D), _f32)] * 3,
        compiler_params=_dims("arbitrary"),
    )(x2, fp, ws, wb, freqs, wqa, wqb, wka, wkb, wv)



def _attn_body(q_ref, k_ref, v_ref, o_ref):
    q = q_ref[0]
    k = k_ref[0]
    v = v_ref[0]
    s = jax.lax.dot_general(q, k, (((1,), (1,)), ((), ())),
                            preferred_element_type=_f32) * (1.0 / np.sqrt(HD))
    m = jnp.max(s, axis=1, keepdims=True)
    p = jnp.exp(s - m)
    l = jnp.sum(p, axis=1, keepdims=True)
    a = p / l
    o_ref[0] = jax.lax.dot_general(a, v, (((1,), (0,)), ((), ())),
                                   preferred_element_type=_f32)


QBLK = 512
NQB = S // QBLK


def _attn_call(q3, k3, v3):
    return pl.pallas_call(
        _attn_body,
        grid=(H, NQB),
        in_specs=[
            pl.BlockSpec((1, QBLK, HD), lambda h, i: (h, i, 0)),
            pl.BlockSpec((1, S, HD), lambda h, i: (h, 0, 0)),
            pl.BlockSpec((1, S, HD), lambda h, i: (h, 0, 0)),
        ],
        out_specs=pl.BlockSpec((1, QBLK, HD), lambda h, i: (h, i, 0)),
        out_shape=jax.ShapeDtypeStruct((H, S, HD), _f32),
        compiler_params=_dims("arbitrary", "arbitrary"),
    )(q3, k3, v3)



def _post_body(o_ref, x_ref, wo_ref, fp_ref, ws_ref, wb_ref, wr_ref,
               x1_ref, h2_ref, sc_ref):
    o = o_ref[...]
    x1 = x_ref[...] + jax.lax.dot_general(
        o, wo_ref[...], (((1,), (0,)), ((), ())), preferred_element_type=_f32)
    x1_ref[...] = x1
    mu = jnp.mean(x1, axis=1, keepdims=True)
    var = jnp.mean((x1 - mu) ** 2, axis=1, keepdims=True)
    xn = (x1 - mu) / jnp.sqrt(var + 1e-6)
    fp = fp_ref[...]
    scale = jax.lax.dot_general(fp, ws_ref[...], (((1,), (0,)), ((), ())),
                                preferred_element_type=_f32)
    shift = jax.lax.dot_general(fp, wb_ref[...], (((1,), (0,)), ((), ())),
                                preferred_element_type=_f32)
    h2 = xn * (1.0 + scale) + shift
    h2_ref[...] = h2.astype(_bf16)
    sc_ref[...] = jax.lax.dot_general(h2, wr_ref[...], (((1,), (0,)), ((), ())),
                                      preferred_element_type=_f32)


def _post_call(o2, x2, wo, fp, ws, wb, wr_pad):
    return pl.pallas_call(
        _post_body,
        grid=(NSB,),
        in_specs=[
            pl.BlockSpec((SBLK, D), lambda i: (i, 0)),
            pl.BlockSpec((SBLK, D), lambda i: (i, 0)),
            pl.BlockSpec((D, D), lambda i: (0, 0)),
            pl.BlockSpec((1, F), lambda i: (0, 0)),
            pl.BlockSpec((F, D), lambda i: (0, 0)),
            pl.BlockSpec((F, D), lambda i: (0, 0)),
            pl.BlockSpec((D, 128), lambda i: (0, 0)),
        ],
        out_specs=[
            pl.BlockSpec((SBLK, D), lambda i: (i, 0)),
            pl.BlockSpec((SBLK, D), lambda i: (i, 0)),
            pl.BlockSpec((SBLK, 128), lambda i: (i, 0)),
        ],
        out_shape=[
            jax.ShapeDtypeStruct((S, D), _f32),
            jax.ShapeDtypeStruct((S, D), _bf16),
            jax.ShapeDtypeStruct((S, 128), _f32),
        ],
        compiler_params=_dims("arbitrary"),
    )(o2, x2, wo, fp, ws, wb, wr_pad)



def _router_body(sc_ref, rb_ref, meta_ref, idx_ref):
    sc = sc_ref[...]
    lane = jax.lax.broadcasted_iota(jnp.int32, (S, 128), 1)
    valid = lane < E
    neg = jnp.float32(-1e30)
    biased = jnp.where(valid, sc + rb_ref[...], neg)
    m1 = jnp.max(biased, axis=1, keepdims=True)
    e1 = jnp.min(jnp.where((biased == m1) & valid, lane, 999), axis=1,
                 keepdims=True)
    b2 = jnp.where(lane == e1, neg, biased)
    m2 = jnp.max(b2, axis=1, keepdims=True)
    e2 = jnp.min(jnp.where((b2 == m2) & valid, lane, 999), axis=1,
                 keepdims=True)
    s1 = jnp.sum(jnp.where(lane == e1, sc, 0.0), axis=1, keepdims=True)
    s2 = jnp.sum(jnp.where(lane == e2, sc, 0.0), axis=1, keepdims=True)
    mx = jnp.maximum(s1, s2)
    p1 = jnp.exp(s1 - mx)
    p2 = jnp.exp(s2 - mx)
    g1 = p1 / (p1 + p2)
    g2 = p2 / (p1 + p2)

    mask = ((lane == e1) | (lane == e2)).astype(_f32)
    row = jax.lax.broadcasted_iota(jnp.int32, (S, S), 0)
    col = jax.lax.broadcasted_iota(jnp.int32, (S, S), 1)
    ltri = (row > col).astype(_f32)
    pos = jax.lax.dot_general(ltri, mask, (((1,), (0,)), ((), ())),
                              preferred_element_type=_f32)
    pos0 = jnp.sum(jnp.where(lane == e1, pos, 0.0), axis=1, keepdims=True)
    pos1 = jnp.sum(jnp.where(lane == e2, pos, 0.0), axis=1, keepdims=True)

    slot0 = e1 * CAP + jnp.minimum(pos0, CAP - 1.0).astype(jnp.int32)
    slot1 = e2 * CAP + jnp.minimum(pos1, CAP - 1.0).astype(jnp.int32)
    gm1 = jnp.where(pos0 < CAP, g1, 0.0)
    gm2 = jnp.where(pos1 < CAP, g2, 0.0)

    meta_ref[...] = jnp.concatenate(
        [g1, g2, pos0, pos1, gm1, gm2] + [jnp.zeros((S, 122), _f32)], axis=1)
    idx_ref[...] = jnp.concatenate(
        [e1, e2, slot0, slot1] + [jnp.zeros((S, 124), jnp.int32)], axis=1)


def _router_call(scores, rb_pad):
    return pl.pallas_call(
        _router_body,
        grid=(1,),
        in_specs=[
            pl.BlockSpec((S, 128), lambda i: (0, 0)),
            pl.BlockSpec((1, 128), lambda i: (0, 0)),
        ],
        out_specs=[
            pl.BlockSpec((S, 128), lambda i: (0, 0)),
            pl.BlockSpec((S, 128), lambda i: (0, 0)),
        ],
        out_shape=[
            jax.ShapeDtypeStruct((S, 128), _f32),
            jax.ShapeDtypeStruct((S, 128), jnp.int32),
        ],
        compiler_params=_dims("arbitrary"),
    )(scores, rb_pad)



def _dispatch_body(idx_ref, meta_ref, h2_ref, buf_ref):
    e = pl.program_id(0)
    e1 = idx_ref[:, 0:1]
    e2 = idx_ref[:, 1:2]
    pos0 = meta_ref[:, 2:3]
    pos1 = meta_ref[:, 3:4]
    a0 = jnp.where(e1 == e, pos0, -1.0)
    a1 = jnp.where(e2 == e, pos1, -1.0)
    pp = jax.lax.broadcasted_iota(jnp.int32, (S, CAP), 1).astype(_f32)
    oh = ((a0 == pp) | (a1 == pp)).astype(_bf16)
    h2 = h2_ref[...]
    buf_ref[0] = jax.lax.dot_general(
        oh, h2, (((0,), (0,)), ((), ())),
        preferred_element_type=_f32).astype(_bf16)


def _dispatch_call(idx_p, meta, h2):
    return pl.pallas_call(
        _dispatch_body,
        grid=(E,),
        in_specs=[
            pl.BlockSpec((S, 128), lambda e: (0, 0)),
            pl.BlockSpec((S, 128), lambda e: (0, 0)),
            pl.BlockSpec((S, D), lambda e: (0, 0)),
        ],
        out_specs=pl.BlockSpec((1, CAP, D), lambda e: (e, 0, 0)),
        out_shape=jax.ShapeDtypeStruct((E, CAP, D), _bf16),
        compiler_params=_dims("arbitrary"),
    )(idx_p, meta, h2)



def _ffn_body(buf_ref, w1_ref, b1_ref, w2_ref, b2_ref, y_ref):
    i = pl.program_id(1)
    bufb = buf_ref[0]
    w1 = w1_ref[0].astype(_bf16)
    h = jax.lax.dot_general(bufb, w1, (((1,), (0,)), ((), ())),
                            preferred_element_type=_f32) + b1_ref[0]
    g = jax.nn.gelu(h).astype(_bf16)
    w2 = w2_ref[0].astype(_bf16)
    part = jax.lax.dot_general(g, w2, (((1,), (0,)), ((), ())),
                               preferred_element_type=_f32)

    @pl.when(i == 0)
    def _():
        y_ref[0] = part + b2_ref[0]

    @pl.when(i > 0)
    def _():
        y_ref[0] += part


def _ffn_call(buf, w1, b1, w2, b2):
    return pl.pallas_call(
        _ffn_body,
        grid=(E, NIB),
        in_specs=[
            pl.BlockSpec((1, CAP, D), lambda e, i: (e, 0, 0)),
            pl.BlockSpec((1, D, IBLK), lambda e, i: (e, 0, i)),
            pl.BlockSpec((1, 1, IBLK), lambda e, i: (e, 0, i)),
            pl.BlockSpec((1, IBLK, D), lambda e, i: (e, i, 0)),
            pl.BlockSpec((1, 1, D), lambda e, i: (e, 0, 0)),
        ],
        out_specs=pl.BlockSpec((1, CAP, D), lambda e, i: (e, 0, 0)),
        out_shape=jax.ShapeDtypeStruct((E, CAP, D), _f32),
        compiler_params=_dims("arbitrary", "arbitrary"),
    )(buf, w1, b1, w2, b2)



TPW = S // 32
SUBT = 32
NCOL = D // 16


def _sc_combine(y_flat, x1, slot0, slot1, gm1, gm2):
    mesh = plsc.VectorSubcoreMesh(core_axis_name="c", subcore_axis_name="s")

    @functools.partial(
        pl.kernel, mesh=mesh,
        out_type=jax.ShapeDtypeStruct((S, D), _f32),
        scratch_types=[
            pltpu.VMEM((SUBT,), jnp.int32),
            pltpu.VMEM((SUBT,), jnp.int32),
            pltpu.VMEM((SUBT, 16), _f32),
            pltpu.VMEM((SUBT, 16), _f32),
            pltpu.VMEM((SUBT, D), _f32),
            pltpu.VMEM((SUBT, D), _f32),
            pltpu.VMEM((SUBT, D), _f32),
            pltpu.SemaphoreType.DMA,
            pltpu.SemaphoreType.DMA,
        ],
    )
    def k(y_hbm, x1_hbm, s0_hbm, s1_hbm, g1_hbm, g2_hbm, out_hbm,
          i0_v, i1_v, g1_v, g2_v, y0_v, y1_v, x_v, sem0, sem1):
        wid = lax.axis_index("s") * 2 + lax.axis_index("c")
        for sub in range(TPW // SUBT):
            base = wid * TPW + sub * SUBT
            pltpu.sync_copy(s0_hbm.at[pl.ds(base, SUBT)], i0_v)
            pltpu.sync_copy(s1_hbm.at[pl.ds(base, SUBT)], i1_v)
            c0 = pltpu.async_copy(y_hbm.at[i0_v], y0_v, sem0)
            c1 = pltpu.async_copy(y_hbm.at[i1_v], y1_v, sem1)
            pltpu.sync_copy(g1_hbm.at[pl.ds(base, SUBT)], g1_v)
            pltpu.sync_copy(g2_hbm.at[pl.ds(base, SUBT)], g2_v)
            pltpu.sync_copy(x1_hbm.at[pl.ds(base, SUBT)], x_v)
            c0.wait()
            c1.wait()

            def tok_body(t, carry):
                g1s = g1_v[t, :]
                g2s = g2_v[t, :]
                for j in range(NCOL):
                    sl = pl.ds(j * 16, 16)
                    x_v[t, sl] = (x_v[t, sl] + g1s * y0_v[t, sl]
                                  + g2s * y1_v[t, sl])
                return carry

            lax.fori_loop(0, SUBT, tok_body, 0)
            pltpu.sync_copy(x_v, out_hbm.at[pl.ds(base, SUBT)])

    return k(y_flat, x1, slot0, slot1, gm1, gm2)



def kernel(x, freqs, fluid_params, Wq, Wk, Wv, Wo, ada1_scale, ada1_shift,
           ada2_scale, ada2_shift, Wr, router_bias, W1, b1, W2, b2):
    x2 = x.reshape(S, D)

    def split(w):
        wr = w.reshape(D, H, HH, 2)
        return (wr[..., 0].reshape(D, H * HH), wr[..., 1].reshape(D, H * HH))

    wqa, wqb = split(Wq)
    wka, wkb = split(Wk)

    q, k, v = _qkv_call(x2, fluid_params, ada1_scale, ada1_shift, freqs,
                        wqa, wqb, wka, wkb, Wv)

    q3 = q.reshape(S, 2, H, HH).transpose(2, 0, 1, 3).reshape(H, S, HD)
    k3 = k.reshape(S, 2, H, HH).transpose(2, 0, 1, 3).reshape(H, S, HD)
    v3 = v.reshape(S, H, HD).transpose(1, 0, 2)

    o3 = _attn_call(q3, k3, v3)
    o2 = o3.transpose(1, 0, 2).reshape(S, D)

    wr_pad = jnp.pad(Wr, ((0, 0), (0, 128 - E)))
    x1, h2, scores = _post_call(o2, x2, Wo, fluid_params,
                                ada2_scale, ada2_shift, wr_pad)

    rb_pad = jnp.pad(router_bias.reshape(1, E), ((0, 0), (0, 128 - E)))
    meta, idx_p = _router_call(scores, rb_pad)

    buf = _dispatch_call(idx_p, meta, h2)
    y = _ffn_call(buf, W1, b1.reshape(E, 1, I), W2, b2.reshape(E, 1, D))
    gm1_b = jnp.broadcast_to(meta[:, 4:5], (S, 16))
    gm2_b = jnp.broadcast_to(meta[:, 5:6], (S, 16))
    out = _sc_combine(y.reshape(E * CAP, D), x1,
                      idx_p[:, 2], idx_p[:, 3], gm1_b, gm2_b)

    gates = meta[:, :K]
    idx = idx_p[:, :K]
    return (out.reshape(B, S, D), gates, idx)

# --- scband reference (transcript-rebuilt; emitter-appended) ---
"""Pipeline reference for scband-transformer-mo-eblock-56066503082571 (READ-ONLY COPY).

The authoritative reference and input builder live on the scoring server;
editing this copy changes nothing except your own understanding.
"""

import jax, jax.numpy as jnp
import numpy as np

B, S, D, H, F = 1, 2048, 1024, 16, 8
E, K, I = 8, 2, 4096
HD = D // H
CAP = 768  # 1.5x average tokens-per-expert: T*K/E * 1.5


def setup_inputs(seed: int = 0):
    key = jax.random.key(seed)
    ks = jax.random.split(key, 16)
    sc = 0.02
    inp = {}
    inp["x"] = jax.random.normal(ks[0], (B, S, D), dtype=jnp.float32)
    inp["freqs"] = jax.random.uniform(ks[1], (S, HD // 2), dtype=jnp.float32) * 10.0
    inp["fluid_params"] = jax.random.normal(ks[2], (B, F), dtype=jnp.float32)
    inp["Wq"] = jax.random.normal(ks[3], (D, D), dtype=jnp.float32) * sc
    inp["Wk"] = jax.random.normal(ks[4], (D, D), dtype=jnp.float32) * sc
    inp["Wv"] = jax.random.normal(ks[5], (D, D), dtype=jnp.float32) * sc
    inp["Wo"] = jax.random.normal(ks[6], (D, D), dtype=jnp.float32) * sc
    inp["ada1_scale"] = jax.random.normal(ks[7], (F, D), dtype=jnp.float32) * sc
    inp["ada1_shift"] = jax.random.normal(ks[8], (F, D), dtype=jnp.float32) * sc
    inp["ada2_scale"] = jax.random.normal(ks[9], (F, D), dtype=jnp.float32) * sc
    inp["ada2_shift"] = jax.random.normal(ks[10], (F, D), dtype=jnp.float32) * sc
    inp["Wr"] = jax.random.normal(ks[11], (D, E), dtype=jnp.float32) * sc
    inp["router_bias"] = jnp.zeros((E,), dtype=jnp.float32)
    inp["W1"] = jax.random.normal(ks[12], (E, D, I), dtype=jnp.float32) * sc
    inp["b1"] = jnp.zeros((E, I), dtype=jnp.float32)
    inp["W2"] = jax.random.normal(ks[13], (E, I, D), dtype=jnp.float32) * sc
    inp["b2"] = jnp.zeros((E, D), dtype=jnp.float32)
    return inp


def _rope(t, freqs):
    cos = jnp.cos(freqs)[None, :, None, :]
    sin = jnp.sin(freqs)[None, :, None, :]
    t1 = t[..., 0::2]
    t2 = t[..., 1::2]
    r1 = t1 * cos - t2 * sin
    r2 = t1 * sin + t2 * cos
    return jnp.stack([r1, r2], axis=-1).reshape(t.shape)


def _ada_ln(x, fp, Ws, Wb, eps=1e-6):
    mu = x.mean(-1, keepdims=True)
    var = ((x - mu) ** 2).mean(-1, keepdims=True)
    xn = (x - mu) / jnp.sqrt(var + eps)
    scale = fp @ Ws
    shift = fp @ Wb
    return xn * (1.0 + scale[:, None, :]) + shift[:, None, :]


def _attention(x, freqs, Wq, Wk, Wv, Wo):
    q = (x @ Wq).reshape(B, S, H, HD)
    k = (x @ Wk).reshape(B, S, H, HD)
    v = (x @ Wv).reshape(B, S, H, HD)
    q = _rope(q, freqs)
    k = _rope(k, freqs)
    logits = jnp.einsum('bqhd,bkhd->bhqk', q, k) / np.sqrt(HD)
    a = jax.nn.softmax(logits, axis=-1)
    o = jnp.einsum('bhqk,bkhd->bqhd', a, v).reshape(B, S, D)
    return o @ Wo


def _moe(x, Wr, rbias, W1, b1, W2, b2):
    T = B * S
    xt = x.reshape(T, D)
    scores = xt @ Wr                       # [T, E]
    biased = scores + rbias[None, :]       # bias only affects selection
    _, idx = jax.lax.top_k(biased, K)      # [T, K]
    sel = jnp.take_along_axis(scores, idx, axis=1)
    gates = jax.nn.softmax(sel, axis=1)    # softmax_first=False: softmax over selected
    fe = idx.reshape(-1)                   # [T*K] expert id per assignment
    ft = jnp.repeat(jnp.arange(T), K)      # token id per assignment
    fg = gates.reshape(-1)
    order = jnp.argsort(fe)                # stable sort by expert
    se = fe[order]
    st = ft[order]
    sg = fg[order]
    counts = jnp.bincount(fe, length=E)
    offs = jnp.cumsum(counts) - counts
    pos = jnp.arange(T * K) - offs[se]
    keep = (pos < CAP).astype(xt.dtype)
    slot = se * CAP + jnp.clip(pos, 0, CAP - 1)
    buf = jnp.zeros((E * CAP, D), dtype=xt.dtype).at[slot].add(xt[st] * keep[:, None])
    h = jax.nn.gelu(jnp.einsum('ecd,edi->eci', buf.reshape(E, CAP, D), W1) + b1[:, None, :])
    y = (jnp.einsum('eci,eid->ecd', h, W2) + b2[:, None, :]).reshape(E * CAP, D)
    tok = y[slot] * (sg * keep)[:, None]
    out = jnp.zeros((T, D), dtype=xt.dtype).at[st].add(tok)
    return out.reshape(B, S, D), gates, idx


def reference(x, freqs, fluid_params, Wq, Wk, Wv, Wo, ada1_scale, ada1_shift, ada2_scale, ada2_shift, Wr, router_bias, W1, b1, W2, b2):
    h = _ada_ln(x, fluid_params, ada1_scale, ada1_shift)
    x = x + _attention(h, freqs, Wq, Wk, Wv, Wo)   # DropPath is identity in eval
    h2 = _ada_ln(x, fluid_params, ada2_scale, ada2_shift)
    mo, gates, idx = _moe(h2, Wr, router_bias, W1, b1, W2, b2)
    x = x + mo
    return (x, gates, idx)

if __name__ == "__main__":
    import jax
    _d = setup_inputs()
    print(jax.jit(kernel)(*tuple(_d.values())))

</pallas_src>

<mosaic_0001>
#map = affine_map<(d0, d1) -> (0, 0)>
#map1 = affine_map<(d0, d1) -> (0)>
module attributes {stable_mosaic.version = 14 : i64} {
  func.func @k(%arg0: i32, %arg1: i32, %arg2: memref<6144x1024xf32, #tpu.memory_space<hbm>>, %arg3: memref<2048x1024xf32, #tpu.memory_space<hbm>>, %arg4: memref<2048xi32, #tpu.memory_space<hbm>>, %arg5: memref<2048xi32, #tpu.memory_space<hbm>>, %arg6: memref<2048x16xf32, #tpu.memory_space<hbm>>, %arg7: memref<2048x16xf32, #tpu.memory_space<hbm>>, %arg8: memref<2048x1024xf32, #tpu.memory_space<hbm>>, %arg9: memref<32xi32, #tpu.memory_space<vmem>>, %arg10: memref<32xi32, #tpu.memory_space<vmem>>, %arg11: memref<32x16xf32, #tpu.memory_space<vmem>>, %arg12: memref<32x16xf32, #tpu.memory_space<vmem>>, %arg13: memref<32x1024xf32, #tpu.memory_space<vmem>>, %arg14: memref<32x1024xf32, #tpu.memory_space<vmem>>, %arg15: memref<32x1024xf32, #tpu.memory_space<vmem>>, %arg16: memref<!tpu.dma_semaphore, #tpu.memory_space<semaphore_mem>>, %arg17: memref<!tpu.dma_semaphore, #tpu.memory_space<semaphore_mem>>) attributes {dimension_semantics = [#tpu.dimension_semantics<core_parallel>, #tpu.dimension_semantics<subcore_parallel>], iteration_bounds = array<i64: 2, 16>, scalar_prefetch = 0 : i64, scratch_operands = 9 : i64, tpu.core_type = #tpu.core_type<sc_vector_subcore>, window_params = [{transform_indices = #map}, {transform_indices = #map}, {transform_indices = #map1}, {transform_indices = #map1}, {transform_indices = #map}, {transform_indices = #map}, {transform_indices = #map}]} {
    %mul3A = arith.constant 2 : i32
    %mul3A_0 = arith.muli %arg1, %mul3A : i32
    %add3A = arith.addi %mul3A_0, %arg0 : i32
    %mul3A_1 = arith.constant 64 : i32
    %mul3A_2 = arith.muli %add3A, %mul3A_1 : i32
    %add3A_3 = arith.constant 0 : i32
    %add3A_4 = arith.addi %mul3A_2, %add3A_3 : i32
    "tpu.region"() ({
      %run_scoped3A = tpu.sem_alloc : memref<!tpu.dma_semaphore, #tpu.memory_space<semaphore_mem>>
      %dma_start3A_42 = tpu.memref_slice %arg4[%add3A_4] : memref<2048xi32, #tpu.memory_space<hbm>> -> memref<32xi32, #tpu.memory_space<hbm>>
      %dma_start3A_43 = tpu.memref_slice %arg4[%add3A_4] : memref<2048xi32, #tpu.memory_space<hbm>> -> memref<32xi32, #tpu.memory_space<hbm>>
      tpu.enqueue_dma source(%dma_start3A_43 : memref<32xi32, #tpu.memory_space<hbm>>) target(%arg9 : memref<32xi32, #tpu.memory_space<vmem>>) target_semaphore(%run_scoped3A : memref<!tpu.dma_semaphore, #tpu.memory_space<semaphore_mem>>)
      %dma_wait3A_44 = tpu.memref_slice %arg4[%add3A_4] : memref<2048xi32, #tpu.memory_space<hbm>> -> memref<32xi32, #tpu.memory_space<hbm>>
      %dma_wait3A_45 = tpu.memref_slice %arg4[%add3A_4] : memref<2048xi32, #tpu.memory_space<hbm>> -> memref<32xi32, #tpu.memory_space<hbm>>
      tpu.wait_dma2 semaphore(%run_scoped3A : memref<!tpu.dma_semaphore, #tpu.memory_space<semaphore_mem>>) src(%dma_wait3A_45 : memref<32xi32, #tpu.memory_space<hbm>>) dst(%arg9 : memref<32xi32, #tpu.memory_space<vmem>>)
      tpu.yield
    }) : () -> ()
    "tpu.region"() ({
      %run_scoped3A = tpu.sem_alloc : memref<!tpu.dma_semaphore, #tpu.memory_space<semaphore_mem>>
      %dma_start3A_42 = tpu.memref_slice %arg5[%add3A_4] : memref<2048xi32, #tpu.memory_space<hbm>> -> memref<32xi32, #tpu.memory_space<hbm>>
      %dma_start3A_43 = tpu.memref_slice %arg5[%add3A_4] : memref<2048xi32, #tpu.memory_space<hbm>> -> memref<32xi32, #tpu.memory_space<hbm>>
      tpu.enqueue_dma source(%dma_start3A_43 : memref<32xi32, #tpu.memory_space<hbm>>) target(%arg10 : memref<32xi32, #tpu.memory_space<vmem>>) target_semaphore(%run_scoped3A : memref<!tpu.dma_semaphore, #tpu.memory_space<semaphore_mem>>)
      %dma_wait3A_44 = tpu.memref_slice %arg5[%add3A_4] : memref<2048xi32, #tpu.memory_space<hbm>> -> memref<32xi32, #tpu.memory_space<hbm>>
      %dma_wait3A_45 = tpu.memref_slice %arg5[%add3A_4] : memref<2048xi32, #tpu.memory_space<hbm>> -> memref<32xi32, #tpu.memory_space<hbm>>
      tpu.wait_dma2 semaphore(%run_scoped3A : memref<!tpu.dma_semaphore, #tpu.memory_space<semaphore_mem>>) src(%dma_wait3A_45 : memref<32xi32, #tpu.memory_space<hbm>>) dst(%arg10 : memref<32xi32, #tpu.memory_space<vmem>>)
      tpu.yield
    }) : () -> ()
    %dma_start3A = arith.constant 0 : i32
    %dma_start3A_5 = arith.constant 0 : i32
    %dma_start3A_6 = tpu.memref_slice %arg2[%dma_start3A, %dma_start3A_5] : memref<6144x1024xf32, #tpu.memory_space<hbm>> -> memref<6144x1024xf32, #tpu.memory_space<hbm>>
    tpu.enqueue_indirect_dma source(%dma_start3A_6 : memref<6144x1024xf32, #tpu.memory_space<hbm>>) target(%arg13 : memref<32x1024xf32, #tpu.memory_space<vmem>>) offsets(%arg9 : memref<32xi32, #tpu.memory_space<vmem>>) semaphore(%arg16 : memref<!tpu.dma_semaphore, #tpu.memory_space<semaphore_mem>>)
    %dma_start3A_7 = arith.constant 0 : i32
    %dma_start3A_8 = arith.constant 0 : i32
    %dma_start3A_9 = tpu.memref_slice %arg2[%dma_start3A_7, %dma_start3A_8] : memref<6144x1024xf32, #tpu.memory_space<hbm>> -> memref<6144x1024xf32, #tpu.memory_space<hbm>>
    tpu.enqueue_indirect_dma source(%dma_start3A_9 : memref<6144x1024xf32, #tpu.memory_space<hbm>>) target(%arg14 : memref<32x1024xf32, #tpu.memory_space<vmem>>) offsets(%arg10 : memref<32xi32, #tpu.memory_space<vmem>>) semaphore(%arg17 : memref<!tpu.dma_semaphore, #tpu.memory_space<semaphore_mem>>)
    "tpu.region"() ({
      %run_scoped3A = tpu.sem_alloc : memref<!tpu.dma_semaphore, #tpu.memory_space<semaphore_mem>>
      %dma_start3A_42 = arith.constant 0 : i32
      %dma_start3A_43 = tpu.memref_slice %arg6[%add3A_4, %dma_start3A_42] : memref<2048x16xf32, #tpu.memory_space<hbm>> -> memref<32x16xf32, #tpu.memory_space<hbm>>
      %dma_start3A_44 = arith.constant 0 : i32
      %dma_start3A_45 = tpu.memref_slice %arg6[%add3A_4, %dma_start3A_44] : memref<2048x16xf32, #tpu.memory_space<hbm>> -> memref<32x16xf32, #tpu.memory_space<hbm>>
      tpu.enqueue_dma source(%dma_start3A_45 : memref<32x16xf32, #tpu.memory_space<hbm>>) target(%arg11 : memref<32x16xf32, #tpu.memory_space<vmem>>) target_semaphore(%run_scoped3A : memref<!tpu.dma_semaphore, #tpu.memory_space<semaphore_mem>>)
      %dma_wait3A_46 = arith.constant 0 : i32
      %dma_wait3A_47 = tpu.memref_slice %arg6[%add3A_4, %dma_wait3A_46] : memref<2048x16xf32, #tpu.memory_space<hbm>> -> memref<32x16xf32, #tpu.memory_space<hbm>>
      %dma_wait3A_48 = arith.constant 0 : i32
      %dma_wait3A_49 = tpu.memref_slice %arg6[%add3A_4, %dma_wait3A_48] : memref<2048x16xf32, #tpu.memory_space<hbm>> -> memref<32x16xf32, #tpu.memory_space<hbm>>
      tpu.wait_dma2 semaphore(%run_scoped3A : memref<!tpu.dma_semaphore, #tpu.memory_space<semaphore_mem>>) src(%dma_wait3A_49 : memref<32x16xf32, #tpu.memory_space<hbm>>) dst(%arg11 : memref<32x16xf32, #tpu.memory_space<vmem>>)
      tpu.yield
    }) : () -> ()
    "tpu.region"() ({
      %run_scoped3A = tpu.sem_alloc : memref<!tpu.dma_semaphore, #tpu.memory_space<semaphore_mem>>
      %dma_start3A_42 = arith.constant 0 : i32
      %dma_start3A_43 = tpu.memref_slice %arg7[%add3A_4, %dma_start3A_42] : memref<2048x16xf32, #tpu.memory_space<hbm>> -> memref<32x16xf32, #tpu.memory_space<hbm>>
      %dma_start3A_44 = arith.constant 0 : i32
      %dma_start3A_45 = tpu.memref_slice %arg7[%add3A_4, %dma_start3A_44] : memref<2048x16xf32, #tpu.memory_space<hbm>> -> memref<32x16xf32, #tpu.memory_space<hbm>>
      tpu.enqueue_dma source(%dma_start3A_45 : memref<32x16xf32, #tpu.memory_space<hbm>>) target(%arg12 : memref<32x16xf32, #tpu.memory_space<vmem>>) target_semaphore(%run_scoped3A : memref<!tpu.dma_semaphore, #tpu.memory_space<semaphore_mem>>)
      %dma_wait3A_46 = arith.constant 0 : i32
      %dma_wait3A_47 = tpu.memref_slice %arg7[%add3A_4, %dma_wait3A_46] : memref<2048x16xf32, #tpu.memory_space<hbm>> -> memref<32x16xf32, #tpu.memory_space<hbm>>
      %dma_wait3A_48 = arith.constant 0 : i32
      %dma_wait3A_49 = tpu.memref_slice %arg7[%add3A_4, %dma_wait3A_48] : memref<2048x16xf32, #tpu.memory_space<hbm>> -> memref<32x16xf32, #tpu.memory_space<hbm>>
      tpu.wait_dma2 semaphore(%run_scoped3A : memref<!tpu.dma_semaphore, #tpu.memory_space<semaphore_mem>>) src(%dma_wait3A_49 : memref<32x16xf32, #tpu.memory_space<hbm>>) dst(%arg12 : memref<32x16xf32, #tpu.memory_space<vmem>>)
      tpu.yield
    }) : () -> ()
    "tpu.region"() ({
      %run_scoped3A = tpu.sem_alloc : memref<!tpu.dma_semaphore, #tpu.memory_space<semaphore_mem>>
      %dma_start3A_42 = arith.constant 0 : i32
      %dma_start3A_43 = tpu.memref_slice %arg3[%add3A_4, %dma_start3A_42] : memref<2048x1024xf32, #tpu.memory_space<hbm>> -> memref<32x1024xf32, #tpu.memory_space<hbm>>
      %dma_start3A_44 = arith.constant 0 : i32
      %dma_start3A_45 = tpu.memref_slice %arg3[%add3A_4, %dma_start3A_44] : memref<2048x1024xf32, #tpu.memory_space<hbm>> -> memref<32x1024xf32, #tpu.memory_space<hbm>>
      tpu.enqueue_dma source(%dma_start3A_45 : memref<32x1024xf32, #tpu.memory_space<hbm>>) target(%arg15 : memref<32x1024xf32, #tpu.memory_space<vmem>>) target_semaphore(%run_scoped3A : memref<!tpu.dma_semaphore, #tpu.memory_space<semaphore_mem>>)
      %dma_wait3A_46 = arith.constant 0 : i32
      %dma_wait3A_47 = tpu.memref_slice %arg3[%add3A_4, %dma_wait3A_46] : memref<2048x1024xf32, #tpu.memory_space<hbm>> -> memref<32x1024xf32, #tpu.memory_space<hbm>>
      %dma_wait3A_48 = arith.constant 0 : i32
      %dma_wait3A_49 = tpu.memref_slice %arg3[%add3A_4, %dma_wait3A_48] : memref<2048x1024xf32, #tpu.memory_space<hbm>> -> memref<32x1024xf32, #tpu.memory_space<hbm>>
      tpu.wait_dma2 semaphore(%run_scoped3A : memref<!tpu.dma_semaphore, #tpu.memory_space<semaphore_mem>>) src(%dma_wait3A_49 : memref<32x1024xf32, #tpu.memory_space<hbm>>) dst(%arg15 : memref<32x1024xf32, #tpu.memory_space<vmem>>)
      tpu.yield
    }) : () -> ()
    %dma_wait3A = arith.constant 0 : i32
    %dma_wait3A_10 = arith.constant 0 : i32
    %dma_wait3A_11 = tpu.memref_slice %arg2[%dma_wait3A, %dma_wait3A_10] : memref<6144x1024xf32, #tpu.memory_space<hbm>> -> memref<6144x1024xf32, #tpu.memory_space<hbm>>
    tpu.wait_indirect_dma semaphore(%arg16 : memref<!tpu.dma_semaphore, #tpu.memory_space<semaphore_mem>>) src(%dma_wait3A_11 : memref<6144x1024xf32, #tpu.memory_space<hbm>>) dst(%arg13 : memref<32x1024xf32, #tpu.memory_space<vmem>>)
    %dma_wait3A_12 = arith.constant 0 : i32
    %dma_wait3A_13 = arith.constant 0 : i32
    %dma_wait3A_14 = tpu.memref_slice %arg2[%dma_wait3A_12, %dma_wait3A_13] : memref<6144x1024xf32, #tpu.memory_space<hbm>> -> memref<6144x1024xf32, #tpu.memory_space<hbm>>
    tpu.wait_indirect_dma semaphore(%arg17 : memref<!tpu.dma_semaphore, #tpu.memory_space<semaphore_mem>>) src(%dma_wait3A_14 : memref<6144x1024xf32, #tpu.memory_space<hbm>>) dst(%arg14 : memref<32x1024xf32, #tpu.memory_space<vmem>>)
    %scan3A = arith.constant 0 : i32
    %scan3A_15 = arith.constant 0 : i32
    %scan3A_16 = arith.constant 32 : i32
    %scan3A_17 = arith.addi %scan3A_15, %scan3A_16 : i32
    %scan3A_18 = arith.constant 1 : i32
    scf.for %scan3A_42 = %scan3A_15 to %scan3A_17 step %scan3A_18  : i32 {
      %get3A = arith.index_cast %scan3A_42 : i32 to index
      %get3A_43 = arith.constant 0 : index
      %get3A_44 = tpu.vector_load %arg11[%get3A, %get3A_43] {strides = array<i32>} : memref<32x16xf32, #tpu.memory_space<vmem>>, vector<1x16xf32>,
      %get3A_45 = vector.shape_cast %get3A_44 : vector<1x16xf32> to vector<16xf32>
      %get3A_46 = arith.index_cast %scan3A_42 : i32 to index
      %get3A_47 = arith.constant 0 : index
      %get3A_48 = tpu.vector_load %arg12[%get3A_46, %get3A_47] {strides = array<i32>} : memref<32x16xf32, #tpu.memory_space<vmem>>, vector<1x16xf32>,
      %get3A_49 = vector.shape_cast %get3A_48 : vector<1x16xf32> to vector<16xf32>
      %get3A_50 = arith.index_cast %scan3A_42 : i32 to index
      %get3A_51 = arith.constant 0 : index
      %get3A_52 = tpu.vector_load %arg15[%get3A_50, %get3A_51] {strides = array<i32>} : memref<32x1024xf32, #tpu.memory_space<vmem>>, vector<1x16xf32>,
      %get3A_53 = vector.shape_cast %get3A_52 : vector<1x16xf32> to vector<16xf32>
      %get3A_54 = arith.index_cast %scan3A_42 : i32 to index
      %get3A_55 = arith.constant 0 : index
      %get3A_56 = tpu.vector_load %arg13[%get3A_54, %get3A_55] {strides = array<i32>} : memref<32x1024xf32, #tpu.memory_space<vmem>>, vector<1x16xf32>,
      %get3A_57 = vector.shape_cast %get3A_56 : vector<1x16xf32> to vector<16xf32>
      %mul3A_58 = arith.mulf %get3A_45, %get3A_57 : vector<16xf32>
      %add3A_59 = arith.addf %get3A_53, %mul3A_58 : vector<16xf32>
      %get3A_60 = arith.index_cast %scan3A_42 : i32 to index
      %get3A_61 = arith.constant 0 : index
      %get3A_62 = tpu.vector_load %arg14[%get3A_60, %get3A_61] {strides = array<i32>} : memref<32x1024xf32, #tpu.memory_space<vmem>>, vector<1x16xf32>,
      %get3A_63 = vector.shape_cast %get3A_62 : vector<1x16xf32> to vector<16xf32>
      %mul3A_64 = arith.mulf %get3A_49, %get3A_63 : vector<16xf32>
      %add3A_65 = arith.addf %add3A_59, %mul3A_64 : vector<16xf32>
      %swap3A = arith.index_cast %scan3A_42 : i32 to index
      %swap3A_66 = arith.constant 0 : index
      %swap3A_67 = tpu.vector_load %arg15[%swap3A, %swap3A_66] {strides = array<i32>} : memref<32x1024xf32, #tpu.memory_space<vmem>>, vector<1x16xf32>,
      %swap3A_68 = vector.shape_cast %swap3A_67 : vector<1x16xf32> to vector<16xf32>
      %swap3A_69 = vector.shape_cast %add3A_65 : vector<16xf32> to vector<1x16xf32>
      tpu.vector_store %arg15[%swap3A, %swap3A_66], %swap3A_69 {strides = array<i32>} : memref<32x1024xf32, #tpu.memory_space<vmem>>, vector<1x16xf32>,
      %get3A_70 = arith.index_cast %scan3A_42 : i32 to index
      %get3A_71 = arith.constant 16 : index
      %get3A_72 = tpu.vector_load %arg15[%get3A_70, %get3A_71] {strides = array<i32>} : memref<32x1024xf32, #tpu.memory_space<vmem>>, vector<1x16xf32>,
      %get3A_73 = vector.shape_cast %get3A_72 : vector<1x16xf32> to vector<16xf32>
      %get3A_74 = arith.index_cast %scan3A_42 : i32 to index
      %get3A_75 = arith.constant 16 : index
      %get3A_76 = tpu.vector_load %arg13[%get3A_74, %get3A_75] {strides = array<i32>} : memref<32x1024xf32, #tpu.memory_space<vmem>>, vector<1x16xf32>,
      %get3A_77 = vector.shape_cast %get3A_76 : vector<1x16xf32> to vector<16xf32>
      %mul3A_78 = arith.mulf %get3A_45, %get3A_77 : vector<16xf32>
      %add3A_79 = arith.addf %get3A_73, %mul3A_78 : vector<16xf32>
      %get3A_80 = arith.index_cast %scan3A_42 : i32 to index
      %get3A_81 = arith.constant 16 : index
      %get3A_82 = tpu.vector_load %arg14[%get3A_80, %get3A_81] {strides = array<i32>} : memref<32x1024xf32, #tpu.memory_space<vmem>>, vector<1x16xf32>,
      %get3A_83 = vector.shape_cast %get3A_82 : vector<1x16xf32> to vector<16xf32>
      %mul3A_84 = arith.mulf %get3A_49, %get3A_83 : vector<16xf32>
      %add3A_85 = arith.addf %add3A_79, %mul3A_84 : vector<16xf32>
      %swap3A_86 = arith.index_cast %scan3A_42 : i32 to index
      %swap3A_87 = arith.constant 16 : index
      %swap3A_88 = tpu.vector_load %arg15[%swap3A_86, %swap3A_87] {strides = array<i32>} : memref<32x1024xf32, #tpu.memory_space<vmem>>, vector<1x16xf32>,
      %swap3A_89 = vector.shape_cast %swap3A_88 : vector<1x16xf32> to vector<16xf32>
      %swap3A_90 = vector.shape_cast %add3A_85 : vector<16xf32> to vector<1x16xf32>
      tpu.vector_store %arg15[%swap3A_86, %swap3A_87], %swap3A_90 {strides = array<i32>} : memref<32x1024xf32, #tpu.memory_space<vmem>>, vector<1x16xf32>,
      %get3A_91 = arith.index_cast %scan3A_42 : i32 to index
      %get3A_92 = arith.constant 32 : index
      %get3A_93 = tpu.vector_load %arg15[%get3A_91, %get3A_92] {strides = array<i32>} : memref<32x1024xf32, #tpu.memory_space<vmem>>, vector<1x16xf32>,
      %get3A_94 = vector.shape_cast %get3A_93 : vector<1x16xf32> to vector<16xf32>
      %get3A_95 = arith.index_cast %scan3A_42 : i32 to index
      %get3A_96 = arith.constant 32 : index
      %get3A_97 = tpu.vector_load %arg13[%get3A_95, %get3A_96] {strides = array<i32>} : memref<32x1024xf32, #tpu.memory_space<vmem>>, vector<1x16xf32>,
      %get3A_98 = vector.shape_cast %get3A_97 : vector<1x16xf32> to vector<16xf32>
      %mul3A_99 = arith.mulf %get3A_45, %get3A_98 : vector<16xf32>
      %add3A_100 = arith.addf %get3A_94, %mul3A_99 : vector<16xf32>
      %get3A_101 = arith.index_cast %scan3A_42 : i32 to index
      %get3A_102 = arith.constant 32 : index
      %get3A_103 = tpu.vector_load %arg14[%get3A_101, %get3A_102] {strides = array<i32>} : memref<32x1024xf32, #tpu.memory_space<vmem>>, vector<1x16xf32>,
      %get3A_104 = vector.shape_cast %get3A_103 : vector<1x16xf32> to vector<16xf32>
      %mul3A_105 = arith.mulf %get3A_49, %get3A_104 : vector<16xf32>
      %add3A_106 = arith.addf %add3A_100, %mul3A_105 : vector<16xf32>
      %swap3A_107 = arith.index_cast %scan3A_42 : i32 to index
      %swap3A_108 = arith.constant 32 : index
      %swap3A_109 = tpu.vector_load %arg15[%swap3A_107, %swap3A_108] {strides = array<i32>} : memref<32x1024xf32, #tpu.memory_space<vmem>>, vector<1x16xf32>,
      %swap3A_110 = vector.shape_cast %swap3A_109 : vector<1x16xf32> to vector<16xf32>
      %swap3A_111 = vector.shape_cast %add3A_106 : vector<16xf32> to vector<1x16xf32>
      tpu.vector_store %arg15[%swap3A_107, %swap3A_108], %swap3A_111 {strides = array<i32>} : memref<32x1024xf32, #tpu.memory_space<vmem>>, vector<1x16xf32>,
      %get3A_112 = arith.index_cast %scan3A_42 : i32 to index
      %get3A_113 = arith.constant 48 : index
      %get3A_114 = tpu.vector_load %arg15[%get3A_112, %get3A_113] {strides = array<i32>} : memref<32x1024xf32, #tpu.memory_space<vmem>>, vector<1x16xf32>,
      %get3A_115 = vector.shape_cast %get3A_114 : vector<1x16xf32> to vector<16xf32>
      %get3A_116 = arith.index_cast %scan3A_42 : i32 to index
      %get3A_117 = arith.constant 48 : index
      %get3A_118 = tpu.vector_load %arg13[%get3A_116, %get3A_117] {strides = array<i32>} : memref<32x1024xf32, #tpu.memory_space<vmem>>, vector<1x16xf32>,
      %get3A_119 = vector.shape_cast %get3A_118 : vector<1x16xf32> to vector<16xf32>
      %mul3A_120 = arith.mulf %get3A_45, %get3A_119 : vector<16xf32>
      %add3A_121 = arith.addf %get3A_115, %mul3A_120 : vector<16xf32>
      %get3A_122 = arith.index_cast %scan3A_42 : i32 to index
      %get3A_123 = arith.constant 48 : index
      %get3A_124 = tpu.vector_load %arg14[%get3A_122, %get3A_123] {strides = array<i32>} : memref<32x1024xf32, #tpu.memory_space<vmem>>, vector<1x16xf32>,
      %get3A_125 = vector.shape_cast %get3A_124 : vector<1x16xf32> to vector<16xf32>
      %mul3A_126 = arith.mulf %get3A_49, %get3A_125 : vector<16xf32>
      %add3A_127 = arith.addf %add3A_121, %mul3A_126 : vector<16xf32>
      %swap3A_128 = arith.index_cast %scan3A_42 : i32 to index
      %swap3A_129 = arith.constant 48 : index
      %swap3A_130 = tpu.vector_load %arg15[%swap3A_128, %swap3A_129] {strides = array<i32>} : memref<32x1024xf32, #tpu.memory_space<vmem>>, vector<1x16xf32>,
      %swap3A_131 = vector.shape_cast %swap3A_130 : vector<1x16xf32> to vector<16xf32>
      %swap3A_132 = vector.shape_cast %add3A_127 : vector<16xf32> to vector<1x16xf32>
      tpu.vector_store %arg15[%swap3A_128, %swap3A_129], %swap3A_132 {strides = array<i32>} : memref<32x1024xf32, #tpu.memory_space<vmem>>, vector<1x16xf32>,
      %get3A_133 = arith.index_cast %scan3A_42 : i32 to index
      %get3A_134 = arith.constant 64 : index
      %get3A_135 = tpu.vector_load %arg15[%get3A_133, %get3A_134] {strides = array<i32>} : memref<32x1024xf32, #tpu.memory_space<vmem>>, vector<1x16xf32>,
      %get3A_136 = vector.shape_cast %get3A_135 : vector<1x16xf32> to vector<16xf32>
      %get3A_137 = arith.index_cast %scan3A_42 : i32 to index
      %get3A_138 = arith.constant 64 : index
      %get3A_139 = tpu.vector_load %arg13[%get3A_137, %get3A_138] {strides = array<i32>} : memref<32x1024xf32, #tpu.memory_space<vmem>>, vector<1x16xf32>,
      %get3A_140 = vector.shape_cast %get3A_139 : vector<1x16xf32> to vector<16xf32>
      %mul3A_141 = arith.mulf %get3A_45, %get3A_140 : vector<16xf32>
      %add3A_142 = arith.addf %get3A_136, %mul3A_141 : vector<16xf32>
      %get3A_143 = arith.index_cast %scan3A_42 : i32 to index
      %get3A_144 = arith.constant 64 : index
      %get3A_145 = tpu.vector_load %arg14[%get3A_143, %get3A_144] {strides = array<i32>} : memref<32x1024xf32, #tpu.memory_space<vmem>>, vector<1x16xf32>,
      %get3A_146 = vector.shape_cast %get3A_145 : vector<1x16xf32> to vector<16xf32>
      %mul3A_147 = arith.mulf %get3A_49, %get3A_146 : vector<16xf32>
      %add3A_148 = arith.addf %add3A_142, %mul3A_147 : vector<16xf32>
      %swap3A_149 = arith.index_cast %scan3A_42 : i32 to index
      %swap3A_150 = arith.constant 64 : index
      %swap3A_151 = tpu.vector_load %arg15[%swap3A_149, %swap3A_150] {strides = array<i32>} : memref<32x1024xf32, #tpu.memory_space<vmem>>, vector<1x16xf32>,
      %swap3A_152 = vector.shape_cast %swap3A_151 : vector<1x16xf32> to vector<16xf32>
      %swap3A_153 = vector.shape_cast %add3A_148 : vector<16xf32> to vector<1x16xf32>
      tpu.vector_store %arg15[%swap3A_149, %swap3A_150], %swap3A_153 {strides = array<i32>} : memref<32x1024xf32, #tpu.memory_space<vmem>>, vector<1x16xf32>,
      %get3A_154 = arith.index_cast %scan3A_42 : i32 to index
      %get3A_155 = arith.constant 80 : index
      %get3A_156 = tpu.vector_load %arg15[%get3A_154, %get3A_155] {strides = array<i32>} : memref<32x1024xf32, #tpu.memory_space<vmem>>, vector<1x16xf32>,
      %get3A_157 = vector.shape_cast %get3A_156 : vector<1x16xf32> to vector<16xf32>
      %get3A_158 = arith.index_cast %scan3A_42 : i32 to index
      %get3A_159 = arith.constant 80 : index
      %get3A_160 = tpu.vector_load %arg13[%get3A_158, %get3A_159] {strides = array<i32>} : memref<32x1024xf32, #tpu.memory_space<vmem>>, vector<1x16xf32>,
      %get3A_161 = vector.shape_cast %get3A_160 : vector<1x16xf32> to vector<16xf32>
      %mul3A_162 = arith.mulf %get3A_45, %get3A_161 : vector<16xf32>
      %add3A_163 = arith.addf %get3A_157, %mul3A_162 : vector<16xf32>
      %get3A_164 = arith.index_cast %scan3A_42 : i32 to index
      %get3A_165 = arith.constant 80 : index
      %get3A_166 = tpu.vector_load %arg14[%get3A_164, %get3A_165] {strides = array<i32>} : memref<32x1024xf32, #tpu.memory_space<vmem>>, vector<1x16xf32>,
      %get3A_167 = vector.shape_cast %get3A_166 : vector<1x16xf32> to vector<16xf32>
      %mul3A_168 = arith.mulf %get3A_49, %get3A_167 : vector<16xf32>
      %add3A_169 = arith.addf %add3A_163, %mul3A_168 : vector<16xf32>
      %swap3A_170 = arith.index_cast %scan3A_42 : i32 to index
      %swap3A_171 = arith.constant 80 : index
      %swap3A_172 = tpu.vector_load %arg15[%swap3A_170, %swap3A_171] {strides = array<i32>} : memref<32x1024xf32, #tpu.memory_space<vmem>>, vector<1x16xf32>,
      %swap3A_173 = vector.shape_cast %swap3A_172 : vector<1x16xf32> to vector<16xf32>
      %swap3A_174 = vector.shape_cast %add3A_169 : vector<16xf32> to vector<1x16xf32>
      tpu.vector_store %arg15[%swap3A_170, %swap3A_171], %swap3A_174 {strides = array<i32>} : memref<32x1024xf32, #tpu.memory_space<vmem>>, vector<1x16xf32>,
      %get3A_175 = arith.index_cast %scan3A_42 : i32 to index
      %get3A_176 = arith.constant 96 : index
      %get3A_177 = tpu.vector_load %arg15[%get3A_175, %get3A_176] {strides = array<i32>} : memref<32x1024xf32, #tpu.memory_space<vmem>>, vector<1x16xf32>,
      %get3A_178 = vector.shape_cast %get3A_177 : vector<1x16xf32> to vector<16xf32>
      %get3A_179 = arith.index_cast %scan3A_42 : i32 to index
      %get3A_180 = arith.constant 96 : index
      %get3A_181 = tpu.vector_load %arg13[%get3A_179, %get3A_180] {strides = array<i32>} : memref<32x1024xf32, #tpu.memory_space<vmem>>, vector<1x16xf32>,
      %get3A_182 = vector.shape_cast %get3A_181 : vector<1x16xf32> to vector<16xf32>
      %mul3A_183 = arith.mulf %get3A_45, %get3A_182 : vector<16xf32>
      %add3A_184 = arith.addf %get3A_178, %mul3A_183 : vector<16xf32>
      %get3A_185 = arith.index_cast %scan3A_42 : i32 to index
      %get3A_186 = arith.constant 96 : index
      %get3A_187 = tpu.vector_load %arg14[%get3A_185, %get3A_186] {strides = array<i32>} : memref<32x1024xf32, #tpu.memory_space<vmem>>, vector<1x16xf32>,
      %get3A_188 = vector.shape_cast %get3A_187 : vector<1x16xf32> to vector<16xf32>
      %mul3A_189 = arith.mulf %get3A_49, %get3A_188 : vector<16xf32>
      %add3A_190 = arith.addf %add3A_184, %mul3A_189 : vector<16xf32>
      %swap3A_191 = arith.index_cast %scan3A_42 : i32 to index
      %swap3A_192 = arith.constant 96 : index
      %swap3A_193 = tpu.vector_load %arg15[%swap3A_191, %swap3A_192] {strides = array<i32>} : memref<32x1024xf32, #tpu.memory_space<vmem>>, vector<1x16xf32>,
      %swap3A_194 = vector.shape_cast %swap3A_193 : vector<1x16xf32> to vector<16xf32>
      %swap3A_195 = vector.shape_cast %add3A_190 : vector<16xf32> to vector<1x16xf32>
      tpu.vector_store %arg15[%swap3A_191, %swap3A_192], %swap3A_195 {strides = array<i32>} : memref<32x1024xf32, #tpu.memory_space<vmem>>, vector<1x16xf32>,
      %get3A_196 = arith.index_cast %scan3A_42 : i32 to index
      %get3A_197 = arith.constant 112 : index
      %get3A_198 = tpu.vector_load %arg15[%get3A_196, %get3A_197] {strides = array<i32>} : memref<32x1024xf32, #tpu.memory_space<vmem>>, vector<1x16xf32>,
      %get3A_199 = vector.shape_cast %get3A_198 : vector<1x16xf32> to vector<16xf32>
      %get3A_200 = arith.index_cast %scan3A_42 : i32 to index
      %get3A_201 = arith.constant 112 : index
      %get3A_202 = tpu.vector_load %arg13[%get3A_200, %get3A_201] {strides = array<i32>} : memref<32x1024xf32, #tpu.memory_space<vmem>>, vector<1x16xf32>,
      %get3A_203 = vector.shape_cast %get3A_202 : vector<1x16xf32> to vector<16xf32>
      %mul3A_204 = arith.mulf %get3A_45, %get3A_203 : vector<16xf32>
      %add3A_205 = arith.addf %get3A_199, %mul3A_204 : vector<16xf32>
      %get3A_206 = arith.index_cast %scan3A_42 : i32 to index
      %get3A_207 = arith.constant 112 : index
      %get3A_208 = tpu.vector_load %arg14[%get3A_206, %get3A_207] {strides = array<i32>} : memref<32x1024xf32, #tpu.memory_space<vmem>>, vector<1x16xf32>,
      %get3A_209 = vector.shape_cast %get3A_208 : vector<1x16xf32> to vector<16xf32>
      %mul3A_210 = arith.mulf %get3A_49, %get3A_209 : vector<16xf32>
      %add3A_211 = arith.addf %add3A_205, %mul3A_210 : vector<16xf32>
      %swap3A_212 = arith.index_cast %scan3A_42 : i32 to index
      %swap3A_213 = arith.constant 112 : index
      %swap3A_214 = tpu.vector_load %arg15[%swap3A_212, %swap3A_213] {strides = array<i32>} : memref<32x1024xf32, #tpu.memory_space<vmem>>, vector<1x16xf32>,
      %swap3A_215 = vector.shape_cast %swap3A_214 : vector<1x16xf32> to vector<16xf32>
      %swap3A_216 = vector.shape_cast %add3A_211 : vector<16xf32> to vector<1x16xf32>
      tpu.vector_store %arg15[%swap3A_212, %swap3A_213], %swap3A_216 {strides = array<i32>} : memref<32x1024xf32, #tpu.memory_space<vmem>>, vector<1x16xf32>,
      %get3A_217 = arith.index_cast %scan3A_42 : i32 to index
      %get3A_218 = arith.constant 128 : index
      %get3A_219 = tpu.vector_load %arg15[%get3A_217, %get3A_218] {strides = array<i32>} : memref<32x1024xf32, #tpu.memory_space<vmem>>, vector<1x16xf32>,
      %get3A_220 = vector.shape_cast %get3A_219 : vector<1x16xf32> to vector<16xf32>
      %get3A_221 = arith.index_cast %scan3A_42 : i32 to index
      %get3A_222 = arith.constant 128 : index
      %get3A_223 = tpu.vector_load %arg13[%get3A_221, %get3A_222] {strides = array<i32>} : memref<32x1024xf32, #tpu.memory_space<vmem>>, vector<1x16xf32>,
      %get3A_224 = vector.shape_cast %get3A_223 : vector<1x16xf32> to vector<16xf32>
      %mul3A_225 = arith.mulf %get3A_45, %get3A_224 : vector<16xf32>
      %add3A_226 = arith.addf %get3A_220, %mul3A_225 : vector<16xf32>
      %get3A_227 = arith.index_cast %scan3A_42 : i32 to index
      %get3A_228 = arith.constant 128 : index
      %get3A_229 = tpu.vector_load %arg14[%get3A_227, %get3A_228] {strides = array<i32>} : memref<32x1024xf32, #tpu.memory_space<vmem>>, vector<1x16xf32>,
      %get3A_230 = vector.shape_cast %get3A_229 : vector<1x16xf32> to vector<16xf32>
      %mul3A_231 = arith.mulf %get3A_49, %get3A_230 : vector<16xf32>
      %add3A_232 = arith.addf %add3A_226, %mul3A_231 : vector<16xf32>
      %swap3A_233 = arith.index_cast %scan3A_42 : i32 to index
      %swap3A_234 = arith.constant 128 : index
      %swap3A_235 = tpu.vector_load %arg15[%swap3A_233, %swap3A_234] {strides = array<i32>} : memref<32x1024xf32, #tpu.memory_space<vmem>>, vector<1x16xf32>,
      %swap3A_236 = vector.shape_cast %swap3A_235 : vector<1x16xf32> to vector<16xf32>
      %swap3A_237 = vector.shape_cast %add3A_232 : vector<16xf32> to vector<1x16xf32>
      tpu.vector_store %arg15[%swap3A_233, %swap3A_234], %swap3A_237 {strides = array<i32>} : memref<32x1024xf32, #tpu.memory_space<vmem>>, vector<1x16xf32>,
      %get3A_238 = arith.index_cast %scan3A_42 : i32 to index
      %get3A_239 = arith.constant 144 : index
      %get3A_240 = tpu.vector_load %arg15[%get3A_238, %get3A_239] {strides = array<i32>} : memref<32x1024xf32, #tpu.memory_space<vmem>>, vector<1x16xf32>,
      %get3A_241 = vector.shape_cast %get3A_240 : vector<1x16xf32> to vector<16xf32>
      %get3A_242 = arith.index_cast %scan3A_42 : i32 to index
      %get3A_243 = arith.constant 144 : index
      %get3A_244 = tpu.vector_load %arg13[%get3A_242, %get3A_243] {strides = array<i32>} : memref<32x1024xf32, #tpu.memory_space<vmem>>, vector<1x16xf32>,
      %get3A_245 = vector.shape_cast %get3A_244 : vector<1x16xf32> to vector<16xf32>
      %mul3A_246 = arith.mulf %get3A_45, %get3A_245 : vector<16xf32>
      %add3A_247 = arith.addf %get3A_241, %mul3A_246 : vector<16xf32>
      %get3A_248 = arith.index_cast %scan3A_42 : i32 to index
      %get3A_249 = arith.constant 144 : index
      %get3A_250 = tpu.vector_load %arg14[%get3A_248, %get3A_249] {strides = array<i32>} : memref<32x1024xf32, #tpu.memory_space<vmem>>, vector<1x16xf32>,
      %get3A_251 = vector.shape_cast %get3A_250 : vector<1x16xf32> to vector<16xf32>
      %mul3A_252 = arith.mulf %get3A_49, %get3A_251 : vector<16xf32>
      %add3A_253 = arith.addf %add3A_247, %mul3A_252 : vector<16xf32>
      %swap3A_254 = arith.index_cast %scan3A_42 : i32 to index
      %swap3A_255 = arith.constant 144 : index
      %swap3A_256 = tpu.vector_load %arg15[%swap3A_254, %swap3A_255] {strides = array<i32>} : memref<32x1024xf32, #tpu.memory_space<vmem>>, vector<1x16xf32>,
      %swap3A_257 = vector.shape_cast %swap3A_256 : vector<1x16xf32> to vector<16xf32>
      %swap3A_258 = vector.shape_cast %add3A_253 : vector<16xf32> to vector<1x16xf32>
      tpu.vector_store %arg15[%swap3A_254, %swap3A_255], %swap3A_258 {strides = array<i32>} : memref<32x1024xf32, #tpu.memory_space<vmem>>, vector<1x16xf32>,
      %get3A_259 = arith.index_cast %scan3A_42 : i32 to index
      %get3A_260 = arith.constant 160 : index
      %get3A_261 = tpu.vector_load %arg15[%get3A_259, %get3A_260] {strides = array<i32>} : memref<32x1024xf32, #tpu.memory_space<vmem>>, vector<1x16xf32>,
      %get3A_262 = vector.shape_cast %get3A_261 : vector<1x16xf32> to vector<16xf32>
      %get3A_263 = arith.index_cast %scan3A_42 : i32 to index
      %get3A_264 = arith.constant 160 : index
      %get3A_265 = tpu.vector_load %arg13[%get3A_263, %get3A_264] {strides = array<i32>} : memref<32x1024xf32, #tpu.memory_space<vmem>>, vector<1x16xf32>,
      %get3A_266 = vector.shape_cast %get3A_265 : vector<1x16xf32> to vector<16xf32>
      %mul3A_267 = arith.mulf %get3A_45, %get3A_266 : vector<16xf32>
      %add3A_268 = arith.addf %get3A_262, %mul3A_267 : vector<16xf32>
      %get3A_269 = arith.index_cast %scan3A_42 : i32 to index
      %get3A_270 = arith.constant 160 : index
      %get3A_271 = tpu.vector_load %arg14[%get3A_269, %get3A_270] {strides = array<i32>} : memref<32x1024xf32, #tpu.memory_space<vmem>>, vector<1x16xf32>,
      %get3A_272 = vector.shape_cast %get3A_271 : vector<1x16xf32> to vector<16xf32>
      %mul3A_273 = arith.mulf %get3A_49, %get3A_272 : vector<16xf32>
      %add3A_274 = arith.addf %add3A_268, %mul3A_273 : vector<16xf32>
      %swap3A_275 = arith.index_cast %scan3A_42 : i32 to index
      %swap3A_276 = arith.constant 160 : index
      %swap3A_277 = tpu.vector_load %arg15[%swap3A_275, %swap3A_276] {strides = array<i32>} : memref<32x1024xf32, #tpu.memory_space<vmem>>, vector<1x16xf32>,
      %swap3A_278 = vector.shape_cast %swap3A_277 : vector<1x16xf32> to vector<16xf32>
      %swap3A_279 = vector.shape_cast %add3A_274 : vector<16xf32> to vector<1x16xf32>
      tpu.vector_store %arg15[%swap3A_275, %swap3A_276], %swap3A_279 {strides = array<i32>} : memref<32x1024xf32, #tpu.memory_space<vmem>>, vector<1x16xf32>,
      %get3A_280 = arith.index_cast %scan3A_42 : i32 to index
      %get3A_281 = arith.constant 176 : index
      %get3A_282 = tpu.vector_load %arg15[%get3A_280, %get3A_281] {strides = array<i32>} : memref<32x1024xf32, #tpu.memory_space<vmem>>, vector<1x16xf32>,
      %get3A_283 = vector.shape_cast %get3A_282 : vector<1x16xf32> to vector<16xf32>
      %get3A_284 = arith.index_cast %scan3A_42 : i32 to index
      %get3A_285 = arith.constant 176 : index
      %get3A_286 = tpu.vector_load %arg13[%get3A_284, %get3A_285] {strides = array<i32>} : memref<32x1024xf32, #tpu.memory_space<vmem>>, vector<1x16xf32>,
      %get3A_287 = vector.shape_cast %get3A_286 : vector<1x16xf32> to vector<16xf32>
      %mul3A_288 = arith.mulf %get3A_45, %get3A_287 : vector<16xf32>
      %add3A_289 = arith.addf %get3A_283, %mul3A_288 : vector<16xf32>
      %get3A_290 = arith.index_cast %scan3A_42 : i32 to index
      %get3A_291 = arith.constant 176 : index
      %get3A_292 = tpu.vector_load %arg14[%get3A_290, %get3A_291] {strides = array<i32>} : memref<32x1024xf32, #tpu.memory_space<vmem>>, vector<1x16xf32>,
      %get3A_293 = vector.shape_cast %get3A_292 : vector<1x16xf32> to vector<16xf32>
      %mul3A_294 = arith.mulf %get3A_49, %get3A_293 : vector<16xf32>
      %add3A_295 = arith.addf %add3A_289, %mul3A_294 : vector<16xf32>
      %swap3A_296 = arith.index_cast %scan3A_42 : i32 to index
      %swap3A_297 = arith.constant 176 : index
      %swap3A_298 = tpu.vector_load %arg15[%swap3A_296, %swap3A_297] {strides = array<i32>} : memref<32x1024xf32, #tpu.memory_space<vmem>>, vector<1x16xf32>,
      %swap3A_299 = vector.shape_cast %swap3A_298 : vector<1x16xf32> to vector<16xf32>
      %swap3A_300 = vector.shape_cast %add3A_295 : vector<16xf32> to vector<1x16xf32>
      tpu.vector_store %arg15[%swap3A_296, %swap3A_297], %swap3A_300 {strides = array<i32>} : memref<32x1024xf32, #tpu.memory_space<vmem>>, vector<1x16xf32>,
      %get3A_301 = arith.index_cast %scan3A_42 : i32 to index
      %get3A_302 = arith.constant 192 : index
      %get3A_303 = tpu.vector_load %arg15[%get3A_301, %get3A_302] {strides = array<i32>} : memref<32x1024xf32, #tpu.memory_space<vmem>>, vector<1x16xf32>,
      %get3A_304 = vector.shape_cast %get3A_303 : vector<1x16xf32> to vector<16xf32>
      %get3A_305 = arith.index_cast %scan3A_42 : i32 to index
      %get3A_306 = arith.constant 192 : index
      %get3A_307 = tpu.vector_load %arg13[%get3A_305, %get3A_306] {strides = array<i32>} : memref<32x1024xf32, #tpu.memory_space<vmem>>, vector<1x16xf32>,
      %get3A_308 = vector.shape_cast %get3A_307 : vector<1x16xf32> to vector<16xf32>
      %mul3A_309 = arith.mulf %get3A_45, %get3A_308 : vector<16xf32>
      %add3A_310 = arith.addf %get3A_304, %mul3A_309 : vector<16xf32>
      %get3A_311 = arith.index_cast %scan3A_42 : i32 to index
      %get3A_312 = arith.constant 192 : index
      %get3A_313 = tpu.vector_load %arg14[%get3A_311, %get3A_312] {strides = array<i32>} : memref<32x1024xf32, #tpu.memory_space<vmem>>, vector<1x16xf32>,
      %get3A_314 = vector.shape_cast %get3A_313 : vector<1x16xf32> to vector<16xf32>
      %mul3A_315 = arith.mulf %get3A_49, %get3A_314 : vector<16xf32>
      %add3A_316 = arith.addf %add3A_310, %mul3A_315 : vector<16xf32>
      %swap3A_317 = arith.index_cast %scan3A_42 : i32 to index
      %swap3A_318 = arith.constant 192 : index
      %swap3A_319 = tpu.vector_load %arg15[%swap3A_317, %swap3A_318] {strides = array<i32>} : memref<32x1024xf32, #tpu.memory_space<vmem>>, vector<1x16xf32>,
      %swap3A_320 = vector.shape_cast %swap3A_319 : vector<1x16xf32> to vector<16xf32>
      %swap3A_321 = vector.shape_cast %add3A_316 : vector<16xf32> to vector<1x16xf32>
      tpu.vector_store %arg15[%swap3A_317, %swap3A_318], %swap3A_321 {strides = array<i32>} : memref<32x1024xf32, #tpu.memory_space<vmem>>, vector<1x16xf32>,
      %get3A_322 = arith.index_cast %scan3A_42 : i32 to index
      %get3A_323 = arith.constant 208 : index
      %get3A_324 = tpu.vector_load %arg15[%get3A_322, %get3A_323] {strides = array<i32>} : memref<32x1024xf32, #tpu.memory_space<vmem>>, vector<1x16xf32>,
      %get3A_325 = vector.shape_cast %get3A_324 : vector<1x16xf32> to vector<16xf32>
      %get3A_326 = arith.index_cast %scan3A_42 : i32 to index
      %get3A_327 = arith.constant 208 : index
      %get3A_328 = tpu.vector_load %arg13[%get3A_326, %get3A_327] {strides = array<i32>} : memref<32x1024xf32, #tpu.memory_space<vmem>>, vector<1x16xf32>,
      %get3A_329 = vector.shape_cast %get3A_328 : vector<1x16xf32> to vector<16xf32>
      %mul3A_330 = arith.mulf %get3A_45, %get3A_329 : vector<16xf32>
      %add3A_331 = arith.addf %get3A_325, %mul3A_330 : vector<16xf32>
      %get3A_332 = arith.index_cast %scan3A_42 : i32 to index
      %get3A_333 = arith.constant 208 : index
      %get3A_334 = tpu.vector_load %arg14[%get3A_332, %get3A_333] {strides = array<i32>} : memref<32x1024xf32, #tpu.memory_space<vmem>>, vector<1x16xf32>,
      %get3A_335 = vector.shape_cast %get3A_334 : vector<1x16xf32> to vector<16xf32>
      %mul3A_336 = arith.mulf %get3A_49, %get3A_335 : vector<16xf32>
      %add3A_337 = arith.addf %add3A_331, %mul3A_336 : vector<16xf32>
      %swap3A_338 = arith.index_cast %scan3A_42 : i32 to index
      %swap3A_339 = arith.constant 208 : index
      %swap3A_340 = tpu.vector_load %arg15[%swap3A_338, %swap3A_339] {strides = array<i32>} : memref<32x1024xf32, #tpu.memory_space<vmem>>, vector<1x16xf32>,
      %swap3A_341 = vector.shape_cast %swap3A_340 : vector<1x16xf32> to vector<16xf32>
      %swap3A_342 = vector.shape_cast %add3A_337 : vector<16xf32> to vector<1x16xf32>
      tpu.vector_store %arg15[%swap3A_338, %swap3A_339], %swap3A_342 {strides = array<i32>} : memref<32x1024xf32, #tpu.memory_space<vmem>>, vector<1x16xf32>,
      %get3A_343 = arith.index_cast %scan3A_42 : i32 to index
      %get3A_344 = arith.constant 224 : index
      %get3A_345 = tpu.vector_load %arg15[%get3A_343, %get3A_344] {strides = array<i32>} : memref<32x1024xf32, #tpu.memory_space<vmem>>, vector<1x16xf32>,
      %get3A_346 = vector.shape_cast %get3A_345 : vector<1x16xf32> to vector<16xf32>
      %get3A_347 = arith.index_cast %scan3A_42 : i32 to index
      %get3A_348 = arith.constant 224 : index
      %get3A_349 = tpu.vector_load %arg13[%get3A_347, %get3A_348] {strides = array<i32>} : memref<32x1024xf32, #tpu.memory_space<vmem>>, vector<1x16xf32>,
      %get3A_350 = vector.shape_cast %get3A_349 : vector<1x16xf32> to vector<16xf32>
      %mul3A_351 = arith.mulf %get3A_45, %get3A_350 : vector<16xf32>
      %add3A_352 = arith.addf %get3A_346, %mul3A_351 : vector<16xf32>
      %get3A_353 = arith.index_cast %scan3A_42 : i32 to index
      %get3A_354 = arith.constant 224 : index
      %get3A_355 = tpu.vector_load %arg14[%get3A_353, %get3A_354] {strides = array<i32>} : memref<32x1024xf32, #tpu.memory_space<vmem>>, vector<1x16xf32>,
      %get3A_356 = vector.shape_cast %get3A_355 : vector<1x16xf32> to vector<16xf32>
      %mul3A_357 = arith.mulf %get3A_49, %get3A_356 : vector<16xf32>
      %add3A_358 = arith.addf %add3A_352, %mul3A_357 : vector<16xf32>
      %swap3A_359 = arith.index_cast %scan3A_42 : i32 to index
      %swap3A_360 = arith.constant 224 : index
      %swap3A_361 = tpu.vector_load %arg15[%swap3A_359, %swap3A_360] {strides = array<i32>} : memref<32x1024xf32, #tpu.memory_space<vmem>>, vector<1x16xf32>,
      %swap3A_362 = vector.shape_cast %swap3A_361 : vector<1x16xf32> to vector<16xf32>
      %swap3A_363 = vector.shape_cast %add3A_358 : vector<16xf32> to vector<1x16xf32>
      tpu.vector_store %arg15[%swap3A_359, %swap3A_360], %swap3A_363 {strides = array<i32>} : memref<32x1024xf32, #tpu.memory_space<vmem>>, vector<1x16xf32>,
      %get3A_364 = arith.index_cast %scan3A_42 : i32 to index
      %get3A_365 = arith.constant 240 : index
      %get3A_366 = tpu.vector_load %arg15[%get3A_364, %get3A_365] {strides = array<i32>} : memref<32x1024xf32, #tpu.memory_space<vmem>>, vector<1x16xf32>,
      %get3A_367 = vector.shape_cast %get3A_366 : vector<1x16xf32> to vector<16xf32>
      %get3A_368 = arith.index_cast %scan3A_42 : i32 to index
      %get3A_369 = arith.constant 240 : index
      %get3A_370 = tpu.vector_load %arg13[%get3A_368, %get3A_369] {strides = array<i32>} : memref<32x1024xf32, #tpu.memory_space<vmem>>, vector<1x16xf32>,
      %get3A_371 = vector.shape_cast %get3A_370 : vector<1x16xf32> to vector<16xf32>
      %mul3A_372 = arith.mulf %get3A_45, %get3A_371 : vector<16xf32>
      %add3A_373 = arith.addf %get3A_367, %mul3A_372 : vector<16xf32>
      %get3A_374 = arith.index_cast %scan3A_42 : i32 to index
      %get3A_375 = arith.constant 240 : index
      %get3A_376 = tpu.vector_load %arg14[%get3A_374, %get3A_375] {strides = array<i32>} : memref<32x1024xf32, #tpu.memory_space<vmem>>, vector<1x16xf32>,
      %get3A_377 = vector.shape_cast %get3A_376 : vector<1x16xf32> to vector<16xf32>
      %mul3A_378 = arith.mulf %get3A_49, %get3A_377 : vector<16xf32>
      %add3A_379 = arith.addf %add3A_373, %mul3A_378 : vector<16xf32>
      %swap3A_380 = arith.index_cast %scan3A_42 : i32 to index
      %swap3A_381 = arith.constant 240 : index
      %swap3A_382 = tpu.vector_load %arg15[%swap3A_380, %swap3A_381] {strides = array<i32>} : memref<32x1024xf32, #tpu.memory_space<vmem>>, vector<1x16xf32>,
      %swap3A_383 = vector.shape_cast %swap3A_382 : vector<1x16xf32> to vector<16xf32>
      %swap3A_384 = vector.shape_cast %add3A_379 : vector<16xf32> to vector<1x16xf32>
      tpu.vector_store %arg15[%swap3A_380, %swap3A_381], %swap3A_384 {strides = array<i32>} : memref<32x1024xf32, #tpu.memory_space<vmem>>, vector<1x16xf32>,
      %get3A_385 = arith.index_cast %scan3A_42 : i32 to index
      %get3A_386 = arith.constant 256 : index
      %get3A_387 = tpu.vector_load %arg15[%get3A_385, %get3A_386] {strides = array<i32>} : memref<32x1024xf32, #tpu.memory_space<vmem>>, vector<1x16xf32>,
      %get3A_388 = vector.shape_cast %get3A_387 : vector<1x16xf32> to vector<16xf32>
      %get3A_389 = arith.index_cast %scan3A_42 : i32 to index
      %get3A_390 = arith.constant 256 : index
      %get3A_391 = tpu.vector_load %arg13[%get3A_389, %get3A_390] {strides = array<i32>} : memref<32x1024xf32, #tpu.memory_space<vmem>>, vector<1x16xf32>,
      %get3A_392 = vector.shape_cast %get3A_391 : vector<1x16xf32> to vector<16xf32>
      %mul3A_393 = arith.mulf %get3A_45, %get3A_392 : vector<16xf32>
      %add3A_394 = arith.addf %get3A_388, %mul3A_393 : vector<16xf32>
      %get3A_395 = arith.index_cast %scan3A_42 : i32 to index
      %get3A_396 = arith.constant 256 : index
      %get3A_397 = tpu.vector_load %arg14[%get3A_395, %get3A_396] {strides = array<i32>} : memref<32x1024xf32, #tpu.memory_space<vmem>>, vector<1x16xf32>,
      %get3A_398 = vector.shape_cast %get3A_397 : vector<1x16xf32> to vector<16xf32>
      %mul3A_399 = arith.mulf %get3A_49, %get3A_398 : vector<16xf32>
      %add3A_400 = arith.addf %add3A_394, %mul3A_399 : vector<16xf32>
      %swap3A_401 = arith.index_cast %scan3A_42 : i32 to index
      %swap3A_402 = arith.constant 256 : index
      %swap3A_403 = tpu.vector_load %arg15[%swap3A_401, %swap3A_402] {strides = array<i32>} : memref<32x1024xf32, #tpu.memory_space<vmem>>, vector<1x16xf32>,
      %swap3A_404 = vector.shape_cast %swap3A_403 : vector<1x16xf32> to vector<16xf32>
      %swap3A_405 = vector.shape_cast %add3A_400 : vector<16xf32> to vector<1x16xf32>
      tpu.vector_store %arg15[%swap3A_401, %swap3A_402], %swap3A_405 {strides = array<i32>} : memref<32x1024xf32, #tpu.memory_space<vmem>>, vector<1x16xf32>,
      %get3A_406 = arith.index_cast %scan3A_42 : i32 to index
      %get3A_407 = arith.constant 272 : index
      %get3A_408 = tpu.vector_load %arg15[%get3A_406, %get3A_407] {strides = array<i32>} : memref<32x1024xf32, #tpu.memory_space<vmem>>, vector<1x16xf32>,
      %get3A_409 = vector.shape_cast %get3A_408 : vector<1x16xf32> to vector<16xf32>
      %get3A_410 = arith.index_cast %scan3A_42 : i32 to index
      %get3A_411 = arith.constant 272 : index
      %get3A_412 = tpu.vector_load %arg13[%get3A_410, %get3A_411] {strides = array<i32>} : memref<32x1024xf32, #tpu.memory_space<vmem>>, vector<1x16xf32>,
      %get3A_413 = vector.shape_cast %get3A_412 : vector<1x16xf32> to vector<16xf32>
      %mul3A_414 = arith.mulf %get3A_45, %get3A_413 : vector<16xf32>
      %add3A_415 = arith.addf %get3A_409, %mul3A_414 : vector<16xf32>
      %get3A_416 = arith.index_cast %scan3A_42 : i32 to index
      %get3A_417 = arith.constant 272 : index
      %get3A_418 = tpu.vector_load %arg14[%get3A_416, %get3A_417] {strides = array<i32>} : memref<32x1024xf32, #tpu.memory_space<vmem>>, vector<1x16xf32>,
      %get3A_419 = vector.shape_cast %get3A_418 : vector<1x16xf32> to vector<16xf32>
      %mul3A_420 = arith.mulf %get3A_49, %get3A_419 : vector<16xf32>
      %add3A_421 = arith.addf %add3A_415, %mul3A_420 : vector<16xf32>
      %swap3A_422 = arith.index_cast %scan3A_42 : i32 to index
      %swap3A_423 = arith.constant 272 : index
      %swap3A_424 = tpu.vector_load %arg15[%swap3A_422, %swap3A_423] {strides = array<i32>} : memref<32x1024xf32, #tpu.memory_space<vmem>>, vector<1x16xf32>,
      %swap3A_425 = vector.shape_cast %swap3A_424 : vector<1x16xf32> to vector<16xf32>
      %swap3A_426 = vector.shape_cast %add3A_421 : vector<16xf32> to vector<1x16xf32>
      tpu.vector_store %arg15[%swap3A_422, %swap3A_423], %swap3A_426 {strides = array<i32>} : memref<32x1024xf32, #tpu.memory_space<vmem>>, vector<1x16xf32>,
      %get3A_427 = arith.index_cast %scan3A_42 : i32 to index
      %get3A_428 = arith.constant 288 : index
      %get3A_429 = tpu.vector_load %arg15[%get3A_427, %get3A_428] {strides = array<i32>} : memref<32x1024xf32, #tpu.memory_space<vmem>>, vector<1x16xf32>,
      %get3A_430 = vector.shape_cast %get3A_429 : vector<1x16xf32> to vector<16xf32>
      %get3A_431 = arith.index_cast %scan3A_42 : i32 to index
      %get3A_432 = arith.constant 288 : index
      %get3A_433 = tpu.vector_load %arg13[%get3A_431, %get3A_432] {strides = array<i32>} : memref<32x1024xf32, #tpu.memory_space<vmem>>, vector<1x16xf32>,
      %get3A_434 = vector.shape_cast %get3A_433 : vector<1x16xf32> to vector<16xf32>
      %mul3A_435 = arith.mulf %get3A_45, %get3A_434 : vector<16xf32>
      %add3A_436 = arith.addf %get3A_430, %mul3A_435 : vector<16xf32>
      %get3A_437 = arith.index_cast %scan3A_42 : i32 to index
      %get3A_438 = arith.constant 288 : index
      %get3A_439 = tpu.vector_load %arg14[%get3A_437, %get3A_438] {strides = array<i32>} : memref<32x1024xf32, #tpu.memory_space<vmem>>, vector<1x16xf32>,
      %get3A_440 = vector.shape_cast %get3A_439 : vector<1x16xf32> to vector<16xf32>
      %mul3A_441 = arith.mulf %get3A_49, %get3A_440 : vector<16xf32>
      %add3A_442 = arith.addf %add3A_436, %mul3A_441 : vector<16xf32>
      %swap3A_443 = arith.index_cast %scan3A_42 : i32 to index
      %swap3A_444 = arith.constant 288 : index
      %swap3A_445 = tpu.vector_load %arg15[%swap3A_443, %swap3A_444] {strides = array<i32>} : memref<32x1024xf32, #tpu.memory_space<vmem>>, vector<1x16xf32>,
      %swap3A_446 = vector.shape_cast %swap3A_445 : vector<1x16xf32> to vector<16xf32>
      %swap3A_447 = vector.shape_cast %add3A_442 : vector<16xf32> to vector<1x16xf32>
      tpu.vector_store %arg15[%swap3A_443, %swap3A_444], %swap3A_447 {strides = array<i32>} : memref<32x1024xf32, #tpu.memory_space<vmem>>, vector<1x16xf32>,
      %get3A_448 = arith.index_cast %scan3A_42 : i32 to index
      %get3A_449 = arith.constant 304 : index
      %get3A_450 = tpu.vector_load %arg15[%get3A_448, %get3A_449] {strides = array<i32>} : memref<32x1024xf32, #tpu.memory_space<vmem>>, vector<1x16xf32>,
      %get3A_451 = vector.shape_cast %get3A_450 : vector<1x16xf32> to vector<16xf32>
      %get3A_452 = arith.index_cast %scan3A_42 : i32 to index
      %get3A_453 = arith.constant 304 : index
      %get3A_454 = tpu.vector_load %arg13[%get3A_452, %get3A_453] {strides = array<i32>} : memref<32x1024xf32, #tpu.memory_space<vmem>>, vector<1x16xf32>,
      %get3A_455 = vector.shape_cast %get3A_454 : vector<1x16xf32> to vector<16xf32>
      %mul3A_456 = arith.mulf %get3A_45, %get3A_455 : vector<16xf32>
      %add3A_457 = arith.addf %get3A_451, %mul3A_456 : vector<16xf32>
      %get3A_458 = arith.index_cast %scan3A_42 : i32 to index
      %get3A_459 = arith.constant 304 : index
      %get3A_460 = tpu.vector_load %arg14[%get3A_458, %get3A_459] {strides = array<i32>} : memref<32x1024xf32, #tpu.memory_space<vmem>>, vector<1x16xf32>,
      %get3A_461 = vector.shape_cast %get3A_460 : vector<1x16xf32> to vector<16xf32>
      %mul3A_462 = arith.mulf %get3A_49, %get3A_461 : vector<16xf32>
      %add3A_463 = arith.addf %add3A_457, %mul3A_462 : vector<16xf32>
      %swap3A_464 = arith.index_cast %scan3A_42 : i32 to index
      %swap3A_465 = arith.constant 304 : index
      %swap3A_466 = tpu.vector_load %arg15[%swap3A_464, %swap3A_465] {strides = array<i32>} : memref<32x1024xf32, #tpu.memory_space<vmem>>, vector<1x16xf32>,
      %swap3A_467 = vector.shape_cast %swap3A_466 : vector<1x16xf32> to vector<16xf32>
      %swap3A_468 = vector.shape_cast %add3A_463 : vector<16xf32> to vector<1x16xf32>
      tpu.vector_store %arg15[%swap3A_464, %swap3A_465], %swap3A_468 {strides = array<i32>} : memref<32x1024xf32, #tpu.memory_space<vmem>>, vector<1x16xf32>,
      %get3A_469 = arith.index_cast %scan3A_42 : i32 to index
      %get3A_470 = arith.constant 320 : index
      %get3A_471 = tpu.vector_load %arg15[%get3A_469, %get3A_470] {strides = array<i32>} : memref<32x1024xf32, #tpu.memory_space<vmem>>, vector<1x16xf32>,
      %get3A_472 = vector.shape_cast %get3A_471 : vector<1x16xf32> to vector<16xf32>
      %get3A_473 = arith.index_cast %scan3A_42 : i32 to index
      %get3A_474 = arith.constant 320 : index
      %get3A_475 = tpu.vector_load %arg13[%get3A_473, %get3A_474] {strides = array<i32>} : memref<32x1024xf32, #tpu.memory_space<vmem>>, vector<1x16xf32>,
      %get3A_476 = vector.shape_cast %get3A_475 : vector<1x16xf32> to vector<16xf32>
      %mul3A_477 = arith.mulf %get3A_45, %get3A_476 : vector<16xf32>
      %add3A_478 = arith.addf %get3A_472, %mul3A_477 : vector<16xf32>
      %get3A_479 = arith.index_cast %scan3A_42 : i32 to index
      %get3A_480 = arith.constant 320 : index
      %get3A_481 = tpu.vector_load %arg14[%get3A_479, %get3A_480] {strides = array<i32>} : memref<32x1024xf32, #tpu.memory_space<vmem>>, vector<1x16xf32>,
      %get3A_482 = vector.shape_cast %get3A_481 : vector<1x16xf32> to vector<16xf32>
      %mul3A_483 = arith.mulf %get3A_49, %get3A_482 : vector<16xf32>
      %add3A_484 = arith.addf %add3A_478, %mul3A_483 : vector<16xf32>
      %swap3A_485 = arith.index_cast %scan3A_42 : i32 to index
      %swap3A_486 = arith.constant 320 : index
      %swap3A_487 = tpu.vector_load %arg15[%swap3A_485, %swap3A_486] {strides = array<i32>} : memref<32x1024xf32, #tpu.memory_space<vmem>>, vector<1x16xf32>,
      %swap3A_488 = vector.shape_cast %swap3A_487 : vector<1x16xf32> to vector<16xf32>
      %swap3A_489 = vector.shape_cast %add3A_484 : vector<16xf32> to vector<1x16xf32>
      tpu.vector_store %arg15[%swap3A_485, %swap3A_486], %swap3A_489 {strides = array<i32>} : memref<32x1024xf32, #tpu.memory_space<vmem>>, vector<1x16xf32>,
      %get3A_490 = arith.index_cast %scan3A_42 : i32 to index
      %get3A_491 = arith.constant 336 : index
      %get3A_492 = tpu.vector_load %arg15[%get3A_490, %get3A_491] {strides = array<i32>} : memref<32x1024xf32, #tpu.memory_space<vmem>>, vector<1x16xf32>,
      %get3A_493 = vector.shape_cast %get3A_492 : vector<1x16xf32> to vector<16xf32>
      %get3A_494 = arith.index_cast %scan3A_42 : i32 to index
      %get3A_495 = arith.constant 336 : index
      %get3A_496 = tpu.vector_load %arg13[%get3A_494, %get3A_495] {strides = array<i32>} : memref<32x1024xf32, #tpu.memory_space<vmem>>, vector<1x16xf32>,
      %get3A_497 = vector.shape_cast %get3A_496 : vector<1x16xf32> to vector<16xf32>
      %mul3A_498 = arith.mulf %get3A_45, %get3A_497 : vector<16xf32>
      %add3A_499 = arith.addf %get3A_493, %mul3A_498 : vector<16xf32>
      %get3A_500 = arith.index_cast %scan3A_42 : i32 to index
      %get3A_501 = arith.constant 336 : index
      %get3A_502 = tpu.vector_load %arg14[%get3A_500, %get3A_501] {strides = array<i32>} : memref<32x1024xf32, #tpu.memory_space<vmem>>, vector<1x16xf32>,
      %get3A_503 = vector.shape_cast %get3A_502 : vector<1x16xf32> to vector<16xf32>
      %mul3A_504 = arith.mulf %get3A_49, %get3A_503 : vector<16xf32>
      %add3A_505 = arith.addf %add3A_499, %mul3A_504 : vector<16xf32>
      %swap3A_506 = arith.index_cast %scan3A_42 : i32 to index
      %swap3A_507 = arith.constant 336 : index
      %swap3A_508 = tpu.vector_load %arg15[%swap3A_506, %swap3A_507] {strides = array<i32>} : memref<32x1024xf32, #tpu.memory_space<vmem>>, vector<1x16xf32>,
      %swap3A_509 = vector.shape_cast %swap3A_508 : vector<1x16xf32> to vector<16xf32>
      %swap3A_510 = vector.shape_cast %add3A_505 : vector<16xf32> to vector<1x16xf32>
      tpu.vector_store %arg15[%swap3A_506, %swap3A_507], %swap3A_510 {strides = array<i32>} : memref<32x1024xf32, #tpu.memory_space<vmem>>, vector<1x16xf32>,
      %get3A_511 = arith.index_cast %scan3A_42 : i32 to index
      %get3A_512 = arith.constant 352 : index
      %get3A_513 = tpu.vector_load %arg15[%get3A_511, %get3A_512] {strides = array<i32>} : memref<32x1024xf32, #tpu.memory_space<vmem>>, vector<1x16xf32>,
      %get3A_514 = vector.shape_cast %get3A_513 : vector<1x16xf32> to vector<16xf32>
      %get3A_515 = arith.index_cast %scan3A_42 : i32 to index
      %get3A_516 = arith.constant 352 : index
      %get3A_517 = tpu.vector_load %arg13[%get3A_515, %get3A_516] {strides = array<i32>} : memref<32x1024xf32, #tpu.memory_space<vmem>>, vector<1x16xf32>,
      %get3A_518 = vector.shape_cast %get3A_517 : vector<1x16xf32> to vector<16xf32>
      %mul3A_519 = arith.mulf %get3A_45, %get3A_518 : vector<16xf32>
      %add3A_520 = arith.addf %get3A_514, %mul3A_519 : vector<16xf32>
      %get3A_521 = arith.index_cast %scan3A_42 : i32 to index
      %get3A_522 = arith.constant 352 : index
      %get3A_523 = tpu.vector_load %arg14[%get3A_521, %get3A_522] {strides = array<i32>} : memref<32x1024xf32, #tpu.memory_space<vmem>>, vector<1x16xf32>,
      %get3A_524 = vector.shape_cast %get3A_523 : vector<1x16xf32> to vector<16xf32>
      %mul3A_525 = arith.mulf %get3A_49, %get3A_524 : vector<16xf32>
      %add3A_526 = arith.addf %add3A_520, %mul3A_525 : vector<16xf32>
      %swap3A_527 = arith.index_cast %scan3A_42 : i32 to index
      %swap3A_528 = arith.constant 352 : index
      %swap3A_529 = tpu.vector_load %arg15[%swap3A_527, %swap3A_528] {strides = array<i32>} : memref<32x1024xf32, #tpu.memory_space<vmem>>, vector<1x16xf32>,
      %swap3A_530 = vector.shape_cast %swap3A_529 : vector<1x16xf32> to vector<16xf32>
      %swap3A_531 = vector.shape_cast %add3A_526 : vector<16xf32> to vector<1x16xf32>
      tpu.vector_store %arg15[%swap3A_527, %swap3A_528], %swap3A_531 {strides = array<i32>} : memref<32x1024xf32, #tpu.memory_space<vmem>>, vector<1x16xf32>,
      %get3A_532 = arith.index_cast %scan3A_42 : i32 to index
      %get3A_533 = arith.constant 368 : index
      %get3A_534 = tpu.vector_load %arg15[%get3A_532, %get3A_533] {strides = array<i32>} : memref<32x1024xf32, #tpu.memory_space<vmem>>, vector<1x16xf32>,
      %get3A_535 = vector.shape_cast %get3A_534 : vector<1x16xf32> to vector<16xf32>
      %get3A_536 = arith.index_cast %scan3A_42 : i32 to index
      %get3A_537 = arith.constant 368 : index
      %get3A_538 = tpu.vector_load %arg13[%get3A_536, %get3A_537] {strides = array<i32>} : memref<32x1024xf32, #tpu.memory_space<vmem>>, vector<1x16xf32>,
      %get3A_539 = vector.shape_cast %get3A_538 : vector<1x16xf32> to vector<16xf32>
      %mul3A_540 = arith.mulf %get3A_45, %get3A_539 : vector<16xf32>
      %add3A_541 = arith.addf %get3A_535, %mul3A_540 : vector<16xf32>
      %get3A_542 = arith.index_cast %scan3A_42 : i32 to index
      %get3A_543 = arith.constant 368 : index
      %get3A_544 = tpu.vector_load %arg14[%get3A_542, %get3A_543] {strides = array<i32>} : memref<32x1024xf32, #tpu.memory_space<vmem>>, vector<1x16xf32>,
      %get3A_545 = vector.shape_cast %get3A_544 : vector<1x16xf32> to vector<16xf32>
      %mul3A_546 = arith.mulf %get3A_49, %get3A_545 : vector<16xf32>
      %add3A_547 = arith.addf %add3A_541, %mul3A_546 : vector<16xf32>
      %swap3A_548 = arith.index_cast %scan3A_42 : i32 to index
      %swap3A_549 = arith.constant 368 : index
      %swap3A_550 = tpu.vector_load %arg15[%swap3A_548, %swap3A_549] {strides = array<i32>} : memref<32x1024xf32, #tpu.memory_space<vmem>>, vector<1x16xf32>,
      %swap3A_551 = vector.shape_cast %swap3A_550 : vector<1x16xf32> to vector<16xf32>
      %swap3A_552 = vector.shape_cast %add3A_547 : vector<16xf32> to vector<1x16xf32>
      tpu.vector_store %arg15[%swap3A_548, %swap3A_549], %swap3A_552 {strides = array<i32>} : memref<32x1024xf32, #tpu.memory_space<vmem>>, vector<1x16xf32>,
      %get3A_553 = arith.index_cast %scan3A_42 : i32 to index
      %get3A_554 = arith.constant 384 : index
      %get3A_555 = tpu.vector_load %arg15[%get3A_553, %get3A_554] {strides = array<i32>} : memref<32x1024xf32, #tpu.memory_space<vmem>>, vector<1x16xf32>,
      %get3A_556 = vector.shape_cast %get3A_555 : vector<1x16xf32> to vector<16xf32>
      %get3A_557 = arith.index_cast %scan3A_42 : i32 to index
      %get3A_558 = arith.constant 384 : index
      %get3A_559 = tpu.vector_load %arg13[%get3A_557, %get3A_558] {strides = array<i32>} : memref<32x1024xf32, #tpu.memory_space<vmem>>, vector<1x16xf32>,
      %get3A_560 = vector.shape_cast %get3A_559 : vector<1x16xf32> to vector<16xf32>
      %mul3A_561 = arith.mulf %get3A_45, %get3A_560 : vector<16xf32>
      %add3A_562 = arith.addf %get3A_556, %mul3A_561 : vector<16xf32>
      %get3A_563 = arith.index_cast %scan3A_42 : i32 to index
      %get3A_564 = arith.constant 384 : index
      %get3A_565 = tpu.vector_load %arg14[%get3A_563, %get3A_564] {strides = array<i32>} : memref<32x1024xf32, #tpu.memory_space<vmem>>, vector<1x16xf32>,
      %get3A_566 = vector.shape_cast %get3A_565 : vector<1x16xf32> to vector<16xf32>
      %mul3A_567 = arith.mulf %get3A_49, %get3A_566 : vector<16xf32>
      %add3A_568 = arith.addf %add3A_562, %mul3A_567 : vector<16xf32>
      %swap3A_569 = arith.index_cast %scan3A_42 : i32 to index
      %swap3A_570 = arith.constant 384 : index
      %swap3A_571 = tpu.vector_load %arg15[%swap3A_569, %swap3A_570] {strides = array<i32>} : memref<32x1024xf32, #tpu.memory_space<vmem>>, vector<1x16xf32>,
      %swap3A_572 = vector.shape_cast %swap3A_571 : vector<1x16xf32> to vector<16xf32>
      %swap3A_573 = vector.shape_cast %add3A_568 : vector<16xf32> to vector<1x16xf32>
      tpu.vector_store %arg15[%swap3A_569, %swap3A_570], %swap3A_573 {strides = array<i32>} : memref<32x1024xf32, #tpu.memory_space<vmem>>, vector<1x16xf32>,
      %get3A_574 = arith.index_cast %scan3A_42 : i32 to index
      %get3A_575 = arith.constant 400 : index
      %get3A_576 = tpu.vector_load %arg15[%get3A_574, %get3A_575] {strides = array<i32>} : memref<32x1024xf32, #tpu.memory_space<vmem>>, vector<1x16xf32>,
      %get3A_577 = vector.shape_cast %get3A_576 : vector<1x16xf32> to vector<16xf32>
      %get3A_578 = arith.index_cast %scan3A_42 : i32 to index
      %get3A_579 = arith.constant 400 : index
      %get3A_580 = tpu.vector_load %arg13[%get3A_578, %get3A_579] {strides = array<i32>} : memref<32x1024xf32, #tpu.memory_space<vmem>>, vector<1x16xf32>,
      %get3A_581 = vector.shape_cast %get3A_580 : vector<1x16xf32> to vector<16xf32>
      %mul3A_582 = arith.mulf %get3A_45, %get3A_581 : vector<16xf32>
      %add3A_583 = arith.addf %get3A_577, %mul3A_582 : vector<16xf32>
      %get3A_584 = arith.index_cast %scan3A_42 : i32 to index
      %get3A_585 = arith.constant 400 : index
      %get3A_586 = tpu.vector_load %arg14[%get3A_584, %get3A_585] {strides = array<i32>} : memref<32x1024xf32, #tpu.memory_space<vmem>>, vector<1x16xf32>,
      %get3A_587 = vector.shape_cast %get3A_586 : vector<1x16xf32> to vector<16xf32>
      %mul3A_588 = arith.mulf %get3A_49, %get3A_587 : vector<16xf32>
      %add3A_589 = arith.addf %add3A_583, %mul3A_588 : vector<16xf32>
      %swap3A_590 = arith.index_cast %scan3A_42 : i32 to index
      %swap3A_591 = arith.constant 400 : index
      %swap3A_592 = tpu.vector_load %arg15[%swap3A_590, %swap3A_591] {strides = array<i32>} : memref<32x1024xf32, #tpu.memory_space<vmem>>, vector<1x16xf32>,
      %swap3A_593 = vector.shape_cast %swap3A_592 : vector<1x16xf32> to vector<16xf32>
      %swap3A_594 = vector.shape_cast %add3A_589 : vector<16xf32> to vector<1x16xf32>
      tpu.vector_store %arg15[%swap3A_590, %swap3A_591], %swap3A_594 {strides = array<i32>} : memref<32x1024xf32, #tpu.memory_space<vmem>>, vector<1x16xf32>,
      %get3A_595 = arith.index_cast %scan3A_42 : i32 to index
      %get3A_596 = arith.constant 416 : index
      %get3A_597 = tpu.vector_load %arg15[%get3A_595, %get3A_596] {strides = array<i32>} : memref<32x1024xf32, #tpu.memory_space<vmem>>, vector<1x16xf32>,
      %get3A_598 = vector.shape_cast %get3A_597 : vector<1x16xf32> to vector<16xf32>
      %get3A_599 = arith.index_cast %scan3A_42 : i32 to index
      %get3A_600 = arith.constant 416 : index
      %get3A_601 = tpu.vector_load %arg13[%get3A_599, %get3A_600] {strides = array<i32>} : memref<32x1024xf32, #tpu.memory_space<vmem>>, vector<1x16xf32>,
      %get3A_602 = vector.shape_cast %get3A_601 : vector<1x16xf32> to vector<16xf32>
      %mul3A_603 = arith.mulf %get3A_45, %get3A_602 : vector<16xf32>
      %add3A_604 = arith.addf %get3A_598, %mul3A_603 : vector<16xf32>
      %get3A_605 = arith.index_cast %scan3A_42 : i32 to index
      %get3A_606 = arith.constant 416 : index
      %get3A_607 = tpu.vector_load %arg14[%get3A_605, %get3A_606] {strides = array<i32>} : memref<32x1024xf32, #tpu.memory_space<vmem>>, vector<1x16xf32>,
      %get3A_608 = vector.shape_cast %get3A_607 : vector<1x16xf32> to vector<16xf32>
      %mul3A_609 = arith.mulf %get3A_49, %get3A_608 : vector<16xf32>
      %add3A_610 = arith.addf %add3A_604, %mul3A_609 : vector<16xf32>
      %swap3A_611 = arith.index_cast %scan3A_42 : i32 to index
      %swap3A_612 = arith.constant 416 : index
      %swap3A_613 = tpu.vector_load %arg15[%swap3A_611, %swap3A_612] {strides = array<i32>} : memref<32x1024xf32, #tpu.memory_space<vmem>>, vector<1x16xf32>,
      %swap3A_614 = vector.shape_cast %swap3A_613 : vector<1x16xf32> to vector<16xf32>
      %swap3A_615 = vector.shape_cast %add3A_610 : vector<16xf32> to vector<1x16xf32>
      tpu.vector_store %arg15[%swap3A_611, %swap3A_612], %swap3A_615 {strides = array<i32>} : memref<32x1024xf32, #tpu.memory_space<vmem>>, vector<1x16xf32>,
      %get3A_616 = arith.index_cast %scan3A_42 : i32 to index
      %get3A_617 = arith.constant 432 : index
      %get3A_618 = tpu.vector_load %arg15[%get3A_616, %get3A_617] {strides = array<i32>} : memref<32x1024xf32, #tpu.memory_space<vmem>>, vector<1x16xf32>,
      %get3A_619 = vector.shape_cast %get3A_618 : vector<1x16xf32> to vector<16xf32>
      %get3A_620 = arith.index_cast %scan3A_42 : i32 to index
      %get3A_621 = arith.constant 432 : index
      %get3A_622 = tpu.vector_load %arg13[%get3A_620, %get3A_621] {strides = array<i32>} : memref<32x1024xf32, #tpu.memory_space<vmem>>, vector<1x16xf32>,
      %get3A_623 = vector.shape_cast %get3A_622 : vector<1x16xf32> to vector<16xf32>
      %mul3A_624 = arith.mulf %get3A_45, %get3A_623 : vector<16xf32>
      %add3A_625 = arith.addf %get3A_619, %mul3A_624 : vector<16xf32>
      %get3A_626 = arith.index_cast %scan3A_42 : i32 to index
      %get3A_627 = arith.constant 432 : index
      %get3A_628 = tpu.vector_load %arg14[%get3A_626, %get3A_627] {strides = array<i32>} : memref<32x1024xf32, #tpu.memory_space<vmem>>, vector<1x16xf32>,
      %get3A_629 = vector.shape_cast %get3A_628 : vector<1x16xf32> to vector<16xf32>
      %mul3A_630 = arith.mulf %get3A_49, %get3A_629 : vector<16xf32>
      %add3A_631 = arith.addf %add3A_625, %mul3A_630 : vector<16xf32>
      %swap3A_632 = arith.index_cast %scan3A_42 : i32 to index
      %swap3A_633 = arith.constant 432 : index
      %swap3A_634 = tpu.vector_load %arg15[%swap3A_632, %swap3A_633] {strides = array<i32>} : memref<32x1024xf32, #tpu.memory_space<vmem>>, vector<1x16xf32>,
      %swap3A_635 = vector.shape_cast %swap3A_634 : vector<1x16xf32> to vector<16xf32>
      %swap3A_636 = vector.shape_cast %add3A_631 : vector<16xf32> to vector<1x16xf32>
      tpu.vector_store %arg15[%swap3A_632, %swap3A_633], %swap3A_636 {strides = array<i32>} : memref<32x1024xf32, #tpu.memory_space<vmem>>, vector<1x16xf32>,
      %get3A_637 = arith.index_cast %scan3A_42 : i32 to index
      %get3A_638 = arith.constant 448 : index
      %get3A_639 = tpu.vector_load %arg15[%get3A_637, %get3A_638] {strides = array<i32>} : memref<32x1024xf32, #tpu.memory_space<vmem>>, vector<1x16xf32>,
      %get3A_640 = vector.shape_cast %get3A_639 : vector<1x16xf32> to vector<16xf32>
      %get3A_641 = arith.index_cast %scan3A_42 : i32 to index
      %get3A_642 = arith.constant 448 : index
      %get3A_643 = tpu.vector_load %arg13[%get3A_641, %get3A_642] {strides = array<i32>} : memref<32x1024xf32, #tpu.memory_space<vmem>>, vector<1x16xf32>,
      %get3A_644 = vector.shape_cast %get3A_643 : vector<1x16xf32> to vector<16xf32>
      %mul3A_645 = arith.mulf %get3A_45, %get3A_644 : vector<16xf32>
      %add3A_646 = arith.addf %get3A_640, %mul3A_645 : vector<16xf32>
      %get3A_647 = arith.index_cast %scan3A_42 : i32 to index
      %get3A_648 = arith.constant 448 : index
      %get3A_649 = tpu.vector_load %arg14[%get3A_647, %get3A_648] {strides = array<i32>} : memref<32x1024xf32, #tpu.memory_space<vmem>>, vector<1x16xf32>,
      %get3A_650 = vector.shape_cast %get3A_649 : vector<1x16xf32> to vector<16xf32>
      %mul3A_651 = arith.mulf %get3A_49, %get3A_650 : vector<16xf32>
      %add3A_652 = arith.addf %add3A_646, %mul3A_651 : vector<16xf32>
      %swap3A_653 = arith.index_cast %scan3A_42 : i32 to index
      %swap3A_654 = arith.constant 448 : index
      %swap3A_655 = tpu.vector_load %arg15[%swap3A_653, %swap3A_654] {strides = array<i32>} : memref<32x1024xf32, #tpu.memory_space<vmem>>, vector<1x16xf32>,
      %swap3A_656 = vector.shape_cast %swap3A_655 : vector<1x16xf32> to vector<16xf32>
      %swap3A_657 = vector.shape_cast %add3A_652 : vector<16xf32> to vector<1x16xf32>
      tpu.vector_store %arg15[%swap3A_653, %swap3A_654], %swap3A_657 {strides = array<i32>} : memref<32x1024xf32, #tpu.memory_space<vmem>>, vector<1x16xf32>,
      %get3A_658 = arith.index_cast %scan3A_42 : i32 to index
      %get3A_659 = arith.constant 464 : index
      %get3A_660 = tpu.vector_load %arg15[%get3A_658, %get3A_659] {strides = array<i32>} : memref<32x1024xf32, #tpu.memory_space<vmem>>, vector<1x16xf32>,
      %get3A_661 = vector.shape_cast %get3A_660 : vector<1x16xf32> to vector<16xf32>
      %get3A_662 = arith.index_cast %scan3A_42 : i32 to index
      %get3A_663 = arith.constant 464 : index
      %get3A_664 = tpu.vector_load %arg13[%get3A_662, %get3A_663] {strides = array<i32>} : memref<32x1024xf32, #tpu.memory_space<vmem>>, vector<1x16xf32>,
      %get3A_665 = vector.shape_cast %get3A_664 : vector<1x16xf32> to vector<16xf32>
      %mul3A_666 = arith.mulf %get3A_45, %get3A_665 : vector<16xf32>
      %add3A_667 = arith.addf %get3A_661, %mul3A_666 : vector<16xf32>
      %get3A_668 = arith.index_cast %scan3A_42 : i32 to index
      %get3A_669 = arith.constant 464 : index
      %get3A_670 = tpu.vector_load %arg14[%get3A_668, %get3A_669] {strides = array<i32>} : memref<32x1024xf32, #tpu.memory_space<vmem>>, vector<1x16xf32>,
      %get3A_671 = vector.shape_cast %get3A_670 : vector<1x16xf32> to vector<16xf32>
      %mul3A_672 = arith.mulf %get3A_49, %get3A_671 : vector<16xf32>
      %add3A_673 = arith.addf %add3A_667, %mul3A_672 : vector<16xf32>
      %swap3A_674 = arith.index_cast %scan3A_42 : i32 to index
      %swap3A_675 = arith.constant 464 : index
      %swap3A_676 = tpu.vector_load %arg15[%swap3A_674, %swap3A_675] {strides = array<i32>} : memref<32x1024xf32, #tpu.memory_space<vmem>>, vector<1x16xf32>,
      %swap3A_677 = vector.shape_cast %swap3A_676 : vector<1x16xf32> to vector<16xf32>
      %swap3A_678 = vector.shape_cast %add3A_673 : vector<16xf32> to vector<1x16xf32>
      tpu.vector_store %arg15[%swap3A_674, %swap3A_675], %swap3A_678 {strides = array<i32>} : memref<32x1024xf32, #tpu.memory_space<vmem>>, vector<1x16xf32>,
      %get3A_679 = arith.index_cast %scan3A_42 : i32 to index
      %get3A_680 = arith.constant 480 : index
      %get3A_681 = tpu.vector_load %arg15[%get3A_679, %get3A_680] {strides = array<i32>} : memref<32x1024xf32, #tpu.memory_space<vmem>>, vector<1x16xf32>,
      %get3A_682 = vector.shape_cast %get3A_681 : vector<1x16xf32> to vector<16xf32>
      %get3A_683 = arith.index_cast %scan3A_42 : i32 to index
      %get3A_684 = arith.constant 480 : index
      %get3A_685 = tpu.vector_load %arg13[%get3A_683, %get3A_684] {strides = array<i32>} : memref<32x1024xf32, #tpu.memory_space<vmem>>, vector<1x16xf32>,
      %get3A_686 = vector.shape_cast %get3A_685 : vector<1x16xf32> to vector<16xf32>
      %mul3A_687 = arith.mulf %get3A_45, %get3A_686 : vector<16xf32>
      %add3A_688 = arith.addf %get3A_682, %mul3A_687 : vector<16xf32>
      %get3A_689 = arith.index_cast %scan3A_42 : i32 to index
      %get3A_690 = arith.constant 480 : index
      %get3A_691 = tpu.vector_load %arg14[%get3A_689, %get3A_690] {strides = array<i32>} : memref<32x1024xf32, #tpu.memory_space<vmem>>, vector<1x16xf32>,
      %get3A_692 = vector.shape_cast %get3A_691 : vector<1x16xf32> to vector<16xf32>
      %mul3A_693 = arith.mulf %get3A_49, %get3A_692 : vector<16xf32>
      %add3A_694 = arith.addf %add3A_688, %mul3A_693 : vector<16xf32>
      %swap3A_695 = arith.index_cast %scan3A_42 : i32 to index
      %swap3A_696 = arith.constant 480 : index
      %swap3A_697 = tpu.vector_load %arg15[%swap3A_695, %swap3A_696] {strides = array<i32>} : memref<32x1024xf32, #tpu.memory_space<vmem>>, vector<1x16xf32>,
      %swap3A_698 = vector.shape_cast %swap3A_697 : vector<1x16xf32> to vector<16xf32>
      %swap3A_699 = vector.shape_cast %add3A_694 : vector<16xf32> to vector<1x16xf32>
      tpu.vector_store %arg15[%swap3A_695, %swap3A_696], %swap3A_699 {strides = array<i32>} : memref<32x1024xf32, #tpu.memory_space<vmem>>, vector<1x16xf32>,
      %get3A_700 = arith.index_cast %scan3A_42 : i32 to index
      %get3A_701 = arith.constant 496 : index
      %get3A_702 = tpu.vector_load %arg15[%get3A_700, %get3A_701] {strides = array<i32>} : memref<32x1024xf32, #tpu.memory_space<vmem>>, vector<1x16xf32>,
      %get3A_703 = vector.shape_cast %get3A_702 : vector<1x16xf32> to vector<16xf32>
      %get3A_704 = arith.index_cast %scan3A_42 : i32 to index
      %get3A_705 = arith.constant 496 : index
      %get3A_706 = tpu.vector_load %arg13[%get3A_704, %get3A_705] {strides = array<i32>} : memref<32x1024xf32, #tpu.memory_space<vmem>>, vector<1x16xf32>,
      %get3A_707 = vector.shape_cast %get3A_706 : vector<1x16xf32> to vector<16xf32>
      %mul3A_708 = arith.mulf %get3A_45, %get3A_707 : vector<16xf32>
      %add3A_709 = arith.addf %get3A_703, %mul3A_708 : vector<16xf32>
      %get3A_710 = arith.index_cast %scan3A_42 : i32 to index
      %get3A_711 = arith.constant 496 : index
      %get3A_712 = tpu.vector_load %arg14[%get3A_710, %get3A_711] {strides = array<i32>} : memref<32x1024xf32, #tpu.memory_space<vmem>>, vector<1x16xf32>,
      %get3A_713 = vector.shape_cast %get3A_712 : vector<1x16xf32> to vector<16xf32>
      %mul3A_714 = arith.mulf %get3A_49, %get3A_713 : vector<16xf32>
      %add3A_715 = arith.addf %add3A_709, %mul3A_714 : vector<16xf32>
      %swap3A_716 = arith.index_cast %scan3A_42 : i32 to index
      %swap3A_717 = arith.constant 496 : index
      %swap3A_718 = tpu.vector_load %arg15[%swap3A_716, %swap3A_717] {strides = array<i32>} : memref<32x1024xf32, #tpu.memory_space<vmem>>, vector<1x16xf32>,
      %swap3A_719 = vector.shape_cast %swap3A_718 : vector<1x16xf32> to vector<16xf32>
      %swap3A_720 = vector.shape_cast %add3A_715 : vector<16xf32> to vector<1x16xf32>
      tpu.vector_store %arg15[%swap3A_716, %swap3A_717], %swap3A_720 {strides = array<i32>} : memref<32x1024xf32, #tpu.memory_space<vmem>>, vector<1x16xf32>,
      %get3A_721 = arith.index_cast %scan3A_42 : i32 to index
      %get3A_722 = arith.constant 512 : index
      %get3A_723 = tpu.vector_load %arg15[%get3A_721, %get3A_722] {strides = array<i32>} : memref<32x1024xf32, #tpu.memory_space<vmem>>, vector<1x16xf32>,
      %get3A_724 = vector.shape_cast %get3A_723 : vector<1x16xf32> to vector<16xf32>
      %get3A_725 = arith.index_cast %scan3A_42 : i32 to index
      %get3A_726 = arith.constant 512 : index
      %get3A_727 = tpu.vector_load %arg13[%get3A_725, %get3A_726] {strides = array<i32>} : memref<32x1024xf32, #tpu.memory_space<vmem>>, vector<1x16xf32>,
      %get3A_728 = vector.shape_cast %get3A_727 : vector<1x16xf32> to vector<16xf32>
      %mul3A_729 = arith.mulf %get3A_45, %get3A_728 : vector<16xf32>
      %add3A_730 = arith.addf %get3A_724, %mul3A_729 : vector<16xf32>
      %get3A_731 = arith.index_cast %scan3A_42 : i32 to index
      %get3A_732 = arith.constant 512 : index
      %get3A_733 = tpu.vector_load %arg14[%get3A_731, %get3A_732] {strides = array<i32>} : memref<32x1024xf32, #tpu.memory_space<vmem>>, vector<1x16xf32>,
      %get3A_734 = vector.shape_cast %get3A_733 : vector<1x16xf32> to vector<16xf32>
      %mul3A_735 = arith.mulf %get3A_49, %get3A_734 : vector<16xf32>
      %add3A_736 = arith.addf %add3A_730, %mul3A_735 : vector<16xf32>
      %swap3A_737 = arith.index_cast %scan3A_42 : i32 to index
      %swap3A_738 = arith.constant 512 : index
      %swap3A_739 = tpu.vector_load %arg15[%swap3A_737, %swap3A_738] {strides = array<i32>} : memref<32x1024xf32, #tpu.memory_space<vmem>>, vector<1x16xf32>,
      %swap3A_740 = vector.shape_cast %swap3A_739 : vector<1x16xf32> to vector<16xf32>
      %swap3A_741 = vector.shape_cast %add3A_736 : vector<16xf32> to vector<1x16xf32>
      tpu.vector_store %arg15[%swap3A_737, %swap3A_738], %swap3A_741 {strides = array<i32>} : memref<32x1024xf32, #tpu.memory_space<vmem>>, vector<1x16xf32>,
      %get3A_742 = arith.index_cast %scan3A_42 : i32 to index
      %get3A_743 = arith.constant 528 : index
      %get3A_744 = tpu.vector_load %arg15[%get3A_742, %get3A_743] {strides = array<i32>} : memref<32x1024xf32, #tpu.memory_space<vmem>>, vector<1x16xf32>,
      %get3A_745 = vector.shape_cast %get3A_744 : vector<1x16xf32> to vector<16xf32>
      %get3A_746 = arith.index_cast %scan3A_42 : i32 to index
      %get3A_747 = arith.constant 528 : index
      %get3A_748 = tpu.vector_load %arg13[%get3A_746, %get3A_747] {strides = array<i32>} : memref<32x1024xf32, #tpu.memory_space<vmem>>, vector<1x16xf32>,
      %get3A_749 = vector.shape_cast %get3A_748 : vector<1x16xf32> to vector<16xf32>
      %mul3A_750 = arith.mulf %get3A_45, %get3A_749 : vector<16xf32>
      %add3A_751 = arith.addf %get3A_745, %mul3A_750 : vector<16xf32>
      %get3A_752 = arith.index_cast %scan3A_42 : i32 to index
      %get3A_753 = arith.constant 528 : index
      %get3A_754 = tpu.vector_load %arg14[%get3A_752, %get3A_753] {strides = array<i32>} : memref<32x1024xf32, #tpu.memory_space<vmem>>, vector<1x16xf32>,
      %get3A_755 = vector.shape_cast %get3A_754 : vector<1x16xf32> to vector<16xf32>
      %mul3A_756 = arith.mulf %get3A_49, %get3A_755 : vector<16xf32>
      %add3A_757 = arith.addf %add3A_751, %mul3A_756 : vector<16xf32>
      %swap3A_758 = arith.index_cast %scan3A_42 : i32 to index
      %swap3A_759 = arith.constant 528 : index
      %swap3A_760 = tpu.vector_load %arg15[%swap3A_758, %swap3A_759] {strides = array<i32>} : memref<32x1024xf32, #tpu.memory_space<vmem>>, vector<1x16xf32>,
      %swap3A_761 = vector.shape_cast %swap3A_760 : vector<1x16xf32> to vector<16xf32>
      %swap3A_762 = vector.shape_cast %add3A_757 : vector<16xf32> to vector<1x16xf32>
      tpu.vector_store %arg15[%swap3A_758, %swap3A_759], %swap3A_762 {strides = array<i32>} : memref<32x1024xf32, #tpu.memory_space<vmem>>, vector<1x16xf32>,
      %get3A_763 = arith.index_cast %scan3A_42 : i32 to index
      %get3A_764 = arith.constant 544 : index
      %get3A_765 = tpu.vector_load %arg15[%get3A_763, %get3A_764] {strides = array<i32>} : memref<32x1024xf32, #tpu.memory_space<vmem>>, vector<1x16xf32>,
      %get3A_766 = vector.shape_cast %get3A_765 : vector<1x16xf32> to vector<16xf32>
      %get3A_767 = arith.index_cast %scan3A_42 : i32 to index
      %get3A_768 = arith.constant 544 : index
      %get3A_769 = tpu.vector_load %arg13[%get3A_767, %get3A_768] {strides = array<i32>} : memref<32x1024xf32, #tpu.memory_space<vmem>>, vector<1x16xf32>,
      %get3A_770 = vector.shape_cast %get3A_769 : vector<1x16xf32> to vector<16xf32>
      %mul3A_771 = arith.mulf %get3A_45, %get3A_770 : vector<16xf32>
      %add3A_772 = arith.addf %get3A_766, %mul3A_771 : vector<16xf32>
      %get3A_773 = arith.index_cast %scan3A_42 : i32 to index
      %get3A_774 = arith.constant 544 : index
      %get3A_775 = tpu.vector_load %arg14[%get3A_773, %get3A_774] {strides = array<i32>} : memref<32x1024xf32, #tpu.memory_space<vmem>>, vector<1x16xf32>,
      %get3A_776 = vector.shape_cast %get3A_775 : vector<1x16xf32> to vector<16xf32>
      %mul3A_777 = arith.mulf %get3A_49, %get3A_776 : vector<16xf32>
      %add3A_778 = arith.addf %add3A_772, %mul3A_777 : vector<16xf32>
      %swap3A_779 = arith.index_cast %scan3A_42 : i32 to index
      %swap3A_780 = arith.constant 544 : index
      %swap3A_781 = tpu.vector_load %arg15[%swap3A_779, %swap3A_780] {strides = array<i32>} : memref<32x1024xf32, #tpu.memory_space<vmem>>, vector<1x16xf32>,
      %swap3A_782 = vector.shape_cast %swap3A_781 : vector<1x16xf32> to vector<16xf32>
      %swap3A_783 = vector.shape_cast %add3A_778 : vector<16xf32> to vector<1x16xf32>
      tpu.vector_store %arg15[%swap3A_779, %swap3A_780], %swap3A_783 {strides = array<i32>} : memref<32x1024xf32, #tpu.memory_space<vmem>>, vector<1x16xf32>,
      %get3A_784 = arith.index_cast %scan3A_42 : i32 to index
      %get3A_785 = arith.constant 560 : index
      %get3A_786 = tpu.vector_load %arg15[%get3A_784, %get3A_785] {strides = array<i32>} : memref<32x1024xf32, #tpu.memory_space<vmem>>, vector<1x16xf32>,
      %get3A_787 = vector.shape_cast %get3A_786 : vector<1x16xf32> to vector<16xf32>
      %get3A_788 = arith.index_cast %scan3A_42 : i32 to index
      %get3A_789 = arith.constant 560 : index
      %get3A_790 = tpu.vector_load %arg13[%get3A_788, %get3A_789] {strides = array<i32>} : memref<32x1024xf32, #tpu.memory_space<vmem>>, vector<1x16xf32>,
      %get3A_791 = vector.shape_cast %get3A_790 : vector<1x16xf32> to vector<16xf32>
      %mul3A_792 = arith.mulf %get3A_45, %get3A_791 : vector<16xf32>
      %add3A_793 = arith.addf %get3A_787, %mul3A_792 : vector<16xf32>
      %get3A_794 = arith.index_cast %scan3A_42 : i32 to index
      %get3A_795 = arith.constant 560 : index
      %get3A_796 = tpu.vector_load %arg14[%get3A_794, %get3A_795] {strides = array<i32>} : memref<32x1024xf32, #tpu.memory_space<vmem>>, vector<1x16xf32>,
      %get3A_797 = vector.shape_cast %get3A_796 : vector<1x16xf32> to vector<16xf32>
      %mul3A_798 = arith.mulf %get3A_49, %get3A_797 : vector<16xf32>
      %add3A_799 = arith.addf %add3A_793, %mul3A_798 : vector<16xf32>
      %swap3A_800 = arith.index_cast %scan3A_42 : i32 to index
      %swap3A_801 = arith.constant 560 : index
      %swap3A_802 = tpu.vector_load %arg15[%swap3A_800, %swap3A_801] {strides = array<i32>} : memref<32x1024xf32, #tpu.memory_space<vmem>>, vector<1x16xf32>,
      %swap3A_803 = vector.shape_cast %swap3A_802 : vector<1x16xf32> to vector<16xf32>
      %swap3A_804 = vector.shape_cast %add3A_799 : vector<16xf32> to vector<1x16xf32>
      tpu.vector_store %arg15[%swap3A_800, %swap3A_801], %swap3A_804 {strides = array<i32>} : memref<32x1024xf32, #tpu.memory_space<vmem>>, vector<1x16xf32>,
      %get3A_805 = arith.index_cast %scan3A_42 : i32 to index
      %get3A_806 = arith.constant 576 : index
      %get3A_807 = tpu.vector_load %arg15[%get3A_805, %get3A_806] {strides = array<i32>} : memref<32x1024xf32, #tpu.memory_space<vmem>>, vector<1x16xf32>,
      %get3A_808 = vector.shape_cast %get3A_807 : vector<1x16xf32> to vector<16xf32>
      %get3A_809 = arith.index_cast %scan3A_42 : i32 to index
      %get3A_810 = arith.constant 576 : index
      %get3A_811 = tpu.vector_load %arg13[%get3A_809, %get3A_810] {strides = array<i32>} : memref<32x1024xf32, #tpu.memory_space<vmem>>, vector<1x16xf32>,
      %get3A_812 = vector.shape_cast %get3A_811 : vector<1x16xf32> to vector<16xf32>
      %mul3A_813 = arith.mulf %get3A_45, %get3A_812 : vector<16xf32>
      %add3A_814 = arith.addf %get3A_808, %mul3A_813 : vector<16xf32>
      %get3A_815 = arith.index_cast %scan3A_42 : i32 to index
      %get3A_816 = arith.constant 576 : index
      %get3A_817 = tpu.vector_load %arg14[%get3A_815, %get3A_816] {strides = array<i32>} : memref<32x1024xf32, #tpu.memory_space<vmem>>, vector<1x16xf32>,
      %get3A_818 = vector.shape_cast %get3A_817 : vector<1x16xf32> to vector<16xf32>
      %mul3A_819 = arith.mulf %get3A_49, %get3A_818 : vector<16xf32>
      %add3A_820 = arith.addf %add3A_814, %mul3A_819 : vector<16xf32>
      %swap3A_821 = arith.index_cast %scan3A_42 : i32 to index
      %swap3A_822 = arith.constant 576 : index
      %swap3A_823 = tpu.vector_load %arg15[%swap3A_821, %swap3A_822] {strides = array<i32>} : memref<32x1024xf32, #tpu.memory_space<vmem>>, vector<1x16xf32>,
      %swap3A_824 = vector.shape_cast %swap3A_823 : vector<1x16xf32> to vector<16xf32>
      %swap3A_825 = vector.shape_cast %add3A_820 : vector<16xf32> to vector<1x16xf32>
      tpu.vector_store %arg15[%swap3A_821, %swap3A_822], %swap3A_825 {strides = array<i32>} : memref<32x1024xf32, #tpu.memory_space<vmem>>, vector<1x16xf32>,
      %get3A_826 = arith.index_cast %scan3A_42 : i32 to index
      %get3A_827 = arith.constant 592 : index
      %get3A_828 = tpu.vector_load %arg15[%get3A_826, %get3A_827] {strides = array<i32>} : memref<32x1024xf32, #tpu.memory_space<vmem>>, vector<1x16xf32>,
      %get3A_829 = vector.shape_cast %get3A_828 : vector<1x16xf32> to vector<16xf32>
      %get3A_830 = arith.index_cast %scan3A_42 : i32 to index
      %get3A_831 = arith.constant 592 : index
      %get3A_832 = tpu.vector_load %arg13[%get3A_830, %get3A_831] {strides = array<i32>} : memref<32x1024xf32, #tpu.memory_space<vmem>>, vector<1x16xf32>,
      %get3A_833 = vector.shape_cast %get3A_832 : vector<1x16xf32> to vector<16xf32>
      %mul3A_834 = arith.mulf %get3A_45, %get3A_833 : vector<16xf32>
      %add3A_835 = arith.addf %get3A_829, %mul3A_834 : vector<16xf32>
      %get3A_836 = arith.index_cast %scan3A_42 : i32 to index
      %get3A_837 = arith.constant 592 : index
      %get3A_838 = tpu.vector_load %arg14[%get3A_836, %get3A_837] {strides = array<i32>} : memref<32x1024xf32, #tpu.memory_space<vmem>>, vector<1x16xf32>,
      %get3A_839 = vector.shape_cast %get3A_838 : vector<1x16xf32> to vector<16xf32>
      %mul3A_840 = arith.mulf %get3A_49, %get3A_839 : vector<16xf32>
      %add3A_841 = arith.addf %add3A_835, %mul3A_840 : vector<16xf32>
      %swap3A_842 = arith.index_cast %scan3A_42 : i32 to index
      %swap3A_843 = arith.constant 592 : index
      %swap3A_844 = tpu.vector_load %arg15[%swap3A_842, %swap3A_843] {strides = array<i32>} : memref<32x1024xf32, #tpu.memory_space<vmem>>, vector<1x16xf32>,
      %swap3A_845 = vector.shape_cast %swap3A_844 : vector<1x16xf32> to vector<16xf32>
      %swap3A_846 = vector.shape_cast %add3A_841 : vector<16xf32> to vector<1x16xf32>
      tpu.vector_store %arg15[%swap3A_842, %swap3A_843], %swap3A_846 {strides = array<i32>} : memref<32x1024xf32, #tpu.memory_space<vmem>>, vector<1x16xf32>,
      %get3A_847 = arith.index_cast %scan3A_42 : i32 to index
      %get3A_848 = arith.constant 608 : index
      %get3A_849 = tpu.vector_load %arg15[%get3A_847, %get3A_848] {strides = array<i32>} : memref<32x1024xf32, #tpu.memory_space<vmem>>, vector<1x16xf32>,
      %get3A_850 = vector.shape_cast %get3A_849 : vector<1x16xf32> to vector<16xf32>
      %get3A_851 = arith.index_cast %scan3A_42 : i32 to index
      %get3A_852 = arith.constant 608 : index
      %get3A_853 = tpu.vector_load %arg13[%get3A_851, %get3A_852] {strides = array<i32>} : memref<32x1024xf32, #tpu.memory_space<vmem>>, vector<1x16xf32>,
      %get3A_854 = vector.shape_cast %get3A_853 : vector<1x16xf32> to vector<16xf32>
      %mul3A_855 = arith.mulf %get3A_45, %get3A_854 : vector<16xf32>
      %add3A_856 = arith.addf %get3A_850, %mul3A_855 : vector<16xf32>
      %get3A_857 = arith.index_cast %scan3A_42 : i32 to index
      %get3A_858 = arith.constant 608 : index
      %get3A_859 = tpu.vector_load %arg14[%get3A_857, %get3A_858] {strides = array<i32>} : memref<32x1024xf32, #tpu.memory_space<vmem>>, vector<1x16xf32>,
      %get3A_860 = vector.shape_cast %get3A_859 : vector<1x16xf32> to vector<16xf32>
      %mul3A_861 = arith.mulf %get3A_49, %get3A_860 : vector<16xf32>
      %add3A_862 = arith.addf %add3A_856, %mul3A_861 : vector<16xf32>
      %swap3A_863 = arith.index_cast %scan3A_42 : i32 to index
      %swap3A_864 = arith.constant 608 : index
      %swap3A_865 = tpu.vector_load %arg15[%swap3A_863, %swap3A_864] {strides = array<i32>} : memref<32x1024xf32, #tpu.memory_space<vmem>>, vector<1x16xf32>,
      %swap3A_866 = vector.shape_cast %swap3A_865 : vector<1x16xf32> to vector<16xf32>
      %swap3A_867 = vector.shape_cast %add3A_862 : vector<16xf32> to vector<1x16xf32>
      tpu.vector_store %arg15[%swap3A_863, %swap3A_864], %swap3A_867 {strides = array<i32>} : memref<32x1024xf32, #tpu.memory_space<vmem>>, vector<1x16xf32>,
      %get3A_868 = arith.index_cast %scan3A_42 : i32 to index
      %get3A_869 = arith.constant 624 : index
      %get3A_870 = tpu.vector_load %arg15[%get3A_868, %get3A_869] {strides = array<i32>} : memref<32x1024xf32, #tpu.memory_space<vmem>>, vector<1x16xf32>,
      %get3A_871 = vector.shape_cast %get3A_870 : vector<1x16xf32> to vector<16xf32>
      %get3A_872 = arith.index_cast %scan3A_42 : i32 to index
      %get3A_873 = arith.constant 624 : index
      %get3A_874 = tpu.vector_load %arg13[%get3A_872, %get3A_873] {strides = array<i32>} : memref<32x1024xf32, #tpu.memory_space<vmem>>, vector<1x16xf32>,
      %get3A_875 = vector.shape_cast %get3A_874 : vector<1x16xf32> to vector<16xf32>
      %mul3A_876 = arith.mulf %get3A_45, %get3A_875 : vector<16xf32>
      %add3A_877 = arith.addf %get3A_871, %mul3A_876 : vector<16xf32>
      %get3A_878 = arith.index_cast %scan3A_42 : i32 to index
      %get3A_879 = arith.constant 624 : index
      %get3A_880 = tpu.vector_load %arg14[%get3A_878, %get3A_879] {strides = array<i32>} : memref<32x1024xf32, #tpu.memory_space<vmem>>, vector<1x16xf32>,
      %get3A_881 = vector.shape_cast %get3A_880 : vector<1x16xf32> to vector<16xf32>
      %mul3A_882 = arith.mulf %get3A_49, %get3A_881 : vector<16xf32>
      %add3A_883 = arith.addf %add3A_877, %mul3A_882 : vector<16xf32>
      %swap3A_884 = arith.index_cast %scan3A_42 : i32 to index
      %swap3A_885 = arith.constant 624 : index
      %swap3A_886 = tpu.vector_load %arg15[%swap3A_884, %swap3A_885] {strides = array<i32>} : memref<32x1024xf32, #tpu.memory_space<vmem>>, vector<1x16xf32>,
      %swap3A_887 = vector.shape_cast %swap3A_886 : vector<1x16xf32> to vector<16xf32>
      %swap3A_888 = vector.shape_cast %add3A_883 : vector<16xf32> to vector<1x16xf32>
      tpu.vector_store %arg15[%swap3A_884, %swap3A_885], %swap3A_888 {strides = array<i32>} : memref<32x1024xf32, #tpu.memory_space<vmem>>, vector<1x16xf32>,
      %get3A_889 = arith.index_cast %scan3A_42 : i32 to index
      %get3A_890 = arith.constant 640 : index
      %get3A_891 = tpu.vector_load %arg15[%get3A_889, %get3A_890] {strides = array<i32>} : memref<32x1024xf32, #tpu.memory_space<vmem>>, vector<1x16xf32>,
      %get3A_892 = vector.shape_cast %get3A_891 : vector<1x16xf32> to vector<16xf32>
      %get3A_893 = arith.index_cast %scan3A_42 : i32 to index
      %get3A_894 = arith.constant 640 : index
      %get3A_895 = tpu.vector_load %arg13[%get3A_893, %get3A_894] {strides = array<i32>} : memref<32x1024xf32, #tpu.memory_space<vmem>>, vector<1x16xf32>,
      %get3A_896 = vector.shape_cast %get3A_895 : vector<1x16xf32> to vector<16xf32>
      %mul3A_897 = arith.mulf %get3A_45, %get3A_896 : vector<16xf32>
      %add3A_898 = arith.addf %get3A_892, %mul3A_897 : vector<16xf32>
      %get3A_899 = arith.index_cast %scan3A_42 : i32 to index
      %get3A_900 = arith.constant 640 : index
      %get3A_901 = tpu.vector_load %arg14[%get3A_899, %get3A_900] {strides = array<i32>} : memref<32x1024xf32, #tpu.memory_space<vmem>>, vector<1x16xf32>,
      %get3A_902 = vector.shape_cast %get3A_901 : vector<1x16xf32> to vector<16xf32>
      %mul3A_903 = arith.mulf %get3A_49, %get3A_902 : vector<16xf32>
      %add3A_904 = arith.addf %add3A_898, %mul3A_903 : vector<16xf32>
      %swap3A_905 = arith.index_cast %scan3A_42 : i32 to index
      %swap3A_906 = arith.constant 640 : index
      %swap3A_907 = tpu.vector_load %arg15[%swap3A_905, %swap3A_906] {strides = array<i32>} : memref<32x1024xf32, #tpu.memory_space<vmem>>, vector<1x16xf32>,
      %swap3A_908 = vector.shape_cast %swap3A_907 : vector<1x16xf32> to vector<16xf32>
      %swap3A_909 = vector.shape_cast %add3A_904 : vector<16xf32> to vector<1x16xf32>
      tpu.vector_store %arg15[%swap3A_905, %swap3A_906], %swap3A_909 {strides = array<i32>} : memref<32x1024xf32, #tpu.memory_space<vmem>>, vector<1x16xf32>,
      %get3A_910 = arith.index_cast %scan3A_42 : i32 to index
      %get3A_911 = arith.constant 656 : index
      %get3A_912 = tpu.vector_load %arg15[%get3A_910, %get3A_911] {strides = array<i32>} : memref<32x1024xf32, #tpu.memory_space<vmem>>, vector<1x16xf32>,
      %get3A_913 = vector.shape_cast %get3A_912 : vector<1x16xf32> to vector<16xf32>
      %get3A_914 = arith.index_cast %scan3A_42 : i32 to index
      %get3A_915 = arith.constant 656 : index
      %get3A_916 = tpu.vector_load %arg13[%get3A_914, %get3A_915] {strides = array<i32>} : memref<32x1024xf32, #tpu.memory_space<vmem>>, vector<1x16xf32>,
      %get3A_917 = vector.shape_cast %get3A_916 : vector<1x16xf32> to vector<16xf32>
      %mul3A_918 = arith.mulf %get3A_45, %get3A_917 : vector<16xf32>
      %add3A_919 = arith.addf %get3A_913, %mul3A_918 : vector<16xf32>
      %get3A_920 = arith.index_cast %scan3A_42 : i32 to index
      %get3A_921 = arith.constant 656 : index
      %get3A_922 = tpu.vector_load %arg14[%get3A_920, %get3A_921] {strides = array<i32>} : memref<32x1024xf32, #tpu.memory_space<vmem>>, vector<1x16xf32>,
      %get3A_923 = vector.shape_cast %get3A_922 : vector<1x16xf32> to vector<16xf32>
      %mul3A_924 = arith.mulf %get3A_49, %get3A_923 : vector<16xf32>
      %add3A_925 = arith.addf %add3A_919, %mul3A_924 : vector<16xf32>
      %swap3A_926 = arith.index_cast %scan3A_42 : i32 to index
      %swap3A_927 = arith.constant 656 : index
      %swap3A_928 = tpu.vector_load %arg15[%swap3A_926, %swap3A_927] {strides = array<i32>} : memref<32x1024xf32, #tpu.memory_space<vmem>>, vector<1x16xf32>,
      %swap3A_929 = vector.shape_cast %swap3A_928 : vector<1x16xf32> to vector<16xf32>
      %swap3A_930 = vector.shape_cast %add3A_925 : vector<16xf32> to vector<1x16xf32>
      tpu.vector_store %arg15[%swap3A_926, %swap3A_927], %swap3A_930 {strides = array<i32>} : memref<32x1024xf32, #tpu.memory_space<vmem>>, vector<1x16xf32>,
      %get3A_931 = arith.index_cast %scan3A_42 : i32 to index
      %get3A_932 = arith.constant 672 : index
      %get3A_933 = tpu.vector_load %arg15[%get3A_931, %get3A_932] {strides = array<i32>} : memref<32x1024xf32, #tpu.memory_space<vmem>>, vector<1x16xf32>,
      %get3A_934 = vector.shape_cast %get3A_933 : vector<1x16xf32> to vector<16xf32>
      %get3A_935 = arith.index_cast %scan3A_42 : i32 to index
      %get3A_936 = arith.constant 672 : index
      %get3A_937 = tpu.vector_load %arg13[%get3A_935, %get3A_936] {strides = array<i32>} : memref<32x1024xf32, #tpu.memory_space<vmem>>, vector<1x16xf32>,
      %get3A_938 = vector.shape_cast %get3A_937 : vector<1x16xf32> to vector<16xf32>
      %mul3A_939 = arith.mulf %get3A_45, %get3A_938 : vector<16xf32>
      %add3A_940 = arith.addf %get3A_934, %mul3A_939 : vector<16xf32>
      %get3A_941 = arith.index_cast %scan3A_42 : i32 to index
      %get3A_942 = arith.constant 672 : index
      %get3A_943 = tpu.vector_load %arg14[%get3A_941, %get3A_942] {strides = array<i32>} : memref<32x1024xf32, #tpu.memory_space<vmem>>, vector<1x16xf32>,
      %get3A_944 = vector.shape_cast %get3A_943 : vector<1x16xf32> to vector<16xf32>
      %mul3A_945 = arith.mulf %get3A_49, %get3A_944 : vector<16xf32>
      %add3A_946 = arith.addf %add3A_940, %mul3A_945 : vector<16xf32>
      %swap3A_947 = arith.index_cast %scan3A_42 : i32 to index
      %swap3A_948 = arith.constant 672 : index
      %swap3A_949 = tpu.vector_load %arg15[%swap3A_947, %swap3A_948] {strides = array<i32>} : memref<32x1024xf32, #tpu.memory_space<vmem>>, vector<1x16xf32>,
      %swap3A_950 = vector.shape_cast %swap3A_949 : vector<1x16xf32> to vector<16xf32>
      %swap3A_951 = vector.shape_cast %add3A_946 : vector<16xf32> to vector<1x16xf32>
      tpu.vector_store %arg15[%swap3A_947, %swap3A_948], %swap3A_951 {strides = array<i32>} : memref<32x1024xf32, #tpu.memory_space<vmem>>, vector<1x16xf32>,
      %get3A_952 = arith.index_cast %scan3A_42 : i32 to index
      %get3A_953 = arith.constant 688 : index
      %get3A_954 = tpu.vector_load %arg15[%get3A_952, %get3A_953] {strides = array<i32>} : memref<32x1024xf32, #tpu.memory_space<vmem>>, vector<1x16xf32>,
      %get3A_955 = vector.shape_cast %get3A_954 : vector<1x16xf32> to vector<16xf32>
      %get3A_956 = arith.index_cast %scan3A_42 : i32 to index
      %get3A_957 = arith.constant 688 : index
      %get3A_958 = tpu.vector_load %arg13[%get3A_956, %get3A_957] {strides = array<i32>} : memref<32x1024xf32, #tpu.memory_space<vmem>>, vector<1x16xf32>,
      %get3A_959 = vector.shape_cast %get3A_958 : vector<1x16xf32> to vector<16xf32>
      %mul3A_960 = arith.mulf %get3A_45, %get3A_959 : vector<16xf32>
      %add3A_961 = arith.addf %get3A_955, %mul3A_960 : vector<16xf32>
      %get3A_962 = arith.index_cast %scan3A_42 : i32 to index
      %get3A_963 = arith.constant 688 : index
      %get3A_964 = tpu.vector_load %arg14[%get3A_962, %get3A_963] {strides = array<i32>} : memref<32x1024xf32, #tpu.memory_space<vmem>>, vector<1x16xf32>,
      %get3A_965 = vector.shape_cast %get3A_964 : vector<1x16xf32> to vector<16xf32>
      %mul3A_966 = arith.mulf %get3A_49, %get3A_965 : vector<16xf32>
      %add3A_967 = arith.addf %add3A_961, %mul3A_966 : vector<16xf32>
      %swap3A_968 = arith.index_cast %scan3A_42 : i32 to index
      %swap3A_969 = arith.constant 688 : index
      %swap3A_970 = tpu.vector_load %arg15[%swap3A_968, %swap3A_969] {strides = array<i32>} : memref<32x1024xf32, #tpu.memory_space<vmem>>, vector<1x16xf32>,
      %swap3A_971 = vector.shape_cast %swap3A_970 : vector<1x16xf32> to vector<16xf32>
      %swap3A_972 = vector.shape_cast %add3A_967 : vector<16xf32> to vector<1x16xf32>
      tpu.vector_store %arg15[%swap3A_968, %swap3A_969], %swap3A_972 {strides = array<i32>} : memref<32x1024xf32, #tpu.memory_space<vmem>>, vector<1x16xf32>,
      %get3A_973 = arith.index_cast %scan3A_42 : i32 to index
      %get3A_974 = arith.constant 704 : index
      %get3A_975 = tpu.vector_load %arg15[%get3A_973, %get3A_974] {strides = array<i32>} : memref<32x1024xf32, #tpu.memory_space<vmem>>, vector<1x16xf32>,
      %get3A_976 = vector.shape_cast %get3A_975 : vector<1x16xf32> to vector<16xf32>
      %get3A_977 = arith.index_cast %scan3A_42 : i32 to index
      %get3A_978 = arith.constant 704 : index
      %get3A_979 = tpu.vector_load %arg13[%get3A_977, %get3A_978] {strides = array<i32>} : memref<32x1024xf32, #tpu.memory_space<vmem>>, vector<1x16xf32>,
      %get3A_980 = vector.shape_cast %get3A_979 : vector<1x16xf32> to vector<16xf32>
      %mul3A_981 = arith.mulf %get3A_45, %get3A_980 : vector<16xf32>
      %add3A_982 = arith.addf %get3A_976, %mul3A_981 : vector<16xf32>
      %get3A_983 = arith.index_cast %scan3A_42 : i32 to index
      %get3A_984 = arith.constant 704 : index
      %get3A_985 = tpu.vector_load %arg14[%get3A_983, %get3A_984] {strides = array<i32>} : memref<32x1024xf32, #tpu.memory_space<vmem>>, vector<1x16xf32>,
      %get3A_986 = vector.shape_cast %get3A_985 : vector<1x16xf32> to vector<16xf32>
      %mul3A_987 = arith.mulf %get3A_49, %get3A_986 : vector<16xf32>
      %add3A_988 = arith.addf %add3A_982, %mul3A_987 : vector<16xf32>
      %swap3A_989 = arith.index_cast %scan3A_42 : i32 to index
      %swap3A_990 = arith.constant 704 : index
      %swap3A_991 = tpu.vector_load %arg15[%swap3A_989, %swap3A_990] {strides = array<i32>} : memref<32x1024xf32, #tpu.memory_space<vmem>>, vector<1x16xf32>,
      %swap3A_992 = vector.shape_cast %swap3A_991 : vector<1x16xf32> to vector<16xf32>
      %swap3A_993 = vector.shape_cast %add3A_988 : vector<16xf32> to vector<1x16xf32>
      tpu.vector_store %arg15[%swap3A_989, %swap3A_990], %swap3A_993 {strides = array<i32>} : memref<32x1024xf32, #tpu.memory_space<vmem>>, vector<1x16xf32>,
      %get3A_994 = arith.index_cast %scan3A_42 : i32 to index
      %get3A_995 = arith.constant 720 : index
      %get3A_996 = tpu.vector_load %arg15[%get3A_994, %get3A_995] {strides = array<i32>} : memref<32x1024xf32, #tpu.memory_space<vmem>>, vector<1x16xf32>,
      %get3A_997 = vector.shape_cast %get3A_996 : vector<1x16xf32> to vector<16xf32>
      %get3A_998 = arith.index_cast %scan3A_42 : i32 to index
      %get3A_999 = arith.constant 720 : index
      %get3A_1000 = tpu.vector_load %arg13[%get3A_998, %get3A_999] {strides = array<i32>} : memref<32x1024xf32, #tpu.memory_space<vmem>>, vector<1x16xf32>,
      %get3A_1001 = vector.shape_cast %get3A_1000 : vector<1x16xf32> to vector<16xf32>
      %mul3A_1002 = arith.mulf %get3A_45, %get3A_1001 : vector<16xf32>
      %add3A_1003 = arith.addf %get3A_997, %mul3A_1002 : vector<16xf32>
      %get3A_1004 = arith.index_cast %scan3A_42 : i32 to index
      %get3A_1005 = arith.constant 720 : index
      %get3A_1006 = tpu.vector_load %arg14[%get3A_1004, %get3A_1005] {strides = array<i32>} : memref<32x1024xf32, #tpu.memory_space<vmem>>, vector<1x16xf32>,
      %get3A_1007 = vector.shape_cast %get3A_1006 : vector<1x16xf32> to vector<16xf32>
      %mul3A_1008 = arith.mulf %get3A_49, %get3A_1007 : vector<16xf32>
      %add3A_1009 = arith.addf %add3A_1003, %mul3A_1008 : vector<16xf32>
      %swap3A_1010 = arith.index_cast %scan3A_42 : i32 to index
      %swap3A_1011 = arith.constant 720 : index
      %swap3A_1012 = tpu.vector_load %arg15[%swap3A_1010, %swap3A_1011] {strides = array<i32>} : memref<32x1024xf32, #tpu.memory_space<vmem>>, vector<1x16xf32>,
      %swap3A_1013 = vector.shape_cast %swap3A_1012 : vector<1x16xf32> to vector<16xf32>
      %swap3A_1014 = vector.shape_cast %add3A_1009 : vector<16xf32> to vector<1x16xf32>
      tpu.vector_store %arg15[%swap3A_1010, %swap3A_1011], %swap3A_1014 {strides = array<i32>} : memref<32x1024xf32, #tpu.memory_space<vmem>>, vector<1x16xf32>,
      %get3A_1015 = arith.index_cast %scan3A_42 : i32 to index
      %get3A_1016 = arith.constant 736 : index
      %get3A_1017 = tpu.vector_load %arg15[%get3A_1015, %get3A_1016] {strides = array<i32>} : memref<32x1024xf32, #tpu.memory_space<vmem>>, vector<1x16xf32>,
      %get3A_1018 = vector.shape_cast %get3A_1017 : vector<1x16xf32> to vector<16xf32>
      %get3A_1019 = arith.index_cast %scan3A_42 : i32 to index
      %get3A_1020 = arith.constant 736 : index
      %get3A_1021 = tpu.vector_load %arg13[%get3A_1019, %get3A_1020] {strides = array<i32>} : memref<32x1024xf32, #tpu.memory_space<vmem>>, vector<1x16xf32>,
      %get3A_1022 = vector.shape_cast %get3A_1021 : vector<1x16xf32> to vector<16xf32>
      %mul3A_1023 = arith.mulf %get3A_45, %get3A_1022 : vector<16xf32>
      %add3A_1024 = arith.addf %get3A_1018, %mul3A_1023 : vector<16xf32>
      %get3A_1025 = arith.index_cast %scan3A_42 : i32 to index
      %get3A_1026 = arith.constant 736 : index
      %get3A_1027 = tpu.vector_load %arg14[%get3A_1025, %get3A_1026] {strides = array<i32>} : memref<32x1024xf32, #tpu.memory_space<vmem>>, vector<1x16xf32>,
      %get3A_1028 = vector.shape_cast %get3A_1027 : vector<1x16xf32> to vector<16xf32>
      %mul3A_1029 = arith.mulf %get3A_49, %get3A_1028 : vector<16xf32>
      %add3A_1030 = arith.addf %add3A_1024, %mul3A_1029 : vector<16xf32>
      %swap3A_1031 = arith.index_cast %scan3A_42 : i32 to index
      %swap3A_1032 = arith.constant 736 : index
      %swap3A_1033 = tpu.vector_load %arg15[%swap3A_1031, %swap3A_1032] {strides = array<i32>} : memref<32x1024xf32, #tpu.memory_space<vmem>>, vector<1x16xf32>,
      %swap3A_1034 = vector.shape_cast %swap3A_1033 : vector<1x16xf32> to vector<16xf32>
      %swap3A_1035 = vector.shape_cast %add3A_1030 : vector<16xf32> to vector<1x16xf32>
      tpu.vector_store %arg15[%swap3A_1031, %swap3A_1032], %swap3A_1035 {strides = array<i32>} : memref<32x1024xf32, #tpu.memory_space<vmem>>, vector<1x16xf32>,
      %get3A_1036 = arith.index_cast %scan3A_42 : i32 to index
      %get3A_1037 = arith.constant 752 : index
      %get3A_1038 = tpu.vector_load %arg15[%get3A_1036, %get3A_1037] {strides = array<i32>} : memref<32x1024xf32, #tpu.memory_space<vmem>>, vector<1x16xf32>,
      %get3A_1039 = vector.shape_cast %get3A_1038 : vector<1x16xf32> to vector<16xf32>
      %get3A_1040 = arith.index_cast %scan3A_42 : i32 to index
      %get3A_1041 = arith.constant 752 : index
      %get3A_1042 = tpu.vector_load %arg13[%get3A_1040, %get3A_1041] {strides = array<i32>} : memref<32x1024xf32, #tpu.memory_space<vmem>>, vector<1x16xf32>,
      %get3A_1043 = vector.shape_cast %get3A_1042 : vector<1x16xf32> to vector<16xf32>
      %mul3A_1044 = arith.mulf %get3A_45, %get3A_1043 : vector<16xf32>
      %add3A_1045 = arith.addf %get3A_1039, %mul3A_1044 : vector<16xf32>
      %get3A_1046 = arith.index_cast %scan3A_42 : i32 to index
      %get3A_1047 = arith.constant 752 : index
      %get3A_1048 = tpu.vector_load %arg14[%get3A_1046, %get3A_1047] {strides = array<i32>} : memref<32x1024xf32, #tpu.memory_space<vmem>>, vector<1x16xf32>,
      %get3A_1049 = vector.shape_cast %get3A_1048 : vector<1x16xf32> to vector<16xf32>
      %mul3A_1050 = arith.mulf %get3A_49, %get3A_1049 : vector<16xf32>
      %add3A_1051 = arith.addf %add3A_1045, %mul3A_1050 : vector<16xf32>
      %swap3A_1052 = arith.index_cast %scan3A_42 : i32 to index
      %swap3A_1053 = arith.constant 752 : index
      %swap3A_1054 = tpu.vector_load %arg15[%swap3A_1052, %swap3A_1053] {strides = array<i32>} : memref<32x1024xf32, #tpu.memory_space<vmem>>, vector<1x16xf32>,
      %swap3A_1055 = vector.shape_cast %swap3A_1054 : vector<1x16xf32> to vector<16xf32>
      %swap3A_1056 = vector.shape_cast %add3A_1051 : vector<16xf32> to vector<1x16xf32>
      tpu.vector_store %arg15[%swap3A_1052, %swap3A_1053], %swap3A_1056 {strides = array<i32>} : memref<32x1024xf32, #tpu.memory_space<vmem>>, vector<1x16xf32>,
      %get3A_1057 = arith.index_cast %scan3A_42 : i32 to index
      %get3A_1058 = arith.constant 768 : index
      %get3A_1059 = tpu.vector_load %arg15[%get3A_1057, %get3A_1058] {strides = array<i32>} : memref<32x1024xf32, #tpu.memory_space<vmem>>, vector<1x16xf32>,
      %get3A_1060 = vector.shape_cast %get3A_1059 : vector<1x16xf32> to vector<16xf32>
      %get3A_1061 = arith.index_cast %scan3A_42 : i32 to index
      %get3A_1062 = arith.constant 768 : index
      %get3A_1063 = tpu.vector_load %arg13[%get3A_1061, %get3A_1062] {strides = array<i32>} : memref<32x1024xf32, #tpu.memory_space<vmem>>, vector<1x16xf32>,
      %get3A_1064 = vector.shape_cast %get3A_1063 : vector<1x16xf32> to vector<16xf32>
      %mul3A_1065 = arith.mulf %get3A_45, %get3A_1064 : vector<16xf32>
      %add3A_1066 = arith.addf %get3A_1060, %mul3A_1065 : vector<16xf32>
      %get3A_1067 = arith.index_cast %scan3A_42 : i32 to index
      %get3A_1068 = arith.constant 768 : index
      %get3A_1069 = tpu.vector_load %arg14[%get3A_1067, %get3A_1068] {strides = array<i32>} : memref<32x1024xf32, #tpu.memory_space<vmem>>, vector<1x16xf32>,
      %get3A_1070 = vector.shape_cast %get3A_1069 : vector<1x16xf32> to vector<16xf32>
      %mul3A_1071 = arith.mulf %get3A_49, %get3A_1070 : vector<16xf32>
      %add3A_1072 = arith.addf %add3A_1066, %mul3A_1071 : vector<16xf32>
      %swap3A_1073 = arith.index_cast %scan3A_42 : i32 to index
      %swap3A_1074 = arith.constant 768 : index
      %swap3A_1075 = tpu.vector_load %arg15[%swap3A_1073, %swap3A_1074] {strides = array<i32>} : memref<32x1024xf32, #tpu.memory_space<vmem>>, vector<1x16xf32>,
      %swap3A_1076 = vector.shape_cast %swap3A_1075 : vector<1x16xf32> to vector<16xf32>
      %swap3A_1077 = vector.shape_cast %add3A_1072 : vector<16xf32> to vector<1x16xf32>
      tpu.vector_store %arg15[%swap3A_1073, %swap3A_1074], %swap3A_1077 {strides = array<i32>} : memref<32x1024xf32, #tpu.memory_space<vmem>>, vector<1x16xf32>,
      %get3A_1078 = arith.index_cast %scan3A_42 : i32 to index
      %get3A_1079 = arith.constant 784 : index
      %get3A_1080 = tpu.vector_load %arg15[%get3A_1078, %get3A_1079] {strides = array<i32>} : memref<32x1024xf32, #tpu.memory_space<vmem>>, vector<1x16xf32>,
      %get3A_1081 = vector.shape_cast %get3A_1080 : vector<1x16xf32> to vector<16xf32>
      %get3A_1082 = arith.index_cast %scan3A_42 : i32 to index
      %get3A_1083 = arith.constant 784 : index
      %get3A_1084 = tpu.vector_load %arg13[%get3A_1082, %get3A_1083] {strides = array<i32>} : memref<32x1024xf32, #tpu.memory_space<vmem>>, vector<1x16xf32>,
      %get3A_1085 = vector.shape_cast %get3A_1084 : vector<1x16xf32> to vector<16xf32>
      %mul3A_1086 = arith.mulf %get3A_45, %get3A_1085 : vector<16xf32>
      %add3A_1087 = arith.addf %get3A_1081, %mul3A_1086 : vector<16xf32>
      %get3A_1088 = arith.index_cast %scan3A_42 : i32 to index
      %get3A_1089 = arith.constant 784 : index
      %get3A_1090 = tpu.vector_load %arg14[%get3A_1088, %get3A_1089] {strides = array<i32>} : memref<32x1024xf32, #tpu.memory_space<vmem>>, vector<1x16xf32>,
      %get3A_1091 = vector.shape_cast %get3A_1090 : vector<1x16xf32> to vector<16xf32>
      %mul3A_1092 = arith.mulf %get3A_49, %get3A_1091 : vector<16xf32>
      %add3A_1093 = arith.addf %add3A_1087, %mul3A_1092 : vector<16xf32>
      %swap3A_1094 = arith.index_cast %scan3A_42 : i32 to index
      %swap3A_1095 = arith.constant 784 : index
      %swap3A_1096 = tpu.vector_load %arg15[%swap3A_1094, %swap3A_1095] {strides = array<i32>} : memref<32x1024xf32, #tpu.memory_space<vmem>>, vector<1x16xf32>,
      %swap3A_1097 = vector.shape_cast %swap3A_1096 : vector<1x16xf32> to vector<16xf32>
      %swap3A_1098 = vector.shape_cast %add3A_1093 : vector<16xf32> to vector<1x16xf32>
      tpu.vector_store %arg15[%swap3A_1094, %swap3A_1095], %swap3A_1098 {strides = array<i32>} : memref<32x1024xf32, #tpu.memory_space<vmem>>, vector<1x16xf32>,
      %get3A_1099 = arith.index_cast %scan3A_42 : i32 to index
      %get3A_1100 = arith.constant 800 : index
      %get3A_1101 = tpu.vector_load %arg15[%get3A_1099, %get3A_1100] {strides = array<i32>} : memref<32x1024xf32, #tpu.memory_space<vmem>>, vector<1x16xf32>,
      %get3A_1102 = vector.shape_cast %get3A_1101 : vector<1x16xf32> to vector<16xf32>
      %get3A_1103 = arith.index_cast %scan3A_42 : i32 to index
      %get3A_1104 = arith.constant 800 : index
      %get3A_1105 = tpu.vector_load %arg13[%get3A_1103, %get3A_1104] {strides = array<i32>} : memref<32x1024xf32, #tpu.memory_space<vmem>>, vector<1x16xf32>,
      %get3A_1106 = vector.shape_cast %get3A_1105 : vector<1x16xf32> to vector<16xf32>
      %mul3A_1107 = arith.mulf %get3A_45, %get3A_1106 : vector<16xf32>
      %add3A_1108 = arith.addf %get3A_1102, %mul3A_1107 : vector<16xf32>
      %get3A_1109 = arith.index_cast %scan3A_42 : i32 to index
      %get3A_1110 = arith.constant 800 : index
      %get3A_1111 = tpu.vector_load %arg14[%get3A_1109, %get3A_1110] {strides = array<i32>} : memref<32x1024xf32, #tpu.memory_space<vmem>>, vector<1x16xf32>,
      %get3A_1112 = vector.shape_cast %get3A_1111 : vector<1x16xf32> to vector<16xf32>
      %mul3A_1113 = arith.mulf %get3A_49, %get3A_1112 : vector<16xf32>
      %add3A_1114 = arith.addf %add3A_1108, %mul3A_1113 : vector<16xf32>
      %swap3A_1115 = arith.index_cast %scan3A_42 : i32 to index
      %swap3A_1116 = arith.constant 800 : index
      %swap3A_1117 = tpu.vector_load %arg15[%swap3A_1115, %swap3A_1116] {strides = array<i32>} : memref<32x1024xf32, #tpu.memory_space<vmem>>, vector<1x16xf32>,
      %swap3A_1118 = vector.shape_cast %swap3A_1117 : vector<1x16xf32> to vector<16xf32>
      %swap3A_1119 = vector.shape_cast %add3A_1114 : vector<16xf32> to vector<1x16xf32>
      tpu.vector_store %arg15[%swap3A_1115, %swap3A_1116], %swap3A_1119 {strides = array<i32>} : memref<32x1024xf32, #tpu.memory_space<vmem>>, vector<1x16xf32>,
      %get3A_1120 = arith.index_cast %scan3A_42 : i32 to index
      %get3A_1121 = arith.constant 816 : index
      %get3A_1122 = tpu.vector_load %arg15[%get3A_1120, %get3A_1121] {strides = array<i32>} : memref<32x1024xf32, #tpu.memory_space<vmem>>, vector<1x16xf32>,
      %get3A_1123 = vector.shape_cast %get3A_1122 : vector<1x16xf32> to vector<16xf32>
      %get3A_1124 = arith.index_cast %scan3A_42 : i32 to index
      %get3A_1125 = arith.constant 816 : index
      %get3A_1126 = tpu.vector_load %arg13[%get3A_1124, %get3A_1125] {strides = array<i32>} : memref<32x1024xf32, #tpu.memory_space<vmem>>, vector<1x16xf32>,
      %get3A_1127 = vector.shape_cast %get3A_1126 : vector<1x16xf32> to vector<16xf32>
      %mul3A_1128 = arith.mulf %get3A_45, %get3A_1127 : vector<16xf32>
      %add3A_1129 = arith.addf %get3A_1123, %mul3A_1128 : vector<16xf32>
      %get3A_1130 = arith.index_cast %scan3A_42 : i32 to index
      %get3A_1131 = arith.constant 816 : index
      %get3A_1132 = tpu.vector_load %arg14[%get3A_1130, %get3A_1131] {strides = array<i32>} : memref<32x1024xf32, #tpu.memory_space<vmem>>, vector<1x16xf32>,
      %get3A_1133 = vector.shape_cast %get3A_1132 : vector<1x16xf32> to vector<16xf32>
      %mul3A_1134 = arith.mulf %get3A_49, %get3A_1133 : vector<16xf32>
      %add3A_1135 = arith.addf %add3A_1129, %mul3A_1134 : vector<16xf32>
      %swap3A_1136 = arith.index_cast %scan3A_42 : i32 to index
      %swap3A_1137 = arith.constant 816 : index
      %swap3A_1138 = tpu.vector_load %arg15[%swap3A_1136, %swap3A_1137] {strides = array<i32>} : memref<32x1024xf32, #tpu.memory_space<vmem>>, vector<1x16xf32>,
      %swap3A_1139 = vector.shape_cast %swap3A_1138 : vector<1x16xf32> to vector<16xf32>
      %swap3A_1140 = vector.shape_cast %add3A_1135 : vector<16xf32> to vector<1x16xf32>
      tpu.vector_store %arg15[%swap3A_1136, %swap3A_1137], %swap3A_1140 {strides = array<i32>} : memref<32x1024xf32, #tpu.memory_space<vmem>>, vector<1x16xf32>,
      %get3A_1141 = arith.index_cast %scan3A_42 : i32 to index
      %get3A_1142 = arith.constant 832 : index
      %get3A_1143 = tpu.vector_load %arg15[%get3A_1141, %get3A_1142] {strides = array<i32>} : memref<32x1024xf32, #tpu.memory_space<vmem>>, vector<1x16xf32>,
      %get3A_1144 = vector.shape_cast %get3A_1143 : vector<1x16xf32> to vector<16xf32>
      %get3A_1145 = arith.index_cast %scan3A_42 : i32 to index
      %get3A_1146 = arith.constant 832 : index
      %get3A_1147 = tpu.vector_load %arg13[%get3A_1145, %get3A_1146] {strides = array<i32>} : memref<32x1024xf32, #tpu.memory_space<vmem>>, vector<1x16xf32>,
      %get3A_1148 = vector.shape_cast %get3A_1147 : vector<1x16xf32> to vector<16xf32>
      %mul3A_1149 = arith.mulf %get3A_45, %get3A_1148 : vector<16xf32>
      %add3A_1150 = arith.addf %get3A_1144, %mul3A_1149 : vector<16xf32>
      %get3A_1151 = arith.index_cast %scan3A_42 : i32 to index
      %get3A_1152 = arith.constant 832 : index
      %get3A_1153 = tpu.vector_load %arg14[%get3A_1151, %get3A_1152] {strides = array<i32>} : memref<32x1024xf32, #tpu.memory_space<vmem>>, vector<1x16xf32>,
      %get3A_1154 = vector.shape_cast %get3A_1153 : vector<1x16xf32> to vector<16xf32>
      %mul3A_1155 = arith.mulf %get3A_49, %get3A_1154 : vector<16xf32>
      %add3A_1156 = arith.addf %add3A_1150, %mul3A_1155 : vector<16xf32>
      %swap3A_1157 = arith.index_cast %scan3A_42 : i32 to index
      %swap3A_1158 = arith.constant 832 : index
      %swap3A_1159 = tpu.vector_load %arg15[%swap3A_1157, %swap3A_1158] {strides = array<i32>} : memref<32x1024xf32, #tpu.memory_space<vmem>>, vector<1x16xf32>,
      %swap3A_1160 = vector.shape_cast %swap3A_1159 : vector<1x16xf32> to vector<16xf32>
      %swap3A_1161 = vector.shape_cast %add3A_1156 : vector<16xf32> to vector<1x16xf32>
      tpu.vector_store %arg15[%swap3A_1157, %swap3A_1158], %swap3A_1161 {strides = array<i32>} : memref<32x1024xf32, #tpu.memory_space<vmem>>, vector<1x16xf32>,
      %get3A_1162 = arith.index_cast %scan3A_42 : i32 to index
      %get3A_1163 = arith.constant 848 : index
      %get3A_1164 = tpu.vector_load %arg15[%get3A_1162, %get3A_1163] {strides = array<i32>} : memref<32x1024xf32, #tpu.memory_space<vmem>>, vector<1x16xf32>,
      %get3A_1165 = vector.shape_cast %get3A_1164 : vector<1x16xf32> to vector<16xf32>
      %get3A_1166 = arith.index_cast %scan3A_42 : i32 to index
      %get3A_1167 = arith.constant 848 : index
      %get3A_1168 = tpu.vector_load %arg13[%get3A_1166, %get3A_1167] {strides = array<i32>} : memref<32x1024xf32, #tpu.memory_space<vmem>>, vector<1x16xf32>,
      %get3A_1169 = vector.shape_cast %get3A_1168 : vector<1x16xf32> to vector<16xf32>
      %mul3A_1170 = arith.mulf %get3A_45, %get3A_1169 : vector<16xf32>
      %add3A_1171 = arith.addf %get3A_1165, %mul3A_1170 : vector<16xf32>
      %get3A_1172 = arith.index_cast %scan3A_42 : i32 to index
      %get3A_1173 = arith.constant 848 : index
      %get3A_1174 = tpu.vector_load %arg14[%get3A_1172, %get3A_1173] {strides = array<i32>} : memref<32x1024xf32, #tpu.memory_space<vmem>>, vector<1x16xf32>,
      %get3A_1175 = vector.shape_cast %get3A_1174 : vector<1x16xf32> to vector<16xf32>
      %mul3A_1176 = arith.mulf %get3A_49, %get3A_1175 : vector<16xf32>
      %add3A_1177 = arith.addf %add3A_1171, %mul3A_1176 : vector<16xf32>
      %swap3A_1178 = arith.index_cast %scan3A_42 : i32 to index
      %swap3A_1179 = arith.constant 848 : index
      %swap3A_1180 = tpu.vector_load %arg15[%swap3A_1178, %swap3A_1179] {strides = array<i32>} : memref<32x1024xf32, #tpu.memory_space<vmem>>, vector<1x16xf32>,
      %swap3A_1181 = vector.shape_cast %swap3A_1180 : vector<1x16xf32> to vector<16xf32>
      %swap3A_1182 = vector.shape_cast %add3A_1177 : vector<16xf32> to vector<1x16xf32>
      tpu.vector_store %arg15[%swap3A_1178, %swap3A_1179], %swap3A_1182 {strides = array<i32>} : memref<32x1024xf32, #tpu.memory_space<vmem>>, vector<1x16xf32>,
      %get3A_1183 = arith.index_cast %scan3A_42 : i32 to index
      %get3A_1184 = arith.constant 864 : index
      %get3A_1185 = tpu.vector_load %arg15[%get3A_1183, %get3A_1184] {strides = array<i32>} : memref<32x1024xf32, #tpu.memory_space<vmem>>, vector<1x16xf32>,
      %get3A_1186 = vector.shape_cast %get3A_1185 : vector<1x16xf32> to vector<16xf32>
      %get3A_1187 = arith.index_cast %scan3A_42 : i32 to index
      %get3A_1188 = arith.constant 864 : index
      %get3A_1189 = tpu.vector_load %arg13[%get3A_1187, %get3A_1188] {strides = array<i32>} : memref<32x1024xf32, #tpu.memory_space<vmem>>, vector<1x16xf32>,
      %get3A_1190 = vector.shape_cast %get3A_1189 : vector<1x16xf32> to vector<16xf32>
      %mul3A_1191 = arith.mulf %get3A_45, %get3A_1190 : vector<16xf32>
      %add3A_1192 = arith.addf %get3A_1186, %mul3A_1191 : vector<16xf32>
      %get3A_1193 = arith.index_cast %scan3A_42 : i32 to index
      %get3A_1194 = arith.constant 864 : index
      %get3A_1195 = tpu.vector_load %arg14[%get3A_1193, %get3A_1194] {strides = array<i32>} : memref<32x1024xf32, #tpu.memory_space<vmem>>, vector<1x16xf32>,
      %get3A_1196 = vector.shape_cast %get3A_1195 : vector<1x16xf32> to vector<16xf32>
      %mul3A_1197 = arith.mulf %get3A_49, %get3A_1196 : vector<16xf32>
      %add3A_1198 = arith.addf %add3A_1192, %mul3A_1197 : vector<16xf32>
      %swap3A_1199 = arith.index_cast %scan3A_42 : i32 to index
      %swap3A_1200 = arith.constant 864 : index
      %swap3A_1201 = tpu.vector_load %arg15[%swap3A_1199, %swap3A_1200] {strides = array<i32>} : memref<32x1024xf32, #tpu.memory_space<vmem>>, vector<1x16xf32>,
      %swap3A_1202 = vector.shape_cast %swap3A_1201 : vector<1x16xf32> to vector<16xf32>
      %swap3A_1203 = vector.shape_cast %add3A_1198 : vector<16xf32> to vector<1x16xf32>
      tpu.vector_store %arg15[%swap3A_1199, %swap3A_1200], %swap3A_1203 {strides = array<i32>} : memref<32x1024xf32, #tpu.memory_space<vmem>>, vector<1x16xf32>,
      %get3A_1204 = arith.index_cast %scan3A_42 : i32 to index
      %get3A_1205 = arith.constant 880 : index
      %get3A_1206 = tpu.vector_load %arg15[%get3A_1204, %get3A_1205] {strides = array<i32>} : memref<32x1024xf32, #tpu.memory_space<vmem>>, vector<1x16xf32>,
      %get3A_1207 = vector.shape_cast %get3A_1206 : vector<1x16xf32> to vector<16xf32>
      %get3A_1208 = arith.index_cast %scan3A_42 : i32 to index
      %get3A_1209 = arith.constant 880 : index
      %get3A_1210 = tpu.vector_load %arg13[%get3A_1208, %get3A_1209] {strides = array<i32>} : memref<32x1024xf32, #tpu.memory_space<vmem>>, vector<1x16xf32>,
      %get3A_1211 = vector.shape_cast %get3A_1210 : vector<1x16xf32> to vector<16xf32>
      %mul3A_1212 = arith.mulf %get3A_45, %get3A_1211 : vector<16xf32>
      %add3A_1213 = arith.addf %get3A_1207, %mul3A_1212 : vector<16xf32>
      %get3A_1214 = arith.index_cast %scan3A_42 : i32 to index
      %get3A_1215 = arith.constant 880 : index
      %get3A_1216 = tpu.vector_load %arg14[%get3A_1214, %get3A_1215] {strides = array<i32>} : memref<32x1024xf32, #tpu.memory_space<vmem>>, vector<1x16xf32>,
      %get3A_1217 = vector.shape_cast %get3A_1216 : vector<1x16xf32> to vector<16xf32>
      %mul3A_1218 = arith.mulf %get3A_49, %get3A_1217 : vector<16xf32>
      %add3A_1219 = arith.addf %add3A_1213, %mul3A_1218 : vector<16xf32>
      %swap3A_1220 = arith.index_cast %scan3A_42 : i32 to index
      %swap3A_1221 = arith.constant 880 : index
      %swap3A_1222 = tpu.vector_load %arg15[%swap3A_1220, %swap3A_1221] {strides = array<i32>} : memref<32x1024xf32, #tpu.memory_space<vmem>>, vector<1x16xf32>,
      %swap3A_1223 = vector.shape_cast %swap3A_1222 : vector<1x16xf32> to vector<16xf32>
      %swap3A_1224 = vector.shape_cast %add3A_1219 : vector<16xf32> to vector<1x16xf32>
      tpu.vector_store %arg15[%swap3A_1220, %swap3A_1221], %swap3A_1224 {strides = array<i32>} : memref<32x1024xf32, #tpu.memory_space<vmem>>, vector<1x16xf32>,
      %get3A_1225 = arith.index_cast %scan3A_42 : i32 to index
      %get3A_1226 = arith.constant 896 : index
      %get3A_1227 = tpu.vector_load %arg15[%get3A_1225, %get3A_1226] {strides = array<i32>} : memref<32x1024xf32, #tpu.memory_space<vmem>>, vector<1x16xf32>,
      %get3A_1228 = vector.shape_cast %get3A_1227 : vector<1x16xf32> to vector<16xf32>
      %get3A_1229 = arith.index_cast %scan3A_42 : i32 to index
      %get3A_1230 = arith.constant 896 : index
      %get3A_1231 = tpu.vector_load %arg13[%get3A_1229, %get3A_1230] {strides = array<i32>} : memref<32x1024xf32, #tpu.memory_space<vmem>>, vector<1x16xf32>,
      %get3A_1232 = vector.shape_cast %get3A_1231 : vector<1x16xf32> to vector<16xf32>
      %mul3A_1233 = arith.mulf %get3A_45, %get3A_1232 : vector<16xf32>
      %add3A_1234 = arith.addf %get3A_1228, %mul3A_1233 : vector<16xf32>
      %get3A_1235 = arith.index_cast %scan3A_42 : i32 to index
      %get3A_1236 = arith.constant 896 : index
      %get3A_1237 = tpu.vector_load %arg14[%get3A_1235, %get3A_1236] {strides = array<i32>} : memref<32x1024xf32, #tpu.memory_space<vmem>>, vector<1x16xf32>,
      %get3A_1238 = vector.shape_cast %get3A_1237 : vector<1x16xf32> to vector<16xf32>
      %mul3A_1239 = arith.mulf %get3A_49, %get3A_1238 : vector<16xf32>
      %add3A_1240 = arith.addf %add3A_1234, %mul3A_1239 : vector<16xf32>
      %swap3A_1241 = arith.index_cast %scan3A_42 : i32 to index
      %swap3A_1242 = arith.constant 896 : index
      %swap3A_1243 = tpu.vector_load %arg15[%swap3A_1241, %swap3A_1242] {strides = array<i32>} : memref<32x1024xf32, #tpu.memory_space<vmem>>, vector<1x16xf32>,
      %swap3A_1244 = vector.shape_cast %swap3A_1243 : vector<1x16xf32> to vector<16xf32>
      %swap3A_1245 = vector.shape_cast %add3A_1240 : vector<16xf32> to vector<1x16xf32>
      tpu.vector_store %arg15[%swap3A_1241, %swap3A_1242], %swap3A_1245 {strides = array<i32>} : memref<32x1024xf32, #tpu.memory_space<vmem>>, vector<1x16xf32>,
      %get3A_1246 = arith.index_cast %scan3A_42 : i32 to index
      %get3A_1247 = arith.constant 912 : index
      %get3A_1248 = tpu.vector_load %arg15[%get3A_1246, %get3A_1247] {strides = array<i32>} : memref<32x1024xf32, #tpu.memory_space<vmem>>, vector<1x16xf32>,
      %get3A_1249 = vector.shape_cast %get3A_1248 : vector<1x16xf32> to vector<16xf32>
      %get3A_1250 = arith.index_cast %scan3A_42 : i32 to index
      %get3A_1251 = arith.constant 912 : index
      %get3A_1252 = tpu.vector_load %arg13[%get3A_1250, %get3A_1251] {strides = array<i32>} : memref<32x1024xf32, #tpu.memory_space<vmem>>, vector<1x16xf32>,
      %get3A_1253 = vector.shape_cast %get3A_1252 : vector<1x16xf32> to vector<16xf32>
      %mul3A_1254 = arith.mulf %get3A_45, %get3A_1253 : vector<16xf32>
      %add3A_1255 = arith.addf %get3A_1249, %mul3A_1254 : vector<16xf32>
      %get3A_1256 = arith.index_cast %scan3A_42 : i32 to index
      %get3A_1257 = arith.constant 912 : index
      %get3A_1258 = tpu.vector_load %arg14[%get3A_1256, %get3A_1257] {strides = array<i32>} : memref<32x1024xf32, #tpu.memory_space<vmem>>, vector<1x16xf32>,
      %get3A_1259 = vector.shape_cast %get3A_1258 : vector<1x16xf32> to vector<16xf32>
      %mul3A_1260 = arith.mulf %get3A_49, %get3A_1259 : vector<16xf32>
      %add3A_1261 = arith.addf %add3A_1255, %mul3A_1260 : vector<16xf32>
      %swap3A_1262 = arith.index_cast %scan3A_42 : i32 to index
      %swap3A_1263 = arith.constant 912 : index
      %swap3A_1264 = tpu.vector_load %arg15[%swap3A_1262, %swap3A_1263] {strides = array<i32>} : memref<32x1024xf32, #tpu.memory_space<vmem>>, vector<1x16xf32>,
      %swap3A_1265 = vector.shape_cast %swap3A_1264 : vector<1x16xf32> to vector<16xf32>
      %swap3A_1266 = vector.shape_cast %add3A_1261 : vector<16xf32> to vector<1x16xf32>
      tpu.vector_store %arg15[%swap3A_1262, %swap3A_1263], %swap3A_1266 {strides = array<i32>} : memref<32x1024xf32, #tpu.memory_space<vmem>>, vector<1x16xf32>,
      %get3A_1267 = arith.index_cast %scan3A_42 : i32 to index
      %get3A_1268 = arith.constant 928 : index
      %get3A_1269 = tpu.vector_load %arg15[%get3A_1267, %get3A_1268] {strides = array<i32>} : memref<32x1024xf32, #tpu.memory_space<vmem>>, vector<1x16xf32>,
      %get3A_1270 = vector.shape_cast %get3A_1269 : vector<1x16xf32> to vector<16xf32>
      %get3A_1271 = arith.index_cast %scan3A_42 : i32 to index
      %get3A_1272 = arith.constant 928 : index
      %get3A_1273 = tpu.vector_load %arg13[%get3A_1271, %get3A_1272] {strides = array<i32>} : memref<32x1024xf32, #tpu.memory_space<vmem>>, vector<1x16xf32>,
      %get3A_1274 = vector.shape_cast %get3A_1273 : vector<1x16xf32> to vector<16xf32>
      %mul3A_1275 = arith.mulf %get3A_45, %get3A_1274 : vector<16xf32>
      %add3A_1276 = arith.addf %get3A_1270, %mul3A_1275 : vector<16xf32>
      %get3A_1277 = arith.index_cast %scan3A_42 : i32 to index
      %get3A_1278 = arith.constant 928 : index
      %get3A_1279 = tpu.vector_load %arg14[%get3A_1277, %get3A_1278] {strides = array<i32>} : memref<32x1024xf32, #tpu.memory_space<vmem>>, vector<1x16xf32>,
      %get3A_1280 = vector.shape_cast %get3A_1279 : vector<1x16xf32> to vector<16xf32>
      %mul3A_1281 = arith.mulf %get3A_49, %get3A_1280 : vector<16xf32>
      %add3A_1282 = arith.addf %add3A_1276, %mul3A_1281 : vector<16xf32>
      %swap3A_1283 = arith.index_cast %scan3A_42 : i32 to index
      %swap3A_1284 = arith.constant 928 : index
      %swap3A_1285 = tpu.vector_load %arg15[%swap3A_1283, %swap3A_1284] {strides = array<i32>} : memref<32x1024xf32, #tpu.memory_space<vmem>>, vector<1x16xf32>,
      %swap3A_1286 = vector.shape_cast %swap3A_1285 : vector<1x16xf32> to vector<16xf32>
      %swap3A_1287 = vector.shape_cast %add3A_1282 : vector<16xf32> to vector<1x16xf32>
      tpu.vector_store %arg15[%swap3A_1283, %swap3A_1284], %swap3A_1287 {strides = array<i32>} : memref<32x1024xf32, #tpu.memory_space<vmem>>, vector<1x16xf32>,
      %get3A_1288 = arith.index_cast %scan3A_42 : i32 to index
      %get3A_1289 = arith.constant 944 : index
      %get3A_1290 = tpu.vector_load %arg15[%get3A_1288, %get3A_1289] {strides = array<i32>} : memref<32x1024xf32, #tpu.memory_space<vmem>>, vector<1x16xf32>,
      %get3A_1291 = vector.shape_cast %get3A_1290 : vector<1x16xf32> to vector<16xf32>
      %get3A_1292 = arith.index_cast %scan3A_42 : i32 to index
      %get3A_1293 = arith.constant 944 : index
      %get3A_1294 = tpu.vector_load %arg13[%get3A_1292, %get3A_1293] {strides = array<i32>} : memref<32x1024xf32, #tpu.memory_space<vmem>>, vector<1x16xf32>,
      %get3A_1295 = vector.shape_cast %get3A_1294 : vector<1x16xf32> to vector<16xf32>
      %mul3A_1296 = arith.mulf %get3A_45, %get3A_1295 : vector<16xf32>
      %add3A_1297 = arith.addf %get3A_1291, %mul3A_1296 : vector<16xf32>
      %get3A_1298 = arith.index_cast %scan3A_42 : i32 to index
      %get3A_1299 = arith.constant 944 : index
      %get3A_1300 = tpu.vector_load %arg14[%get3A_1298, %get3A_1299] {strides = array<i32>} : memref<32x1024xf32, #tpu.memory_space<vmem>>, vector<1x16xf32>,
      %get3A_1301 = vector.shape_cast %get3A_1300 : vector<1x16xf32> to vector<16xf32>
      %mul3A_1302 = arith.mulf %get3A_49, %get3A_1301 : vector<16xf32>
      %add3A_1303 = arith.addf %add3A_1297, %mul3A_1302 : vector<16xf32>
      %swap3A_1304 = arith.index_cast %scan3A_42 : i32 to index
      %swap3A_1305 = arith.constant 944 : index
      %swap3A_1306 = tpu.vector_load %arg15[%swap3A_1304, %swap3A_1305] {strides = array<i32>} : memref<32x1024xf32, #tpu.memory_space<vmem>>, vector<1x16xf32>,
      %swap3A_1307 = vector.shape_cast %swap3A_1306 : vector<1x16xf32> to vector<16xf32>
      %swap3A_1308 = vector.shape_cast %add3A_1303 : vector<16xf32> to vector<1x16xf32>
      tpu.vector_store %arg15[%swap3A_1304, %swap3A_1305], %swap3A_1308 {strides = array<i32>} : memref<32x1024xf32, #tpu.memory_space<vmem>>, vector<1x16xf32>,
      %get3A_1309 = arith.index_cast %scan3A_42 : i32 to index
      %get3A_1310 = arith.constant 960 : index
      %get3A_1311 = tpu.vector_load %arg15[%get3A_1309, %get3A_1310] {strides = array<i32>} : memref<32x1024xf32, #tpu.memory_space<vmem>>, vector<1x16xf32>,
      %get3A_1312 = vector.shape_cast %get3A_1311 : vector<1x16xf32> to vector<16xf32>
      %get3A_1313 = arith.index_cast %scan3A_42 : i32 to index
      %get3A_1314 = arith.constant 960 : index
      %get3A_1315 = tpu.vector_load %arg13[%get3A_1313, %get3A_1314] {strides = array<i32>} : memref<32x1024xf32, #tpu.memory_space<vmem>>, vector<1x16xf32>,
      %get3A_1316 = vector.shape_cast %get3A_1315 : vector<1x16xf32> to vector<16xf32>
      %mul3A_1317 = arith.mulf %get3A_45, %get3A_1316 : vector<16xf32>
      %add3A_1318 = arith.addf %get3A_1312, %mul3A_1317 : vector<16xf32>
      %get3A_1319 = arith.index_cast %scan3A_42 : i32 to index
      %get3A_1320 = arith.constant 960 : index
      %get3A_1321 = tpu.vector_load %arg14[%get3A_1319, %get3A_1320] {strides = array<i32>} : memref<32x1024xf32, #tpu.memory_space<vmem>>, vector<1x16xf32>,
      %get3A_1322 = vector.shape_cast %get3A_1321 : vector<1x16xf32> to vector<16xf32>
      %mul3A_1323 = arith.mulf %get3A_49, %get3A_1322 : vector<16xf32>
      %add3A_1324 = arith.addf %add3A_1318, %mul3A_1323 : vector<16xf32>
      %swap3A_1325 = arith.index_cast %scan3A_42 : i32 to index
      %swap3A_1326 = arith.constant 960 : index
      %swap3A_1327 = tpu.vector_load %arg15[%swap3A_1325, %swap3A_1326] {strides = array<i32>} : memref<32x1024xf32, #tpu.memory_space<vmem>>, vector<1x16xf32>,
      %swap3A_1328 = vector.shape_cast %swap3A_1327 : vector<1x16xf32> to vector<16xf32>
      %swap3A_1329 = vector.shape_cast %add3A_1324 : vector<16xf32> to vector<1x16xf32>
      tpu.vector_store %arg15[%swap3A_1325, %swap3A_1326], %swap3A_1329 {strides = array<i32>} : memref<32x1024xf32, #tpu.memory_space<vmem>>, vector<1x16xf32>,
      %get3A_1330 = arith.index_cast %scan3A_42 : i32 to index
      %get3A_1331 = arith.constant 976 : index
      %get3A_1332 = tpu.vector_load %arg15[%get3A_1330, %get3A_1331] {strides = array<i32>} : memref<32x1024xf32, #tpu.memory_space<vmem>>, vector<1x16xf32>,
      %get3A_1333 = vector.shape_cast %get3A_1332 : vector<1x16xf32> to vector<16xf32>
      %get3A_1334 = arith.index_cast %scan3A_42 : i32 to index
      %get3A_1335 = arith.constant 976 : index
      %get3A_1336 = tpu.vector_load %arg13[%get3A_1334, %get3A_1335] {strides = array<i32>} : memref<32x1024xf32, #tpu.memory_space<vmem>>, vector<1x16xf32>,
      %get3A_1337 = vector.shape_cast %get3A_1336 : vector<1x16xf32> to vector<16xf32>
      %mul3A_1338 = arith.mulf %get3A_45, %get3A_1337 : vector<16xf32>
      %add3A_1339 = arith.addf %get3A_1333, %mul3A_1338 : vector<16xf32>
      %get3A_1340 = arith.index_cast %scan3A_42 : i32 to index
      %get3A_1341 = arith.constant 976 : index
      %get3A_1342 = tpu.vector_load %arg14[%get3A_1340, %get3A_1341] {strides = array<i32>} : memref<32x1024xf32, #tpu.memory_space<vmem>>, vector<1x16xf32>,
      %get3A_1343 = vector.shape_cast %get3A_1342 : vector<1x16xf32> to vector<16xf32>
      %mul3A_1344 = arith.mulf %get3A_49, %get3A_1343 : vector<16xf32>
      %add3A_1345 = arith.addf %add3A_1339, %mul3A_1344 : vector<16xf32>
      %swap3A_1346 = arith.index_cast %scan3A_42 : i32 to index
      %swap3A_1347 = arith.constant 976 : index
      %swap3A_1348 = tpu.vector_load %arg15[%swap3A_1346, %swap3A_1347] {strides = array<i32>} : memref<32x1024xf32, #tpu.memory_space<vmem>>, vector<1x16xf32>,
      %swap3A_1349 = vector.shape_cast %swap3A_1348 : vector<1x16xf32> to vector<16xf32>
      %swap3A_1350 = vector.shape_cast %add3A_1345 : vector<16xf32> to vector<1x16xf32>
      tpu.vector_store %arg15[%swap3A_1346, %swap3A_1347], %swap3A_1350 {strides = array<i32>} : memref<32x1024xf32, #tpu.memory_space<vmem>>, vector<1x16xf32>,
      %get3A_1351 = arith.index_cast %scan3A_42 : i32 to index
      %get3A_1352 = arith.constant 992 : index
      %get3A_1353 = tpu.vector_load %arg15[%get3A_1351, %get3A_1352] {strides = array<i32>} : memref<32x1024xf32, #tpu.memory_space<vmem>>, vector<1x16xf32>,
      %get3A_1354 = vector.shape_cast %get3A_1353 : vector<1x16xf32> to vector<16xf32>
      %get3A_1355 = arith.index_cast %scan3A_42 : i32 to index
      %get3A_1356 = arith.constant 992 : index
      %get3A_1357 = tpu.vector_load %arg13[%get3A_1355, %get3A_1356] {strides = array<i32>} : memref<32x1024xf32, #tpu.memory_space<vmem>>, vector<1x16xf32>,
      %get3A_1358 = vector.shape_cast %get3A_1357 : vector<1x16xf32> to vector<16xf32>
      %mul3A_1359 = arith.mulf %get3A_45, %get3A_1358 : vector<16xf32>
      %add3A_1360 = arith.addf %get3A_1354, %mul3A_1359 : vector<16xf32>
      %get3A_1361 = arith.index_cast %scan3A_42 : i32 to index
      %get3A_1362 = arith.constant 992 : index
      %get3A_1363 = tpu.vector_load %arg14[%get3A_1361, %get3A_1362] {strides = array<i32>} : memref<32x1024xf32, #tpu.memory_space<vmem>>, vector<1x16xf32>,
      %get3A_1364 = vector.shape_cast %get3A_1363 : vector<1x16xf32> to vector<16xf32>
      %mul3A_1365 = arith.mulf %get3A_49, %get3A_1364 : vector<16xf32>
      %add3A_1366 = arith.addf %add3A_1360, %mul3A_1365 : vector<16xf32>
      %swap3A_1367 = arith.index_cast %scan3A_42 : i32 to index
      %swap3A_1368 = arith.constant 992 : index
      %swap3A_1369 = tpu.vector_load %arg15[%swap3A_1367, %swap3A_1368] {strides = array<i32>} : memref<32x1024xf32, #tpu.memory_space<vmem>>, vector<1x16xf32>,
      %swap3A_1370 = vector.shape_cast %swap3A_1369 : vector<1x16xf32> to vector<16xf32>
      %swap3A_1371 = vector.shape_cast %add3A_1366 : vector<16xf32> to vector<1x16xf32>
      tpu.vector_store %arg15[%swap3A_1367, %swap3A_1368], %swap3A_1371 {strides = array<i32>} : memref<32x1024xf32, #tpu.memory_space<vmem>>, vector<1x16xf32>,
      %get3A_1372 = arith.index_cast %scan3A_42 : i32 to index
      %get3A_1373 = arith.constant 1008 : index
      %get3A_1374 = tpu.vector_load %arg15[%get3A_1372, %get3A_1373] {strides = array<i32>} : memref<32x1024xf32, #tpu.memory_space<vmem>>, vector<1x16xf32>,
      %get3A_1375 = vector.shape_cast %get3A_1374 : vector<1x16xf32> to vector<16xf32>
      %get3A_1376 = arith.index_cast %scan3A_42 : i32 to index
      %get3A_1377 = arith.constant 1008 : index
      %get3A_1378 = tpu.vector_load %arg13[%get3A_1376, %get3A_1377] {strides = array<i32>} : memref<32x1024xf32, #tpu.memory_space<vmem>>, vector<1x16xf32>,
      %get3A_1379 = vector.shape_cast %get3A_1378 : vector<1x16xf32> to vector<16xf32>
      %mul3A_1380 = arith.mulf %get3A_45, %get3A_1379 : vector<16xf32>
      %add3A_1381 = arith.addf %get3A_1375, %mul3A_1380 : vector<16xf32>
      %get3A_1382 = arith.index_cast %scan3A_42 : i32 to index
      %get3A_1383 = arith.constant 1008 : index
      %get3A_1384 = tpu.vector_load %arg14[%get3A_1382, %get3A_1383] {strides = array<i32>} : memref<32x1024xf32, #tpu.memory_space<vmem>>, vector<1x16xf32>,
      %get3A_1385 = vector.shape_cast %get3A_1384 : vector<1x16xf32> to vector<16xf32>
      %mul3A_1386 = arith.mulf %get3A_49, %get3A_1385 : vector<16xf32>
      %add3A_1387 = arith.addf %add3A_1381, %mul3A_1386 : vector<16xf32>
      %swap3A_1388 = arith.index_cast %scan3A_42 : i32 to index
      %swap3A_1389 = arith.constant 1008 : index
      %swap3A_1390 = tpu.vector_load %arg15[%swap3A_1388, %swap3A_1389] {strides = array<i32>} : memref<32x1024xf32, #tpu.memory_space<vmem>>, vector<1x16xf32>,
      %swap3A_1391 = vector.shape_cast %swap3A_1390 : vector<1x16xf32> to vector<16xf32>
      %swap3A_1392 = vector.shape_cast %add3A_1387 : vector<16xf32> to vector<1x16xf32>
      tpu.vector_store %arg15[%swap3A_1388, %swap3A_1389], %swap3A_1392 {strides = array<i32>} : memref<32x1024xf32, #tpu.memory_space<vmem>>, vector<1x16xf32>,
    }
    %scan3A_19 = arith.constant 32 : i32
    "tpu.region"() ({
      %run_scoped3A = tpu.sem_alloc : memref<!tpu.dma_semaphore, #tpu.memory_space<semaphore_mem>>
      %dma_start3A_42 = arith.constant 0 : i32
      %dma_start3A_43 = tpu.memref_slice %arg8[%add3A_4, %dma_start3A_42] : memref<2048x1024xf32, #tpu.memory_space<hbm>> -> memref<32x1024xf32, #tpu.memory_space<hbm>>
      %dma_start3A_44 = arith.constant 0 : i32
      %dma_start3A_45 = tpu.memref_slice %arg8[%add3A_4, %dma_start3A_44] : memref<2048x1024xf32, #tpu.memory_space<hbm>> -> memref<32x1024xf32, #tpu.memory_space<hbm>>
      tpu.enqueue_dma source(%arg15 : memref<32x1024xf32, #tpu.memory_space<vmem>>) target(%dma_start3A_45 : memref<32x1024xf32, #tpu.memory_space<hbm>>) target_semaphore(%run_scoped3A : memref<!tpu.dma_semaphore, #tpu.memory_space<semaphore_mem>>)
      %dma_wait3A_46 = arith.constant 0 : i32
      %dma_wait3A_47 = tpu.memref_slice %arg8[%add3A_4, %dma_wait3A_46] : memref<2048x1024xf32, #tpu.memory_space<hbm>> -> memref<32x1024xf32, #tpu.memory_space<hbm>>
      %dma_wait3A_48 = arith.constant 0 : i32
      %dma_wait3A_49 = tpu.memref_slice %arg8[%add3A_4, %dma_wait3A_48] : memref<2048x1024xf32, #tpu.memory_space<hbm>> -> memref<32x1024xf32, #tpu.memory_space<hbm>>
      tpu.wait_dma2 semaphore(%run_scoped3A : memref<!tpu.dma_semaphore, #tpu.memory_space<semaphore_mem>>) src(%arg15 : memref<32x1024xf32, #tpu.memory_space<vmem>>) dst(%dma_wait3A_49 : memref<32x1024xf32, #tpu.memory_space<hbm>>)
      tpu.yield
    }) : () -> ()
    %mul3A_20 = arith.constant 64 : i32
    %mul3A_21 = arith.muli %add3A, %mul3A_20 : i32
    %add3A_22 = arith.constant 32 : i32
    %add3A_23 = arith.addi %mul3A_21, %add3A_22 : i32
    "tpu.region"() ({
      %run_scoped3A = tpu.sem_alloc : memref<!tpu.dma_semaphore, #tpu.memory_space<semaphore_mem>>
      %dma_start3A_42 = tpu.memref_slice %arg4[%add3A_23] : memref<2048xi32, #tpu.memory_space<hbm>> -> memref<32xi32, #tpu.memory_space<hbm>>
      %dma_start3A_43 = tpu.memref_slice %arg4[%add3A_23] : memref<2048xi32, #tpu.memory_space<hbm>> -> memref<32xi32, #tpu.memory_space<hbm>>
      tpu.enqueue_dma source(%dma_start3A_43 : memref<32xi32, #tpu.memory_space<hbm>>) target(%arg9 : memref<32xi32, #tpu.memory_space<vmem>>) target_semaphore(%run_scoped3A : memref<!tpu.dma_semaphore, #tpu.memory_space<semaphore_mem>>)
      %dma_wait3A_44 = tpu.memref_slice %arg4[%add3A_23] : memref<2048xi32, #tpu.memory_space<hbm>> -> memref<32xi32, #tpu.memory_space<hbm>>
      %dma_wait3A_45 = tpu.memref_slice %arg4[%add3A_23] : memref<2048xi32, #tpu.memory_space<hbm>> -> memref<32xi32, #tpu.memory_space<hbm>>
      tpu.wait_dma2 semaphore(%run_scoped3A : memref<!tpu.dma_semaphore, #tpu.memory_space<semaphore_mem>>) src(%dma_wait3A_45 : memref<32xi32, #tpu.memory_space<hbm>>) dst(%arg9 : memref<32xi32, #tpu.memory_space<vmem>>)
      tpu.yield
    }) : () -> ()
    "tpu.region"() ({
      %run_scoped3A = tpu.sem_alloc : memref<!tpu.dma_semaphore, #tpu.memory_space<semaphore_mem>>
      %dma_start3A_42 = tpu.memref_slice %arg5[%add3A_23] : memref<2048xi32, #tpu.memory_space<hbm>> -> memref<32xi32, #tpu.memory_space<hbm>>
      %dma_start3A_43 = tpu.memref_slice %arg5[%add3A_23] : memref<2048xi32, #tpu.memory_space<hbm>> -> memref<32xi32, #tpu.memory_space<hbm>>
      tpu.enqueue_dma source(%dma_start3A_43 : memref<32xi32, #tpu.memory_space<hbm>>) target(%arg10 : memref<32xi32, #tpu.memory_space<vmem>>) target_semaphore(%run_scoped3A : memref<!tpu.dma_semaphore, #tpu.memory_space<semaphore_mem>>)
      %dma_wait3A_44 = tpu.memref_slice %arg5[%add3A_23] : memref<2048xi32, #tpu.memory_space<hbm>> -> memref<32xi32, #tpu.memory_space<hbm>>
      %dma_wait3A_45 = tpu.memref_slice %arg5[%add3A_23] : memref<2048xi32, #tpu.memory_space<hbm>> -> memref<32xi32, #tpu.memory_space<hbm>>
      tpu.wait_dma2 semaphore(%run_scoped3A : memref<!tpu.dma_semaphore, #tpu.memory_space<semaphore_mem>>) src(%dma_wait3A_45 : memref<32xi32, #tpu.memory_space<hbm>>) dst(%arg10 : memref<32xi32, #tpu.memory_space<vmem>>)
      tpu.yield
    }) : () -> ()
    %dma_start3A_24 = arith.constant 0 : i32
    %dma_start3A_25 = arith.constant 0 : i32
    %dma_start3A_26 = tpu.memref_slice %arg2[%dma_start3A_24, %dma_start3A_25] : memref<6144x1024xf32, #tpu.memory_space<hbm>> -> memref<6144x1024xf32, #tpu.memory_space<hbm>>
    tpu.enqueue_indirect_dma source(%dma_start3A_26 : memref<6144x1024xf32, #tpu.memory_space<hbm>>) target(%arg13 : memref<32x1024xf32, #tpu.memory_space<vmem>>) offsets(%arg9 : memref<32xi32, #tpu.memory_space<vmem>>) semaphore(%arg16 : memref<!tpu.dma_semaphore, #tpu.memory_space<semaphore_mem>>)
    %dma_start3A_27 = arith.constant 0 : i32
    %dma_start3A_28 = arith.constant 0 : i32
    %dma_start3A_29 = tpu.memref_slice %arg2[%dma_start3A_27, %dma_start3A_28] : memref<6144x1024xf32, #tpu.memory_space<hbm>> -> memref<6144x1024xf32, #tpu.memory_space<hbm>>
    tpu.enqueue_indirect_dma source(%dma_start3A_29 : memref<6144x1024xf32, #tpu.memory_space<hbm>>) target(%arg14 : memref<32x1024xf32, #tpu.memory_space<vmem>>) offsets(%arg10 : memref<32xi32, #tpu.memory_space<vmem>>) semaphore(%arg17 : memref<!tpu.dma_semaphore, #tpu.memory_space<semaphore_mem>>)
    "tpu.region"() ({
      %run_scoped3A = tpu.sem_alloc : memref<!tpu.dma_semaphore, #tpu.memory_space<semaphore_mem>>
      %dma_start3A_42 = arith.constant 0 : i32
      %dma_start3A_43 = tpu.memref_slice %arg6[%add3A_23, %dma_start3A_42] : memref<2048x16xf32, #tpu.memory_space<hbm>> -> memref<32x16xf32, #tpu.memory_space<hbm>>
      %dma_start3A_44 = arith.constant 0 : i32
      %dma_start3A_45 = tpu.memref_slice %arg6[%add3A_23, %dma_start3A_44] : memref<2048x16xf32, #tpu.memory_space<hbm>> -> memref<32x16xf32, #tpu.memory_space<hbm>>
      tpu.enqueue_dma source(%dma_start3A_45 : memref<32x16xf32, #tpu.memory_space<hbm>>) target(%arg11 : memref<32x16xf32, #tpu.memory_space<vmem>>) target_semaphore(%run_scoped3A : memref<!tpu.dma_semaphore, #tpu.memory_space<semaphore_mem>>)
      %dma_wait3A_46 = arith.constant 0 : i32
      %dma_wait3A_47 = tpu.memref_slice %arg6[%add3A_23, %dma_wait3A_46] : memref<2048x16xf32, #tpu.memory_space<hbm>> -> memref<32x16xf32, #tpu.memory_space<hbm>>
      %dma_wait3A_48 = arith.constant 0 : i32
      %dma_wait3A_49 = tpu.memref_slice %arg6[%add3A_23, %dma_wait3A_48] : memref<2048x16xf32, #tpu.memory_space<hbm>> -> memref<32x16xf32, #tpu.memory_space<hbm>>
      tpu.wait_dma2 semaphore(%run_scoped3A : memref<!tpu.dma_semaphore, #tpu.memory_space<semaphore_mem>>) src(%dma_wait3A_49 : memref<32x16xf32, #tpu.memory_space<hbm>>) dst(%arg11 : memref<32x16xf32, #tpu.memory_space<vmem>>)
      tpu.yield
    }) : () -> ()
    "tpu.region"() ({
      %run_scoped3A = tpu.sem_alloc : memref<!tpu.dma_semaphore, #tpu.memory_space<semaphore_mem>>
      %dma_start3A_42 = arith.constant 0 : i32
      %dma_start3A_43 = tpu.memref_slice %arg7[%add3A_23, %dma_start3A_42] : memref<2048x16xf32, #tpu.memory_space<hbm>> -> memref<32x16xf32, #tpu.memory_space<hbm>>
      %dma_start3A_44 = arith.constant 0 : i32
      %dma_start3A_45 = tpu.memref_slice %arg7[%add3A_23, %dma_start3A_44] : memref<2048x16xf32, #tpu.memory_space<hbm>> -> memref<32x16xf32, #tpu.memory_space<hbm>>
      tpu.enqueue_dma source(%dma_start3A_45 : memref<32x16xf32, #tpu.memory_space<hbm>>) target(%arg12 : memref<32x16xf32, #tpu.memory_space<vmem>>) target_semaphore(%run_scoped3A : memref<!tpu.dma_semaphore, #tpu.memory_space<semaphore_mem>>)
      %dma_wait3A_46 = arith.constant 0 : i32
      %dma_wait3A_47 = tpu.memref_slice %arg7[%add3A_23, %dma_wait3A_46] : memref<2048x16xf32, #tpu.memory_space<hbm>> -> memref<32x16xf32, #tpu.memory_space<hbm>>
      %dma_wait3A_48 = arith.constant 0 : i32
      %dma_wait3A_49 = tpu.memref_slice %arg7[%add3A_23, %dma_wait3A_48] : memref<2048x16xf32, #tpu.memory_space<hbm>> -> memref<32x16xf32, #tpu.memory_space<hbm>>
      tpu.wait_dma2 semaphore(%run_scoped3A : memref<!tpu.dma_semaphore, #tpu.memory_space<semaphore_mem>>) src(%dma_wait3A_49 : memref<32x16xf32, #tpu.memory_space<hbm>>) dst(%arg12 : memref<32x16xf32, #tpu.memory_space<vmem>>)
      tpu.yield
    }) : () -> ()
    "tpu.region"() ({
      %run_scoped3A = tpu.sem_alloc : memref<!tpu.dma_semaphore, #tpu.memory_space<semaphore_mem>>
      %dma_start3A_42 = arith.constant 0 : i32
      %dma_start3A_43 = tpu.memref_slice %arg3[%add3A_23, %dma_start3A_42] : memref<2048x1024xf32, #tpu.memory_space<hbm>> -> memref<32x1024xf32, #tpu.memory_space<hbm>>
      %dma_start3A_44 = arith.constant 0 : i32
      %dma_start3A_45 = tpu.memref_slice %arg3[%add3A_23, %dma_start3A_44] : memref<2048x1024xf32, #tpu.memory_space<hbm>> -> memref<32x1024xf32, #tpu.memory_space<hbm>>
      tpu.enqueue_dma source(%dma_start3A_45 : memref<32x1024xf32, #tpu.memory_space<hbm>>) target(%arg15 : memref<32x1024xf32, #tpu.memory_space<vmem>>) target_semaphore(%run_scoped3A : memref<!tpu.dma_semaphore, #tpu.memory_space<semaphore_mem>>)
      %dma_wait3A_46 = arith.constant 0 : i32
      %dma_wait3A_47 = tpu.memref_slice %arg3[%add3A_23, %dma_wait3A_46] : memref<2048x1024xf32, #tpu.memory_space<hbm>> -> memref<32x1024xf32, #tpu.memory_space<hbm>>
      %dma_wait3A_48 = arith.constant 0 : i32
      %dma_wait3A_49 = tpu.memref_slice %arg3[%add3A_23, %dma_wait3A_48] : memref<2048x1024xf32, #tpu.memory_space<hbm>> -> memref<32x1024xf32, #tpu.memory_space<hbm>>
      tpu.wait_dma2 semaphore(%run_scoped3A : memref<!tpu.dma_semaphore, #tpu.memory_space<semaphore_mem>>) src(%dma_wait3A_49 : memref<32x1024xf32, #tpu.memory_space<hbm>>) dst(%arg15 : memref<32x1024xf32, #tpu.memory_space<vmem>>)
      tpu.yield
    }) : () -> ()
    %dma_wait3A_30 = arith.constant 0 : i32
    %dma_wait3A_31 = arith.constant 0 : i32
    %dma_wait3A_32 = tpu.memref_slice %arg2[%dma_wait3A_30, %dma_wait3A_31] : memref<6144x1024xf32, #tpu.memory_space<hbm>> -> memref<6144x1024xf32, #tpu.memory_space<hbm>>
    tpu.wait_indirect_dma semaphore(%arg16 : memref<!tpu.dma_semaphore, #tpu.memory_space<semaphore_mem>>) src(%dma_wait3A_32 : memref<6144x1024xf32, #tpu.memory_space<hbm>>) dst(%arg13 : memref<32x1024xf32, #tpu.memory_space<vmem>>)
    %dma_wait3A_33 = arith.constant 0 : i32
    %dma_wait3A_34 = arith.constant 0 : i32
    %dma_wait3A_35 = tpu.memref_slice %arg2[%dma_wait3A_33, %dma_wait3A_34] : memref<6144x1024xf32, #tpu.memory_space<hbm>> -> memref<6144x1024xf32, #tpu.memory_space<hbm>>
    tpu.wait_indirect_dma semaphore(%arg17 : memref<!tpu.dma_semaphore, #tpu.memory_space<semaphore_mem>>) src(%dma_wait3A_35 : memref<6144x1024xf32, #tpu.memory_space<hbm>>) dst(%arg14 : memref<32x1024xf32, #tpu.memory_space<vmem>>)
    %scan3A_36 = arith.constant 0 : i32
    %scan3A_37 = arith.constant 0 : i32
    %scan3A_38 = arith.constant 32 : i32
    %scan3A_39 = arith.addi %scan3A_37, %scan3A_38 : i32
    %scan3A_40 = arith.constant 1 : i32
    scf.for %scan3A_42 = %scan3A_37 to %scan3A_39 step %scan3A_40  : i32 {
      %get3A = arith.index_cast %scan3A_42 : i32 to index
      %get3A_43 = arith.constant 0 : index
      %get3A_44 = tpu.vector_load %arg11[%get3A, %get3A_43] {strides = array<i32>} : memref<32x16xf32, #tpu.memory_space<vmem>>, vector<1x16xf32>,
      %get3A_45 = vector.shape_cast %get3A_44 : vector<1x16xf32> to vector<16xf32>
      %get3A_46 = arith.index_cast %scan3A_42 : i32 to index
      %get3A_47 = arith.constant 0 : index
      %get3A_48 = tpu.vector_load %arg12[%get3A_46, %get3A_47] {strides = array<i32>} : memref<32x16xf32, #tpu.memory_space<vmem>>, vector<1x16xf32>,
      %get3A_49 = vector.shape_cast %get3A_48 : vector<1x16xf32> to vector<16xf32>
      %get3A_50 = arith.index_cast %scan3A_42 : i32 to index
      %get3A_51 = arith.constant 0 : index
      %get3A_52 = tpu.vector_load %arg15[%get3A_50, %get3A_51] {strides = array<i32>} : memref<32x1024xf32, #tpu.memory_space<vmem>>, vector<1x16xf32>,
      %get3A_53 = vector.shape_cast %get3A_52 : vector<1x16xf32> to vector<16xf32>
      %get3A_54 = arith.index_cast %scan3A_42 : i32 to index
      %get3A_55 = arith.constant 0 : index
      %get3A_56 = tpu.vector_load %arg13[%get3A_54, %get3A_55] {strides = array<i32>} : memref<32x1024xf32, #tpu.memory_space<vmem>>, vector<1x16xf32>,
      %get3A_57 = vector.shape_cast %get3A_56 : vector<1x16xf32> to vector<16xf32>
      %mul3A_58 = arith.mulf %get3A_45, %get3A_57 : vector<16xf32>
      %add3A_59 = arith.addf %get3A_53, %mul3A_58 : vector<16xf32>
      %get3A_60 = arith.index_cast %scan3A_42 : i32 to index
      %get3A_61 = arith.constant 0 : index
      %get3A_62 = tpu.vector_load %arg14[%get3A_60, %get3A_61] {strides = array<i32>} : memref<32x1024xf32, #tpu.memory_space<vmem>>, vector<1x16xf32>,
      %get3A_63 = vector.shape_cast %get3A_62 : vector<1x16xf32> to vector<16xf32>
      %mul3A_64 = arith.mulf %get3A_49, %get3A_63 : vector<16xf32>
      %add3A_65 = arith.addf %add3A_59, %mul3A_64 : vector<16xf32>
      %swap3A = arith.index_cast %scan3A_42 : i32 to index
      %swap3A_66 = arith.constant 0 : index
      %swap3A_67 = tpu.vector_load %arg15[%swap3A, %swap3A_66] {strides = array<i32>} : memref<32x1024xf32, #tpu.memory_space<vmem>>, vector<1x16xf32>,
      %swap3A_68 = vector.shape_cast %swap3A_67 : vector<1x16xf32> to vector<16xf32>
      %swap3A_69 = vector.shape_cast %add3A_65 : vector<16xf32> to vector<1x16xf32>
      tpu.vector_store %arg15[%swap3A, %swap3A_66], %swap3A_69 {strides = array<i32>} : memref<32x1024xf32, #tpu.memory_space<vmem>>, vector<1x16xf32>,
      %get3A_70 = arith.index_cast %scan3A_42 : i32 to index
      %get3A_71 = arith.constant 16 : index
      %get3A_72 = tpu.vector_load %arg15[%get3A_70, %get3A_71] {strides = array<i32>} : memref<32x1024xf32, #tpu.memory_space<vmem>>, vector<1x16xf32>,
      %get3A_73 = vector.shape_cast %get3A_72 : vector<1x16xf32> to vector<16xf32>
      %get3A_74 = arith.index_cast %scan3A_42 : i32 to index
      %get3A_75 = arith.constant 16 : index
      %get3A_76 = tpu.vector_load %arg13[%get3A_74, %get3A_75] {strides = array<i32>} : memref<32x1024xf32, #tpu.memory_space<vmem>>, vector<1x16xf32>,
      %get3A_77 = vector.shape_cast %get3A_76 : vector<1x16xf32> to vector<16xf32>
      %mul3A_78 = arith.mulf %get3A_45, %get3A_77 : vector<16xf32>
      %add3A_79 = arith.addf %get3A_73, %mul3A_78 : vector<16xf32>
      %get3A_80 = arith.index_cast %scan3A_42 : i32 to index
      %get3A_81 = arith.constant 16 : index
      %get3A_82 = tpu.vector_load %arg14[%get3A_80, %get3A_81] {strides = array<i32>} : memref<32x1024xf32, #tpu.memory_space<vmem>>, vector<1x16xf32>,
      %get3A_83 = vector.shape_cast %get3A_82 : vector<1x16xf32> to vector<16xf32>
      %mul3A_84 = arith.mulf %get3A_49, %get3A_83 : vector<16xf32>
      %add3A_85 = arith.addf %add3A_79, %mul3A_84 : vector<16xf32>
      %swap3A_86 = arith.index_cast %scan3A_42 : i32 to index
      %swap3A_87 = arith.constant 16 : index
      %swap3A_88 = tpu.vector_load %arg15[%swap3A_86, %swap3A_87] {strides = array<i32>} : memref<32x1024xf32, #tpu.memory_space<vmem>>, vector<1x16xf32>,
      %swap3A_89 = vector.shape_cast %swap3A_88 : vector<1x16xf32> to vector<16xf32>
      %swap3A_90 = vector.shape_cast %add3A_85 : vector<16xf32> to vector<1x16xf32>
      tpu.vector_store %arg15[%swap3A_86, %swap3A_87], %swap3A_90 {strides = array<i32>} : memref<32x1024xf32, #tpu.memory_space<vmem>>, vector<1x16xf32>,
      %get3A_91 = arith.index_cast %scan3A_42 : i32 to index
      %get3A_92 = arith.constant 32 : index
      %get3A_93 = tpu.vector_load %arg15[%get3A_91, %get3A_92] {strides = array<i32>} : memref<32x1024xf32, #tpu.memory_space<vmem>>, vector<1x16xf32>,
      %get3A_94 = vector.shape_cast %get3A_93 : vector<1x16xf32> to vector<16xf32>
      %get3A_95 = arith.index_cast %scan3A_42 : i32 to index
      %get3A_96 = arith.constant 32 : index
      %get3A_97 = tpu.vector_load %arg13[%get3A_95, %get3A_96] {strides = array<i32>} : memref<32x1024xf32, #tpu.memory_space<vmem>>, vector<1x16xf32>,
      %get3A_98 = vector.shape_cast %get3A_97 : vector<1x16xf32> to vector<16xf32>
      %mul3A_99 = arith.mulf %get3A_45, %get3A_98 : vector<16xf32>
      %add3A_100 = arith.addf %get3A_94, %mul3A_99 : vector<16xf32>
      %get3A_101 = arith.index_cast %scan3A_42 : i32 to index
      %get3A_102 = arith.constant 32 : index
      %get3A_103 = tpu.vector_load %arg14[%get3A_101, %get3A_102] {strides = array<i32>} : memref<32x1024xf32, #tpu.memory_space<vmem>>, vector<1x16xf32>,
      %get3A_104 = vector.shape_cast %get3A_103 : vector<1x16xf32> to vector<16xf32>
      %mul3A_105 = arith.mulf %get3A_49, %get3A_104 : vector<16xf32>
      %add3A_106 = arith.addf %add3A_100, %mul3A_105 : vector<16xf32>
      %swap3A_107 = arith.index_cast %scan3A_42 : i32 to index
      %swap3A_108 = arith.constant 32 : index
      %swap3A_109 = tpu.vector_load %arg15[%swap3A_107, %swap3A_108] {strides = array<i32>} : memref<32x1024xf32, #tpu.memory_space<vmem>>, vector<1x16xf32>,
      %swap3A_110 = vector.shape_cast %swap3A_109 : vector<1x16xf32> to vector<16xf32>
      %swap3A_111 = vector.shape_cast %add3A_106 : vector<16xf32> to vector<1x16xf32>
      tpu.vector_store %arg15[%swap3A_107, %swap3A_108], %swap3A_111 {strides = array<i32>} : memref<32x1024xf32, #tpu.memory_space<vmem>>, vector<1x16xf32>,
      %get3A_112 = arith.index_cast %scan3A_42 : i32 to index
      %get3A_113 = arith.constant 48 : index
      %get3A_114 = tpu.vector_load %arg15[%get3A_112, %get3A_113] {strides = array<i32>} : memref<32x1024xf32, #tpu.memory_space<vmem>>, vector<1x16xf32>,
      %get3A_115 = vector.shape_cast %get3A_114 : vector<1x16xf32> to vector<16xf32>
      %get3A_116 = arith.index_cast %scan3A_42 : i32 to index
      %get3A_117 = arith.constant 48 : index
      %get3A_118 = tpu.vector_load %arg13[%get3A_116, %get3A_117] {strides = array<i32>} : memref<32x1024xf32, #tpu.memory_space<vmem>>, vector<1x16xf32>,
      %get3A_119 = vector.shape_cast %get3A_118 : vector<1x16xf32> to vector<16xf32>
      %mul3A_120 = arith.mulf %get3A_45, %get3A_119 : vector<16xf32>
      %add3A_121 = arith.addf %get3A_115, %mul3A_120 : vector<16xf32>
      %get3A_122 = arith.index_cast %scan3A_42 : i32 to index
      %get3A_123 = arith.constant 48 : index
      %get3A_124 = tpu.vector_load %arg14[%get3A_122, %get3A_123] {strides = array<i32>} : memref<32x1024xf32, #tpu.memory_space<vmem>>, vector<1x16xf32>,
      %get3A_125 = vector.shape_cast %get3A_124 : vector<1x16xf32> to vector<16xf32>
      %mul3A_126 = arith.mulf %get3A_49, %get3A_125 : vector<16xf32>
      %add3A_127 = arith.addf %add3A_121, %mul3A_126 : vector<16xf32>
      %swap3A_128 = arith.index_cast %scan3A_42 : i32 to index
      %swap3A_129 = arith.constant 48 : index
      %swap3A_130 = tpu.vector_load %arg15[%swap3A_128, %swap3A_129] {strides = array<i32>} : memref<32x1024xf32, #tpu.memory_space<vmem>>, vector<1x16xf32>,
      %swap3A_131 = vector.shape_cast %swap3A_130 : vector<1x16xf32> to vector<16xf32>
      %swap3A_132 = vector.shape_cast %add3A_127 : vector<16xf32> to vector<1x16xf32>
      tpu.vector_store %arg15[%swap3A_128, %swap3A_129], %swap3A_132 {strides = array<i32>} : memref<32x1024xf32, #tpu.memory_space<vmem>>, vector<1x16xf32>,
      %get3A_133 = arith.index_cast %scan3A_42 : i32 to index
      %get3A_134 = arith.constant 64 : index
      %get3A_135 = tpu.vector_load %arg15[%get3A_133, %get3A_134] {strides = array<i32>} : memref<32x1024xf32, #tpu.memory_space<vmem>>, vector<1x16xf32>,
      %get3A_136 = vector.shape_cast %get3A_135 : vector<1x16xf32> to vector<16xf32>
      %get3A_137 = arith.index_cast %scan3A_42 : i32 to index
      %get3A_138 = arith.constant 64 : index
      %get3A_139 = tpu.vector_load %arg13[%get3A_137, %get3A_138] {strides = array<i32>} : memref<32x1024xf32, #tpu.memory_space<vmem>>, vector<1x16xf32>,
      %get3A_140 = vector.shape_cast %get3A_139 : vector<1x16xf32> to vector<16xf32>
      %mul3A_141 = arith.mulf %get3A_45, %get3A_140 : vector<16xf32>
      %add3A_142 = arith.addf %get3A_136, %mul3A_141 : vector<16xf32>
      %get3A_143 = arith.index_cast %scan3A_42 : i32 to index
      %get3A_144 = arith.constant 64 : index
      %get3A_145 = tpu.vector_load %arg14[%get3A_143, %get3A_144] {strides = array<i32>} : memref<32x1024xf32, #tpu.memory_space<vmem>>, vector<1x16xf32>,
      %get3A_146 = vector.shape_cast %get3A_145 : vector<1x16xf32> to vector<16xf32>
      %mul3A_147 = arith.mulf %get3A_49, %get3A_146 : vector<16xf32>
      %add3A_148 = arith.addf %add3A_142, %mul3A_147 : vector<16xf32>
      %swap3A_149 = arith.index_cast %scan3A_42 : i32 to index
      %swap3A_150 = arith.constant 64 : index
      %swap3A_151 = tpu.vector_load %arg15[%swap3A_149, %swap3A_150] {strides = array<i32>} : memref<32x1024xf32, #tpu.memory_space<vmem>>, vector<1x16xf32>,
      %swap3A_152 = vector.shape_cast %swap3A_151 : vector<1x16xf32> to vector<16xf32>
      %swap3A_153 = vector.shape_cast %add3A_148 : vector<16xf32> to vector<1x16xf32>
      tpu.vector_store %arg15[%swap3A_149, %swap3A_150], %swap3A_153 {strides = array<i32>} : memref<32x1024xf32, #tpu.memory_space<vmem>>, vector<1x16xf32>,
      %get3A_154 = arith.index_cast %scan3A_42 : i32 to index
      %get3A_155 = arith.constant 80 : index
      %get3A_156 = tpu.vector_load %arg15[%get3A_154, %get3A_155] {strides = array<i32>} : memref<32x1024xf32, #tpu.memory_space<vmem>>, vector<1x16xf32>,
      %get3A_157 = vector.shape_cast %get3A_156 : vector<1x16xf32> to vector<16xf32>
      %get3A_158 = arith.index_cast %scan3A_42 : i32 to index
      %get3A_159 = arith.constant 80 : index
      %get3A_160 = tpu.vector_load %arg13[%get3A_158, %get3A_159] {strides = array<i32>} : memref<32x1024xf32, #tpu.memory_space<vmem>>, vector<1x16xf32>,
      %get3A_161 = vector.shape_cast %get3A_160 : vector<1x16xf32> to vector<16xf32>
      %mul3A_162 = arith.mulf %get3A_45, %get3A_161 : vector<16xf32>
      %add3A_163 = arith.addf %get3A_157, %mul3A_162 : vector<16xf32>
      %get3A_164 = arith.index_cast %scan3A_42 : i32 to index
      %get3A_165 = arith.constant 80 : index
      %get3A_166 = tpu.vector_load %arg14[%get3A_164, %get3A_165] {strides = array<i32>} : memref<32x1024xf32, #tpu.memory_space<vmem>>, vector<1x16xf32>,
      %get3A_167 = vector.shape_cast %get3A_166 : vector<1x16xf32> to vector<16xf32>
      %mul3A_168 = arith.mulf %get3A_49, %get3A_167 : vector<16xf32>
      %add3A_169 = arith.addf %add3A_163, %mul3A_168 : vector<16xf32>
      %swap3A_170 = arith.index_cast %scan3A_42 : i32 to index
      %swap3A_171 = arith.constant 80 : index
      %swap3A_172 = tpu.vector_load %arg15[%swap3A_170, %swap3A_171] {strides = array<i32>} : memref<32x1024xf32, #tpu.memory_space<vmem>>, vector<1x16xf32>,
      %swap3A_173 = vector.shape_cast %swap3A_172 : vector<1x16xf32> to vector<16xf32>
      %swap3A_174 = vector.shape_cast %add3A_169 : vector<16xf32> to vector<1x16xf32>
      tpu.vector_store %arg15[%swap3A_170, %swap3A_171], %swap3A_174 {strides = array<i32>} : memref<32x1024xf32, #tpu.memory_space<vmem>>, vector<1x16xf32>,
      %get3A_175 = arith.index_cast %scan3A_42 : i32 to index
      %get3A_176 = arith.constant 96 : index
      %get3A_177 = tpu.vector_load %arg15[%get3A_175, %get3A_176] {strides = array<i32>} : memref<32x1024xf32, #tpu.memory_space<vmem>>, vector<1x16xf32>,
      %get3A_178 = vector.shape_cast %get3A_177 : vector<1x16xf32> to vector<16xf32>
      %get3A_179 = arith.index_cast %scan3A_42 : i32 to index
      %get3A_180 = arith.constant 96 : index
      %get3A_181 = tpu.vector_load %arg13[%get3A_179, %get3A_180] {strides = array<i32>} : memref<32x1024xf32, #tpu.memory_space<vmem>>, vector<1x16xf32>,
      %get3A_182 = vector.shape_cast %get3A_181 : vector<1x16xf32> to vector<16xf32>
      %mul3A_183 = arith.mulf %get3A_45, %get3A_182 : vector<16xf32>
      %add3A_184 = arith.addf %get3A_178, %mul3A_183 : vector<16xf32>
      %get3A_185 = arith.index_cast %scan3A_42 : i32 to index
      %get3A_186 = arith.constant 96 : index
      %get3A_187 = tpu.vector_load %arg14[%get3A_185, %get3A_186] {strides = array<i32>} : memref<32x1024xf32, #tpu.memory_space<vmem>>, vector<1x16xf32>,
      %get3A_188 = vector.shape_cast %get3A_187 : vector<1x16xf32> to vector<16xf32>
      %mul3A_189 = arith.mulf %get3A_49, %get3A_188 : vector<16xf32>
      %add3A_190 = arith.addf %add3A_184, %mul3A_189 : vector<16xf32>
      %swap3A_191 = arith.index_cast %scan3A_42 : i32 to index
      %swap3A_192 = arith.constant 96 : index
      %swap3A_193 = tpu.vector_load %arg15[%swap3A_191, %swap3A_192] {strides = array<i32>} : memref<32x1024xf32, #tpu.memory_space<vmem>>, vector<1x16xf32>,
      %swap3A_194 = vector.shape_cast %swap3A_193 : vector<1x16xf32> to vector<16xf32>
      %swap3A_195 = vector.shape_cast %add3A_190 : vector<16xf32> to vector<1x16xf32>
      tpu.vector_store %arg15[%swap3A_191, %swap3A_192], %swap3A_195 {strides = array<i32>} : memref<32x1024xf32, #tpu.memory_space<vmem>>, vector<1x16xf32>,
      %get3A_196 = arith.index_cast %scan3A_42 : i32 to index
      %get3A_197 = arith.constant 112 : index
      %get3A_198 = tpu.vector_load %arg15[%get3A_196, %get3A_197] {strides = array<i32>} : memref<32x1024xf32, #tpu.memory_space<vmem>>, vector<1x16xf32>,
      %get3A_199 = vector.shape_cast %get3A_198 : vector<1x16xf32> to vector<16xf32>
      %get3A_200 = arith.index_cast %scan3A_42 : i32 to index
      %get3A_201 = arith.constant 112 : index
      %get3A_202 = tpu.vector_load %arg13[%get3A_200, %get3A_201] {strides = array<i32>} : memref<32x1024xf32, #tpu.memory_space<vmem>>, vector<1x16xf32>,
      %get3A_203 = vector.shape_cast %get3A_202 : vector<1x16xf32> to vector<16xf32>
      %mul3A_204 = arith.mulf %get3A_45, %get3A_203 : vector<16xf32>
      %add3A_205 = arith.addf %get3A_199, %mul3A_204 : vector<16xf32>
      %get3A_206 = arith.index_cast %scan3A_42 : i32 to index
      %get3A_207 = arith.constant 112 : index
      %get3A_208 = tpu.vector_load %arg14[%get3A_206, %get3A_207] {strides = array<i32>} : memref<32x1024xf32, #tpu.memory_space<vmem>>, vector<1x16xf32>,
      %get3A_209 = vector.shape_cast %get3A_208 : vector<1x16xf32> to vector<16xf32>
      %mul3A_210 = arith.mulf %get3A_49, %get3A_209 : vector<16xf32>
      %add3A_211 = arith.addf %add3A_205, %mul3A_210 : vector<16xf32>
      %swap3A_212 = arith.index_cast %scan3A_42 : i32 to index
      %swap3A_213 = arith.constant 112 : index
      %swap3A_214 = tpu.vector_load %arg15[%swap3A_212, %swap3A_213] {strides = array<i32>} : memref<32x1024xf32, #tpu.memory_space<vmem>>, vector<1x16xf32>,
      %swap3A_215 = vector.shape_cast %swap3A_214 : vector<1x16xf32> to vector<16xf32>
      %swap3A_216 = vector.shape_cast %add3A_211 : vector<16xf32> to vector<1x16xf32>
      tpu.vector_store %arg15[%swap3A_212, %swap3A_213], %swap3A_216 {strides = array<i32>} : memref<32x1024xf32, #tpu.memory_space<vmem>>, vector<1x16xf32>,
      %get3A_217 = arith.index_cast %scan3A_42 : i32 to index
      %get3A_218 = arith.constant 128 : index
      %get3A_219 = tpu.vector_load %arg15[%get3A_217, %get3A_218] {strides = array<i32>} : memref<32x1024xf32, #tpu.memory_space<vmem>>, vector<1x16xf32>,
      %get3A_220 = vector.shape_cast %get3A_219 : vector<1x16xf32> to vector<16xf32>
      %get3A_221 = arith.index_cast %scan3A_42 : i32 to index
      %get3A_222 = arith.constant 128 : index
      %get3A_223 = tpu.vector_load %arg13[%get3A_221, %get3A_222] {strides = array<i32>} : memref<32x1024xf32, #tpu.memory_space<vmem>>, vector<1x16xf32>,
      %get3A_224 = vector.shape_cast %get3A_223 : vector<1x16xf32> to vector<16xf32>
      %mul3A_225 = arith.mulf %get3A_45, %get3A_224 : vector<16xf32>
      %add3A_226 = arith.addf %get3A_220, %mul3A_225 : vector<16xf32>
      %get3A_227 = arith.index_cast %scan3A_42 : i32 to index
      %get3A_228 = arith.constant 128 : index
      %get3A_229 = tpu.vector_load %arg14[%get3A_227, %get3A_228] {strides = array<i32>} : memref<32x1024xf32, #tpu.memory_space<vmem>>, vector<1x16xf32>,
      %get3A_230 = vector.shape_cast %get3A_229 : vector<1x16xf32> to vector<16xf32>
      %mul3A_231 = arith.mulf %get3A_49, %get3A_230 : vector<16xf32>
      %add3A_232 = arith.addf %add3A_226, %mul3A_231 : vector<16xf32>
      %swap3A_233 = arith.index_cast %scan3A_42 : i32 to index
      %swap3A_234 = arith.constant 128 : index
      %swap3A_235 = tpu.vector_load %arg15[%swap3A_233, %swap3A_234] {strides = array<i32>} : memref<32x1024xf32, #tpu.memory_space<vmem>>, vector<1x16xf32>,
      %swap3A_236 = vector.shape_cast %swap3A_235 : vector<1x16xf32> to vector<16xf32>
      %swap3A_237 = vector.shape_cast %add3A_232 : vector<16xf32> to vector<1x16xf32>
      tpu.vector_store %arg15[%swap3A_233, %swap3A_234], %swap3A_237 {strides = array<i32>} : memref<32x1024xf32, #tpu.memory_space<vmem>>, vector<1x16xf32>,
      %get3A_238 = arith.index_cast %scan3A_42 : i32 to index
      %get3A_239 = arith.constant 144 : index
      %get3A_240 = tpu.vector_load %arg15[%get3A_238, %get3A_239] {strides = array<i32>} : memref<32x1024xf32, #tpu.memory_space<vmem>>, vector<1x16xf32>,
      %get3A_241 = vector.shape_cast %get3A_240 : vector<1x16xf32> to vector<16xf32>
      %get3A_242 = arith.index_cast %scan3A_42 : i32 to index
      %get3A_243 = arith.constant 144 : index
      %get3A_244 = tpu.vector_load %arg13[%get3A_242, %get3A_243] {strides = array<i32>} : memref<32x1024xf32, #tpu.memory_space<vmem>>, vector<1x16xf32>,
      %get3A_245 = vector.shape_cast %get3A_244 : vector<1x16xf32> to vector<16xf32>
      %mul3A_246 = arith.mulf %get3A_45, %get3A_245 : vector<16xf32>
      %add3A_247 = arith.addf %get3A_241, %mul3A_246 : vector<16xf32>
      %get3A_248 = arith.index_cast %scan3A_42 : i32 to index
      %get3A_249 = arith.constant 144 : index
      %get3A_250 = tpu.vector_load %arg14[%get3A_248, %get3A_249] {strides = array<i32>} : memref<32x1024xf32, #tpu.memory_space<vmem>>, vector<1x16xf32>,
      %get3A_251 = vector.shape_cast %get3A_250 : vector<1x16xf32> to vector<16xf32>
      %mul3A_252 = arith.mulf %get3A_49, %get3A_251 : vector<16xf32>
      %add3A_253 = arith.addf %add3A_247, %mul3A_252 : vector<16xf32>
      %swap3A_254 = arith.index_cast %scan3A_42 : i32 to index
      %swap3A_255 = arith.constant 144 : index
      %swap3A_256 = tpu.vector_load %arg15[%swap3A_254, %swap3A_255] {strides = array<i32>} : memref<32x1024xf32, #tpu.memory_space<vmem>>, vector<1x16xf32>,
      %swap3A_257 = vector.shape_cast %swap3A_256 : vector<1x16xf32> to vector<16xf32>
      %swap3A_258 = vector.shape_cast %add3A_253 : vector<16xf32> to vector<1x16xf32>
      tpu.vector_store %arg15[%swap3A_254, %swap3A_255], %swap3A_258 {strides = array<i32>} : memref<32x1024xf32, #tpu.memory_space<vmem>>, vector<1x16xf32>,
      %get3A_259 = arith.index_cast %scan3A_42 : i32 to index
      %get3A_260 = arith.constant 160 : index
      %get3A_261 = tpu.vector_load %arg15[%get3A_259, %get3A_260] {strides = array<i32>} : memref<32x1024xf32, #tpu.memory_space<vmem>>, vector<1x16xf32>,
      %get3A_262 = vector.shape_cast %get3A_261 : vector<1x16xf32> to vector<16xf32>
      %get3A_263 = arith.index_cast %scan3A_42 : i32 to index
      %get3A_264 = arith.constant 160 : index
      %get3A_265 = tpu.vector_load %arg13[%get3A_263, %get3A_264] {strides = array<i32>} : memref<32x1024xf32, #tpu.memory_space<vmem>>, vector<1x16xf32>,
      %get3A_266 = vector.shape_cast %get3A_265 : vector<1x16xf32> to vector<16xf32>
      %mul3A_267 = arith.mulf %get3A_45, %get3A_266 : vector<16xf32>
      %add3A_268 = arith.addf %get3A_262, %mul3A_267 : vector<16xf32>
      %get3A_269 = arith.index_cast %scan3A_42 : i32 to index
      %get3A_270 = arith.constant 160 : index
      %get3A_271 = tpu.vector_load %arg14[%get3A_269, %get3A_270] {strides = array<i32>} : memref<32x1024xf32, #tpu.memory_space<vmem>>, vector<1x16xf32>,
      %get3A_272 = vector.shape_cast %get3A_271 : vector<1x16xf32> to vector<16xf32>
      %mul3A_273 = arith.mulf %get3A_49, %get3A_272 : vector<16xf32>
      %add3A_274 = arith.addf %add3A_268, %mul3A_273 : vector<16xf32>
      %swap3A_275 = arith.index_cast %scan3A_42 : i32 to index
      %swap3A_276 = arith.constant 160 : index
      %swap3A_277 = tpu.vector_load %arg15[%swap3A_275, %swap3A_276] {strides = array<i32>} : memref<32x1024xf32, #tpu.memory_space<vmem>>, vector<1x16xf32>,
      %swap3A_278 = vector.shape_cast %swap3A_277 : vector<1x16xf32> to vector<16xf32>
      %swap3A_279 = vector.shape_cast %add3A_274 : vector<16xf32> to vector<1x16xf32>
      tpu.vector_store %arg15[%swap3A_275, %swap3A_276], %swap3A_279 {strides = array<i32>} : memref<32x1024xf32, #tpu.memory_space<vmem>>, vector<1x16xf32>,
      %get3A_280 = arith.index_cast %scan3A_42 : i32 to index
      %get3A_281 = arith.constant 176 : index
      %get3A_282 = tpu.vector_load %arg15[%get3A_280, %get3A_281] {strides = array<i32>} : memref<32x1024xf32, #tpu.memory_space<vmem>>, vector<1x16xf32>,
      %get3A_283 = vector.shape_cast %get3A_282 : vector<1x16xf32> to vector<16xf32>
      %get3A_284 = arith.index_cast %scan3A_42 : i32 to index
      %get3A_285 = arith.constant 176 : index
      %get3A_286 = tpu.vector_load %arg13[%get3A_284, %get3A_285] {strides = array<i32>} : memref<32x1024xf32, #tpu.memory_space<vmem>>, vector<1x16xf32>,
      %get3A_287 = vector.shape_cast %get3A_286 : vector<1x16xf32> to vector<16xf32>
      %mul3A_288 = arith.mulf %get3A_45, %get3A_287 : vector<16xf32>
      %add3A_289 = arith.addf %get3A_283, %mul3A_288 : vector<16xf32>
      %get3A_290 = arith.index_cast %scan3A_42 : i32 to index
      %get3A_291 = arith.constant 176 : index
      %get3A_292 = tpu.vector_load %arg14[%get3A_290, %get3A_291] {strides = array<i32>} : memref<32x1024xf32, #tpu.memory_space<vmem>>, vector<1x16xf32>,
      %get3A_293 = vector.shape_cast %get3A_292 : vector<1x16xf32> to vector<16xf32>
      %mul3A_294 = arith.mulf %get3A_49, %get3A_293 : vector<16xf32>
      %add3A_295 = arith.addf %add3A_289, %mul3A_294 : vector<16xf32>
      %swap3A_296 = arith.index_cast %scan3A_42 : i32 to index
      %swap3A_297 = arith.constant 176 : index
      %swap3A_298 = tpu.vector_load %arg15[%swap3A_296, %swap3A_297] {strides = array<i32>} : memref<32x1024xf32, #tpu.memory_space<vmem>>, vector<1x16xf32>,
      %swap3A_299 = vector.shape_cast %swap3A_298 : vector<1x16xf32> to vector<16xf32>
      %swap3A_300 = vector.shape_cast %add3A_295 : vector<16xf32> to vector<1x16xf32>
      tpu.vector_store %arg15[%swap3A_296, %swap3A_297], %swap3A_300 {strides = array<i32>} : memref<32x1024xf32, #tpu.memory_space<vmem>>, vector<1x16xf32>,
      %get3A_301 = arith.index_cast %scan3A_42 : i32 to index
      %get3A_302 = arith.constant 192 : index
      %get3A_303 = tpu.vector_load %arg15[%get3A_301, %get3A_302] {strides = array<i32>} : memref<32x1024xf32, #tpu.memory_space<vmem>>, vector<1x16xf32>,
      %get3A_304 = vector.shape_cast %get3A_303 : vector<1x16xf32> to vector<16xf32>
      %get3A_305 = arith.index_cast %scan3A_42 : i32 to index
      %get3A_306 = arith.constant 192 : index
      %get3A_307 = tpu.vector_load %arg13[%get3A_305, %get3A_306] {strides = array<i32>} : memref<32x1024xf32, #tpu.memory_space<vmem>>, vector<1x16xf32>,
      %get3A_308 = vector.shape_cast %get3A_307 : vector<1x16xf32> to vector<16xf32>
      %mul3A_309 = arith.mulf %get3A_45, %get3A_308 : vector<16xf32>
      %add3A_310 = arith.addf %get3A_304, %mul3A_309 : vector<16xf32>
      %get3A_311 = arith.index_cast %scan3A_42 : i32 to index
      %get3A_312 = arith.constant 192 : index
      %get3A_313 = tpu.vector_load %arg14[%get3A_311, %get3A_312] {strides = array<i32>} : memref<32x1024xf32, #tpu.memory_space<vmem>>, vector<1x16xf32>,
      %get3A_314 = vector.shape_cast %get3A_313 : vector<1x16xf32> to vector<16xf32>
      %mul3A_315 = arith.mulf %get3A_49, %get3A_314 : vector<16xf32>
      %add3A_316 = arith.addf %add3A_310, %mul3A_315 : vector<16xf32>
      %swap3A_317 = arith.index_cast %scan3A_42 : i32 to index
      %swap3A_318 = arith.constant 192 : index
      %swap3A_319 = tpu.vector_load %arg15[%swap3A_317, %swap3A_318] {strides = array<i32>} : memref<32x1024xf32, #tpu.memory_space<vmem>>, vector<1x16xf32>,
      %swap3A_320 = vector.shape_cast %swap3A_319 : vector<1x16xf32> to vector<16xf32>
      %swap3A_321 = vector.shape_cast %add3A_316 : vector<16xf32> to vector<1x16xf32>
      tpu.vector_store %arg15[%swap3A_317, %swap3A_318], %swap3A_321 {strides = array<i32>} : memref<32x1024xf32, #tpu.memory_space<vmem>>, vector<1x16xf32>,
      %get3A_322 = arith.index_cast %scan3A_42 : i32 to index
      %get3A_323 = arith.constant 208 : index
      %get3A_324 = tpu.vector_load %arg15[%get3A_322, %get3A_323] {strides = array<i32>} : memref<32x1024xf32, #tpu.memory_space<vmem>>, vector<1x16xf32>,
      %get3A_325 = vector.shape_cast %get3A_324 : vector<1x16xf32> to vector<16xf32>
      %get3A_326 = arith.index_cast %scan3A_42 : i32 to index
      %get3A_327 = arith.constant 208 : index
      %get3A_328 = tpu.vector_load %arg13[%get3A_326, %get3A_327] {strides = array<i32>} : memref<32x1024xf32, #tpu.memory_space<vmem>>, vector<1x16xf32>,
      %get3A_329 = vector.shape_cast %get3A_328 : vector<1x16xf32> to vector<16xf32>
      %mul3A_330 = arith.mulf %get3A_45, %get3A_329 : vector<16xf32>
      %add3A_331 = arith.addf %get3A_325, %mul3A_330 : vector<16xf32>
      %get3A_332 = arith.index_cast %scan3A_42 : i32 to index
      %get3A_333 = arith.constant 208 : index
      %get3A_334 = tpu.vector_load %arg14[%get3A_332, %get3A_333] {strides = array<i32>} : memref<32x1024xf32, #tpu.memory_space<vmem>>, vector<1x16xf32>,
      %get3A_335 = vector.shape_cast %get3A_334 : vector<1x16xf32> to vector<16xf32>
      %mul3A_336 = arith.mulf %get3A_49, %get3A_335 : vector<16xf32>
      %add3A_337 = arith.addf %add3A_331, %mul3A_336 : vector<16xf32>
      %swap3A_338 = arith.index_cast %scan3A_42 : i32 to index
      %swap3A_339 = arith.constant 208 : index
      %swap3A_340 = tpu.vector_load %arg15[%swap3A_338, %swap3A_339] {strides = array<i32>} : memref<32x1024xf32, #tpu.memory_space<vmem>>, vector<1x16xf32>,
      %swap3A_341 = vector.shape_cast %swap3A_340 : vector<1x16xf32> to vector<16xf32>
      %swap3A_342 = vector.shape_cast %add3A_337 : vector<16xf32> to vector<1x16xf32>
      tpu.vector_store %arg15[%swap3A_338, %swap3A_339], %swap3A_342 {strides = array<i32>} : memref<32x1024xf32, #tpu.memory_space<vmem>>, vector<1x16xf32>,
      %get3A_343 = arith.index_cast %scan3A_42 : i32 to index
      %get3A_344 = arith.constant 224 : index
      %get3A_345 = tpu.vector_load %arg15[%get3A_343, %get3A_344] {strides = array<i32>} : memref<32x1024xf32, #tpu.memory_space<vmem>>, vector<1x16xf32>,
      %get3A_346 = vector.shape_cast %get3A_345 : vector<1x16xf32> to vector<16xf32>
      %get3A_347 = arith.index_cast %scan3A_42 : i32 to index
      %get3A_348 = arith.constant 224 : index
      %get3A_349 = tpu.vector_load %arg13[%get3A_347, %get3A_348] {strides = array<i32>} : memref<32x1024xf32, #tpu.memory_space<vmem>>, vector<1x16xf32>,
      %get3A_350 = vector.shape_cast %get3A_349 : vector<1x16xf32> to vector<16xf32>
      %mul3A_351 = arith.mulf %get3A_45, %get3A_350 : vector<16xf32>
      %add3A_352 = arith.addf %get3A_346, %mul3A_351 : vector<16xf32>
      %get3A_353 = arith.index_cast %scan3A_42 : i32 to index
      %get3A_354 = arith.constant 224 : index
      %get3A_355 = tpu.vector_load %arg14[%get3A_353, %get3A_354] {strides = array<i32>} : memref<32x1024xf32, #tpu.memory_space<vmem>>, vector<1x16xf32>,
      %get3A_356 = vector.shape_cast %get3A_355 : vector<1x16xf32> to vector<16xf32>
      %mul3A_357 = arith.mulf %get3A_49, %get3A_356 : vector<16xf32>
      %add3A_358 = arith.addf %add3A_352, %mul3A_357 : vector<16xf32>
      %swap3A_359 = arith.index_cast %scan3A_42 : i32 to index
      %swap3A_360 = arith.constant 224 : index
      %swap3A_361 = tpu.vector_load %arg15[%swap3A_359, %swap3A_360] {strides = array<i32>} : memref<32x1024xf32, #tpu.memory_space<vmem>>, vector<1x16xf32>,
      %swap3A_362 = vector.shape_cast %swap3A_361 : vector<1x16xf32> to vector<16xf32>
      %swap3A_363 = vector.shape_cast %add3A_358 : vector<16xf32> to vector<1x16xf32>
      tpu.vector_store %arg15[%swap3A_359, %swap3A_360], %swap3A_363 {strides = array<i32>} : memref<32x1024xf32, #tpu.memory_space<vmem>>, vector<1x16xf32>,
      %get3A_364 = arith.index_cast %scan3A_42 : i32 to index
      %get3A_365 = arith.constant 240 : index
      %get3A_366 = tpu.vector_load %arg15[%get3A_364, %get3A_365] {strides = array<i32>} : memref<32x1024xf32, #tpu.memory_space<vmem>>, vector<1x16xf32>,
      %get3A_367 = vector.shape_cast %get3A_366 : vector<1x16xf32> to vector<16xf32>
      %get3A_368 = arith.index_cast %scan3A_42 : i32 to index
      %get3A_369 = arith.constant 240 : index
      %get3A_370 = tpu.vector_load %arg13[%get3A_368, %get3A_369] {strides = array<i32>} : memref<32x1024xf32, #tpu.memory_space<vmem>>, vector<1x16xf32>,
      %get3A_371 = vector.shape_cast %get3A_370 : vector<1x16xf32> to vector<16xf32>
      %mul3A_372 = arith.mulf %get3A_45, %get3A_371 : vector<16xf32>
      %add3A_373 = arith.addf %get3A_367, %mul3A_372 : vector<16xf32>
      %get3A_374 = arith.index_cast %scan3A_42 : i32 to index
      %get3A_375 = arith.constant 240 : index
      %get3A_376 = tpu.vector_load %arg14[%get3A_374, %get3A_375] {strides = array<i32>} : memref<32x1024xf32, #tpu.memory_space<vmem>>, vector<1x16xf32>,
      %get3A_377 = vector.shape_cast %get3A_376 : vector<1x16xf32> to vector<16xf32>
      %mul3A_378 = arith.mulf %get3A_49, %get3A_377 : vector<16xf32>
      %add3A_379 = arith.addf %add3A_373, %mul3A_378 : vector<16xf32>
      %swap3A_380 = arith.index_cast %scan3A_42 : i32 to index
      %swap3A_381 = arith.constant 240 : index
      %swap3A_382 = tpu.vector_load %arg15[%swap3A_380, %swap3A_381] {strides = array<i32>} : memref<32x1024xf32, #tpu.memory_space<vmem>>, vector<1x16xf32>,
      %swap3A_383 = vector.shape_cast %swap3A_382 : vector<1x16xf32> to vector<16xf32>
      %swap3A_384 = vector.shape_cast %add3A_379 : vector<16xf32> to vector<1x16xf32>
      tpu.vector_store %arg15[%swap3A_380, %swap3A_381], %swap3A_384 {strides = array<i32>} : memref<32x1024xf32, #tpu.memory_space<vmem>>, vector<1x16xf32>,
      %get3A_385 = arith.index_cast %scan3A_42 : i32 to index
      %get3A_386 = arith.constant 256 : index
      %get3A_387 = tpu.vector_load %arg15[%get3A_385, %get3A_386] {strides = array<i32>} : memref<32x1024xf32, #tpu.memory_space<vmem>>, vector<1x16xf32>,
      %get3A_388 = vector.shape_cast %get3A_387 : vector<1x16xf32> to vector<16xf32>
      %get3A_389 = arith.index_cast %scan3A_42 : i32 to index
      %get3A_390 = arith.constant 256 : index
      %get3A_391 = tpu.vector_load %arg13[%get3A_389, %get3A_390] {strides = array<i32>} : memref<32x1024xf32, #tpu.memory_space<vmem>>, vector<1x16xf32>,
      %get3A_392 = vector.shape_cast %get3A_391 : vector<1x16xf32> to vector<16xf32>
      %mul3A_393 = arith.mulf %get3A_45, %get3A_392 : vector<16xf32>
      %add3A_394 = arith.addf %get3A_388, %mul3A_393 : vector<16xf32>
      %get3A_395 = arith.index_cast %scan3A_42 : i32 to index
      %get3A_396 = arith.constant 256 : index
      %get3A_397 = tpu.vector_load %arg14[%get3A_395, %get3A_396] {strides = array<i32>} : memref<32x1024xf32, #tpu.memory_space<vmem>>, vector<1x16xf32>,
      %get3A_398 = vector.shape_cast %get3A_397 : vector<1x16xf32> to vector<16xf32>
      %mul3A_399 = arith.mulf %get3A_49, %get3A_398 : vector<16xf32>
      %add3A_400 = arith.addf %add3A_394, %mul3A_399 : vector<16xf32>
      %swap3A_401 = arith.index_cast %scan3A_42 : i32 to index
      %swap3A_402 = arith.constant 256 : index
      %swap3A_403 = tpu.vector_load %arg15[%swap3A_401, %swap3A_402] {strides = array<i32>} : memref<32x1024xf32, #tpu.memory_space<vmem>>, vector<1x16xf32>,
      %swap3A_404 = vector.shape_cast %swap3A_403 : vector<1x16xf32> to vector<16xf32>
      %swap3A_405 = vector.shape_cast %add3A_400 : vector<16xf32> to vector<1x16xf32>
      tpu.vector_store %arg15[%swap3A_401, %swap3A_402], %swap3A_405 {strides = array<i32>} : memref<32x1024xf32, #tpu.memory_space<vmem>>, vector<1x16xf32>,
      %get3A_406 = arith.index_cast %scan3A_42 : i32 to index
      %get3A_407 = arith.constant 272 : index
      %get3A_408 = tpu.vector_load %arg15[%get3A_406, %get3A_407] {strides = array<i32>} : memref<32x1024xf32, #tpu.memory_space<vmem>>, vector<1x16xf32>,
      %get3A_409 = vector.shape_cast %get3A_408 : vector<1x16xf32> to vector<16xf32>
      %get3A_410 = arith.index_cast %scan3A_42 : i32 to index
      %get3A_411 = arith.constant 272 : index
      %get3A_412 = tpu.vector_load %arg13[%get3A_410, %get3A_411] {strides = array<i32>} : memref<32x1024xf32, #tpu.memory_space<vmem>>, vector<1x16xf32>,
      %get3A_413 = vector.shape_cast %get3A_412 : vector<1x16xf32> to vector<16xf32>
      %mul3A_414 = arith.mulf %get3A_45, %get3A_413 : vector<16xf32>
      %add3A_415 = arith.addf %get3A_409, %mul3A_414 : vector<16xf32>
      %get3A_416 = arith.index_cast %scan3A_42 : i32 to index
      %get3A_417 = arith.constant 272 : index
      %get3A_418 = tpu.vector_load %arg14[%get3A_416, %get3A_417] {strides = array<i32>} : memref<32x1024xf32, #tpu.memory_space<vmem>>, vector<1x16xf32>,
      %get3A_419 = vector.shape_cast %get3A_418 : vector<1x16xf32> to vector<16xf32>
      %mul3A_420 = arith.mulf %get3A_49, %get3A_419 : vector<16xf32>
      %add3A_421 = arith.addf %add3A_415, %mul3A_420 : vector<16xf32>
      %swap3A_422 = arith.index_cast %scan3A_42 : i32 to index
      %swap3A_423 = arith.constant 272 : index
      %swap3A_424 = tpu.vector_load %arg15[%swap3A_422, %swap3A_423] {strides = array<i32>} : memref<32x1024xf32, #tpu.memory_space<vmem>>, vector<1x16xf32>,
      %swap3A_425 = vector.shape_cast %swap3A_424 : vector<1x16xf32> to vector<16xf32>
      %swap3A_426 = vector.shape_cast %add3A_421 : vector<16xf32> to vector<1x16xf32>
      tpu.vector_store %arg15[%swap3A_422, %swap3A_423], %swap3A_426 {strides = array<i32>} : memref<32x1024xf32, #tpu.memory_space<vmem>>, vector<1x16xf32>,
      %get3A_427 = arith.index_cast %scan3A_42 : i32 to index
      %get3A_428 = arith.constant 288 : index
      %get3A_429 = tpu.vector_load %arg15[%get3A_427, %get3A_428] {strides = array<i32>} : memref<32x1024xf32, #tpu.memory_space<vmem>>, vector<1x16xf32>,
      %get3A_430 = vector.shape_cast %get3A_429 : vector<1x16xf32> to vector<16xf32>
      %get3A_431 = arith.index_cast %scan3A_42 : i32 to index
      %get3A_432 = arith.constant 288 : index
      %get3A_433 = tpu.vector_load %arg13[%get3A_431, %get3A_432] {strides = array<i32>} : memref<32x1024xf32, #tpu.memory_space<vmem>>, vector<1x16xf32>,
      %get3A_434 = vector.shape_cast %get3A_433 : vector<1x16xf32> to vector<16xf32>
      %mul3A_435 = arith.mulf %get3A_45, %get3A_434 : vector<16xf32>
      %add3A_436 = arith.addf %get3A_430, %mul3A_435 : vector<16xf32>
      %get3A_437 = arith.index_cast %scan3A_42 : i32 to index
      %get3A_438 = arith.constant 288 : index
      %get3A_439 = tpu.vector_load %arg14[%get3A_437, %get3A_438] {strides = array<i32>} : memref<32x1024xf32, #tpu.memory_space<vmem>>, vector<1x16xf32>,
      %get3A_440 = vector.shape_cast %get3A_439 : vector<1x16xf32> to vector<16xf32>
      %mul3A_441 = arith.mulf %get3A_49, %get3A_440 : vector<16xf32>
      %add3A_442 = arith.addf %add3A_436, %mul3A_441 : vector<16xf32>
      %swap3A_443 = arith.index_cast %scan3A_42 : i32 to index
      %swap3A_444 = arith.constant 288 : index
      %swap3A_445 = tpu.vector_load %arg15[%swap3A_443, %swap3A_444] {strides = array<i32>} : memref<32x1024xf32, #tpu.memory_space<vmem>>, vector<1x16xf32>,
      %swap3A_446 = vector.shape_cast %swap3A_445 : vector<1x16xf32> to vector<16xf32>
      %swap3A_447 = vector.shape_cast %add3A_442 : vector<16xf32> to vector<1x16xf32>
      tpu.vector_store %arg15[%swap3A_443, %swap3A_444], %swap3A_447 {strides = array<i32>} : memref<32x1024xf32, #tpu.memory_space<vmem>>, vector<1x16xf32>,
      %get3A_448 = arith.index_cast %scan3A_42 : i32 to index
      %get3A_449 = arith.constant 304 : index
      %get3A_450 = tpu.vector_load %arg15[%get3A_448, %get3A_449] {strides = array<i32>} : memref<32x1024xf32, #tpu.memory_space<vmem>>, vector<1x16xf32>,
      %get3A_451 = vector.shape_cast %get3A_450 : vector<1x16xf32> to vector<16xf32>
      %get3A_452 = arith.index_cast %scan3A_42 : i32 to index
      %get3A_453 = arith.constant 304 : index
      %get3A_454 = tpu.vector_load %arg13[%get3A_452, %get3A_453] {strides = array<i32>} : memref<32x1024xf32, #tpu.memory_space<vmem>>, vector<1x16xf32>,
      %get3A_455 = vector.shape_cast %get3A_454 : vector<1x16xf32> to vector<16xf32>
      %mul3A_456 = arith.mulf %get3A_45, %get3A_455 : vector<16xf32>
      %add3A_457 = arith.addf %get3A_451, %mul3A_456 : vector<16xf32>
      %get3A_458 = arith.index_cast %scan3A_42 : i32 to index
      %get3A_459 = arith.constant 304 : index
      %get3A_460 = tpu.vector_load %arg14[%get3A_458, %get3A_459] {strides = array<i32>} : memref<32x1024xf32, #tpu.memory_space<vmem>>, vector<1x16xf32>,
      %get3A_461 = vector.shape_cast %get3A_460 : vector<1x16xf32> to vector<16xf32>
      %mul3A_462 = arith.mulf %get3A_49, %get3A_461 : vector<16xf32>
      %add3A_463 = arith.addf %add3A_457, %mul3A_462 : vector<16xf32>
      %swap3A_464 = arith.index_cast %scan3A_42 : i32 to index
      %swap3A_465 = arith.constant 304 : index
      %swap3A_466 = tpu.vector_load %arg15[%swap3A_464, %swap3A_465] {strides = array<i32>} : memref<32x1024xf32, #tpu.memory_space<vmem>>, vector<1x16xf32>,
      %swap3A_467 = vector.shape_cast %swap3A_466 : vector<1x16xf32> to vector<16xf32>
      %swap3A_468 = vector.shape_cast %add3A_463 : vector<16xf32> to vector<1x16xf32>
      tpu.vector_store %arg15[%swap3A_464, %swap3A_465], %swap3A_468 {strides = array<i32>} : memref<32x1024xf32, #tpu.memory_space<vmem>>, vector<1x16xf32>,
      %get3A_469 = arith.index_cast %scan3A_42 : i32 to index
      %get3A_470 = arith.constant 320 : index
      %get3A_471 = tpu.vector_load %arg15[%get3A_469, %get3A_470] {strides = array<i32>} : memref<32x1024xf32, #tpu.memory_space<vmem>>, vector<1x16xf32>,
      %get3A_472 = vector.shape_cast %get3A_471 : vector<1x16xf32> to vector<16xf32>
      %get3A_473 = arith.index_cast %scan3A_42 : i32 to index
      %get3A_474 = arith.constant 320 : index
      %get3A_475 = tpu.vector_load %arg13[%get3A_473, %get3A_474] {strides = array<i32>} : memref<32x1024xf32, #tpu.memory_space<vmem>>, vector<1x16xf32>,
      %get3A_476 = vector.shape_cast %get3A_475 : vector<1x16xf32> to vector<16xf32>
      %mul3A_477 = arith.mulf %get3A_45, %get3A_476 : vector<16xf32>
      %add3A_478 = arith.addf %get3A_472, %mul3A_477 : vector<16xf32>
      %get3A_479 = arith.index_cast %scan3A_42 : i32 to index
      %get3A_480 = arith.constant 320 : index
      %get3A_481 = tpu.vector_load %arg14[%get3A_479, %get3A_480] {strides = array<i32>} : memref<32x1024xf32, #tpu.memory_space<vmem>>, vector<1x16xf32>,
      %get3A_482 = vector.shape_cast %get3A_481 : vector<1x16xf32> to vector<16xf32>
      %mul3A_483 = arith.mulf %get3A_49, %get3A_482 : vector<16xf32>
      %add3A_484 = arith.addf %add3A_478, %mul3A_483 : vector<16xf32>
      %swap3A_485 = arith.index_cast %scan3A_42 : i32 to index
      %swap3A_486 = arith.constant 320 : index
      %swap3A_487 = tpu.vector_load %arg15[%swap3A_485, %swap3A_486] {strides = array<i32>} : memref<32x1024xf32, #tpu.memory_space<vmem>>, vector<1x16xf32>,
      %swap3A_488 = vector.shape_cast %swap3A_487 : vector<1x16xf32> to vector<16xf32>
      %swap3A_489 = vector.shape_cast %add3A_484 : vector<16xf32> to vector<1x16xf32>
      tpu.vector_store %arg15[%swap3A_485, %swap3A_486], %swap3A_489 {strides = array<i32>} : memref<32x1024xf32, #tpu.memory_space<vmem>>, vector<1x16xf32>,
      %get3A_490 = arith.index_cast %scan3A_42 : i32 to index
      %get3A_491 = arith.constant 336 : index
      %get3A_492 = tpu.vector_load %arg15[%get3A_490, %get3A_491] {strides = array<i32>} : memref<32x1024xf32, #tpu.memory_space<vmem>>, vector<1x16xf32>,
      %get3A_493 = vector.shape_cast %get3A_492 : vector<1x16xf32> to vector<16xf32>
      %get3A_494 = arith.index_cast %scan3A_42 : i32 to index
      %get3A_495 = arith.constant 336 : index
      %get3A_496 = tpu.vector_load %arg13[%get3A_494, %get3A_495] {strides = array<i32>} : memref<32x1024xf32, #tpu.memory_space<vmem>>, vector<1x16xf32>,
      %get3A_497 = vector.shape_cast %get3A_496 : vector<1x16xf32> to vector<16xf32>
      %mul3A_498 = arith.mulf %get3A_45, %get3A_497 : vector<16xf32>
      %add3A_499 = arith.addf %get3A_493, %mul3A_498 : vector<16xf32>
      %get3A_500 = arith.index_cast %scan3A_42 : i32 to index
      %get3A_501 = arith.constant 336 : index
      %get3A_502 = tpu.vector_load %arg14[%get3A_500, %get3A_501] {strides = array<i32>} : memref<32x1024xf32, #tpu.memory_space<vmem>>, vector<1x16xf32>,
      %get3A_503 = vector.shape_cast %get3A_502 : vector<1x16xf32> to vector<16xf32>
      %mul3A_504 = arith.mulf %get3A_49, %get3A_503 : vector<16xf32>
      %add3A_505 = arith.addf %add3A_499, %mul3A_504 : vector<16xf32>
      %swap3A_506 = arith.index_cast %scan3A_42 : i32 to index
      %swap3A_507 = arith.constant 336 : index
      %swap3A_508 = tpu.vector_load %arg15[%swap3A_506, %swap3A_507] {strides = array<i32>} : memref<32x1024xf32, #tpu.memory_space<vmem>>, vector<1x16xf32>,
      %swap3A_509 = vector.shape_cast %swap3A_508 : vector<1x16xf32> to vector<16xf32>
      %swap3A_510 = vector.shape_cast %add3A_505 : vector<16xf32> to vector<1x16xf32>
      tpu.vector_store %arg15[%swap3A_506, %swap3A_507], %swap3A_510 {strides = array<i32>} : memref<32x1024xf32, #tpu.memory_space<vmem>>, vector<1x16xf32>,
      %get3A_511 = arith.index_cast %scan3A_42 : i32 to index
      %get3A_512 = arith.constant 352 : index
      %get3A_513 = tpu.vector_load %arg15[%get3A_511, %get3A_512] {strides = array<i32>} : memref<32x1024xf32, #tpu.memory_space<vmem>>, vector<1x16xf32>,
      %get3A_514 = vector.shape_cast %get3A_513 : vector<1x16xf32> to vector<16xf32>
      %get3A_515 = arith.index_cast %scan3A_42 : i32 to index
      %get3A_516 = arith.constant 352 : index
      %get3A_517 = tpu.vector_load %arg13[%get3A_515, %get3A_516] {strides = array<i32>} : memref<32x1024xf32, #tpu.memory_space<vmem>>, vector<1x16xf32>,
      %get3A_518 = vector.shape_cast %get3A_517 : vector<1x16xf32> to vector<16xf32>
      %mul3A_519 = arith.mulf %get3A_45, %get3A_518 : vector<16xf32>
      %add3A_520 = arith.addf %get3A_514, %mul3A_519 : vector<16xf32>
      %get3A_521 = arith.index_cast %scan3A_42 : i32 to index
      %get3A_522 = arith.constant 352 : index
      %get3A_523 = tpu.vector_load %arg14[%get3A_521, %get3A_522] {strides = array<i32>} : memref<32x1024xf32, #tpu.memory_space<vmem>>, vector<1x16xf32>,
      %get3A_524 = vector.shape_cast %get3A_523 : vector<1x16xf32> to vector<16xf32>
      %mul3A_525 = arith.mulf %get3A_49, %get3A_524 : vector<16xf32>
      %add3A_526 = arith.addf %add3A_520, %mul3A_525 : vector<16xf32>
      %swap3A_527 = arith.index_cast %scan3A_42 : i32 to index
      %swap3A_528 = arith.constant 352 : index
      %swap3A_529 = tpu.vector_load %arg15[%swap3A_527, %swap3A_528] {strides = array<i32>} : memref<32x1024xf32, #tpu.memory_space<vmem>>, vector<1x16xf32>,
      %swap3A_530 = vector.shape_cast %swap3A_529 : vector<1x16xf32> to vector<16xf32>
      %swap3A_531 = vector.shape_cast %add3A_526 : vector<16xf32> to vector<1x16xf32>
      tpu.vector_store %arg15[%swap3A_527, %swap3A_528], %swap3A_531 {strides = array<i32>} : memref<32x1024xf32, #tpu.memory_space<vmem>>, vector<1x16xf32>,
      %get3A_532 = arith.index_cast %scan3A_42 : i32 to index
      %get3A_533 = arith.constant 368 : index
      %get3A_534 = tpu.vector_load %arg15[%get3A_532, %get3A_533] {strides = array<i32>} : memref<32x1024xf32, #tpu.memory_space<vmem>>, vector<1x16xf32>,
      %get3A_535 = vector.shape_cast %get3A_534 : vector<1x16xf32> to vector<16xf32>
      %get3A_536 = arith.index_cast %scan3A_42 : i32 to index
      %get3A_537 = arith.constant 368 : index
      %get3A_538 = tpu.vector_load %arg13[%get3A_536, %get3A_537] {strides = array<i32>} : memref<32x1024xf32, #tpu.memory_space<vmem>>, vector<1x16xf32>,
      %get3A_539 = vector.shape_cast %get3A_538 : vector<1x16xf32> to vector<16xf32>
      %mul3A_540 = arith.mulf %get3A_45, %get3A_539 : vector<16xf32>
      %add3A_541 = arith.addf %get3A_535, %mul3A_540 : vector<16xf32>
      %get3A_542 = arith.index_cast %scan3A_42 : i32 to index
      %get3A_543 = arith.constant 368 : index
      %get3A_544 = tpu.vector_load %arg14[%get3A_542, %get3A_543] {strides = array<i32>} : memref<32x1024xf32, #tpu.memory_space<vmem>>, vector<1x16xf32>,
      %get3A_545 = vector.shape_cast %get3A_544 : vector<1x16xf32> to vector<16xf32>
      %mul3A_546 = arith.mulf %get3A_49, %get3A_545 : vector<16xf32>
      %add3A_547 = arith.addf %add3A_541, %mul3A_546 : vector<16xf32>
      %swap3A_548 = arith.index_cast %scan3A_42 : i32 to index
      %swap3A_549 = arith.constant 368 : index
      %swap3A_550 = tpu.vector_load %arg15[%swap3A_548, %swap3A_549] {strides = array<i32>} : memref<32x1024xf32, #tpu.memory_space<vmem>>, vector<1x16xf32>,
      %swap3A_551 = vector.shape_cast %swap3A_550 : vector<1x16xf32> to vector<16xf32>
      %swap3A_552 = vector.shape_cast %add3A_547 : vector<16xf32> to vector<1x16xf32>
      tpu.vector_store %arg15[%swap3A_548, %swap3A_549], %swap3A_552 {strides = array<i32>} : memref<32x1024xf32, #tpu.memory_space<vmem>>, vector<1x16xf32>,
      %get3A_553 = arith.index_cast %scan3A_42 : i32 to index
      %get3A_554 = arith.constant 384 : index
      %get3A_555 = tpu.vector_load %arg15[%get3A_553, %get3A_554] {strides = array<i32>} : memref<32x1024xf32, #tpu.memory_space<vmem>>, vector<1x16xf32>,
      %get3A_556 = vector.shape_cast %get3A_555 : vector<1x16xf32> to vector<16xf32>
      %get3A_557 = arith.index_cast %scan3A_42 : i32 to index
      %get3A_558 = arith.constant 384 : index
      %get3A_559 = tpu.vector_load %arg13[%get3A_557, %get3A_558] {strides = array<i32>} : memref<32x1024xf32, #tpu.memory_space<vmem>>, vector<1x16xf32>,
      %get3A_560 = vector.shape_cast %get3A_559 : vector<1x16xf32> to vector<16xf32>
      %mul3A_561 = arith.mulf %get3A_45, %get3A_560 : vector<16xf32>
      %add3A_562 = arith.addf %get3A_556, %mul3A_561 : vector<16xf32>
      %get3A_563 = arith.index_cast %scan3A_42 : i32 to index
      %get3A_564 = arith.constant 384 : index
      %get3A_565 = tpu.vector_load %arg14[%get3A_563, %get3A_564] {strides = array<i32>} : memref<32x1024xf32, #tpu.memory_space<vmem>>, vector<1x16xf32>,
      %get3A_566 = vector.shape_cast %get3A_565 : vector<1x16xf32> to vector<16xf32>
      %mul3A_567 = arith.mulf %get3A_49, %get3A_566 : vector<16xf32>
      %add3A_568 = arith.addf %add3A_562, %mul3A_567 : vector<16xf32>
      %swap3A_569 = arith.index_cast %scan3A_42 : i32 to index
      %swap3A_570 = arith.constant 384 : index
      %swap3A_571 = tpu.vector_load %arg15[%swap3A_569, %swap3A_570] {strides = array<i32>} : memref<32x1024xf32, #tpu.memory_space<vmem>>, vector<1x16xf32>,
      %swap3A_572 = vector.shape_cast %swap3A_571 : vector<1x16xf32> to vector<16xf32>
      %swap3A_573 = vector.shape_cast %add3A_568 : vector<16xf32> to vector<1x16xf32>
      tpu.vector_store %arg15[%swap3A_569, %swap3A_570], %swap3A_573 {strides = array<i32>} : memref<32x1024xf32, #tpu.memory_space<vmem>>, vector<1x16xf32>,
      %get3A_574 = arith.index_cast %scan3A_42 : i32 to index
      %get3A_575 = arith.constant 400 : index
      %get3A_576 = tpu.vector_load %arg15[%get3A_574, %get3A_575] {strides = array<i32>} : memref<32x1024xf32, #tpu.memory_space<vmem>>, vector<1x16xf32>,
      %get3A_577 = vector.shape_cast %get3A_576 : vector<1x16xf32> to vector<16xf32>
      %get3A_578 = arith.index_cast %scan3A_42 : i32 to index
      %get3A_579 = arith.constant 400 : index
      %get3A_580 = tpu.vector_load %arg13[%get3A_578, %get3A_579] {strides = array<i32>} : memref<32x1024xf32, #tpu.memory_space<vmem>>, vector<1x16xf32>,
      %get3A_581 = vector.shape_cast %get3A_580 : vector<1x16xf32> to vector<16xf32>
      %mul3A_582 = arith.mulf %get3A_45, %get3A_581 : vector<16xf32>
      %add3A_583 = arith.addf %get3A_577, %mul3A_582 : vector<16xf32>
      %get3A_584 = arith.index_cast %scan3A_42 : i32 to index
      %get3A_585 = arith.constant 400 : index
      %get3A_586 = tpu.vector_load %arg14[%get3A_584, %get3A_585] {strides = array<i32>} : memref<32x1024xf32, #tpu.memory_space<vmem>>, vector<1x16xf32>,
      %get3A_587 = vector.shape_cast %get3A_586 : vector<1x16xf32> to vector<16xf32>
      %mul3A_588 = arith.mulf %get3A_49, %get3A_587 : vector<16xf32>
      %add3A_589 = arith.addf %add3A_583, %mul3A_588 : vector<16xf32>
      %swap3A_590 = arith.index_cast %scan3A_42 : i32 to index
      %swap3A_591 = arith.constant 400 : index
      %swap3A_592 = tpu.vector_load %arg15[%swap3A_590, %swap3A_591] {strides = array<i32>} : memref<32x1024xf32, #tpu.memory_space<vmem>>, vector<1x16xf32>,
      %swap3A_593 = vector.shape_cast %swap3A_592 : vector<1x16xf32> to vector<16xf32>
      %swap3A_594 = vector.shape_cast %add3A_589 : vector<16xf32> to vector<1x16xf32>
      tpu.vector_store %arg15[%swap3A_590, %swap3A_591], %swap3A_594 {strides = array<i32>} : memref<32x1024xf32, #tpu.memory_space<vmem>>, vector<1x16xf32>,
      %get3A_595 = arith.index_cast %scan3A_42 : i32 to index
      %get3A_596 = arith.constant 416 : index
      %get3A_597 = tpu.vector_load %arg15[%get3A_595, %get3A_596] {strides = array<i32>} : memref<32x1024xf32, #tpu.memory_space<vmem>>, vector<1x16xf32>,
      %get3A_598 = vector.shape_cast %get3A_597 : vector<1x16xf32> to vector<16xf32>
      %get3A_599 = arith.index_cast %scan3A_42 : i32 to index
      %get3A_600 = arith.constant 416 : index
      %get3A_601 = tpu.vector_load %arg13[%get3A_599, %get3A_600] {strides = array<i32>} : memref<32x1024xf32, #tpu.memory_space<vmem>>, vector<1x16xf32>,
      %get3A_602 = vector.shape_cast %get3A_601 : vector<1x16xf32> to vector<16xf32>
      %mul3A_603 = arith.mulf %get3A_45, %get3A_602 : vector<16xf32>
      %add3A_604 = arith.addf %get3A_598, %mul3A_603 : vector<16xf32>
      %get3A_605 = arith.index_cast %scan3A_42 : i32 to index
      %get3A_606 = arith.constant 416 : index
      %get3A_607 = tpu.vector_load %arg14[%get3A_605, %get3A_606] {strides = array<i32>} : memref<32x1024xf32, #tpu.memory_space<vmem>>, vector<1x16xf32>,
      %get3A_608 = vector.shape_cast %get3A_607 : vector<1x16xf32> to vector<16xf32>
      %mul3A_609 = arith.mulf %get3A_49, %get3A_608 : vector<16xf32>
      %add3A_610 = arith.addf %add3A_604, %mul3A_609 : vector<16xf32>
      %swap3A_611 = arith.index_cast %scan3A_42 : i32 to index
      %swap3A_612 = arith.constant 416 : index
      %swap3A_613 = tpu.vector_load %arg15[%swap3A_611, %swap3A_612] {strides = array<i32>} : memref<32x1024xf32, #tpu.memory_space<vmem>>, vector<1x16xf32>,
      %swap3A_614 = vector.shape_cast %swap3A_613 : vector<1x16xf32> to vector<16xf32>
      %swap3A_615 = vector.shape_cast %add3A_610 : vector<16xf32> to vector<1x16xf32>
      tpu.vector_store %arg15[%swap3A_611, %swap3A_612], %swap3A_615 {strides = array<i32>} : memref<32x1024xf32, #tpu.memory_space<vmem>>, vector<1x16xf32>,
      %get3A_616 = arith.index_cast %scan3A_42 : i32 to index
      %get3A_617 = arith.constant 432 : index
      %get3A_618 = tpu.vector_load %arg15[%get3A_616, %get3A_617] {strides = array<i32>} : memref<32x1024xf32, #tpu.memory_space<vmem>>, vector<1x16xf32>,
      %get3A_619 = vector.shape_cast %get3A_618 : vector<1x16xf32> to vector<16xf32>
      %get3A_620 = arith.index_cast %scan3A_42 : i32 to index
      %get3A_621 = arith.constant 432 : index
      %get3A_622 = tpu.vector_load %arg13[%get3A_620, %get3A_621] {strides = array<i32>} : memref<32x1024xf32, #tpu.memory_space<vmem>>, vector<1x16xf32>,
      %get3A_623 = vector.shape_cast %get3A_622 : vector<1x16xf32> to vector<16xf32>
      %mul3A_624 = arith.mulf %get3A_45, %get3A_623 : vector<16xf32>
      %add3A_625 = arith.addf %get3A_619, %mul3A_624 : vector<16xf32>
      %get3A_626 = arith.index_cast %scan3A_42 : i32 to index
      %get3A_627 = arith.constant 432 : index
      %get3A_628 = tpu.vector_load %arg14[%get3A_626, %get3A_627] {strides = array<i32>} : memref<32x1024xf32, #tpu.memory_space<vmem>>, vector<1x16xf32>,
      %get3A_629 = vector.shape_cast %get3A_628 : vector<1x16xf32> to vector<16xf32>
      %mul3A_630 = arith.mulf %get3A_49, %get3A_629 : vector<16xf32>
      %add3A_631 = arith.addf %add3A_625, %mul3A_630 : vector<16xf32>
      %swap3A_632 = arith.index_cast %scan3A_42 : i32 to index
      %swap3A_633 = arith.constant 432 : index
      %swap3A_634 = tpu.vector_load %arg15[%swap3A_632, %swap3A_633] {strides = array<i32>} : memref<32x1024xf32, #tpu.memory_space<vmem>>, vector<1x16xf32>,
      %swap3A_635 = vector.shape_cast %swap3A_634 : vector<1x16xf32> to vector<16xf32>
      %swap3A_636 = vector.shape_cast %add3A_631 : vector<16xf32> to vector<1x16xf32>
      tpu.vector_store %arg15[%swap3A_632, %swap3A_633], %swap3A_636 {strides = array<i32>} : memref<32x1024xf32, #tpu.memory_space<vmem>>, vector<1x16xf32>,
      %get3A_637 = arith.index_cast %scan3A_42 : i32 to index
      %get3A_638 = arith.constant 448 : index
      %get3A_639 = tpu.vector_load %arg15[%get3A_637, %get3A_638] {strides = array<i32>} : memref<32x1024xf32, #tpu.memory_space<vmem>>, vector<1x16xf32>,
      %get3A_640 = vector.shape_cast %get3A_639 : vector<1x16xf32> to vector<16xf32>
      %get3A_641 = arith.index_cast %scan3A_42 : i32 to index
      %get3A_642 = arith.constant 448 : index
      %get3A_643 = tpu.vector_load %arg13[%get3A_641, %get3A_642] {strides = array<i32>} : memref<32x1024xf32, #tpu.memory_space<vmem>>, vector<1x16xf32>,
      %get3A_644 = vector.shape_cast %get3A_643 : vector<1x16xf32> to vector<16xf32>
      %mul3A_645 = arith.mulf %get3A_45, %get3A_644 : vector<16xf32>
      %add3A_646 = arith.addf %get3A_640, %mul3A_645 : vector<16xf32>
      %get3A_647 = arith.index_cast %scan3A_42 : i32 to index
      %get3A_648 = arith.constant 448 : index
      %get3A_649 = tpu.vector_load %arg14[%get3A_647, %get3A_648] {strides = array<i32>} : memref<32x1024xf32, #tpu.memory_space<vmem>>, vector<1x16xf32>,
      %get3A_650 = vector.shape_cast %get3A_649 : vector<1x16xf32> to vector<16xf32>
      %mul3A_651 = arith.mulf %get3A_49, %get3A_650 : vector<16xf32>
      %add3A_652 = arith.addf %add3A_646, %mul3A_651 : vector<16xf32>
      %swap3A_653 = arith.index_cast %scan3A_42 : i32 to index
      %swap3A_654 = arith.constant 448 : index
      %swap3A_655 = tpu.vector_load %arg15[%swap3A_653, %swap3A_654] {strides = array<i32>} : memref<32x1024xf32, #tpu.memory_space<vmem>>, vector<1x16xf32>,
      %swap3A_656 = vector.shape_cast %swap3A_655 : vector<1x16xf32> to vector<16xf32>
      %swap3A_657 = vector.shape_cast %add3A_652 : vector<16xf32> to vector<1x16xf32>
      tpu.vector_store %arg15[%swap3A_653, %swap3A_654], %swap3A_657 {strides = array<i32>} : memref<32x1024xf32, #tpu.memory_space<vmem>>, vector<1x16xf32>,
      %get3A_658 = arith.index_cast %scan3A_42 : i32 to index
      %get3A_659 = arith.constant 464 : index
      %get3A_660 = tpu.vector_load %arg15[%get3A_658, %get3A_659] {strides = array<i32>} : memref<32x1024xf32, #tpu.memory_space<vmem>>, vector<1x16xf32>,
      %get3A_661 = vector.shape_cast %get3A_660 : vector<1x16xf32> to vector<16xf32>
      %get3A_662 = arith.index_cast %scan3A_42 : i32 to index
      %get3A_663 = arith.constant 464 : index
      %get3A_664 = tpu.vector_load %arg13[%get3A_662, %get3A_663] {strides = array<i32>} : memref<32x1024xf32, #tpu.memory_space<vmem>>, vector<1x16xf32>,
      %get3A_665 = vector.shape_cast %get3A_664 : vector<1x16xf32> to vector<16xf32>
      %mul3A_666 = arith.mulf %get3A_45, %get3A_665 : vector<16xf32>
      %add3A_667 = arith.addf %get3A_661, %mul3A_666 : vector<16xf32>
      %get3A_668 = arith.index_cast %scan3A_42 : i32 to index
      %get3A_669 = arith.constant 464 : index
      %get3A_670 = tpu.vector_load %arg14[%get3A_668, %get3A_669] {strides = array<i32>} : memref<32x1024xf32, #tpu.memory_space<vmem>>, vector<1x16xf32>,
      %get3A_671 = vector.shape_cast %get3A_670 : vector<1x16xf32> to vector<16xf32>
      %mul3A_672 = arith.mulf %get3A_49, %get3A_671 : vector<16xf32>
      %add3A_673 = arith.addf %add3A_667, %mul3A_672 : vector<16xf32>
      %swap3A_674 = arith.index_cast %scan3A_42 : i32 to index
      %swap3A_675 = arith.constant 464 : index
      %swap3A_676 = tpu.vector_load %arg15[%swap3A_674, %swap3A_675] {strides = array<i32>} : memref<32x1024xf32, #tpu.memory_space<vmem>>, vector<1x16xf32>,
      %swap3A_677 = vector.shape_cast %swap3A_676 : vector<1x16xf32> to vector<16xf32>
      %swap3A_678 = vector.shape_cast %add3A_673 : vector<16xf32> to vector<1x16xf32>
      tpu.vector_store %arg15[%swap3A_674, %swap3A_675], %swap3A_678 {strides = array<i32>} : memref<32x1024xf32, #tpu.memory_space<vmem>>, vector<1x16xf32>,
      %get3A_679 = arith.index_cast %scan3A_42 : i32 to index
      %get3A_680 = arith.constant 480 : index
      %get3A_681 = tpu.vector_load %arg15[%get3A_679, %get3A_680] {strides = array<i32>} : memref<32x1024xf32, #tpu.memory_space<vmem>>, vector<1x16xf32>,
      %get3A_682 = vector.shape_cast %get3A_681 : vector<1x16xf32> to vector<16xf32>
      %get3A_683 = arith.index_cast %scan3A_42 : i32 to index
      %get3A_684 = arith.constant 480 : index
      %get3A_685 = tpu.vector_load %arg13[%get3A_683, %get3A_684] {strides = array<i32>} : memref<32x1024xf32, #tpu.memory_space<vmem>>, vector<1x16xf32>,
      %get3A_686 = vector.shape_cast %get3A_685 : vector<1x16xf32> to vector<16xf32>
      %mul3A_687 = arith.mulf %get3A_45, %get3A_686 : vector<16xf32>
      %add3A_688 = arith.addf %get3A_682, %mul3A_687 : vector<16xf32>
      %get3A_689 = arith.index_cast %scan3A_42 : i32 to index
      %get3A_690 = arith.constant 480 : index
      %get3A_691 = tpu.vector_load %arg14[%get3A_689, %get3A_690] {strides = array<i32>} : memref<32x1024xf32, #tpu.memory_space<vmem>>, vector<1x16xf32>,
      %get3A_692 = vector.shape_cast %get3A_691 : vector<1x16xf32> to vector<16xf32>
      %mul3A_693 = arith.mulf %get3A_49, %get3A_692 : vector<16xf32>
      %add3A_694 = arith.addf %add3A_688, %mul3A_693 : vector<16xf32>
      %swap3A_695 = arith.index_cast %scan3A_42 : i32 to index
      %swap3A_696 = arith.constant 480 : index
      %swap3A_697 = tpu.vector_load %arg15[%swap3A_695, %swap3A_696] {strides = array<i32>} : memref<32x1024xf32, #tpu.memory_space<vmem>>, vector<1x16xf32>,
      %swap3A_698 = vector.shape_cast %swap3A_697 : vector<1x16xf32> to vector<16xf32>
      %swap3A_699 = vector.shape_cast %add3A_694 : vector<16xf32> to vector<1x16xf32>
      tpu.vector_store %arg15[%swap3A_695, %swap3A_696], %swap3A_699 {strides = array<i32>} : memref<32x1024xf32, #tpu.memory_space<vmem>>, vector<1x16xf32>,
      %get3A_700 = arith.index_cast %scan3A_42 : i32 to index
      %get3A_701 = arith.constant 496 : index
      %get3A_702 = tpu.vector_load %arg15[%get3A_700, %get3A_701] {strides = array<i32>} : memref<32x1024xf32, #tpu.memory_space<vmem>>, vector<1x16xf32>,
      %get3A_703 = vector.shape_cast %get3A_702 : vector<1x16xf32> to vector<16xf32>
      %get3A_704 = arith.index_cast %scan3A_42 : i32 to index
      %get3A_705 = arith.constant 496 : index
      %get3A_706 = tpu.vector_load %arg13[%get3A_704, %get3A_705] {strides = array<i32>} : memref<32x1024xf32, #tpu.memory_space<vmem>>, vector<1x16xf32>,
      %get3A_707 = vector.shape_cast %get3A_706 : vector<1x16xf32> to vector<16xf32>
      %mul3A_708 = arith.mulf %get3A_45, %get3A_707 : vector<16xf32>
      %add3A_709 = arith.addf %get3A_703, %mul3A_708 : vector<16xf32>
      %get3A_710 = arith.index_cast %scan3A_42 : i32 to index
      %get3A_711 = arith.constant 496 : index
      %get3A_712 = tpu.vector_load %arg14[%get3A_710, %get3A_711] {strides = array<i32>} : memref<32x1024xf32, #tpu.memory_space<vmem>>, vector<1x16xf32>,
      %get3A_713 = vector.shape_cast %get3A_712 : vector<1x16xf32> to vector<16xf32>
      %mul3A_714 = arith.mulf %get3A_49, %get3A_713 : vector<16xf32>
      %add3A_715 = arith.addf %add3A_709, %mul3A_714 : vector<16xf32>
      %swap3A_716 = arith.index_cast %scan3A_42 : i32 to index
      %swap3A_717 = arith.constant 496 : index
      %swap3A_718 = tpu.vector_load %arg15[%swap3A_716, %swap3A_717] {strides = array<i32>} : memref<32x1024xf32, #tpu.memory_space<vmem>>, vector<1x16xf32>,
      %swap3A_719 = vector.shape_cast %swap3A_718 : vector<1x16xf32> to vector<16xf32>
      %swap3A_720 = vector.shape_cast %add3A_715 : vector<16xf32> to vector<1x16xf32>
      tpu.vector_store %arg15[%swap3A_716, %swap3A_717], %swap3A_720 {strides = array<i32>} : memref<32x1024xf32, #tpu.memory_space<vmem>>, vector<1x16xf32>,
      %get3A_721 = arith.index_cast %scan3A_42 : i32 to index
      %get3A_722 = arith.constant 512 : index
      %get3A_723 = tpu.vector_load %arg15[%get3A_721, %get3A_722] {strides = array<i32>} : memref<32x1024xf32, #tpu.memory_space<vmem>>, vector<1x16xf32>,
      %get3A_724 = vector.shape_cast %get3A_723 : vector<1x16xf32> to vector<16xf32>
      %get3A_725 = arith.index_cast %scan3A_42 : i32 to index
      %get3A_726 = arith.constant 512 : index
      %get3A_727 = tpu.vector_load %arg13[%get3A_725, %get3A_726] {strides = array<i32>} : memref<32x1024xf32, #tpu.memory_space<vmem>>, vector<1x16xf32>,
      %get3A_728 = vector.shape_cast %get3A_727 : vector<1x16xf32> to vector<16xf32>
      %mul3A_729 = arith.mulf %get3A_45, %get3A_728 : vector<16xf32>
      %add3A_730 = arith.addf %get3A_724, %mul3A_729 : vector<16xf32>
      %get3A_731 = arith.index_cast %scan3A_42 : i32 to index
      %get3A_732 = arith.constant 512 : index
      %get3A_733 = tpu.vector_load %arg14[%get3A_731, %get3A_732] {strides = array<i32>} : memref<32x1024xf32, #tpu.memory_space<vmem>>, vector<1x16xf32>,
      %get3A_734 = vector.shape_cast %get3A_733 : vector<1x16xf32> to vector<16xf32>
      %mul3A_735 = arith.mulf %get3A_49, %get3A_734 : vector<16xf32>
      %add3A_736 = arith.addf %add3A_730, %mul3A_735 : vector<16xf32>
      %swap3A_737 = arith.index_cast %scan3A_42 : i32 to index
      %swap3A_738 = arith.constant 512 : index
      %swap3A_739 = tpu.vector_load %arg15[%swap3A_737, %swap3A_738] {strides = array<i32>} : memref<32x1024xf32, #tpu.memory_space<vmem>>, vector<1x16xf32>,
      %swap3A_740 = vector.shape_cast %swap3A_739 : vector<1x16xf32> to vector<16xf32>
      %swap3A_741 = vector.shape_cast %add3A_736 : vector<16xf32> to vector<1x16xf32>
      tpu.vector_store %arg15[%swap3A_737, %swap3A_738], %swap3A_741 {strides = array<i32>} : memref<32x1024xf32, #tpu.memory_space<vmem>>, vector<1x16xf32>,
      %get3A_742 = arith.index_cast %scan3A_42 : i32 to index
      %get3A_743 = arith.constant 528 : index
      %get3A_744 = tpu.vector_load %arg15[%get3A_742, %get3A_743] {strides = array<i32>} : memref<32x1024xf32, #tpu.memory_space<vmem>>, vector<1x16xf32>,
      %get3A_745 = vector.shape_cast %get3A_744 : vector<1x16xf32> to vector<16xf32>
      %get3A_746 = arith.index_cast %scan3A_42 : i32 to index
      %get3A_747 = arith.constant 528 : index
      %get3A_748 = tpu.vector_load %arg13[%get3A_746, %get3A_747] {strides = array<i32>} : memref<32x1024xf32, #tpu.memory_space<vmem>>, vector<1x16xf32>,
      %get3A_749 = vector.shape_cast %get3A_748 : vector<1x16xf32> to vector<16xf32>
      %mul3A_750 = arith.mulf %get3A_45, %get3A_749 : vector<16xf32>
      %add3A_751 = arith.addf %get3A_745, %mul3A_750 : vector<16xf32>
      %get3A_752 = arith.index_cast %scan3A_42 : i32 to index
      %get3A_753 = arith.constant 528 : index
      %get3A_754 = tpu.vector_load %arg14[%get3A_752, %get3A_753] {strides = array<i32>} : memref<32x1024xf32, #tpu.memory_space<vmem>>, vector<1x16xf32>,
      %get3A_755 = vector.shape_cast %get3A_754 : vector<1x16xf32> to vector<16xf32>
      %mul3A_756 = arith.mulf %get3A_49, %get3A_755 : vector<16xf32>
      %add3A_757 = arith.addf %add3A_751, %mul3A_756 : vector<16xf32>
      %swap3A_758 = arith.index_cast %scan3A_42 : i32 to index
      %swap3A_759 = arith.constant 528 : index
      %swap3A_760 = tpu.vector_load %arg15[%swap3A_758, %swap3A_759] {strides = array<i32>} : memref<32x1024xf32, #tpu.memory_space<vmem>>, vector<1x16xf32>,
      %swap3A_761 = vector.shape_cast %swap3A_760 : vector<1x16xf32> to vector<16xf32>
      %swap3A_762 = vector.shape_cast %add3A_757 : vector<16xf32> to vector<1x16xf32>
      tpu.vector_store %arg15[%swap3A_758, %swap3A_759], %swap3A_762 {strides = array<i32>} : memref<32x1024xf32, #tpu.memory_space<vmem>>, vector<1x16xf32>,
      %get3A_763 = arith.index_cast %scan3A_42 : i32 to index
      %get3A_764 = arith.constant 544 : index
      %get3A_765 = tpu.vector_load %arg15[%get3A_763, %get3A_764] {strides = array<i32>} : memref<32x1024xf32, #tpu.memory_space<vmem>>, vector<1x16xf32>,
      %get3A_766 = vector.shape_cast %get3A_765 : vector<1x16xf32> to vector<16xf32>
      %get3A_767 = arith.index_cast %scan3A_42 : i32 to index
      %get3A_768 = arith.constant 544 : index
      %get3A_769 = tpu.vector_load %arg13[%get3A_767, %get3A_768] {strides = array<i32>} : memref<32x1024xf32, #tpu.memory_space<vmem>>, vector<1x16xf32>,
      %get3A_770 = vector.shape_cast %get3A_769 : vector<1x16xf32> to vector<16xf32>
      %mul3A_771 = arith.mulf %get3A_45, %get3A_770 : vector<16xf32>
      %add3A_772 = arith.addf %get3A_766, %mul3A_771 : vector<16xf32>
      %get3A_773 = arith.index_cast %scan3A_42 : i32 to index
      %get3A_774 = arith.constant 544 : index
      %get3A_775 = tpu.vector_load %arg14[%get3A_773, %get3A_774] {strides = array<i32>} : memref<32x1024xf32, #tpu.memory_space<vmem>>, vector<1x16xf32>,
      %get3A_776 = vector.shape_cast %get3A_775 : vector<1x16xf32> to vector<16xf32>
      %mul3A_777 = arith.mulf %get3A_49, %get3A_776 : vector<16xf32>
      %add3A_778 = arith.addf %add3A_772, %mul3A_777 : vector<16xf32>
      %swap3A_779 = arith.index_cast %scan3A_42 : i32 to index
      %swap3A_780 = arith.constant 544 : index
      %swap3A_781 = tpu.vector_load %arg15[%swap3A_779, %swap3A_780] {strides = array<i32>} : memref<32x1024xf32, #tpu.memory_space<vmem>>, vector<1x16xf32>,
      %swap3A_782 = vector.shape_cast %swap3A_781 : vector<1x16xf32> to vector<16xf32>
      %swap3A_783 = vector.shape_cast %add3A_778 : vector<16xf32> to vector<1x16xf32>
      tpu.vector_store %arg15[%swap3A_779, %swap3A_780], %swap3A_783 {strides = array<i32>} : memref<32x1024xf32, #tpu.memory_space<vmem>>, vector<1x16xf32>,
      %get3A_784 = arith.index_cast %scan3A_42 : i32 to index
      %get3A_785 = arith.constant 560 : index
      %get3A_786 = tpu.vector_load %arg15[%get3A_784, %get3A_785] {strides = array<i32>} : memref<32x1024xf32, #tpu.memory_space<vmem>>, vector<1x16xf32>,
      %get3A_787 = vector.shape_cast %get3A_786 : vector<1x16xf32> to vector<16xf32>
      %get3A_788 = arith.index_cast %scan3A_42 : i32 to index
      %get3A_789 = arith.constant 560 : index
      %get3A_790 = tpu.vector_load %arg13[%get3A_788, %get3A_789] {strides = array<i32>} : memref<32x1024xf32, #tpu.memory_space<vmem>>, vector<1x16xf32>,
      %get3A_791 = vector.shape_cast %get3A_790 : vector<1x16xf32> to vector<16xf32>
      %mul3A_792 = arith.mulf %get3A_45, %get3A_791 : vector<16xf32>
      %add3A_793 = arith.addf %get3A_787, %mul3A_792 : vector<16xf32>
      %get3A_794 = arith.index_cast %scan3A_42 : i32 to index
      %get3A_795 = arith.constant 560 : index
      %get3A_796 = tpu.vector_load %arg14[%get3A_794, %get3A_795] {strides = array<i32>} : memref<32x1024xf32, #tpu.memory_space<vmem>>, vector<1x16xf32>,
      %get3A_797 = vector.shape_cast %get3A_796 : vector<1x16xf32> to vector<16xf32>
      %mul3A_798 = arith.mulf %get3A_49, %get3A_797 : vector<16xf32>
      %add3A_799 = arith.addf %add3A_793, %mul3A_798 : vector<16xf32>
      %swap3A_800 = arith.index_cast %scan3A_42 : i32 to index
      %swap3A_801 = arith.constant 560 : index
      %swap3A_802 = tpu.vector_load %arg15[%swap3A_800, %swap3A_801] {strides = array<i32>} : memref<32x1024xf32, #tpu.memory_space<vmem>>, vector<1x16xf32>,
      %swap3A_803 = vector.shape_cast %swap3A_802 : vector<1x16xf32> to vector<16xf32>
      %swap3A_804 = vector.shape_cast %add3A_799 : vector<16xf32> to vector<1x16xf32>
      tpu.vector_store %arg15[%swap3A_800, %swap3A_801], %swap3A_804 {strides = array<i32>} : memref<32x1024xf32, #tpu.memory_space<vmem>>, vector<1x16xf32>,
      %get3A_805 = arith.index_cast %scan3A_42 : i32 to index
      %get3A_806 = arith.constant 576 : index
      %get3A_807 = tpu.vector_load %arg15[%get3A_805, %get3A_806] {strides = array<i32>} : memref<32x1024xf32, #tpu.memory_space<vmem>>, vector<1x16xf32>,
      %get3A_808 = vector.shape_cast %get3A_807 : vector<1x16xf32> to vector<16xf32>
      %get3A_809 = arith.index_cast %scan3A_42 : i32 to index
      %get3A_810 = arith.constant 576 : index
      %get3A_811 = tpu.vector_load %arg13[%get3A_809, %get3A_810] {strides = array<i32>} : memref<32x1024xf32, #tpu.memory_space<vmem>>, vector<1x16xf32>,
      %get3A_812 = vector.shape_cast %get3A_811 : vector<1x16xf32> to vector<16xf32>
      %mul3A_813 = arith.mulf %get3A_45, %get3A_812 : vector<16xf32>
      %add3A_814 = arith.addf %get3A_808, %mul3A_813 : vector<16xf32>
      %get3A_815 = arith.index_cast %scan3A_42 : i32 to index
      %get3A_816 = arith.constant 576 : index
      %get3A_817 = tpu.vector_load %arg14[%get3A_815, %get3A_816] {strides = array<i32>} : memref<32x1024xf32, #tpu.memory_space<vmem>>, vector<1x16xf32>,
      %get3A_818 = vector.shape_cast %get3A_817 : vector<1x16xf32> to vector<16xf32>
      %mul3A_819 = arith.mulf %get3A_49, %get3A_818 : vector<16xf32>
      %add3A_820 = arith.addf %add3A_814, %mul3A_819 : vector<16xf32>
      %swap3A_821 = arith.index_cast %scan3A_42 : i32 to index
      %swap3A_822 = arith.constant 576 : index
      %swap3A_823 = tpu.vector_load %arg15[%swap3A_821, %swap3A_822] {strides = array<i32>} : memref<32x1024xf32, #tpu.memory_space<vmem>>, vector<1x16xf32>,
      %swap3A_824 = vector.shape_cast %swap3A_823 : vector<1x16xf32> to vector<16xf32>
      %swap3A_825 = vector.shape_cast %add3A_820 : vector<16xf32> to vector<1x16xf32>
      tpu.vector_store %arg15[%swap3A_821, %swap3A_822], %swap3A_825 {strides = array<i32>} : memref<32x1024xf32, #tpu.memory_space<vmem>>, vector<1x16xf32>,
      %get3A_826 = arith.index_cast %scan3A_42 : i32 to index
      %get3A_827 = arith.constant 592 : index
      %get3A_828 = tpu.vector_load %arg15[%get3A_826, %get3A_827] {strides = array<i32>} : memref<32x1024xf32, #tpu.memory_space<vmem>>, vector<1x16xf32>,
      %get3A_829 = vector.shape_cast %get3A_828 : vector<1x16xf32> to vector<16xf32>
      %get3A_830 = arith.index_cast %scan3A_42 : i32 to index
      %get3A_831 = arith.constant 592 : index
      %get3A_832 = tpu.vector_load %arg13[%get3A_830, %get3A_831] {strides = array<i32>} : memref<32x1024xf32, #tpu.memory_space<vmem>>, vector<1x16xf32>,
      %get3A_833 = vector.shape_cast %get3A_832 : vector<1x16xf32> to vector<16xf32>
      %mul3A_834 = arith.mulf %get3A_45, %get3A_833 : vector<16xf32>
      %add3A_835 = arith.addf %get3A_829, %mul3A_834 : vector<16xf32>
      %get3A_836 = arith.index_cast %scan3A_42 : i32 to index
      %get3A_837 = arith.constant 592 : index
      %get3A_838 = tpu.vector_load %arg14[%get3A_836, %get3A_837] {strides = array<i32>} : memref<32x1024xf32, #tpu.memory_space<vmem>>, vector<1x16xf32>,
      %get3A_839 = vector.shape_cast %get3A_838 : vector<1x16xf32> to vector<16xf32>
      %mul3A_840 = arith.mulf %get3A_49, %get3A_839 : vector<16xf32>
      %add3A_841 = arith.addf %add3A_835, %mul3A_840 : vector<16xf32>
      %swap3A_842 = arith.index_cast %scan3A_42 : i32 to index
      %swap3A_843 = arith.constant 592 : index
      %swap3A_844 = tpu.vector_load %arg15[%swap3A_842, %swap3A_843] {strides = array<i32>} : memref<32x1024xf32, #tpu.memory_space<vmem>>, vector<1x16xf32>,
      %swap3A_845 = vector.shape_cast %swap3A_844 : vector<1x16xf32> to vector<16xf32>
      %swap3A_846 = vector.shape_cast %add3A_841 : vector<16xf32> to vector<1x16xf32>
      tpu.vector_store %arg15[%swap3A_842, %swap3A_843], %swap3A_846 {strides = array<i32>} : memref<32x1024xf32, #tpu.memory_space<vmem>>, vector<1x16xf32>,
      %get3A_847 = arith.index_cast %scan3A_42 : i32 to index
      %get3A_848 = arith.constant 608 : index
      %get3A_849 = tpu.vector_load %arg15[%get3A_847, %get3A_848] {strides = array<i32>} : memref<32x1024xf32, #tpu.memory_space<vmem>>, vector<1x16xf32>,
      %get3A_850 = vector.shape_cast %get3A_849 : vector<1x16xf32> to vector<16xf32>
      %get3A_851 = arith.index_cast %scan3A_42 : i32 to index
      %get3A_852 = arith.constant 608 : index
      %get3A_853 = tpu.vector_load %arg13[%get3A_851, %get3A_852] {strides = array<i32>} : memref<32x1024xf32, #tpu.memory_space<vmem>>, vector<1x16xf32>,
      %get3A_854 = vector.shape_cast %get3A_853 : vector<1x16xf32> to vector<16xf32>
      %mul3A_855 = arith.mulf %get3A_45, %get3A_854 : vector<16xf32>
      %add3A_856 = arith.addf %get3A_850, %mul3A_855 : vector<16xf32>
      %get3A_857 = arith.index_cast %scan3A_42 : i32 to index
      %get3A_858 = arith.constant 608 : index
      %get3A_859 = tpu.vector_load %arg14[%get3A_857, %get3A_858] {strides = array<i32>} : memref<32x1024xf32, #tpu.memory_space<vmem>>, vector<1x16xf32>,
      %get3A_860 = vector.shape_cast %get3A_859 : vector<1x16xf32> to vector<16xf32>
      %mul3A_861 = arith.mulf %get3A_49, %get3A_860 : vector<16xf32>
      %add3A_862 = arith.addf %add3A_856, %mul3A_861 : vector<16xf32>
      %swap3A_863 = arith.index_cast %scan3A_42 : i32 to index
      %swap3A_864 = arith.constant 608 : index
      %swap3A_865 = tpu.vector_load %arg15[%swap3A_863, %swap3A_864] {strides = array<i32>} : memref<32x1024xf32, #tpu.memory_space<vmem>>, vector<1x16xf32>,
      %swap3A_866 = vector.shape_cast %swap3A_865 : vector<1x16xf32> to vector<16xf32>
      %swap3A_867 = vector.shape_cast %add3A_862 : vector<16xf32> to vector<1x16xf32>
      tpu.vector_store %arg15[%swap3A_863, %swap3A_864], %swap3A_867 {strides = array<i32>} : memref<32x1024xf32, #tpu.memory_space<vmem>>, vector<1x16xf32>,
      %get3A_868 = arith.index_cast %scan3A_42 : i32 to index
      %get3A_869 = arith.constant 624 : index
      %get3A_870 = tpu.vector_load %arg15[%get3A_868, %get3A_869] {strides = array<i32>} : memref<32x1024xf32, #tpu.memory_space<vmem>>, vector<1x16xf32>,
      %get3A_871 = vector.shape_cast %get3A_870 : vector<1x16xf32> to vector<16xf32>
      %get3A_872 = arith.index_cast %scan3A_42 : i32 to index
      %get3A_873 = arith.constant 624 : index
      %get3A_874 = tpu.vector_load %arg13[%get3A_872, %get3A_873] {strides = array<i32>} : memref<32x1024xf32, #tpu.memory_space<vmem>>, vector<1x16xf32>,
      %get3A_875 = vector.shape_cast %get3A_874 : vector<1x16xf32> to vector<16xf32>
      %mul3A_876 = arith.mulf %get3A_45, %get3A_875 : vector<16xf32>
      %add3A_877 = arith.addf %get3A_871, %mul3A_876 : vector<16xf32>
      %get3A_878 = arith.index_cast %scan3A_42 : i32 to index
      %get3A_879 = arith.constant 624 : index
      %get3A_880 = tpu.vector_load %arg14[%get3A_878, %get3A_879] {strides = array<i32>} : memref<32x1024xf32, #tpu.memory_space<vmem>>, vector<1x16xf32>,
      %get3A_881 = vector.shape_cast %get3A_880 : vector<1x16xf32> to vector<16xf32>
      %mul3A_882 = arith.mulf %get3A_49, %get3A_881 : vector<16xf32>
      %add3A_883 = arith.addf %add3A_877, %mul3A_882 : vector<16xf32>
      %swap3A_884 = arith.index_cast %scan3A_42 : i32 to index
      %swap3A_885 = arith.constant 624 : index
      %swap3A_886 = tpu.vector_load %arg15[%swap3A_884, %swap3A_885] {strides = array<i32>} : memref<32x1024xf32, #tpu.memory_space<vmem>>, vector<1x16xf32>,
      %swap3A_887 = vector.shape_cast %swap3A_886 : vector<1x16xf32> to vector<16xf32>
      %swap3A_888 = vector.shape_cast %add3A_883 : vector<16xf32> to vector<1x16xf32>
      tpu.vector_store %arg15[%swap3A_884, %swap3A_885], %swap3A_888 {strides = array<i32>} : memref<32x1024xf32, #tpu.memory_space<vmem>>, vector<1x16xf32>,
      %get3A_889 = arith.index_cast %scan3A_42 : i32 to index
      %get3A_890 = arith.constant 640 : index
      %get3A_891 = tpu.vector_load %arg15[%get3A_889, %get3A_890] {strides = array<i32>} : memref<32x1024xf32, #tpu.memory_space<vmem>>, vector<1x16xf32>,
      %get3A_892 = vector.shape_cast %get3A_891 : vector<1x16xf32> to vector<16xf32>
      %get3A_893 = arith.index_cast %scan3A_42 : i32 to index
      %get3A_894 = arith.constant 640 : index
      %get3A_895 = tpu.vector_load %arg13[%get3A_893, %get3A_894] {strides = array<i32>} : memref<32x1024xf32, #tpu.memory_space<vmem>>, vector<1x16xf32>,
      %get3A_896 = vector.shape_cast %get3A_895 : vector<1x16xf32> to vector<16xf32>
      %mul3A_897 = arith.mulf %get3A_45, %get3A_896 : vector<16xf32>
      %add3A_898 = arith.addf %get3A_892, %mul3A_897 : vector<16xf32>
      %get3A_899 = arith.index_cast %scan3A_42 : i32 to index
      %get3A_900 = arith.constant 640 : index
      %get3A_901 = tpu.vector_load %arg14[%get3A_899, %get3A_900] {strides = array<i32>} : memref<32x1024xf32, #tpu.memory_space<vmem>>, vector<1x16xf32>,
      %get3A_902 = vector.shape_cast %get3A_901 : vector<1x16xf32> to vector<16xf32>
      %mul3A_903 = arith.mulf %get3A_49, %get3A_902 : vector<16xf32>
      %add3A_904 = arith.addf %add3A_898, %mul3A_903 : vector<16xf32>
      %swap3A_905 = arith.index_cast %scan3A_42 : i32 to index
      %swap3A_906 = arith.constant 640 : index
      %swap3A_907 = tpu.vector_load %arg15[%swap3A_905, %swap3A_906] {strides = array<i32>} : memref<32x1024xf32, #tpu.memory_space<vmem>>, vector<1x16xf32>,
      %swap3A_908 = vector.shape_cast %swap3A_907 : vector<1x16xf32> to vector<16xf32>
      %swap3A_909 = vector.shape_cast %add3A_904 : vector<16xf32> to vector<1x16xf32>
      tpu.vector_store %arg15[%swap3A_905, %swap3A_906], %swap3A_909 {strides = array<i32>} : memref<32x1024xf32, #tpu.memory_space<vmem>>, vector<1x16xf32>,
      %get3A_910 = arith.index_cast %scan3A_42 : i32 to index
      %get3A_911 = arith.constant 656 : index
      %get3A_912 = tpu.vector_load %arg15[%get3A_910, %get3A_911] {strides = array<i32>} : memref<32x1024xf32, #tpu.memory_space<vmem>>, vector<1x16xf32>,
      %get3A_913 = vector.shape_cast %get3A_912 : vector<1x16xf32> to vector<16xf32>
      %get3A_914 = arith.index_cast %scan3A_42 : i32 to index
      %get3A_915 = arith.constant 656 : index
      %get3A_916 = tpu.vector_load %arg13[%get3A_914, %get3A_915] {strides = array<i32>} : memref<32x1024xf32, #tpu.memory_space<vmem>>, vector<1x16xf32>,
      %get3A_917 = vector.shape_cast %get3A_916 : vector<1x16xf32> to vector<16xf32>
      %mul3A_918 = arith.mulf %get3A_45, %get3A_917 : vector<16xf32>
      %add3A_919 = arith.addf %get3A_913, %mul3A_918 : vector<16xf32>
      %get3A_920 = arith.index_cast %scan3A_42 : i32 to index
      %get3A_921 = arith.constant 656 : index
      %get3A_922 = tpu.vector_load %arg14[%get3A_920, %get3A_921] {strides = array<i32>} : memref<32x1024xf32, #tpu.memory_space<vmem>>, vector<1x16xf32>,
      %get3A_923 = vector.shape_cast %get3A_922 : vector<1x16xf32> to vector<16xf32>
      %mul3A_924 = arith.mulf %get3A_49, %get3A_923 : vector<16xf32>
      %add3A_925 = arith.addf %add3A_919, %mul3A_924 : vector<16xf32>
      %swap3A_926 = arith.index_cast %scan3A_42 : i32 to index
      %swap3A_927 = arith.constant 656 : index
      %swap3A_928 = tpu.vector_load %arg15[%swap3A_926, %swap3A_927] {strides = array<i32>} : memref<32x1024xf32, #tpu.memory_space<vmem>>, vector<1x16xf32>,
      %swap3A_929 = vector.shape_cast %swap3A_928 : vector<1x16xf32> to vector<16xf32>
      %swap3A_930 = vector.shape_cast %add3A_925 : vector<16xf32> to vector<1x16xf32>
      tpu.vector_store %arg15[%swap3A_926, %swap3A_927], %swap3A_930 {strides = array<i32>} : memref<32x1024xf32, #tpu.memory_space<vmem>>, vector<1x16xf32>,
      %get3A_931 = arith.index_cast %scan3A_42 : i32 to index
      %get3A_932 = arith.constant 672 : index
      %get3A_933 = tpu.vector_load %arg15[%get3A_931, %get3A_932] {strides = array<i32>} : memref<32x1024xf32, #tpu.memory_space<vmem>>, vector<1x16xf32>,
      %get3A_934 = vector.shape_cast %get3A_933 : vector<1x16xf32> to vector<16xf32>
      %get3A_935 = arith.index_cast %scan3A_42 : i32 to index
      %get3A_936 = arith.constant 672 : index
      %get3A_937 = tpu.vector_load %arg13[%get3A_935, %get3A_936] {strides = array<i32>} : memref<32x1024xf32, #tpu.memory_space<vmem>>, vector<1x16xf32>,
      %get3A_938 = vector.shape_cast %get3A_937 : vector<1x16xf32> to vector<16xf32>
      %mul3A_939 = arith.mulf %get3A_45, %get3A_938 : vector<16xf32>
      %add3A_940 = arith.addf %get3A_934, %mul3A_939 : vector<16xf32>
      %get3A_941 = arith.index_cast %scan3A_42 : i32 to index
      %get3A_942 = arith.constant 672 : index
      %get3A_943 = tpu.vector_load %arg14[%get3A_941, %get3A_942] {strides = array<i32>} : memref<32x1024xf32, #tpu.memory_space<vmem>>, vector<1x16xf32>,
      %get3A_944 = vector.shape_cast %get3A_943 : vector<1x16xf32> to vector<16xf32>
      %mul3A_945 = arith.mulf %get3A_49, %get3A_944 : vector<16xf32>
      %add3A_946 = arith.addf %add3A_940, %mul3A_945 : vector<16xf32>
      %swap3A_947 = arith.index_cast %scan3A_42 : i32 to index
      %swap3A_948 = arith.constant 672 : index
      %swap3A_949 = tpu.vector_load %arg15[%swap3A_947, %swap3A_948] {strides = array<i32>} : memref<32x1024xf32, #tpu.memory_space<vmem>>, vector<1x16xf32>,
      %swap3A_950 = vector.shape_cast %swap3A_949 : vector<1x16xf32> to vector<16xf32>
      %swap3A_951 = vector.shape_cast %add3A_946 : vector<16xf32> to vector<1x16xf32>
      tpu.vector_store %arg15[%swap3A_947, %swap3A_948], %swap3A_951 {strides = array<i32>} : memref<32x1024xf32, #tpu.memory_space<vmem>>, vector<1x16xf32>,
      %get3A_952 = arith.index_cast %scan3A_42 : i32 to index
      %get3A_953 = arith.constant 688 : index
      %get3A_954 = tpu.vector_load %arg15[%get3A_952, %get3A_953] {strides = array<i32>} : memref<32x1024xf32, #tpu.memory_space<vmem>>, vector<1x16xf32>,
      %get3A_955 = vector.shape_cast %get3A_954 : vector<1x16xf32> to vector<16xf32>
      %get3A_956 = arith.index_cast %scan3A_42 : i32 to index
      %get3A_957 = arith.constant 688 : index
      %get3A_958 = tpu.vector_load %arg13[%get3A_956, %get3A_957] {strides = array<i32>} : memref<32x1024xf32, #tpu.memory_space<vmem>>, vector<1x16xf32>,
      %get3A_959 = vector.shape_cast %get3A_958 : vector<1x16xf32> to vector<16xf32>
      %mul3A_960 = arith.mulf %get3A_45, %get3A_959 : vector<16xf32>
      %add3A_961 = arith.addf %get3A_955, %mul3A_960 : vector<16xf32>
      %get3A_962 = arith.index_cast %scan3A_42 : i32 to index
      %get3A_963 = arith.constant 688 : index
      %get3A_964 = tpu.vector_load %arg14[%get3A_962, %get3A_963] {strides = array<i32>} : memref<32x1024xf32, #tpu.memory_space<vmem>>, vector<1x16xf32>,
      %get3A_965 = vector.shape_cast %get3A_964 : vector<1x16xf32> to vector<16xf32>
      %mul3A_966 = arith.mulf %get3A_49, %get3A_965 : vector<16xf32>
      %add3A_967 = arith.addf %add3A_961, %mul3A_966 : vector<16xf32>
      %swap3A_968 = arith.index_cast %scan3A_42 : i32 to index
      %swap3A_969 = arith.constant 688 : index
      %swap3A_970 = tpu.vector_load %arg15[%swap3A_968, %swap3A_969] {strides = array<i32>} : memref<32x1024xf32, #tpu.memory_space<vmem>>, vector<1x16xf32>,
      %swap3A_971 = vector.shape_cast %swap3A_970 : vector<1x16xf32> to vector<16xf32>
      %swap3A_972 = vector.shape_cast %add3A_967 : vector<16xf32> to vector<1x16xf32>
      tpu.vector_store %arg15[%swap3A_968, %swap3A_969], %swap3A_972 {strides = array<i32>} : memref<32x1024xf32, #tpu.memory_space<vmem>>, vector<1x16xf32>,
      %get3A_973 = arith.index_cast %scan3A_42 : i32 to index
      %get3A_974 = arith.constant 704 : index
      %get3A_975 = tpu.vector_load %arg15[%get3A_973, %get3A_974] {strides = array<i32>} : memref<32x1024xf32, #tpu.memory_space<vmem>>, vector<1x16xf32>,
      %get3A_976 = vector.shape_cast %get3A_975 : vector<1x16xf32> to vector<16xf32>
      %get3A_977 = arith.index_cast %scan3A_42 : i32 to index
      %get3A_978 = arith.constant 704 : index
      %get3A_979 = tpu.vector_load %arg13[%get3A_977, %get3A_978] {strides = array<i32>} : memref<32x1024xf32, #tpu.memory_space<vmem>>, vector<1x16xf32>,
      %get3A_980 = vector.shape_cast %get3A_979 : vector<1x16xf32> to vector<16xf32>
      %mul3A_981 = arith.mulf %get3A_45, %get3A_980 : vector<16xf32>
      %add3A_982 = arith.addf %get3A_976, %mul3A_981 : vector<16xf32>
      %get3A_983 = arith.index_cast %scan3A_42 : i32 to index
      %get3A_984 = arith.constant 704 : index
      %get3A_985 = tpu.vector_load %arg14[%get3A_983, %get3A_984] {strides = array<i32>} : memref<32x1024xf32, #tpu.memory_space<vmem>>, vector<1x16xf32>,
      %get3A_986 = vector.shape_cast %get3A_985 : vector<1x16xf32> to vector<16xf32>
      %mul3A_987 = arith.mulf %get3A_49, %get3A_986 : vector<16xf32>
      %add3A_988 = arith.addf %add3A_982, %mul3A_987 : vector<16xf32>
      %swap3A_989 = arith.index_cast %scan3A_42 : i32 to index
      %swap3A_990 = arith.constant 704 : index
      %swap3A_991 = tpu.vector_load %arg15[%swap3A_989, %swap3A_990] {strides = array<i32>} : memref<32x1024xf32, #tpu.memory_space<vmem>>, vector<1x16xf32>,
      %swap3A_992 = vector.shape_cast %swap3A_991 : vector<1x16xf32> to vector<16xf32>
      %swap3A_993 = vector.shape_cast %add3A_988 : vector<16xf32> to vector<1x16xf32>
      tpu.vector_store %arg15[%swap3A_989, %swap3A_990], %swap3A_993 {strides = array<i32>} : memref<32x1024xf32, #tpu.memory_space<vmem>>, vector<1x16xf32>,
      %get3A_994 = arith.index_cast %scan3A_42 : i32 to index
      %get3A_995 = arith.constant 720 : index
      %get3A_996 = tpu.vector_load %arg15[%get3A_994, %get3A_995] {strides = array<i32>} : memref<32x1024xf32, #tpu.memory_space<vmem>>, vector<1x16xf32>,
      %get3A_997 = vector.shape_cast %get3A_996 : vector<1x16xf32> to vector<16xf32>
      %get3A_998 = arith.index_cast %scan3A_42 : i32 to index
      %get3A_999 = arith.constant 720 : index
      %get3A_1000 = tpu.vector_load %arg13[%get3A_998, %get3A_999] {strides = array<i32>} : memref<32x1024xf32, #tpu.memory_space<vmem>>, vector<1x16xf32>,
      %get3A_1001 = vector.shape_cast %get3A_1000 : vector<1x16xf32> to vector<16xf32>
      %mul3A_1002 = arith.mulf %get3A_45, %get3A_1001 : vector<16xf32>
      %add3A_1003 = arith.addf %get3A_997, %mul3A_1002 : vector<16xf32>
      %get3A_1004 = arith.index_cast %scan3A_42 : i32 to index
      %get3A_1005 = arith.constant 720 : index
      %get3A_1006 = tpu.vector_load %arg14[%get3A_1004, %get3A_1005] {strides = array<i32>} : memref<32x1024xf32, #tpu.memory_space<vmem>>, vector<1x16xf32>,
      %get3A_1007 = vector.shape_cast %get3A_1006 : vector<1x16xf32> to vector<16xf32>
      %mul3A_1008 = arith.mulf %get3A_49, %get3A_1007 : vector<16xf32>
      %add3A_1009 = arith.addf %add3A_1003, %mul3A_1008 : vector<16xf32>
      %swap3A_1010 = arith.index_cast %scan3A_42 : i32 to index
      %swap3A_1011 = arith.constant 720 : index
      %swap3A_1012 = tpu.vector_load %arg15[%swap3A_1010, %swap3A_1011] {strides = array<i32>} : memref<32x1024xf32, #tpu.memory_space<vmem>>, vector<1x16xf32>,
      %swap3A_1013 = vector.shape_cast %swap3A_1012 : vector<1x16xf32> to vector<16xf32>
      %swap3A_1014 = vector.shape_cast %add3A_1009 : vector<16xf32> to vector<1x16xf32>
      tpu.vector_store %arg15[%swap3A_1010, %swap3A_1011], %swap3A_1014 {strides = array<i32>} : memref<32x1024xf32, #tpu.memory_space<vmem>>, vector<1x16xf32>,
      %get3A_1015 = arith.index_cast %scan3A_42 : i32 to index
      %get3A_1016 = arith.constant 736 : index
      %get3A_1017 = tpu.vector_load %arg15[%get3A_1015, %get3A_1016] {strides = array<i32>} : memref<32x1024xf32, #tpu.memory_space<vmem>>, vector<1x16xf32>,
      %get3A_1018 = vector.shape_cast %get3A_1017 : vector<1x16xf32> to vector<16xf32>
      %get3A_1019 = arith.index_cast %scan3A_42 : i32 to index
      %get3A_1020 = arith.constant 736 : index
      %get3A_1021 = tpu.vector_load %arg13[%get3A_1019, %get3A_1020] {strides = array<i32>} : memref<32x1024xf32, #tpu.memory_space<vmem>>, vector<1x16xf32>,
      %get3A_1022 = vector.shape_cast %get3A_1021 : vector<1x16xf32> to vector<16xf32>
      %mul3A_1023 = arith.mulf %get3A_45, %get3A_1022 : vector<16xf32>
      %add3A_1024 = arith.addf %get3A_1018, %mul3A_1023 : vector<16xf32>
      %get3A_1025 = arith.index_cast %scan3A_42 : i32 to index
      %get3A_1026 = arith.constant 736 : index
      %get3A_1027 = tpu.vector_load %arg14[%get3A_1025, %get3A_1026] {strides = array<i32>} : memref<32x1024xf32, #tpu.memory_space<vmem>>, vector<1x16xf32>,
      %get3A_1028 = vector.shape_cast %get3A_1027 : vector<1x16xf32> to vector<16xf32>
      %mul3A_1029 = arith.mulf %get3A_49, %get3A_1028 : vector<16xf32>
      %add3A_1030 = arith.addf %add3A_1024, %mul3A_1029 : vector<16xf32>
      %swap3A_1031 = arith.index_cast %scan3A_42 : i32 to index
      %swap3A_1032 = arith.constant 736 : index
      %swap3A_1033 = tpu.vector_load %arg15[%swap3A_1031, %swap3A_1032] {strides = array<i32>} : memref<32x1024xf32, #tpu.memory_space<vmem>>, vector<1x16xf32>,
      %swap3A_1034 = vector.shape_cast %swap3A_1033 : vector<1x16xf32> to vector<16xf32>
      %swap3A_1035 = vector.shape_cast %add3A_1030 : vector<16xf32> to vector<1x16xf32>
      tpu.vector_store %arg15[%swap3A_1031, %swap3A_1032], %swap3A_1035 {strides = array<i32>} : memref<32x1024xf32, #tpu.memory_space<vmem>>, vector<1x16xf32>,
      %get3A_1036 = arith.index_cast %scan3A_42 : i32 to index
      %get3A_1037 = arith.constant 752 : index
      %get3A_1038 = tpu.vector_load %arg15[%get3A_1036, %get3A_1037] {strides = array<i32>} : memref<32x1024xf32, #tpu.memory_space<vmem>>, vector<1x16xf32>,
      %get3A_1039 = vector.shape_cast %get3A_1038 : vector<1x16xf32> to vector<16xf32>
      %get3A_1040 = arith.index_cast %scan3A_42 : i32 to index
      %get3A_1041 = arith.constant 752 : index
      %get3A_1042 = tpu.vector_load %arg13[%get3A_1040, %get3A_1041] {strides = array<i32>} : memref<32x1024xf32, #tpu.memory_space<vmem>>, vector<1x16xf32>,
      %get3A_1043 = vector.shape_cast %get3A_1042 : vector<1x16xf32> to vector<16xf32>
      %mul3A_1044 = arith.mulf %get3A_45, %get3A_1043 : vector<16xf32>
      %add3A_1045 = arith.addf %get3A_1039, %mul3A_1044 : vector<16xf32>
      %get3A_1046 = arith.index_cast %scan3A_42 : i32 to index
      %get3A_1047 = arith.constant 752 : index
      %get3A_1048 = tpu.vector_load %arg14[%get3A_1046, %get3A_1047] {strides = array<i32>} : memref<32x1024xf32, #tpu.memory_space<vmem>>, vector<1x16xf32>,
      %get3A_1049 = vector.shape_cast %get3A_1048 : vector<1x16xf32> to vector<16xf32>
      %mul3A_1050 = arith.mulf %get3A_49, %get3A_1049 : vector<16xf32>
      %add3A_1051 = arith.addf %add3A_1045, %mul3A_1050 : vector<16xf32>
      %swap3A_1052 = arith.index_cast %scan3A_42 : i32 to index
      %swap3A_1053 = arith.constant 752 : index
      %swap3A_1054 = tpu.vector_load %arg15[%swap3A_1052, %swap3A_1053] {strides = array<i32>} : memref<32x1024xf32, #tpu.memory_space<vmem>>, vector<1x16xf32>,
      %swap3A_1055 = vector.shape_cast %swap3A_1054 : vector<1x16xf32> to vector<16xf32>
      %swap3A_1056 = vector.shape_cast %add3A_1051 : vector<16xf32> to vector<1x16xf32>
      tpu.vector_store %arg15[%swap3A_1052, %swap3A_1053], %swap3A_1056 {strides = array<i32>} : memref<32x1024xf32, #tpu.memory_space<vmem>>, vector<1x16xf32>,
      %get3A_1057 = arith.index_cast %scan3A_42 : i32 to index
      %get3A_1058 = arith.constant 768 : index
      %get3A_1059 = tpu.vector_load %arg15[%get3A_1057, %get3A_1058] {strides = array<i32>} : memref<32x1024xf32, #tpu.memory_space<vmem>>, vector<1x16xf32>,
      %get3A_1060 = vector.shape_cast %get3A_1059 : vector<1x16xf32> to vector<16xf32>
      %get3A_1061 = arith.index_cast %scan3A_42 : i32 to index
      %get3A_1062 = arith.constant 768 : index
      %get3A_1063 = tpu.vector_load %arg13[%get3A_1061, %get3A_1062] {strides = array<i32>} : memref<32x1024xf32, #tpu.memory_space<vmem>>, vector<1x16xf32>,
      %get3A_1064 = vector.shape_cast %get3A_1063 : vector<1x16xf32> to vector<16xf32>
      %mul3A_1065 = arith.mulf %get3A_45, %get3A_1064 : vector<16xf32>
      %add3A_1066 = arith.addf %get3A_1060, %mul3A_1065 : vector<16xf32>
      %get3A_1067 = arith.index_cast %scan3A_42 : i32 to index
      %get3A_1068 = arith.constant 768 : index
      %get3A_1069 = tpu.vector_load %arg14[%get3A_1067, %get3A_1068] {strides = array<i32>} : memref<32x1024xf32, #tpu.memory_space<vmem>>, vector<1x16xf32>,
      %get3A_1070 = vector.shape_cast %get3A_1069 : vector<1x16xf32> to vector<16xf32>
      %mul3A_1071 = arith.mulf %get3A_49, %get3A_1070 : vector<16xf32>
      %add3A_1072 = arith.addf %add3A_1066, %mul3A_1071 : vector<16xf32>
      %swap3A_1073 = arith.index_cast %scan3A_42 : i32 to index
      %swap3A_1074 = arith.constant 768 : index
      %swap3A_1075 = tpu.vector_load %arg15[%swap3A_1073, %swap3A_1074] {strides = array<i32>} : memref<32x1024xf32, #tpu.memory_space<vmem>>, vector<1x16xf32>,
      %swap3A_1076 = vector.shape_cast %swap3A_1075 : vector<1x16xf32> to vector<16xf32>
      %swap3A_1077 = vector.shape_cast %add3A_1072 : vector<16xf32> to vector<1x16xf32>
      tpu.vector_store %arg15[%swap3A_1073, %swap3A_1074], %swap3A_1077 {strides = array<i32>} : memref<32x1024xf32, #tpu.memory_space<vmem>>, vector<1x16xf32>,
      %get3A_1078 = arith.index_cast %scan3A_42 : i32 to index
      %get3A_1079 = arith.constant 784 : index
      %get3A_1080 = tpu.vector_load %arg15[%get3A_1078, %get3A_1079] {strides = array<i32>} : memref<32x1024xf32, #tpu.memory_space<vmem>>, vector<1x16xf32>,
      %get3A_1081 = vector.shape_cast %get3A_1080 : vector<1x16xf32> to vector<16xf32>
      %get3A_1082 = arith.index_cast %scan3A_42 : i32 to index
      %get3A_1083 = arith.constant 784 : index
      %get3A_1084 = tpu.vector_load %arg13[%get3A_1082, %get3A_1083] {strides = array<i32>} : memref<32x1024xf32, #tpu.memory_space<vmem>>, vector<1x16xf32>,
      %get3A_1085 = vector.shape_cast %get3A_1084 : vector<1x16xf32> to vector<16xf32>
      %mul3A_1086 = arith.mulf %get3A_45, %get3A_1085 : vector<16xf32>
      %add3A_1087 = arith.addf %get3A_1081, %mul3A_1086 : vector<16xf32>
      %get3A_1088 = arith.index_cast %scan3A_42 : i32 to index
      %get3A_1089 = arith.constant 784 : index
      %get3A_1090 = tpu.vector_load %arg14[%get3A_1088, %get3A_1089] {strides = array<i32>} : memref<32x1024xf32, #tpu.memory_space<vmem>>, vector<1x16xf32>,
      %get3A_1091 = vector.shape_cast %get3A_1090 : vector<1x16xf32> to vector<16xf32>
      %mul3A_1092 = arith.mulf %get3A_49, %get3A_1091 : vector<16xf32>
      %add3A_1093 = arith.addf %add3A_1087, %mul3A_1092 : vector<16xf32>
      %swap3A_1094 = arith.index_cast %scan3A_42 : i32 to index
      %swap3A_1095 = arith.constant 784 : index
      %swap3A_1096 = tpu.vector_load %arg15[%swap3A_1094, %swap3A_1095] {strides = array<i32>} : memref<32x1024xf32, #tpu.memory_space<vmem>>, vector<1x16xf32>,
      %swap3A_1097 = vector.shape_cast %swap3A_1096 : vector<1x16xf32> to vector<16xf32>
      %swap3A_1098 = vector.shape_cast %add3A_1093 : vector<16xf32> to vector<1x16xf32>
      tpu.vector_store %arg15[%swap3A_1094, %swap3A_1095], %swap3A_1098 {strides = array<i32>} : memref<32x1024xf32, #tpu.memory_space<vmem>>, vector<1x16xf32>,
      %get3A_1099 = arith.index_cast %scan3A_42 : i32 to index
      %get3A_1100 = arith.constant 800 : index
      %get3A_1101 = tpu.vector_load %arg15[%get3A_1099, %get3A_1100] {strides = array<i32>} : memref<32x1024xf32, #tpu.memory_space<vmem>>, vector<1x16xf32>,
      %get3A_1102 = vector.shape_cast %get3A_1101 : vector<1x16xf32> to vector<16xf32>
      %get3A_1103 = arith.index_cast %scan3A_42 : i32 to index
      %get3A_1104 = arith.constant 800 : index
      %get3A_1105 = tpu.vector_load %arg13[%get3A_1103, %get3A_1104] {strides = array<i32>} : memref<32x1024xf32, #tpu.memory_space<vmem>>, vector<1x16xf32>,
      %get3A_1106 = vector.shape_cast %get3A_1105 : vector<1x16xf32> to vector<16xf32>
      %mul3A_1107 = arith.mulf %get3A_45, %get3A_1106 : vector<16xf32>
      %add3A_1108 = arith.addf %get3A_1102, %mul3A_1107 : vector<16xf32>
      %get3A_1109 = arith.index_cast %scan3A_42 : i32 to index
      %get3A_1110 = arith.constant 800 : index
      %get3A_1111 = tpu.vector_load %arg14[%get3A_1109, %get3A_1110] {strides = array<i32>} : memref<32x1024xf32, #tpu.memory_space<vmem>>, vector<1x16xf32>,
      %get3A_1112 = vector.shape_cast %get3A_1111 : vector<1x16xf32> to vector<16xf32>
      %mul3A_1113 = arith.mulf %get3A_49, %get3A_1112 : vector<16xf32>
      %add3A_1114 = arith.addf %add3A_1108, %mul3A_1113 : vector<16xf32>
      %swap3A_1115 = arith.index_cast %scan3A_42 : i32 to index
      %swap3A_1116 = arith.constant 800 : index
      %swap3A_1117 = tpu.vector_load %arg15[%swap3A_1115, %swap3A_1116] {strides = array<i32>} : memref<32x1024xf32, #tpu.memory_space<vmem>>, vector<1x16xf32>,
      %swap3A_1118 = vector.shape_cast %swap3A_1117 : vector<1x16xf32> to vector<16xf32>
      %swap3A_1119 = vector.shape_cast %add3A_1114 : vector<16xf32> to vector<1x16xf32>
      tpu.vector_store %arg15[%swap3A_1115, %swap3A_1116], %swap3A_1119 {strides = array<i32>} : memref<32x1024xf32, #tpu.memory_space<vmem>>, vector<1x16xf32>,
      %get3A_1120 = arith.index_cast %scan3A_42 : i32 to index
      %get3A_1121 = arith.constant 816 : index
      %get3A_1122 = tpu.vector_load %arg15[%get3A_1120, %get3A_1121] {strides = array<i32>} : memref<32x1024xf32, #tpu.memory_space<vmem>>, vector<1x16xf32>,
      %get3A_1123 = vector.shape_cast %get3A_1122 : vector<1x16xf32> to vector<16xf32>
      %get3A_1124 = arith.index_cast %scan3A_42 : i32 to index
      %get3A_1125 = arith.constant 816 : index
      %get3A_1126 = tpu.vector_load %arg13[%get3A_1124, %get3A_1125] {strides = array<i32>} : memref<32x1024xf32, #tpu.memory_space<vmem>>, vector<1x16xf32>,
      %get3A_1127 = vector.shape_cast %get3A_1126 : vector<1x16xf32> to vector<16xf32>
      %mul3A_1128 = arith.mulf %get3A_45, %get3A_1127 : vector<16xf32>
      %add3A_1129 = arith.addf %get3A_1123, %mul3A_1128 : vector<16xf32>
      %get3A_1130 = arith.index_cast %scan3A_42 : i32 to index
      %get3A_1131 = arith.constant 816 : index
      %get3A_1132 = tpu.vector_load %arg14[%get3A_1130, %get3A_1131] {strides = array<i32>} : memref<32x1024xf32, #tpu.memory_space<vmem>>, vector<1x16xf32>,
      %get3A_1133 = vector.shape_cast %get3A_1132 : vector<1x16xf32> to vector<16xf32>
      %mul3A_1134 = arith.mulf %get3A_49, %get3A_1133 : vector<16xf32>
      %add3A_1135 = arith.addf %add3A_1129, %mul3A_1134 : vector<16xf32>
      %swap3A_1136 = arith.index_cast %scan3A_42 : i32 to index
      %swap3A_1137 = arith.constant 816 : index
      %swap3A_1138 = tpu.vector_load %arg15[%swap3A_1136, %swap3A_1137] {strides = array<i32>} : memref<32x1024xf32, #tpu.memory_space<vmem>>, vector<1x16xf32>,
      %swap3A_1139 = vector.shape_cast %swap3A_1138 : vector<1x16xf32> to vector<16xf32>
      %swap3A_1140 = vector.shape_cast %add3A_1135 : vector<16xf32> to vector<1x16xf32>
      tpu.vector_store %arg15[%swap3A_1136, %swap3A_1137], %swap3A_1140 {strides = array<i32>} : memref<32x1024xf32, #tpu.memory_space<vmem>>, vector<1x16xf32>,
      %get3A_1141 = arith.index_cast %scan3A_42 : i32 to index
      %get3A_1142 = arith.constant 832 : index
      %get3A_1143 = tpu.vector_load %arg15[%get3A_1141, %get3A_1142] {strides = array<i32>} : memref<32x1024xf32, #tpu.memory_space<vmem>>, vector<1x16xf32>,
      %get3A_1144 = vector.shape_cast %get3A_1143 : vector<1x16xf32> to vector<16xf32>
      %get3A_1145 = arith.index_cast %scan3A_42 : i32 to index
      %get3A_1146 = arith.constant 832 : index
      %get3A_1147 = tpu.vector_load %arg13[%get3A_1145, %get3A_1146] {strides = array<i32>} : memref<32x1024xf32, #tpu.memory_space<vmem>>, vector<1x16xf32>,
      %get3A_1148 = vector.shape_cast %get3A_1147 : vector<1x16xf32> to vector<16xf32>
      %mul3A_1149 = arith.mulf %get3A_45, %get3A_1148 : vector<16xf32>
      %add3A_1150 = arith.addf %get3A_1144, %mul3A_1149 : vector<16xf32>
      %get3A_1151 = arith.index_cast %scan3A_42 : i32 to index
      %get3A_1152 = arith.constant 832 : index
      %get3A_1153 = tpu.vector_load %arg14[%get3A_1151, %get3A_1152] {strides = array<i32>} : memref<32x1024xf32, #tpu.memory_space<vmem>>, vector<1x16xf32>,
      %get3A_1154 = vector.shape_cast %get3A_1153 : vector<1x16xf32> to vector<16xf32>
      %mul3A_1155 = arith.mulf %get3A_49, %get3A_1154 : vector<16xf32>
      %add3A_1156 = arith.addf %add3A_1150, %mul3A_1155 : vector<16xf32>
      %swap3A_1157 = arith.index_cast %scan3A_42 : i32 to index
      %swap3A_1158 = arith.constant 832 : index
      %swap3A_1159 = tpu.vector_load %arg15[%swap3A_1157, %swap3A_1158] {strides = array<i32>} : memref<32x1024xf32, #tpu.memory_space<vmem>>, vector<1x16xf32>,
      %swap3A_1160 = vector.shape_cast %swap3A_1159 : vector<1x16xf32> to vector<16xf32>
      %swap3A_1161 = vector.shape_cast %add3A_1156 : vector<16xf32> to vector<1x16xf32>
      tpu.vector_store %arg15[%swap3A_1157, %swap3A_1158], %swap3A_1161 {strides = array<i32>} : memref<32x1024xf32, #tpu.memory_space<vmem>>, vector<1x16xf32>,
      %get3A_1162 = arith.index_cast %scan3A_42 : i32 to index
      %get3A_1163 = arith.constant 848 : index
      %get3A_1164 = tpu.vector_load %arg15[%get3A_1162, %get3A_1163] {strides = array<i32>} : memref<32x1024xf32, #tpu.memory_space<vmem>>, vector<1x16xf32>,
      %get3A_1165 = vector.shape_cast %get3A_1164 : vector<1x16xf32> to vector<16xf32>
      %get3A_1166 = arith.index_cast %scan3A_42 : i32 to index
      %get3A_1167 = arith.constant 848 : index
      %get3A_1168 = tpu.vector_load %arg13[%get3A_1166, %get3A_1167] {strides = array<i32>} : memref<32x1024xf32, #tpu.memory_space<vmem>>, vector<1x16xf32>,
      %get3A_1169 = vector.shape_cast %get3A_1168 : vector<1x16xf32> to vector<16xf32>
      %mul3A_1170 = arith.mulf %get3A_45, %get3A_1169 : vector<16xf32>
      %add3A_1171 = arith.addf %get3A_1165, %mul3A_1170 : vector<16xf32>
      %get3A_1172 = arith.index_cast %scan3A_42 : i32 to index
      %get3A_1173 = arith.constant 848 : index
      %get3A_1174 = tpu.vector_load %arg14[%get3A_1172, %get3A_1173] {strides = array<i32>} : memref<32x1024xf32, #tpu.memory_space<vmem>>, vector<1x16xf32>,
      %get3A_1175 = vector.shape_cast %get3A_1174 : vector<1x16xf32> to vector<16xf32>
      %mul3A_1176 = arith.mulf %get3A_49, %get3A_1175 : vector<16xf32>
      %add3A_1177 = arith.addf %add3A_1171, %mul3A_1176 : vector<16xf32>
      %swap3A_1178 = arith.index_cast %scan3A_42 : i32 to index
      %swap3A_1179 = arith.constant 848 : index
      %swap3A_1180 = tpu.vector_load %arg15[%swap3A_1178, %swap3A_1179] {strides = array<i32>} : memref<32x1024xf32, #tpu.memory_space<vmem>>, vector<1x16xf32>,
      %swap3A_1181 = vector.shape_cast %swap3A_1180 : vector<1x16xf32> to vector<16xf32>
      %swap3A_1182 = vector.shape_cast %add3A_1177 : vector<16xf32> to vector<1x16xf32>
      tpu.vector_store %arg15[%swap3A_1178, %swap3A_1179], %swap3A_1182 {strides = array<i32>} : memref<32x1024xf32, #tpu.memory_space<vmem>>, vector<1x16xf32>,
      %get3A_1183 = arith.index_cast %scan3A_42 : i32 to index
      %get3A_1184 = arith.constant 864 : index
      %get3A_1185 = tpu.vector_load %arg15[%get3A_1183, %get3A_1184] {strides = array<i32>} : memref<32x1024xf32, #tpu.memory_space<vmem>>, vector<1x16xf32>,
      %get3A_1186 = vector.shape_cast %get3A_1185 : vector<1x16xf32> to vector<16xf32>
      %get3A_1187 = arith.index_cast %scan3A_42 : i32 to index
      %get3A_1188 = arith.constant 864 : index
      %get3A_1189 = tpu.vector_load %arg13[%get3A_1187, %get3A_1188] {strides = array<i32>} : memref<32x1024xf32, #tpu.memory_space<vmem>>, vector<1x16xf32>,
      %get3A_1190 = vector.shape_cast %get3A_1189 : vector<1x16xf32> to vector<16xf32>
      %mul3A_1191 = arith.mulf %get3A_45, %get3A_1190 : vector<16xf32>
      %add3A_1192 = arith.addf %get3A_1186, %mul3A_1191 : vector<16xf32>
      %get3A_1193 = arith.index_cast %scan3A_42 : i32 to index
      %get3A_1194 = arith.constant 864 : index
      %get3A_1195 = tpu.vector_load %arg14[%get3A_1193, %get3A_1194] {strides = array<i32>} : memref<32x1024xf32, #tpu.memory_space<vmem>>, vector<1x16xf32>,
      %get3A_1196 = vector.shape_cast %get3A_1195 : vector<1x16xf32> to vector<16xf32>
      %mul3A_1197 = arith.mulf %get3A_49, %get3A_1196 : vector<16xf32>
      %add3A_1198 = arith.addf %add3A_1192, %mul3A_1197 : vector<16xf32>
      %swap3A_1199 = arith.index_cast %scan3A_42 : i32 to index
      %swap3A_1200 = arith.constant 864 : index
      %swap3A_1201 = tpu.vector_load %arg15[%swap3A_1199, %swap3A_1200] {strides = array<i32>} : memref<32x1024xf32, #tpu.memory_space<vmem>>, vector<1x16xf32>,
      %swap3A_1202 = vector.shape_cast %swap3A_1201 : vector<1x16xf32> to vector<16xf32>
      %swap3A_1203 = vector.shape_cast %add3A_1198 : vector<16xf32> to vector<1x16xf32>
      tpu.vector_store %arg15[%swap3A_1199, %swap3A_1200], %swap3A_1203 {strides = array<i32>} : memref<32x1024xf32, #tpu.memory_space<vmem>>, vector<1x16xf32>,
      %get3A_1204 = arith.index_cast %scan3A_42 : i32 to index
      %get3A_1205 = arith.constant 880 : index
      %get3A_1206 = tpu.vector_load %arg15[%get3A_1204, %get3A_1205] {strides = array<i32>} : memref<32x1024xf32, #tpu.memory_space<vmem>>, vector<1x16xf32>,
      %get3A_1207 = vector.shape_cast %get3A_1206 : vector<1x16xf32> to vector<16xf32>
      %get3A_1208 = arith.index_cast %scan3A_42 : i32 to index
      %get3A_1209 = arith.constant 880 : index
      %get3A_1210 = tpu.vector_load %arg13[%get3A_1208, %get3A_1209] {strides = array<i32>} : memref<32x1024xf32, #tpu.memory_space<vmem>>, vector<1x16xf32>,
      %get3A_1211 = vector.shape_cast %get3A_1210 : vector<1x16xf32> to vector<16xf32>
      %mul3A_1212 = arith.mulf %get3A_45, %get3A_1211 : vector<16xf32>
      %add3A_1213 = arith.addf %get3A_1207, %mul3A_1212 : vector<16xf32>
      %get3A_1214 = arith.index_cast %scan3A_42 : i32 to index
      %get3A_1215 = arith.constant 880 : index
      %get3A_1216 = tpu.vector_load %arg14[%get3A_1214, %get3A_1215] {strides = array<i32>} : memref<32x1024xf32, #tpu.memory_space<vmem>>, vector<1x16xf32>,
      %get3A_1217 = vector.shape_cast %get3A_1216 : vector<1x16xf32> to vector<16xf32>
      %mul3A_1218 = arith.mulf %get3A_49, %get3A_1217 : vector<16xf32>
      %add3A_1219 = arith.addf %add3A_1213, %mul3A_1218 : vector<16xf32>
      %swap3A_1220 = arith.index_cast %scan3A_42 : i32 to index
      %swap3A_1221 = arith.constant 880 : index
      %swap3A_1222 = tpu.vector_load %arg15[%swap3A_1220, %swap3A_1221] {strides = array<i32>} : memref<32x1024xf32, #tpu.memory_space<vmem>>, vector<1x16xf32>,
      %swap3A_1223 = vector.shape_cast %swap3A_1222 : vector<1x16xf32> to vector<16xf32>
      %swap3A_1224 = vector.shape_cast %add3A_1219 : vector<16xf32> to vector<1x16xf32>
      tpu.vector_store %arg15[%swap3A_1220, %swap3A_1221], %swap3A_1224 {strides = array<i32>} : memref<32x1024xf32, #tpu.memory_space<vmem>>, vector<1x16xf32>,
      %get3A_1225 = arith.index_cast %scan3A_42 : i32 to index
      %get3A_1226 = arith.constant 896 : index
      %get3A_1227 = tpu.vector_load %arg15[%get3A_1225, %get3A_1226] {strides = array<i32>} : memref<32x1024xf32, #tpu.memory_space<vmem>>, vector<1x16xf32>,
      %get3A_1228 = vector.shape_cast %get3A_1227 : vector<1x16xf32> to vector<16xf32>
      %get3A_1229 = arith.index_cast %scan3A_42 : i32 to index
      %get3A_1230 = arith.constant 896 : index
      %get3A_1231 = tpu.vector_load %arg13[%get3A_1229, %get3A_1230] {strides = array<i32>} : memref<32x1024xf32, #tpu.memory_space<vmem>>, vector<1x16xf32>,
      %get3A_1232 = vector.shape_cast %get3A_1231 : vector<1x16xf32> to vector<16xf32>
      %mul3A_1233 = arith.mulf %get3A_45, %get3A_1232 : vector<16xf32>
      %add3A_1234 = arith.addf %get3A_1228, %mul3A_1233 : vector<16xf32>
      %get3A_1235 = arith.index_cast %scan3A_42 : i32 to index
      %get3A_1236 = arith.constant 896 : index
      %get3A_1237 = tpu.vector_load %arg14[%get3A_1235, %get3A_1236] {strides = array<i32>} : memref<32x1024xf32, #tpu.memory_space<vmem>>, vector<1x16xf32>,
      %get3A_1238 = vector.shape_cast %get3A_1237 : vector<1x16xf32> to vector<16xf32>
      %mul3A_1239 = arith.mulf %get3A_49, %get3A_1238 : vector<16xf32>
      %add3A_1240 = arith.addf %add3A_1234, %mul3A_1239 : vector<16xf32>
      %swap3A_1241 = arith.index_cast %scan3A_42 : i32 to index
      %swap3A_1242 = arith.constant 896 : index
      %swap3A_1243 = tpu.vector_load %arg15[%swap3A_1241, %swap3A_1242] {strides = array<i32>} : memref<32x1024xf32, #tpu.memory_space<vmem>>, vector<1x16xf32>,
      %swap3A_1244 = vector.shape_cast %swap3A_1243 : vector<1x16xf32> to vector<16xf32>
      %swap3A_1245 = vector.shape_cast %add3A_1240 : vector<16xf32> to vector<1x16xf32>
      tpu.vector_store %arg15[%swap3A_1241, %swap3A_1242], %swap3A_1245 {strides = array<i32>} : memref<32x1024xf32, #tpu.memory_space<vmem>>, vector<1x16xf32>,
      %get3A_1246 = arith.index_cast %scan3A_42 : i32 to index
      %get3A_1247 = arith.constant 912 : index
      %get3A_1248 = tpu.vector_load %arg15[%get3A_1246, %get3A_1247] {strides = array<i32>} : memref<32x1024xf32, #tpu.memory_space<vmem>>, vector<1x16xf32>,
      %get3A_1249 = vector.shape_cast %get3A_1248 : vector<1x16xf32> to vector<16xf32>
      %get3A_1250 = arith.index_cast %scan3A_42 : i32 to index
      %get3A_1251 = arith.constant 912 : index
      %get3A_1252 = tpu.vector_load %arg13[%get3A_1250, %get3A_1251] {strides = array<i32>} : memref<32x1024xf32, #tpu.memory_space<vmem>>, vector<1x16xf32>,
      %get3A_1253 = vector.shape_cast %get3A_1252 : vector<1x16xf32> to vector<16xf32>
      %mul3A_1254 = arith.mulf %get3A_45, %get3A_1253 : vector<16xf32>
      %add3A_1255 = arith.addf %get3A_1249, %mul3A_1254 : vector<16xf32>
      %get3A_1256 = arith.index_cast %scan3A_42 : i32 to index
      %get3A_1257 = arith.constant 912 : index
      %get3A_1258 = tpu.vector_load %arg14[%get3A_1256, %get3A_1257] {strides = array<i32>} : memref<32x1024xf32, #tpu.memory_space<vmem>>, vector<1x16xf32>,
      %get3A_1259 = vector.shape_cast %get3A_1258 : vector<1x16xf32> to vector<16xf32>
      %mul3A_1260 = arith.mulf %get3A_49, %get3A_1259 : vector<16xf32>
      %add3A_1261 = arith.addf %add3A_1255, %mul3A_1260 : vector<16xf32>
      %swap3A_1262 = arith.index_cast %scan3A_42 : i32 to index
      %swap3A_1263 = arith.constant 912 : index
      %swap3A_1264 = tpu.vector_load %arg15[%swap3A_1262, %swap3A_1263] {strides = array<i32>} : memref<32x1024xf32, #tpu.memory_space<vmem>>, vector<1x16xf32>,
      %swap3A_1265 = vector.shape_cast %swap3A_1264 : vector<1x16xf32> to vector<16xf32>
      %swap3A_1266 = vector.shape_cast %add3A_1261 : vector<16xf32> to vector<1x16xf32>
      tpu.vector_store %arg15[%swap3A_1262, %swap3A_1263], %swap3A_1266 {strides = array<i32>} : memref<32x1024xf32, #tpu.memory_space<vmem>>, vector<1x16xf32>,
      %get3A_1267 = arith.index_cast %scan3A_42 : i32 to index
      %get3A_1268 = arith.constant 928 : index
      %get3A_1269 = tpu.vector_load %arg15[%get3A_1267, %get3A_1268] {strides = array<i32>} : memref<32x1024xf32, #tpu.memory_space<vmem>>, vector<1x16xf32>,
      %get3A_1270 = vector.shape_cast %get3A_1269 : vector<1x16xf32> to vector<16xf32>
      %get3A_1271 = arith.index_cast %scan3A_42 : i32 to index
      %get3A_1272 = arith.constant 928 : index
      %get3A_1273 = tpu.vector_load %arg13[%get3A_1271, %get3A_1272] {strides = array<i32>} : memref<32x1024xf32, #tpu.memory_space<vmem>>, vector<1x16xf32>,
      %get3A_1274 = vector.shape_cast %get3A_1273 : vector<1x16xf32> to vector<16xf32>
      %mul3A_1275 = arith.mulf %get3A_45, %get3A_1274 : vector<16xf32>
      %add3A_1276 = arith.addf %get3A_1270, %mul3A_1275 : vector<16xf32>
      %get3A_1277 = arith.index_cast %scan3A_42 : i32 to index
      %get3A_1278 = arith.constant 928 : index
      %get3A_1279 = tpu.vector_load %arg14[%get3A_1277, %get3A_1278] {strides = array<i32>} : memref<32x1024xf32, #tpu.memory_space<vmem>>, vector<1x16xf32>,
      %get3A_1280 = vector.shape_cast %get3A_1279 : vector<1x16xf32> to vector<16xf32>
      %mul3A_1281 = arith.mulf %get3A_49, %get3A_1280 : vector<16xf32>
      %add3A_1282 = arith.addf %add3A_1276, %mul3A_1281 : vector<16xf32>
      %swap3A_1283 = arith.index_cast %scan3A_42 : i32 to index
      %swap3A_1284 = arith.constant 928 : index
      %swap3A_1285 = tpu.vector_load %arg15[%swap3A_1283, %swap3A_1284] {strides = array<i32>} : memref<32x1024xf32, #tpu.memory_space<vmem>>, vector<1x16xf32>,
      %swap3A_1286 = vector.shape_cast %swap3A_1285 : vector<1x16xf32> to vector<16xf32>
      %swap3A_1287 = vector.shape_cast %add3A_1282 : vector<16xf32> to vector<1x16xf32>
      tpu.vector_store %arg15[%swap3A_1283, %swap3A_1284], %swap3A_1287 {strides = array<i32>} : memref<32x1024xf32, #tpu.memory_space<vmem>>, vector<1x16xf32>,
      %get3A_1288 = arith.index_cast %scan3A_42 : i32 to index
      %get3A_1289 = arith.constant 944 : index
      %get3A_1290 = tpu.vector_load %arg15[%get3A_1288, %get3A_1289] {strides = array<i32>} : memref<32x1024xf32, #tpu.memory_space<vmem>>, vector<1x16xf32>,
      %get3A_1291 = vector.shape_cast %get3A_1290 : vector<1x16xf32> to vector<16xf32>
      %get3A_1292 = arith.index_cast %scan3A_42 : i32 to index
      %get3A_1293 = arith.constant 944 : index
      %get3A_1294 = tpu.vector_load %arg13[%get3A_1292, %get3A_1293] {strides = array<i32>} : memref<32x1024xf32, #tpu.memory_space<vmem>>, vector<1x16xf32>,
      %get3A_1295 = vector.shape_cast %get3A_1294 : vector<1x16xf32> to vector<16xf32>
      %mul3A_1296 = arith.mulf %get3A_45, %get3A_1295 : vector<16xf32>
      %add3A_1297 = arith.addf %get3A_1291, %mul3A_1296 : vector<16xf32>
      %get3A_1298 = arith.index_cast %scan3A_42 : i32 to index
      %get3A_1299 = arith.constant 944 : index
      %get3A_1300 = tpu.vector_load %arg14[%get3A_1298, %get3A_1299] {strides = array<i32>} : memref<32x1024xf32, #tpu.memory_space<vmem>>, vector<1x16xf32>,
      %get3A_1301 = vector.shape_cast %get3A_1300 : vector<1x16xf32> to vector<16xf32>
      %mul3A_1302 = arith.mulf %get3A_49, %get3A_1301 : vector<16xf32>
      %add3A_1303 = arith.addf %add3A_1297, %mul3A_1302 : vector<16xf32>
      %swap3A_1304 = arith.index_cast %scan3A_42 : i32 to index
      %swap3A_1305 = arith.constant 944 : index
      %swap3A_1306 = tpu.vector_load %arg15[%swap3A_1304, %swap3A_1305] {strides = array<i32>} : memref<32x1024xf32, #tpu.memory_space<vmem>>, vector<1x16xf32>,
      %swap3A_1307 = vector.shape_cast %swap3A_1306 : vector<1x16xf32> to vector<16xf32>
      %swap3A_1308 = vector.shape_cast %add3A_1303 : vector<16xf32> to vector<1x16xf32>
      tpu.vector_store %arg15[%swap3A_1304, %swap3A_1305], %swap3A_1308 {strides = array<i32>} : memref<32x1024xf32, #tpu.memory_space<vmem>>, vector<1x16xf32>,
      %get3A_1309 = arith.index_cast %scan3A_42 : i32 to index
      %get3A_1310 = arith.constant 960 : index
      %get3A_1311 = tpu.vector_load %arg15[%get3A_1309, %get3A_1310] {strides = array<i32>} : memref<32x1024xf32, #tpu.memory_space<vmem>>, vector<1x16xf32>,
      %get3A_1312 = vector.shape_cast %get3A_1311 : vector<1x16xf32> to vector<16xf32>
      %get3A_1313 = arith.index_cast %scan3A_42 : i32 to index
      %get3A_1314 = arith.constant 960 : index
      %get3A_1315 = tpu.vector_load %arg13[%get3A_1313, %get3A_1314] {strides = array<i32>} : memref<32x1024xf32, #tpu.memory_space<vmem>>, vector<1x16xf32>,
      %get3A_1316 = vector.shape_cast %get3A_1315 : vector<1x16xf32> to vector<16xf32>
      %mul3A_1317 = arith.mulf %get3A_45, %get3A_1316 : vector<16xf32>
      %add3A_1318 = arith.addf %get3A_1312, %mul3A_1317 : vector<16xf32>
      %get3A_1319 = arith.index_cast %scan3A_42 : i32 to index
      %get3A_1320 = arith.constant 960 : index
      %get3A_1321 = tpu.vector_load %arg14[%get3A_1319, %get3A_1320] {strides = array<i32>} : memref<32x1024xf32, #tpu.memory_space<vmem>>, vector<1x16xf32>,
      %get3A_1322 = vector.shape_cast %get3A_1321 : vector<1x16xf32> to vector<16xf32>
      %mul3A_1323 = arith.mulf %get3A_49, %get3A_1322 : vector<16xf32>
      %add3A_1324 = arith.addf %add3A_1318, %mul3A_1323 : vector<16xf32>
      %swap3A_1325 = arith.index_cast %scan3A_42 : i32 to index
      %swap3A_1326 = arith.constant 960 : index
      %swap3A_1327 = tpu.vector_load %arg15[%swap3A_1325, %swap3A_1326] {strides = array<i32>} : memref<32x1024xf32, #tpu.memory_space<vmem>>, vector<1x16xf32>,
      %swap3A_1328 = vector.shape_cast %swap3A_1327 : vector<1x16xf32> to vector<16xf32>
      %swap3A_1329 = vector.shape_cast %add3A_1324 : vector<16xf32> to vector<1x16xf32>
      tpu.vector_store %arg15[%swap3A_1325, %swap3A_1326], %swap3A_1329 {strides = array<i32>} : memref<32x1024xf32, #tpu.memory_space<vmem>>, vector<1x16xf32>,
      %get3A_1330 = arith.index_cast %scan3A_42 : i32 to index
      %get3A_1331 = arith.constant 976 : index
      %get3A_1332 = tpu.vector_load %arg15[%get3A_1330, %get3A_1331] {strides = array<i32>} : memref<32x1024xf32, #tpu.memory_space<vmem>>, vector<1x16xf32>,
      %get3A_1333 = vector.shape_cast %get3A_1332 : vector<1x16xf32> to vector<16xf32>
      %get3A_1334 = arith.index_cast %scan3A_42 : i32 to index
      %get3A_1335 = arith.constant 976 : index
      %get3A_1336 = tpu.vector_load %arg13[%get3A_1334, %get3A_1335] {strides = array<i32>} : memref<32x1024xf32, #tpu.memory_space<vmem>>, vector<1x16xf32>,
      %get3A_1337 = vector.shape_cast %get3A_1336 : vector<1x16xf32> to vector<16xf32>
      %mul3A_1338 = arith.mulf %get3A_45, %get3A_1337 : vector<16xf32>
      %add3A_1339 = arith.addf %get3A_1333, %mul3A_1338 : vector<16xf32>
      %get3A_1340 = arith.index_cast %scan3A_42 : i32 to index
      %get3A_1341 = arith.constant 976 : index
      %get3A_1342 = tpu.vector_load %arg14[%get3A_1340, %get3A_1341] {strides = array<i32>} : memref<32x1024xf32, #tpu.memory_space<vmem>>, vector<1x16xf32>,
      %get3A_1343 = vector.shape_cast %get3A_1342 : vector<1x16xf32> to vector<16xf32>
      %mul3A_1344 = arith.mulf %get3A_49, %get3A_1343 : vector<16xf32>
      %add3A_1345 = arith.addf %add3A_1339, %mul3A_1344 : vector<16xf32>
      %swap3A_1346 = arith.index_cast %scan3A_42 : i32 to index
      %swap3A_1347 = arith.constant 976 : index
      %swap3A_1348 = tpu.vector_load %arg15[%swap3A_1346, %swap3A_1347] {strides = array<i32>} : memref<32x1024xf32, #tpu.memory_space<vmem>>, vector<1x16xf32>,
      %swap3A_1349 = vector.shape_cast %swap3A_1348 : vector<1x16xf32> to vector<16xf32>
      %swap3A_1350 = vector.shape_cast %add3A_1345 : vector<16xf32> to vector<1x16xf32>
      tpu.vector_store %arg15[%swap3A_1346, %swap3A_1347], %swap3A_1350 {strides = array<i32>} : memref<32x1024xf32, #tpu.memory_space<vmem>>, vector<1x16xf32>,
      %get3A_1351 = arith.index_cast %scan3A_42 : i32 to index
      %get3A_1352 = arith.constant 992 : index
      %get3A_1353 = tpu.vector_load %arg15[%get3A_1351, %get3A_1352] {strides = array<i32>} : memref<32x1024xf32, #tpu.memory_space<vmem>>, vector<1x16xf32>,
      %get3A_1354 = vector.shape_cast %get3A_1353 : vector<1x16xf32> to vector<16xf32>
      %get3A_1355 = arith.index_cast %scan3A_42 : i32 to index
      %get3A_1356 = arith.constant 992 : index
      %get3A_1357 = tpu.vector_load %arg13[%get3A_1355, %get3A_1356] {strides = array<i32>} : memref<32x1024xf32, #tpu.memory_space<vmem>>, vector<1x16xf32>,
      %get3A_1358 = vector.shape_cast %get3A_1357 : vector<1x16xf32> to vector<16xf32>
      %mul3A_1359 = arith.mulf %get3A_45, %get3A_1358 : vector<16xf32>
      %add3A_1360 = arith.addf %get3A_1354, %mul3A_1359 : vector<16xf32>
      %get3A_1361 = arith.index_cast %scan3A_42 : i32 to index
      %get3A_1362 = arith.constant 992 : index
      %get3A_1363 = tpu.vector_load %arg14[%get3A_1361, %get3A_1362] {strides = array<i32>} : memref<32x1024xf32, #tpu.memory_space<vmem>>, vector<1x16xf32>,
      %get3A_1364 = vector.shape_cast %get3A_1363 : vector<1x16xf32> to vector<16xf32>
      %mul3A_1365 = arith.mulf %get3A_49, %get3A_1364 : vector<16xf32>
      %add3A_1366 = arith.addf %add3A_1360, %mul3A_1365 : vector<16xf32>
      %swap3A_1367 = arith.index_cast %scan3A_42 : i32 to index
      %swap3A_1368 = arith.constant 992 : index
      %swap3A_1369 = tpu.vector_load %arg15[%swap3A_1367, %swap3A_1368] {strides = array<i32>} : memref<32x1024xf32, #tpu.memory_space<vmem>>, vector<1x16xf32>,
      %swap3A_1370 = vector.shape_cast %swap3A_1369 : vector<1x16xf32> to vector<16xf32>
      %swap3A_1371 = vector.shape_cast %add3A_1366 : vector<16xf32> to vector<1x16xf32>
      tpu.vector_store %arg15[%swap3A_1367, %swap3A_1368], %swap3A_1371 {strides = array<i32>} : memref<32x1024xf32, #tpu.memory_space<vmem>>, vector<1x16xf32>,
      %get3A_1372 = arith.index_cast %scan3A_42 : i32 to index
      %get3A_1373 = arith.constant 1008 : index
      %get3A_1374 = tpu.vector_load %arg15[%get3A_1372, %get3A_1373] {strides = array<i32>} : memref<32x1024xf32, #tpu.memory_space<vmem>>, vector<1x16xf32>,
      %get3A_1375 = vector.shape_cast %get3A_1374 : vector<1x16xf32> to vector<16xf32>
      %get3A_1376 = arith.index_cast %scan3A_42 : i32 to index
      %get3A_1377 = arith.constant 1008 : index
      %get3A_1378 = tpu.vector_load %arg13[%get3A_1376, %get3A_1377] {strides = array<i32>} : memref<32x1024xf32, #tpu.memory_space<vmem>>, vector<1x16xf32>,
      %get3A_1379 = vector.shape_cast %get3A_1378 : vector<1x16xf32> to vector<16xf32>
      %mul3A_1380 = arith.mulf %get3A_45, %get3A_1379 : vector<16xf32>
      %add3A_1381 = arith.addf %get3A_1375, %mul3A_1380 : vector<16xf32>
      %get3A_1382 = arith.index_cast %scan3A_42 : i32 to index
      %get3A_1383 = arith.constant 1008 : index
      %get3A_1384 = tpu.vector_load %arg14[%get3A_1382, %get3A_1383] {strides = array<i32>} : memref<32x1024xf32, #tpu.memory_space<vmem>>, vector<1x16xf32>,
      %get3A_1385 = vector.shape_cast %get3A_1384 : vector<1x16xf32> to vector<16xf32>
      %mul3A_1386 = arith.mulf %get3A_49, %get3A_1385 : vector<16xf32>
      %add3A_1387 = arith.addf %add3A_1381, %mul3A_1386 : vector<16xf32>
      %swap3A_1388 = arith.index_cast %scan3A_42 : i32 to index
      %swap3A_1389 = arith.constant 1008 : index
      %swap3A_1390 = tpu.vector_load %arg15[%swap3A_1388, %swap3A_1389] {strides = array<i32>} : memref<32x1024xf32, #tpu.memory_space<vmem>>, vector<1x16xf32>,
      %swap3A_1391 = vector.shape_cast %swap3A_1390 : vector<1x16xf32> to vector<16xf32>
      %swap3A_1392 = vector.shape_cast %add3A_1387 : vector<16xf32> to vector<1x16xf32>
      tpu.vector_store %arg15[%swap3A_1388, %swap3A_1389], %swap3A_1392 {strides = array<i32>} : memref<32x1024xf32, #tpu.memory_space<vmem>>, vector<1x16xf32>,
    }
    %scan3A_41 = arith.constant 32 : i32
    "tpu.region"() ({
      %run_scoped3A = tpu.sem_alloc : memref<!tpu.dma_semaphore, #tpu.memory_space<semaphore_mem>>
      %dma_start3A_42 = arith.constant 0 : i32
      %dma_start3A_43 = tpu.memref_slice %arg8[%add3A_23, %dma_start3A_42] : memref<2048x1024xf32, #tpu.memory_space<hbm>> -> memref<32x1024xf32, #tpu.memory_space<hbm>>
      %dma_start3A_44 = arith.constant 0 : i32
      %dma_start3A_45 = tpu.memref_slice %arg8[%add3A_23, %dma_start3A_44] : memref<2048x1024xf32, #tpu.memory_space<hbm>> -> memref<32x1024xf32, #tpu.memory_space<hbm>>
      tpu.enqueue_dma source(%arg15 : memref<32x1024xf32, #tpu.memory_space<vmem>>) target(%dma_start3A_45 : memref<32x1024xf32, #tpu.memory_space<hbm>>) target_semaphore(%run_scoped3A : memref<!tpu.dma_semaphore, #tpu.memory_space<semaphore_mem>>)
      %dma_wait3A_46 = arith.constant 0 : i32
      %dma_wait3A_47 = tpu.memref_slice %arg8[%add3A_23, %dma_wait3A_46] : memref<2048x1024xf32, #tpu.memory_space<hbm>> -> memref<32x1024xf32, #tpu.memory_space<hbm>>
      %dma_wait3A_48 = arith.constant 0 : i32
      %dma_wait3A_49 = tpu.memref_slice %arg8[%add3A_23, %dma_wait3A_48] : memref<2048x1024xf32, #tpu.memory_space<hbm>> -> memref<32x1024xf32, #tpu.memory_space<hbm>>
      tpu.wait_dma2 semaphore(%run_scoped3A : memref<!tpu.dma_semaphore, #tpu.memory_space<semaphore_mem>>) src(%arg15 : memref<32x1024xf32, #tpu.memory_space<vmem>>) dst(%dma_wait3A_49 : memref<32x1024xf32, #tpu.memory_space<hbm>>)
      tpu.yield
    }) : () -> ()
    return
  }
}

module attributes {stable_mosaic.version = 14 : i64} {
  func.func @_qkv_body(%arg0: i32, %arg1: memref<256x1024xf32, #tpu.memory_space<vmem>>, %arg2: memref<1x8xf32, #tpu.memory_space<vmem>>, %arg3: memref<8x1024xf32, #tpu.memory_space<vmem>>, %arg4: memref<8x1024xf32, #tpu.memory_space<vmem>>, %arg5: memref<256x32xf32, #tpu.memory_space<vmem>>, %arg6: memref<1024x512xf32, #tpu.memory_space<vmem>>, %arg7: memref<1024x512xf32, #tpu.memory_space<vmem>>, %arg8: memref<1024x512xf32, #tpu.memory_space<vmem>>, %arg9: memref<1024x512xf32, #tpu.memory_space<vmem>>, %arg10: memref<1024x1024xf32, #tpu.memory_space<vmem>>, %arg11: memref<256x1024xf32, #tpu.memory_space<vmem>>, %arg12: memref<256x1024xf32, #tpu.memory_space<vmem>>, %arg13: memref<256x1024xf32, #tpu.memory_space<vmem>>) attributes {dimension_semantics = [#tpu.dimension_semantics<arbitrary>], iteration_bounds = array<i64: 8>, scalar_prefetch = 0 : i64, scratch_operands = 0 : i64, tpu.core_type = #tpu.core_type<tc>, window_params = [{transform_indices = @transform_0, window_bounds = array<i64: 256, 1024>}, {pipeline_mode = #tpu.pipeline_mode<synchronous>, transform_indices = @transform_1, window_bounds = array<i64: 1, 8>}, {pipeline_mode = #tpu.pipeline_mode<synchronous>, transform_indices = @transform_2, window_bounds = array<i64: 8, 1024>}, {pipeline_mode = #tpu.pipeline_mode<synchronous>, transform_indices = @transform_3, window_bounds = array<i64: 8, 1024>}, {transform_indices = @transform_4, window_bounds = array<i64: 256, 32>}, {pipeline_mode = #tpu.pipeline_mode<synchronous>, transform_indices = @transform_5, window_bounds = array<i64: 1024, 512>}, {pipeline_mode = #tpu.pipeline_mode<synchronous>, transform_indices = @transform_6, window_bounds = array<i64: 1024, 512>}, {pipeline_mode = #tpu.pipeline_mode<synchronous>, transform_indices = @transform_7, window_bounds = array<i64: 1024, 512>}, {pipeline_mode = #tpu.pipeline_mode<synchronous>, transform_indices = @transform_8, window_bounds = array<i64: 1024, 512>}, {pipeline_mode = #tpu.pipeline_mode<synchronous>, transform_indices = @transform_9, window_bounds = array<i64: 1024, 1024>}, {transform_indices = @transform_10, window_bounds = array<i64: 256, 1024>}, {transform_indices = @transform_11, window_bounds = array<i64: 256, 1024>}, {transform_indices = @transform_12, window_bounds = array<i64: 256, 1024>}]} {
    %get3A = arith.constant 0 : index
    %get3A_0 = arith.constant 0 : index
    %get3A_1 = vector.load %arg1[%get3A, %get3A_0] : memref<256x1024xf32, #tpu.memory_space<vmem>>, vector<256x1024xf32>
    %reduce_sum3A = arith.constant dense<0.000000e+00> : vector<256xf32>
    %reduce_sum3A_2 = vector.multi_reduction <add>, %get3A_1, %reduce_sum3A [1] : vector<256x1024xf32> to vector<256xf32>
    %broadcast_in_dim3A = vector.shape_cast %reduce_sum3A_2 : vector<256xf32> to vector<256x1xf32>
    %div3A = arith.constant 1.024000e+03 : f32
    %div3A_3 = vector.broadcast %div3A : f32 to vector<256x1xf32>
    %div3A_4 = arith.divf %broadcast_in_dim3A, %div3A_3 : vector<256x1xf32>
    %sub3A = vector.broadcast %div3A_4 : vector<256x1xf32> to vector<256x1024xf32>
    %sub3A_5 = arith.subf %get3A_1, %sub3A : vector<256x1024xf32>
    %integer_pow3A = arith.mulf %sub3A_5, %sub3A_5 : vector<256x1024xf32>
    %reduce_sum3A_6 = arith.constant dense<0.000000e+00> : vector<256xf32>
    %reduce_sum3A_7 = vector.multi_reduction <add>, %integer_pow3A, %reduce_sum3A_6 [1] : vector<256x1024xf32> to vector<256xf32>
    %broadcast_in_dim3A_8 = vector.shape_cast %reduce_sum3A_7 : vector<256xf32> to vector<256x1xf32>
    %div3A_9 = arith.constant 1.024000e+03 : f32
    %div3A_10 = vector.broadcast %div3A_9 : f32 to vector<256x1xf32>
    %div3A_11 = arith.divf %broadcast_in_dim3A_8, %div3A_10 : vector<256x1xf32>
    %sub3A_12 = vector.broadcast %div3A_4 : vector<256x1xf32> to vector<256x1024xf32>
    %sub3A_13 = arith.subf %get3A_1, %sub3A_12 : vector<256x1024xf32>
    %add3A = arith.constant 9.99999997E-7 : f32
    %add3A_14 = vector.broadcast %add3A : f32 to vector<256x1xf32>
    %add3A_15 = arith.addf %div3A_11, %add3A_14 : vector<256x1xf32>
    %sqrt3A = math.sqrt %add3A_15 : vector<256x1xf32>
    %div3A_16 = vector.broadcast %sqrt3A : vector<256x1xf32> to vector<256x1024xf32>
    %div3A_17 = arith.divf %sub3A_13, %div3A_16 : vector<256x1024xf32>
    %get3A_18 = arith.constant 0 : index
    %get3A_19 = arith.constant 0 : index
    %get3A_20 = vector.load %arg2[%get3A_18, %get3A_19] : memref<1x8xf32, #tpu.memory_space<vmem>>, vector<1x8xf32>
    %get3A_21 = arith.constant 0 : index
    %get3A_22 = arith.constant 0 : index
    %get3A_23 = vector.load %arg3[%get3A_21, %get3A_22] : memref<8x1024xf32, #tpu.memory_space<vmem>>, vector<8x1024xf32>
    %dot_general3A = arith.constant dense<0.000000e+00> : vector<1x1024xf32>
    %dot_general3A_24 = tpu.matmul %get3A_20, %get3A_23, %dot_general3A {dimension_numbers = #tpu.dot_dimension_numbers<[1], [0], [0], [1], [0, 0, 1, 1], [], []>, transpose_lhs_hint = false} : vector<1x8xf32>, vector<8x1024xf32>, vector<1x1024xf32> -> vector<1x1024xf32>
    %get3A_25 = arith.constant 0 : index
    %get3A_26 = arith.constant 0 : index
    %get3A_27 = vector.load %arg4[%get3A_25, %get3A_26] : memref<8x1024xf32, #tpu.memory_space<vmem>>, vector<8x1024xf32>
    %dot_general3A_28 = arith.constant dense<0.000000e+00> : vector<1x1024xf32>
    %dot_general3A_29 = tpu.matmul %get3A_20, %get3A_27, %dot_general3A_28 {dimension_numbers = #tpu.dot_dimension_numbers<[1], [0], [0], [1], [0, 0, 1, 1], [], []>, transpose_lhs_hint = false} : vector<1x8xf32>, vector<8x1024xf32>, vector<1x1024xf32> -> vector<1x1024xf32>
    %add3A_30 = arith.constant 1.000000e+00 : f32
    %add3A_31 = vector.broadcast %add3A_30 : f32 to vector<1x1024xf32>
    %add3A_32 = arith.addf %add3A_31, %dot_general3A_24 : vector<1x1024xf32>
    %mul3A = vector.broadcast %add3A_32 : vector<1x1024xf32> to vector<256x1024xf32>
    %mul3A_33 = arith.mulf %div3A_17, %mul3A : vector<256x1024xf32>
    %add3A_34 = vector.broadcast %dot_general3A_29 : vector<1x1024xf32> to vector<256x1024xf32>
    %add3A_35 = arith.addf %mul3A_33, %add3A_34 : vector<256x1024xf32>
    %get3A_36 = arith.constant 0 : index
    %get3A_37 = arith.constant 0 : index
    %get3A_38 = vector.load %arg6[%get3A_36, %get3A_37] : memref<1024x512xf32, #tpu.memory_space<vmem>>, vector<1024x512xf32>
    %dot_general3A_39 = arith.constant dense<0.000000e+00> : vector<256x512xf32>
    %dot_general3A_40 = tpu.matmul %add3A_35, %get3A_38, %dot_general3A_39 {dimension_numbers = #tpu.dot_dimension_numbers<[1], [0], [0], [1], [0, 0, 1, 1], [], []>, transpose_lhs_hint = false} : vector<256x1024xf32>, vector<1024x512xf32>, vector<256x512xf32> -> vector<256x512xf32>
    %get3A_41 = arith.constant 0 : index
    %get3A_42 = arith.constant 0 : index
    %get3A_43 = vector.load %arg7[%get3A_41, %get3A_42] : memref<1024x512xf32, #tpu.memory_space<vmem>>, vector<1024x512xf32>
    %dot_general3A_44 = arith.constant dense<0.000000e+00> : vector<256x512xf32>
    %dot_general3A_45 = tpu.matmul %add3A_35, %get3A_43, %dot_general3A_44 {dimension_numbers = #tpu.dot_dimension_numbers<[1], [0], [0], [1], [0, 0, 1, 1], [], []>, transpose_lhs_hint = false} : vector<256x1024xf32>, vector<1024x512xf32>, vector<256x512xf32> -> vector<256x512xf32>
    %get3A_46 = arith.constant 0 : index
    %get3A_47 = arith.constant 0 : index
    %get3A_48 = vector.load %arg8[%get3A_46, %get3A_47] : memref<1024x512xf32, #tpu.memory_space<vmem>>, vector<1024x512xf32>
    %dot_general3A_49 = arith.constant dense<0.000000e+00> : vector<256x512xf32>
    %dot_general3A_50 = tpu.matmul %add3A_35, %get3A_48, %dot_general3A_49 {dimension_numbers = #tpu.dot_dimension_numbers<[1], [0], [0], [1], [0, 0, 1, 1], [], []>, transpose_lhs_hint = false} : vector<256x1024xf32>, vector<1024x512xf32>, vector<256x512xf32> -> vector<256x512xf32>
    %get3A_51 = arith.constant 0 : index
    %get3A_52 = arith.constant 0 : index
    %get3A_53 = vector.load %arg9[%get3A_51, %get3A_52] : memref<1024x512xf32, #tpu.memory_space<vmem>>, vector<1024x512xf32>
    %dot_general3A_54 = arith.constant dense<0.000000e+00> : vector<256x512xf32>
    %dot_general3A_55 = tpu.matmul %add3A_35, %get3A_53, %dot_general3A_54 {dimension_numbers = #tpu.dot_dimension_numbers<[1], [0], [0], [1], [0, 0, 1, 1], [], []>, transpose_lhs_hint = false} : vector<256x1024xf32>, vector<1024x512xf32>, vector<256x512xf32> -> vector<256x512xf32>
    %get3A_56 = arith.constant 0 : index
    %get3A_57 = arith.constant 0 : index
    %get3A_58 = vector.load %arg10[%get3A_56, %get3A_57] : memref<1024x1024xf32, #tpu.memory_space<vmem>>, vector<1024x1024xf32>
    %dot_general3A_59 = arith.constant dense<0.000000e+00> : vector<256x1024xf32>
    %dot_general3A_60 = tpu.matmul %add3A_35, %get3A_58, %dot_general3A_59 {dimension_numbers = #tpu.dot_dimension_numbers<[1], [0], [0], [1], [0, 0, 1, 1], [], []>, transpose_lhs_hint = false} : vector<256x1024xf32>, vector<1024x1024xf32>, vector<256x1024xf32> -> vector<256x1024xf32>
    %swap3A = arith.constant 0 : index
    %swap3A_61 = arith.constant 0 : index
    %swap3A_62 = vector.load %arg13[%swap3A, %swap3A_61] : memref<256x1024xf32, #tpu.memory_space<vmem>>, vector<256x1024xf32>
    tpu.vector_store %arg13[%swap3A, %swap3A_61], %dot_general3A_60 {strides = array<i32>} : memref<256x1024xf32, #tpu.memory_space<vmem>>, vector<256x1024xf32>,
    %get3A_63 = arith.constant 0 : index
    %get3A_64 = arith.constant 0 : index
    %get3A_65 = vector.load %arg5[%get3A_63, %get3A_64] : memref<256x32xf32, #tpu.memory_space<vmem>>, vector<256x32xf32>
    %cos3A = math.cos %get3A_65 : vector<256x32xf32>
    %sin3A = math.sin %get3A_65 : vector<256x32xf32>
    %concatenate3A = tpu.concatenate %cos3A, %cos3A, %cos3A, %cos3A, %cos3A, %cos3A, %cos3A, %cos3A, %cos3A, %cos3A, %cos3A, %cos3A, %cos3A, %cos3A, %cos3A, %cos3A in 1 : vector<256x32xf32>, vector<256x32xf32>, vector<256x32xf32>, vector<256x32xf32>, vector<256x32xf32>, vector<256x32xf32>, vector<256x32xf32>, vector<256x32xf32>, vector<256x32xf32>, vector<256x32xf32>, vector<256x32xf32>, vector<256x32xf32>, vector<256x32xf32>, vector<256x32xf32>, vector<256x32xf32>, vector<256x32xf32> -> vector<256x512xf32>
    %concatenate3A_66 = tpu.concatenate %sin3A, %sin3A, %sin3A, %sin3A, %sin3A, %sin3A, %sin3A, %sin3A, %sin3A, %sin3A, %sin3A, %sin3A, %sin3A, %sin3A, %sin3A, %sin3A in 1 : vector<256x32xf32>, vector<256x32xf32>, vector<256x32xf32>, vector<256x32xf32>, vector<256x32xf32>, vector<256x32xf32>, vector<256x32xf32>, vector<256x32xf32>, vector<256x32xf32>, vector<256x32xf32>, vector<256x32xf32>, vector<256x32xf32>, vector<256x32xf32>, vector<256x32xf32>, vector<256x32xf32>, vector<256x32xf32> -> vector<256x512xf32>
    %mul3A_67 = arith.mulf %dot_general3A_40, %concatenate3A : vector<256x512xf32>
    %mul3A_68 = arith.mulf %dot_general3A_45, %concatenate3A_66 : vector<256x512xf32>
    %sub3A_69 = arith.subf %mul3A_67, %mul3A_68 : vector<256x512xf32>
    %mul3A_70 = arith.mulf %dot_general3A_40, %concatenate3A_66 : vector<256x512xf32>
    %mul3A_71 = arith.mulf %dot_general3A_45, %concatenate3A : vector<256x512xf32>
    %add3A_72 = arith.addf %mul3A_70, %mul3A_71 : vector<256x512xf32>
    %concatenate3A_73 = tpu.concatenate %sub3A_69, %add3A_72 in 1 : vector<256x512xf32>, vector<256x512xf32> -> vector<256x1024xf32>
    %swap3A_74 = arith.constant 0 : index
    %swap3A_75 = arith.constant 0 : index
    %swap3A_76 = vector.load %arg11[%swap3A_74, %swap3A_75] : memref<256x1024xf32, #tpu.memory_space<vmem>>, vector<256x1024xf32>
    tpu.vector_store %arg11[%swap3A_74, %swap3A_75], %concatenate3A_73 {strides = array<i32>} : memref<256x1024xf32, #tpu.memory_space<vmem>>, vector<256x1024xf32>,
    %mul3A_77 = arith.mulf %dot_general3A_50, %concatenate3A : vector<256x512xf32>
    %mul3A_78 = arith.mulf %dot_general3A_55, %concatenate3A_66 : vector<256x512xf32>
    %sub3A_79 = arith.subf %mul3A_77, %mul3A_78 : vector<256x512xf32>
    %mul3A_80 = arith.mulf %dot_general3A_50, %concatenate3A_66 : vector<256x512xf32>
    %mul3A_81 = arith.mulf %dot_general3A_55, %concatenate3A : vector<256x512xf32>
    %add3A_82 = arith.addf %mul3A_80, %mul3A_81 : vector<256x512xf32>
    %concatenate3A_83 = tpu.concatenate %sub3A_79, %add3A_82 in 1 : vector<256x512xf32>, vector<256x512xf32> -> vector<256x1024xf32>
    %swap3A_84 = arith.constant 0 : index
    %swap3A_85 = arith.constant 0 : index
    %swap3A_86 = vector.load %arg12[%swap3A_84, %swap3A_85] : memref<256x1024xf32, #tpu.memory_space<vmem>>, vector<256x1024xf32>
    tpu.vector_store %arg12[%swap3A_84, %swap3A_85], %concatenate3A_83 {strides = array<i32>} : memref<256x1024xf32, #tpu.memory_space<vmem>>, vector<256x1024xf32>,
    return
  }
  func.func @transform_0(%arg0: i32) -> (i32, i32) {
    %c0_i32 = arith.constant 0 : i32
    %c0_i32_0 = arith.constant 0 : i32
    return %arg0, %c0_i32 : i32, i32
  }
  func.func @transform_1(%arg0: i32) -> (i32, i32) {
    %c0_i32 = arith.constant 0 : i32
    %c0_i32_0 = arith.constant 0 : i32
    %c0_i32_1 = arith.constant 0 : i32
    return %c0_i32, %c0_i32_0 : i32, i32
  }
  func.func @transform_2(%arg0: i32) -> (i32, i32) {
    %c0_i32 = arith.constant 0 : i32
    %c0_i32_0 = arith.constant 0 : i32
    %c0_i32_1 = arith.constant 0 : i32
    return %c0_i32, %c0_i32_0 : i32, i32
  }
  func.func @transform_3(%arg0: i32) -> (i32, i32) {
    %c0_i32 = arith.constant 0 : i32
    %c0_i32_0 = arith.constant 0 : i32
    %c0_i32_1 = arith.constant 0 : i32
    return %c0_i32, %c0_i32_0 : i32, i32
  }
  func.func @transform_4(%arg0: i32) -> (i32, i32) {
    %c0_i32 = arith.constant 0 : i32
    %c0_i32_0 = arith.constant 0 : i32
    return %arg0, %c0_i32 : i32, i32
  }
  func.func @transform_5(%arg0: i32) -> (i32, i32) {
    %c0_i32 = arith.constant 0 : i32
    %c0_i32_0 = arith.constant 0 : i32
    %c0_i32_1 = arith.constant 0 : i32
    return %c0_i32, %c0_i32_0 : i32, i32
  }
  func.func @transform_6(%arg0: i32) -> (i32, i32) {
    %c0_i32 = arith.constant 0 : i32
    %c0_i32_0 = arith.constant 0 : i32
    %c0_i32_1 = arith.constant 0 : i32
    return %c0_i32, %c0_i32_0 : i32, i32
  }
  func.func @transform_7(%arg0: i32) -> (i32, i32) {
    %c0_i32 = arith.constant 0 : i32
    %c0_i32_0 = arith.constant 0 : i32
    %c0_i32_1 = arith.constant 0 : i32
    return %c0_i32, %c0_i32_0 : i32, i32
  }
  func.func @transform_8(%arg0: i32) -> (i32, i32) {
    %c0_i32 = arith.constant 0 : i32
    %c0_i32_0 = arith.constant 0 : i32
    %c0_i32_1 = arith.constant 0 : i32
    return %c0_i32, %c0_i32_0 : i32, i32
  }
  func.func @transform_9(%arg0: i32) -> (i32, i32) {
    %c0_i32 = arith.constant 0 : i32
    %c0_i32_0 = arith.constant 0 : i32
    %c0_i32_1 = arith.constant 0 : i32
    return %c0_i32, %c0_i32_0 : i32, i32
  }
  func.func @transform_10(%arg0: i32) -> (i32, i32) {
    %c0_i32 = arith.constant 0 : i32
    %c0_i32_0 = arith.constant 0 : i32
    return %arg0, %c0_i32 : i32, i32
  }
  func.func @transform_11(%arg0: i32) -> (i32, i32) {
    %c0_i32 = arith.constant 0 : i32
    %c0_i32_0 = arith.constant 0 : i32
    return %arg0, %c0_i32 : i32, i32
  }
  func.func @transform_12(%arg0: i32) -> (i32, i32) {
    %c0_i32 = arith.constant 0 : i32
    %c0_i32_0 = arith.constant 0 : i32
    return %arg0, %c0_i32 : i32, i32
  }
}

module attributes {stable_mosaic.version = 14 : i64} {
  func.func @_attn_body(%arg0: i32, %arg1: i32, %arg2: memref<1x512x64xf32, #tpu.memory_space<vmem>>, %arg3: memref<1x2048x64xf32, #tpu.memory_space<vmem>>, %arg4: memref<1x2048x64xf32, #tpu.memory_space<vmem>>, %arg5: memref<1x512x64xf32, #tpu.memory_space<vmem>>) attributes {dimension_semantics = [#tpu.dimension_semantics<arbitrary>, #tpu.dimension_semantics<arbitrary>], iteration_bounds = array<i64: 16, 4>, scalar_prefetch = 0 : i64, scratch_operands = 0 : i64, tpu.core_type = #tpu.core_type<tc>, window_params = [{transform_indices = @transform_0, window_bounds = array<i64: 1, 512, 64>}, {transform_indices = @transform_1, window_bounds = array<i64: 1, 2048, 64>}, {transform_indices = @transform_2, window_bounds = array<i64: 1, 2048, 64>}, {transform_indices = @transform_3, window_bounds = array<i64: 1, 512, 64>}]} {
    %get3A = arith.constant 0 : index
    %get3A_0 = arith.constant 0 : index
    %get3A_1 = arith.constant 0 : index
    %get3A_2 = vector.load %arg2[%get3A, %get3A_0, %get3A_1] : memref<1x512x64xf32, #tpu.memory_space<vmem>>, vector<1x512x64xf32>
    %get3A_3 = vector.shape_cast %get3A_2 : vector<1x512x64xf32> to vector<512x64xf32>
    %get3A_4 = arith.constant 0 : index
    %get3A_5 = arith.constant 0 : index
    %get3A_6 = arith.constant 0 : index
    %get3A_7 = vector.load %arg3[%get3A_4, %get3A_5, %get3A_6] : memref<1x2048x64xf32, #tpu.memory_space<vmem>>, vector<1x2048x64xf32>
    %get3A_8 = vector.shape_cast %get3A_7 : vector<1x2048x64xf32> to vector<2048x64xf32>
    %get3A_9 = arith.constant 0 : index
    %get3A_10 = arith.constant 0 : index
    %get3A_11 = arith.constant 0 : index
    %get3A_12 = vector.load %arg4[%get3A_9, %get3A_10, %get3A_11] : memref<1x2048x64xf32, #tpu.memory_space<vmem>>, vector<1x2048x64xf32>
    %get3A_13 = vector.shape_cast %get3A_12 : vector<1x2048x64xf32> to vector<2048x64xf32>
    %dot_general3A = arith.constant dense<0.000000e+00> : vector<512x2048xf32>
    %dot_general3A_14 = tpu.matmul %get3A_3, %get3A_8, %dot_general3A {dimension_numbers = #tpu.dot_dimension_numbers<[1], [1], [0], [0], [0, 0, 1, 0], [], []>, transpose_lhs_hint = false} : vector<512x64xf32>, vector<2048x64xf32>, vector<512x2048xf32> -> vector<512x2048xf32>
    %mul3A = arith.constant 1.250000e-01 : f32
    %mul3A_15 = vector.broadcast %mul3A : f32 to vector<512x2048xf32>
    %mul3A_16 = arith.mulf %dot_general3A_14, %mul3A_15 : vector<512x2048xf32>
    %reduce_max3A = arith.constant dense<0xFF800000> : vector<512xf32>
    %reduce_max3A_17 = vector.multi_reduction <maximumf>, %mul3A_16, %reduce_max3A [1] : vector<512x2048xf32> to vector<512xf32>
    %broadcast_in_dim3A = vector.shape_cast %reduce_max3A_17 : vector<512xf32> to vector<512x1xf32>
    %sub3A = vector.broadcast %broadcast_in_dim3A : vector<512x1xf32> to vector<512x2048xf32>
    %sub3A_18 = arith.subf %mul3A_16, %sub3A : vector<512x2048xf32>
    %exp3A = math.exp %sub3A_18 : vector<512x2048xf32>
    %reduce_sum3A = arith.constant dense<0.000000e+00> : vector<512xf32>
    %reduce_sum3A_19 = vector.multi_reduction <add>, %exp3A, %reduce_sum3A [1] : vector<512x2048xf32> to vector<512xf32>
    %broadcast_in_dim3A_20 = vector.shape_cast %reduce_sum3A_19 : vector<512xf32> to vector<512x1xf32>
    %div3A = vector.broadcast %broadcast_in_dim3A_20 : vector<512x1xf32> to vector<512x2048xf32>
    %div3A_21 = arith.divf %exp3A, %div3A : vector<512x2048xf32>
    %dot_general3A_22 = arith.constant dense<0.000000e+00> : vector<512x64xf32>
    %dot_general3A_23 = tpu.matmul %div3A_21, %get3A_13, %dot_general3A_22 {dimension_numbers = #tpu.dot_dimension_numbers<[1], [0], [0], [1], [0, 0, 1, 1], [], []>, transpose_lhs_hint = false} : vector<512x2048xf32>, vector<2048x64xf32>, vector<512x64xf32> -> vector<512x64xf32>
    %swap3A = arith.constant 0 : index
    %swap3A_24 = arith.constant 0 : index
    %swap3A_25 = arith.constant 0 : index
    %swap3A_26 = vector.load %arg5[%swap3A, %swap3A_24, %swap3A_25] : memref<1x512x64xf32, #tpu.memory_space<vmem>>, vector<1x512x64xf32>
    %swap3A_27 = vector.shape_cast %swap3A_26 : vector<1x512x64xf32> to vector<512x64xf32>
    %swap3A_28 = vector.shape_cast %dot_general3A_23 : vector<512x64xf32> to vector<1x512x64xf32>
    tpu.vector_store %arg5[%swap3A, %swap3A_24, %swap3A_25], %swap3A_28 {strides = array<i32>} : memref<1x512x64xf32, #tpu.memory_space<vmem>>, vector<1x512x64xf32>,
    return
  }
  func.func @transform_0(%arg0: i32, %arg1: i32) -> (i32, i32, i32) {
    %c0_i32 = arith.constant 0 : i32
    %c0_i32_0 = arith.constant 0 : i32
    return %arg0, %arg1, %c0_i32 : i32, i32, i32
  }
  func.func @transform_1(%arg0: i32, %arg1: i32) -> (i32, i32, i32) {
    %c0_i32 = arith.constant 0 : i32
    %c0_i32_0 = arith.constant 0 : i32
    %c0_i32_1 = arith.constant 0 : i32
    return %arg0, %c0_i32, %c0_i32_0 : i32, i32, i32
  }
  func.func @transform_2(%arg0: i32, %arg1: i32) -> (i32, i32, i32) {
    %c0_i32 = arith.constant 0 : i32
    %c0_i32_0 = arith.constant 0 : i32
    %c0_i32_1 = arith.constant 0 : i32
    return %arg0, %c0_i32, %c0_i32_0 : i32, i32, i32
  }
  func.func @transform_3(%arg0: i32, %arg1: i32) -> (i32, i32, i32) {
    %c0_i32 = arith.constant 0 : i32
    %c0_i32_0 = arith.constant 0 : i32
    return %arg0, %arg1, %c0_i32 : i32, i32, i32
  }
}

module attributes {stable_mosaic.version = 14 : i64} {
  func.func @_post_body(%arg0: i32, %arg1: memref<256x1024xf32, #tpu.memory_space<vmem>>, %arg2: memref<256x1024xf32, #tpu.memory_space<vmem>>, %arg3: memref<1024x1024xf32, #tpu.memory_space<vmem>>, %arg4: memref<1x8xf32, #tpu.memory_space<vmem>>, %arg5: memref<8x1024xf32, #tpu.memory_space<vmem>>, %arg6: memref<8x1024xf32, #tpu.memory_space<vmem>>, %arg7: memref<1024x128xf32, #tpu.memory_space<vmem>>, %arg8: memref<256x1024xf32, #tpu.memory_space<vmem>>, %arg9: memref<256x1024xbf16, #tpu.memory_space<vmem>>, %arg10: memref<256x128xf32, #tpu.memory_space<vmem>>) attributes {dimension_semantics = [#tpu.dimension_semantics<arbitrary>], iteration_bounds = array<i64: 8>, scalar_prefetch = 0 : i64, scratch_operands = 0 : i64, tpu.core_type = #tpu.core_type<tc>, window_params = [{transform_indices = @transform_0, window_bounds = array<i64: 256, 1024>}, {transform_indices = @transform_1, window_bounds = array<i64: 256, 1024>}, {pipeline_mode = #tpu.pipeline_mode<synchronous>, transform_indices = @transform_2, window_bounds = array<i64: 1024, 1024>}, {pipeline_mode = #tpu.pipeline_mode<synchronous>, transform_indices = @transform_3, window_bounds = array<i64: 1, 8>}, {pipeline_mode = #tpu.pipeline_mode<synchronous>, transform_indices = @transform_4, window_bounds = array<i64: 8, 1024>}, {pipeline_mode = #tpu.pipeline_mode<synchronous>, transform_indices = @transform_5, window_bounds = array<i64: 8, 1024>}, {pipeline_mode = #tpu.pipeline_mode<synchronous>, transform_indices = @transform_6, window_bounds = array<i64: 1024, 128>}, {transform_indices = @transform_7, window_bounds = array<i64: 256, 1024>}, {transform_indices = @transform_8, window_bounds = array<i64: 256, 1024>}, {transform_indices = @transform_9, window_bounds = array<i64: 256, 128>}]} {
    %get3A = arith.constant 0 : index
    %get3A_0 = arith.constant 0 : index
    %get3A_1 = vector.load %arg1[%get3A, %get3A_0] : memref<256x1024xf32, #tpu.memory_space<vmem>>, vector<256x1024xf32>
    %get3A_2 = arith.constant 0 : index
    %get3A_3 = arith.constant 0 : index
    %get3A_4 = vector.load %arg2[%get3A_2, %get3A_3] : memref<256x1024xf32, #tpu.memory_space<vmem>>, vector<256x1024xf32>
    %get3A_5 = arith.constant 0 : index
    %get3A_6 = arith.constant 0 : index
    %get3A_7 = vector.load %arg3[%get3A_5, %get3A_6] : memref<1024x1024xf32, #tpu.memory_space<vmem>>, vector<1024x1024xf32>
    %dot_general3A = arith.constant dense<0.000000e+00> : vector<256x1024xf32>
    %dot_general3A_8 = tpu.matmul %get3A_1, %get3A_7, %dot_general3A {dimension_numbers = #tpu.dot_dimension_numbers<[1], [0], [0], [1], [0, 0, 1, 1], [], []>, transpose_lhs_hint = false} : vector<256x1024xf32>, vector<1024x1024xf32>, vector<256x1024xf32> -> vector<256x1024xf32>
    %add3A = arith.addf %get3A_4, %dot_general3A_8 : vector<256x1024xf32>
    %swap3A = arith.constant 0 : index
    %swap3A_9 = arith.constant 0 : index
    %swap3A_10 = vector.load %arg8[%swap3A, %swap3A_9] : memref<256x1024xf32, #tpu.memory_space<vmem>>, vector<256x1024xf32>
    tpu.vector_store %arg8[%swap3A, %swap3A_9], %add3A {strides = array<i32>} : memref<256x1024xf32, #tpu.memory_space<vmem>>, vector<256x1024xf32>,
    %reduce_sum3A = arith.constant dense<0.000000e+00> : vector<256xf32>
    %reduce_sum3A_11 = vector.multi_reduction <add>, %add3A, %reduce_sum3A [1] : vector<256x1024xf32> to vector<256xf32>
    %broadcast_in_dim3A = vector.shape_cast %reduce_sum3A_11 : vector<256xf32> to vector<256x1xf32>
    %div3A = arith.constant 1.024000e+03 : f32
    %div3A_12 = vector.broadcast %div3A : f32 to vector<256x1xf32>
    %div3A_13 = arith.divf %broadcast_in_dim3A, %div3A_12 : vector<256x1xf32>
    %sub3A = vector.broadcast %div3A_13 : vector<256x1xf32> to vector<256x1024xf32>
    %sub3A_14 = arith.subf %add3A, %sub3A : vector<256x1024xf32>
    %integer_pow3A = arith.mulf %sub3A_14, %sub3A_14 : vector<256x1024xf32>
    %reduce_sum3A_15 = arith.constant dense<0.000000e+00> : vector<256xf32>
    %reduce_sum3A_16 = vector.multi_reduction <add>, %integer_pow3A, %reduce_sum3A_15 [1] : vector<256x1024xf32> to vector<256xf32>
    %broadcast_in_dim3A_17 = vector.shape_cast %reduce_sum3A_16 : vector<256xf32> to vector<256x1xf32>
    %div3A_18 = arith.constant 1.024000e+03 : f32
    %div3A_19 = vector.broadcast %div3A_18 : f32 to vector<256x1xf32>
    %div3A_20 = arith.divf %broadcast_in_dim3A_17, %div3A_19 : vector<256x1xf32>
    %sub3A_21 = vector.broadcast %div3A_13 : vector<256x1xf32> to vector<256x1024xf32>
    %sub3A_22 = arith.subf %add3A, %sub3A_21 : vector<256x1024xf32>
    %add3A_23 = arith.constant 9.99999997E-7 : f32
    %add3A_24 = vector.broadcast %add3A_23 : f32 to vector<256x1xf32>
    %add3A_25 = arith.addf %div3A_20, %add3A_24 : vector<256x1xf32>
    %sqrt3A = math.sqrt %add3A_25 : vector<256x1xf32>
    %div3A_26 = vector.broadcast %sqrt3A : vector<256x1xf32> to vector<256x1024xf32>
    %div3A_27 = arith.divf %sub3A_22, %div3A_26 : vector<256x1024xf32>
    %get3A_28 = arith.constant 0 : index
    %get3A_29 = arith.constant 0 : index
    %get3A_30 = vector.load %arg4[%get3A_28, %get3A_29] : memref<1x8xf32, #tpu.memory_space<vmem>>, vector<1x8xf32>
    %get3A_31 = arith.constant 0 : index
    %get3A_32 = arith.constant 0 : index
    %get3A_33 = vector.load %arg5[%get3A_31, %get3A_32] : memref<8x1024xf32, #tpu.memory_space<vmem>>, vector<8x1024xf32>
    %dot_general3A_34 = arith.constant dense<0.000000e+00> : vector<1x1024xf32>
    %dot_general3A_35 = tpu.matmul %get3A_30, %get3A_33, %dot_general3A_34 {dimension_numbers = #tpu.dot_dimension_numbers<[1], [0], [0], [1], [0, 0, 1, 1], [], []>, transpose_lhs_hint = false} : vector<1x8xf32>, vector<8x1024xf32>, vector<1x1024xf32> -> vector<1x1024xf32>
    %get3A_36 = arith.constant 0 : index
    %get3A_37 = arith.constant 0 : index
    %get3A_38 = vector.load %arg6[%get3A_36, %get3A_37] : memref<8x1024xf32, #tpu.memory_space<vmem>>, vector<8x1024xf32>
    %dot_general3A_39 = arith.constant dense<0.000000e+00> : vector<1x1024xf32>
    %dot_general3A_40 = tpu.matmul %get3A_30, %get3A_38, %dot_general3A_39 {dimension_numbers = #tpu.dot_dimension_numbers<[1], [0], [0], [1], [0, 0, 1, 1], [], []>, transpose_lhs_hint = false} : vector<1x8xf32>, vector<8x1024xf32>, vector<1x1024xf32> -> vector<1x1024xf32>
    %add3A_41 = arith.constant 1.000000e+00 : f32
    %add3A_42 = vector.broadcast %add3A_41 : f32 to vector<1x1024xf32>
    %add3A_43 = arith.addf %add3A_42, %dot_general3A_35 : vector<1x1024xf32>
    %mul3A = vector.broadcast %add3A_43 : vector<1x1024xf32> to vector<256x1024xf32>
    %mul3A_44 = arith.mulf %div3A_27, %mul3A : vector<256x1024xf32>
    %add3A_45 = vector.broadcast %dot_general3A_40 : vector<1x1024xf32> to vector<256x1024xf32>
    %add3A_46 = arith.addf %mul3A_44, %add3A_45 : vector<256x1024xf32>
    %convert_element_type3A = arith.truncf %add3A_46 : vector<256x1024xf32> to vector<256x1024xbf16>
    %swap3A_47 = arith.constant 0 : index
    %swap3A_48 = arith.constant 0 : index
    %swap3A_49 = vector.load %arg9[%swap3A_47, %swap3A_48] : memref<256x1024xbf16, #tpu.memory_space<vmem>>, vector<256x1024xbf16>
    tpu.vector_store %arg9[%swap3A_47, %swap3A_48], %convert_element_type3A {strides = array<i32>} : memref<256x1024xbf16, #tpu.memory_space<vmem>>, vector<256x1024xbf16>,
    %get3A_50 = arith.constant 0 : index
    %get3A_51 = arith.constant 0 : index
    %get3A_52 = vector.load %arg7[%get3A_50, %get3A_51] : memref<1024x128xf32, #tpu.memory_space<vmem>>, vector<1024x128xf32>
    %dot_general3A_53 = arith.constant dense<0.000000e+00> : vector<256x128xf32>
    %dot_general3A_54 = tpu.matmul %add3A_46, %get3A_52, %dot_general3A_53 {dimension_numbers = #tpu.dot_dimension_numbers<[1], [0], [0], [1], [0, 0, 1, 1], [], []>, transpose_lhs_hint = false} : vector<256x1024xf32>, vector<1024x128xf32>, vector<256x128xf32> -> vector<256x128xf32>
    %swap3A_55 = arith.constant 0 : index
    %swap3A_56 = arith.constant 0 : index
    %swap3A_57 = vector.load %arg10[%swap3A_55, %swap3A_56] : memref<256x128xf32, #tpu.memory_space<vmem>>, vector<256x128xf32>
    tpu.vector_store %arg10[%swap3A_55, %swap3A_56], %dot_general3A_54 {strides = array<i32>} : memref<256x128xf32, #tpu.memory_space<vmem>>, vector<256x128xf32>,
    return
  }
  func.func @transform_0(%arg0: i32) -> (i32, i32) {
    %c0_i32 = arith.constant 0 : i32
    %c0_i32_0 = arith.constant 0 : i32
    return %arg0, %c0_i32 : i32, i32
  }
  func.func @transform_1(%arg0: i32) -> (i32, i32) {
    %c0_i32 = arith.constant 0 : i32
    %c0_i32_0 = arith.constant 0 : i32
    return %arg0, %c0_i32 : i32, i32
  }
  func.func @transform_2(%arg0: i32) -> (i32, i32) {
    %c0_i32 = arith.constant 0 : i32
    %c0_i32_0 = arith.constant 0 : i32
    %c0_i32_1 = arith.constant 0 : i32
    return %c0_i32, %c0_i32_0 : i32, i32
  }
  func.func @transform_3(%arg0: i32) -> (i32, i32) {
    %c0_i32 = arith.constant 0 : i32
    %c0_i32_0 = arith.constant 0 : i32
    %c0_i32_1 = arith.constant 0 : i32
    return %c0_i32, %c0_i32_0 : i32, i32
  }
  func.func @transform_4(%arg0: i32) -> (i32, i32) {
    %c0_i32 = arith.constant 0 : i32
    %c0_i32_0 = arith.constant 0 : i32
    %c0_i32_1 = arith.constant 0 : i32
    return %c0_i32, %c0_i32_0 : i32, i32
  }
  func.func @transform_5(%arg0: i32) -> (i32, i32) {
    %c0_i32 = arith.constant 0 : i32
    %c0_i32_0 = arith.constant 0 : i32
    %c0_i32_1 = arith.constant 0 : i32
    return %c0_i32, %c0_i32_0 : i32, i32
  }
  func.func @transform_6(%arg0: i32) -> (i32, i32) {
    %c0_i32 = arith.constant 0 : i32
    %c0_i32_0 = arith.constant 0 : i32
    %c0_i32_1 = arith.constant 0 : i32
    return %c0_i32, %c0_i32_0 : i32, i32
  }
  func.func @transform_7(%arg0: i32) -> (i32, i32) {
    %c0_i32 = arith.constant 0 : i32
    %c0_i32_0 = arith.constant 0 : i32
    return %arg0, %c0_i32 : i32, i32
  }
  func.func @transform_8(%arg0: i32) -> (i32, i32) {
    %c0_i32 = arith.constant 0 : i32
    %c0_i32_0 = arith.constant 0 : i32
    return %arg0, %c0_i32 : i32, i32
  }
  func.func @transform_9(%arg0: i32) -> (i32, i32) {
    %c0_i32 = arith.constant 0 : i32
    %c0_i32_0 = arith.constant 0 : i32
    return %arg0, %c0_i32 : i32, i32
  }
}

module attributes {stable_mosaic.version = 14 : i64} {
  func.func @_router_body(%arg0: i32, %arg1: memref<2048x128xf32, #tpu.memory_space<vmem>>, %arg2: memref<1x128xf32, #tpu.memory_space<vmem>>, %arg3: memref<2048x128xf32, #tpu.memory_space<vmem>>, %arg4: memref<2048x128xi32, #tpu.memory_space<vmem>>) attributes {dimension_semantics = [#tpu.dimension_semantics<arbitrary>], iteration_bounds = array<i64: 1>, scalar_prefetch = 0 : i64, scratch_operands = 0 : i64, tpu.core_type = #tpu.core_type<tc>, window_params = [{pipeline_mode = #tpu.pipeline_mode<synchronous>, transform_indices = @transform_0, window_bounds = array<i64: 2048, 128>}, {pipeline_mode = #tpu.pipeline_mode<synchronous>, transform_indices = @transform_1, window_bounds = array<i64: 1, 128>}, {pipeline_mode = #tpu.pipeline_mode<synchronous>, transform_indices = @transform_2, window_bounds = array<i64: 2048, 128>}, {pipeline_mode = #tpu.pipeline_mode<synchronous>, transform_indices = @transform_3, window_bounds = array<i64: 2048, 128>}]} {
    %get3A = arith.constant 0 : index
    %get3A_0 = arith.constant 0 : index
    %get3A_1 = vector.load %arg1[%get3A, %get3A_0] : memref<2048x128xf32, #tpu.memory_space<vmem>>, vector<2048x128xf32>
    %iota3A = tpu.iota {dimensions = array<i32: 1>} : vector<2048x128xi32>
    %lt3A = arith.constant 8 : i32
    %lt3A_2 = vector.broadcast %lt3A : i32 to vector<2048x128xi32>
    %lt3A_3 = arith.cmpi slt, %iota3A, %lt3A_2 : vector<2048x128xi32>
    %get3A_4 = arith.constant 0 : index
    %get3A_5 = arith.constant 0 : index
    %get3A_6 = vector.load %arg2[%get3A_4, %get3A_5] : memref<1x128xf32, #tpu.memory_space<vmem>>, vector<1x128xf32>
    %add3A = vector.broadcast %get3A_6 : vector<1x128xf32> to vector<2048x128xf32>
    %add3A_7 = arith.addf %get3A_1, %add3A : vector<2048x128xf32>
    %jit3A = arith.constant -1.000000e+30 : f32
    %broadcast_in_dim3A = vector.broadcast %jit3A : f32 to vector<2048x128xf32>
    %select_n3A = arith.select %lt3A_3, %add3A_7, %broadcast_in_dim3A : vector<2048x128xi1>, vector<2048x128xf32>
    %reduce_max3A = arith.constant dense<0xFF800000> : vector<2048xf32>
    %reduce_max3A_8 = vector.multi_reduction <maximumf>, %select_n3A, %reduce_max3A [1] : vector<2048x128xf32> to vector<2048xf32>
    %broadcast_in_dim3A_9 = vector.shape_cast %reduce_max3A_8 : vector<2048xf32> to vector<2048x1xf32>
    %eq3A = vector.broadcast %broadcast_in_dim3A_9 : vector<2048x1xf32> to vector<2048x128xf32>
    %eq3A_10 = arith.cmpf oeq, %select_n3A, %eq3A : vector<2048x128xf32>
    %and3A = arith.andi %eq3A_10, %lt3A_3 : vector<2048x128xi1>
    %jit3A_11 = arith.constant 999 : i32
    %broadcast_in_dim3A_12 = vector.broadcast %jit3A_11 : i32 to vector<2048x128xi32>
    %select_n3A_13 = arith.select %and3A, %iota3A, %broadcast_in_dim3A_12 : vector<2048x128xi1>, vector<2048x128xi32>
    %reduce_min3A = arith.constant dense<2147483647> : vector<2048xi32>
    %reduce_min3A_14 = vector.multi_reduction <minsi>, %select_n3A_13, %reduce_min3A [1] : vector<2048x128xi32> to vector<2048xi32>
    %broadcast_in_dim3A_15 = vector.shape_cast %reduce_min3A_14 : vector<2048xi32> to vector<2048x1xi32>
    %eq3A_16 = vector.broadcast %broadcast_in_dim3A_15 : vector<2048x1xi32> to vector<2048x128xi32>
    %eq3A_17 = arith.cmpi eq, %iota3A, %eq3A_16 : vector<2048x128xi32>
    %jit3A_18 = arith.constant -1.000000e+30 : f32
    %broadcast_in_dim3A_19 = vector.broadcast %jit3A_18 : f32 to vector<2048x128xf32>
    %select_n3A_20 = arith.select %eq3A_17, %broadcast_in_dim3A_19, %select_n3A : vector<2048x128xi1>, vector<2048x128xf32>
    %reduce_max3A_21 = arith.constant dense<0xFF800000> : vector<2048xf32>
    %reduce_max3A_22 = vector.multi_reduction <maximumf>, %select_n3A_20, %reduce_max3A_21 [1] : vector<2048x128xf32> to vector<2048xf32>
    %broadcast_in_dim3A_23 = vector.shape_cast %reduce_max3A_22 : vector<2048xf32> to vector<2048x1xf32>
    %eq3A_24 = vector.broadcast %broadcast_in_dim3A_23 : vector<2048x1xf32> to vector<2048x128xf32>
    %eq3A_25 = arith.cmpf oeq, %select_n3A_20, %eq3A_24 : vector<2048x128xf32>
    %and3A_26 = arith.andi %eq3A_25, %lt3A_3 : vector<2048x128xi1>
    %jit3A_27 = arith.constant 999 : i32
    %broadcast_in_dim3A_28 = vector.broadcast %jit3A_27 : i32 to vector<2048x128xi32>
    %select_n3A_29 = arith.select %and3A_26, %iota3A, %broadcast_in_dim3A_28 : vector<2048x128xi1>, vector<2048x128xi32>
    %reduce_min3A_30 = arith.constant dense<2147483647> : vector<2048xi32>
    %reduce_min3A_31 = vector.multi_reduction <minsi>, %select_n3A_29, %reduce_min3A_30 [1] : vector<2048x128xi32> to vector<2048xi32>
    %broadcast_in_dim3A_32 = vector.shape_cast %reduce_min3A_31 : vector<2048xi32> to vector<2048x1xi32>
    %eq3A_33 = vector.broadcast %broadcast_in_dim3A_15 : vector<2048x1xi32> to vector<2048x128xi32>
    %eq3A_34 = arith.cmpi eq, %iota3A, %eq3A_33 : vector<2048x128xi32>
    %jit3A_35 = arith.constant 0.000000e+00 : f32
    %broadcast_in_dim3A_36 = vector.broadcast %jit3A_35 : f32 to vector<2048x128xf32>
    %select_n3A_37 = arith.select %eq3A_34, %get3A_1, %broadcast_in_dim3A_36 : vector<2048x128xi1>, vector<2048x128xf32>
    %reduce_sum3A = arith.constant dense<0.000000e+00> : vector<2048xf32>
    %reduce_sum3A_38 = vector.multi_reduction <add>, %select_n3A_37, %reduce_sum3A [1] : vector<2048x128xf32> to vector<2048xf32>
    %broadcast_in_dim3A_39 = vector.shape_cast %reduce_sum3A_38 : vector<2048xf32> to vector<2048x1xf32>
    %eq3A_40 = vector.broadcast %broadcast_in_dim3A_32 : vector<2048x1xi32> to vector<2048x128xi32>
    %eq3A_41 = arith.cmpi eq, %iota3A, %eq3A_40 : vector<2048x128xi32>
    %jit3A_42 = arith.constant 0.000000e+00 : f32
    %broadcast_in_dim3A_43 = vector.broadcast %jit3A_42 : f32 to vector<2048x128xf32>
    %select_n3A_44 = arith.select %eq3A_41, %get3A_1, %broadcast_in_dim3A_43 : vector<2048x128xi1>, vector<2048x128xf32>
    %reduce_sum3A_45 = arith.constant dense<0.000000e+00> : vector<2048xf32>
    %reduce_sum3A_46 = vector.multi_reduction <add>, %select_n3A_44, %reduce_sum3A_45 [1] : vector<2048x128xf32> to vector<2048xf32>
    %broadcast_in_dim3A_47 = vector.shape_cast %reduce_sum3A_46 : vector<2048xf32> to vector<2048x1xf32>
    %max3A = arith.maximumf %broadcast_in_dim3A_39, %broadcast_in_dim3A_47 : vector<2048x1xf32>
    %sub3A = arith.subf %broadcast_in_dim3A_39, %max3A : vector<2048x1xf32>
    %exp3A = math.exp %sub3A : vector<2048x1xf32>
    %sub3A_48 = arith.subf %broadcast_in_dim3A_47, %max3A : vector<2048x1xf32>
    %exp3A_49 = math.exp %sub3A_48 : vector<2048x1xf32>
    %add3A_50 = arith.addf %exp3A, %exp3A_49 : vector<2048x1xf32>
    %div3A = arith.divf %exp3A, %add3A_50 : vector<2048x1xf32>
    %add3A_51 = arith.addf %exp3A, %exp3A_49 : vector<2048x1xf32>
    %div3A_52 = arith.divf %exp3A_49, %add3A_51 : vector<2048x1xf32>
    %eq3A_53 = vector.broadcast %broadcast_in_dim3A_15 : vector<2048x1xi32> to vector<2048x128xi32>
    %eq3A_54 = arith.cmpi eq, %iota3A, %eq3A_53 : vector<2048x128xi32>
    %eq3A_55 = vector.broadcast %broadcast_in_dim3A_32 : vector<2048x1xi32> to vector<2048x128xi32>
    %eq3A_56 = arith.cmpi eq, %iota3A, %eq3A_55 : vector<2048x128xi32>
    %or3A = arith.ori %eq3A_54, %eq3A_56 : vector<2048x128xi1>
    %convert_element_type3A = arith.extui %or3A : vector<2048x128xi1> to vector<2048x128xi32>
    %convert_element_type3A_57 = arith.sitofp %convert_element_type3A : vector<2048x128xi32> to vector<2048x128xf32>
    %iota3A_58 = tpu.iota {dimensions = array<i32: 0>} : vector<2048x2048xi32>
    %iota3A_59 = tpu.iota {dimensions = array<i32: 1>} : vector<2048x2048xi32>
    %gt3A = arith.cmpi sgt, %iota3A_58, %iota3A_59 : vector<2048x2048xi32>
    %convert_element_type3A_60 = arith.extui %gt3A : vector<2048x2048xi1> to vector<2048x2048xi32>
    %convert_element_type3A_61 = arith.sitofp %convert_element_type3A_60 : vector<2048x2048xi32> to vector<2048x2048xf32>
    %dot_general3A = arith.constant dense<0.000000e+00> : vector<2048x128xf32>
    %dot_general3A_62 = tpu.matmul %convert_element_type3A_61, %convert_element_type3A_57, %dot_general3A {dimension_numbers = #tpu.dot_dimension_numbers<[1], [0], [0], [1], [0, 0, 1, 1], [], []>, transpose_lhs_hint = false} : vector<2048x2048xf32>, vector<2048x128xf32>, vector<2048x128xf32> -> vector<2048x128xf32>
    %eq3A_63 = vector.broadcast %broadcast_in_dim3A_15 : vector<2048x1xi32> to vector<2048x128xi32>
    %eq3A_64 = arith.cmpi eq, %iota3A, %eq3A_63 : vector<2048x128xi32>
    %jit3A_65 = arith.constant 0.000000e+00 : f32
    %broadcast_in_dim3A_66 = vector.broadcast %jit3A_65 : f32 to vector<2048x128xf32>
    %select_n3A_67 = arith.select %eq3A_64, %dot_general3A_62, %broadcast_in_dim3A_66 : vector<2048x128xi1>, vector<2048x128xf32>
    %reduce_sum3A_68 = arith.constant dense<0.000000e+00> : vector<2048xf32>
    %reduce_sum3A_69 = vector.multi_reduction <add>, %select_n3A_67, %reduce_sum3A_68 [1] : vector<2048x128xf32> to vector<2048xf32>
    %broadcast_in_dim3A_70 = vector.shape_cast %reduce_sum3A_69 : vector<2048xf32> to vector<2048x1xf32>
    %eq3A_71 = vector.broadcast %broadcast_in_dim3A_32 : vector<2048x1xi32> to vector<2048x128xi32>
    %eq3A_72 = arith.cmpi eq, %iota3A, %eq3A_71 : vector<2048x128xi32>
    %jit3A_73 = arith.constant 0.000000e+00 : f32
    %broadcast_in_dim3A_74 = vector.broadcast %jit3A_73 : f32 to vector<2048x128xf32>
    %select_n3A_75 = arith.select %eq3A_72, %dot_general3A_62, %broadcast_in_dim3A_74 : vector<2048x128xi1>, vector<2048x128xf32>
    %reduce_sum3A_76 = arith.constant dense<0.000000e+00> : vector<2048xf32>
    %reduce_sum3A_77 = vector.multi_reduction <add>, %select_n3A_75, %reduce_sum3A_76 [1] : vector<2048x128xf32> to vector<2048xf32>
    %broadcast_in_dim3A_78 = vector.shape_cast %reduce_sum3A_77 : vector<2048xf32> to vector<2048x1xf32>
    %mul3A = arith.constant 768 : i32
    %mul3A_79 = vector.broadcast %mul3A : i32 to vector<2048x1xi32>
    %mul3A_80 = arith.muli %broadcast_in_dim3A_15, %mul3A_79 : vector<2048x1xi32>
    %min3A = arith.constant 7.670000e+02 : f32
    %min3A_81 = vector.broadcast %min3A : f32 to vector<2048x1xf32>
    %min3A_82 = arith.minimumf %broadcast_in_dim3A_70, %min3A_81 : vector<2048x1xf32>
    %convert_element_type3A_83 = arith.fptosi %min3A_82 : vector<2048x1xf32> to vector<2048x1xi32>
    %add3A_84 = arith.addi %mul3A_80, %convert_element_type3A_83 : vector<2048x1xi32>
    %mul3A_85 = arith.constant 768 : i32
    %mul3A_86 = vector.broadcast %mul3A_85 : i32 to vector<2048x1xi32>
    %mul3A_87 = arith.muli %broadcast_in_dim3A_32, %mul3A_86 : vector<2048x1xi32>
    %min3A_88 = arith.constant 7.670000e+02 : f32
    %min3A_89 = vector.broadcast %min3A_88 : f32 to vector<2048x1xf32>
    %min3A_90 = arith.minimumf %broadcast_in_dim3A_78, %min3A_89 : vector<2048x1xf32>
    %convert_element_type3A_91 = arith.fptosi %min3A_90 : vector<2048x1xf32> to vector<2048x1xi32>
    %add3A_92 = arith.addi %mul3A_87, %convert_element_type3A_91 : vector<2048x1xi32>
    %lt3A_93 = arith.constant 7.680000e+02 : f32
    %lt3A_94 = vector.broadcast %lt3A_93 : f32 to vector<2048x1xf32>
    %lt3A_95 = arith.cmpf olt, %broadcast_in_dim3A_70, %lt3A_94 : vector<2048x1xf32>
    %jit3A_96 = arith.constant 0.000000e+00 : f32
    %broadcast_in_dim3A_97 = vector.broadcast %jit3A_96 : f32 to vector<2048x1xf32>
    %select_n3A_98 = arith.select %lt3A_95, %div3A, %broadcast_in_dim3A_97 : vector<2048x1xi1>, vector<2048x1xf32>
    %lt3A_99 = arith.constant 7.680000e+02 : f32
    %lt3A_100 = vector.broadcast %lt3A_99 : f32 to vector<2048x1xf32>
    %lt3A_101 = arith.cmpf olt, %broadcast_in_dim3A_78, %lt3A_100 : vector<2048x1xf32>
    %jit3A_102 = arith.constant 0.000000e+00 : f32
    %broadcast_in_dim3A_103 = vector.broadcast %jit3A_102 : f32 to vector<2048x1xf32>
    %select_n3A_104 = arith.select %lt3A_101, %div3A_52, %broadcast_in_dim3A_103 : vector<2048x1xi1>, vector<2048x1xf32>
    %broadcast_in_dim3A_105 = arith.constant 0.000000e+00 : f32
    %broadcast_in_dim3A_106 = vector.broadcast %broadcast_in_dim3A_105 : f32 to vector<2048x122xf32>
    %concatenate3A = tpu.concatenate %div3A, %div3A_52, %broadcast_in_dim3A_70, %broadcast_in_dim3A_78, %select_n3A_98, %select_n3A_104, %broadcast_in_dim3A_106 in 1 : vector<2048x1xf32>, vector<2048x1xf32>, vector<2048x1xf32>, vector<2048x1xf32>, vector<2048x1xf32>, vector<2048x1xf32>, vector<2048x122xf32> -> vector<2048x128xf32>
    %swap3A = arith.constant 0 : index
    %swap3A_107 = arith.constant 0 : index
    %swap3A_108 = vector.load %arg3[%swap3A, %swap3A_107] : memref<2048x128xf32, #tpu.memory_space<vmem>>, vector<2048x128xf32>
    tpu.vector_store %arg3[%swap3A, %swap3A_107], %concatenate3A {strides = array<i32>} : memref<2048x128xf32, #tpu.memory_space<vmem>>, vector<2048x128xf32>,
    %broadcast_in_dim3A_109 = arith.constant 0 : i32
    %broadcast_in_dim3A_110 = vector.broadcast %broadcast_in_dim3A_109 : i32 to vector<2048x124xi32>
    %concatenate3A_111 = tpu.concatenate %broadcast_in_dim3A_15, %broadcast_in_dim3A_32, %add3A_84, %add3A_92, %broadcast_in_dim3A_110 in 1 : vector<2048x1xi32>, vector<2048x1xi32>, vector<2048x1xi32>, vector<2048x1xi32>, vector<2048x124xi32> -> vector<2048x128xi32>
    %swap3A_112 = arith.constant 0 : index
    %swap3A_113 = arith.constant 0 : index
    %swap3A_114 = vector.load %arg4[%swap3A_112, %swap3A_113] : memref<2048x128xi32, #tpu.memory_space<vmem>>, vector<2048x128xi32>
    tpu.vector_store %arg4[%swap3A_112, %swap3A_113], %concatenate3A_111 {strides = array<i32>} : memref<2048x128xi32, #tpu.memory_space<vmem>>, vector<2048x128xi32>,
    return
  }
  func.func @transform_0(%arg0: i32) -> (i32, i32) {
    %c0_i32 = arith.constant 0 : i32
    %c0_i32_0 = arith.constant 0 : i32
    %c0_i32_1 = arith.constant 0 : i32
    return %c0_i32, %c0_i32_0 : i32, i32
  }
  func.func @transform_1(%arg0: i32) -> (i32, i32) {
    %c0_i32 = arith.constant 0 : i32
    %c0_i32_0 = arith.constant 0 : i32
    %c0_i32_1 = arith.constant 0 : i32
    return %c0_i32, %c0_i32_0 : i32, i32
  }
  func.func @transform_2(%arg0: i32) -> (i32, i32) {
    %c0_i32 = arith.constant 0 : i32
    %c0_i32_0 = arith.constant 0 : i32
    %c0_i32_1 = arith.constant 0 : i32
    return %c0_i32, %c0_i32_0 : i32, i32
  }
  func.func @transform_3(%arg0: i32) -> (i32, i32) {
    %c0_i32 = arith.constant 0 : i32
    %c0_i32_0 = arith.constant 0 : i32
    %c0_i32_1 = arith.constant 0 : i32
    return %c0_i32, %c0_i32_0 : i32, i32
  }
}

module attributes {stable_mosaic.version = 14 : i64} {
  func.func @_dispatch_body(%arg0: i32, %arg1: memref<2048x128xi32, #tpu.memory_space<vmem>>, %arg2: memref<2048x128xf32, #tpu.memory_space<vmem>>, %arg3: memref<2048x1024xbf16, #tpu.memory_space<vmem>>, %arg4: memref<1x768x1024xbf16, #tpu.memory_space<vmem>>) attributes {dimension_semantics = [#tpu.dimension_semantics<arbitrary>], iteration_bounds = array<i64: 8>, scalar_prefetch = 0 : i64, scratch_operands = 0 : i64, tpu.core_type = #tpu.core_type<tc>, window_params = [{pipeline_mode = #tpu.pipeline_mode<synchronous>, transform_indices = @transform_0, window_bounds = array<i64: 2048, 128>}, {pipeline_mode = #tpu.pipeline_mode<synchronous>, transform_indices = @transform_1, window_bounds = array<i64: 2048, 128>}, {pipeline_mode = #tpu.pipeline_mode<synchronous>, transform_indices = @transform_2, window_bounds = array<i64: 2048, 1024>}, {transform_indices = @transform_3, window_bounds = array<i64: 1, 768, 1024>}]} {
    %get3A = arith.constant 0 : index
    %get3A_0 = arith.constant 0 : index
    %get3A_1 = vector.load %arg1[%get3A, %get3A_0] : memref<2048x128xi32, #tpu.memory_space<vmem>>, vector<2048x1xi32>
    %get3A_2 = arith.constant 0 : index
    %get3A_3 = arith.constant 1 : index
    %get3A_4 = vector.load %arg1[%get3A_2, %get3A_3] : memref<2048x128xi32, #tpu.memory_space<vmem>>, vector<2048x1xi32>
    %get3A_5 = arith.constant 0 : index
    %get3A_6 = arith.constant 2 : index
    %get3A_7 = vector.load %arg2[%get3A_5, %get3A_6] : memref<2048x128xf32, #tpu.memory_space<vmem>>, vector<2048x1xf32>
    %get3A_8 = arith.constant 0 : index
    %get3A_9 = arith.constant 3 : index
    %get3A_10 = vector.load %arg2[%get3A_8, %get3A_9] : memref<2048x128xf32, #tpu.memory_space<vmem>>, vector<2048x1xf32>
    %eq3A = vector.broadcast %arg0 : i32 to vector<2048x1xi32>
    %eq3A_11 = arith.cmpi eq, %get3A_1, %eq3A : vector<2048x1xi32>
    %jit3A = arith.constant -1.000000e+00 : f32
    %broadcast_in_dim3A = vector.broadcast %jit3A : f32 to vector<2048x1xf32>
    %select_n3A = arith.select %eq3A_11, %get3A_7, %broadcast_in_dim3A : vector<2048x1xi1>, vector<2048x1xf32>
    %eq3A_12 = vector.broadcast %arg0 : i32 to vector<2048x1xi32>
    %eq3A_13 = arith.cmpi eq, %get3A_4, %eq3A_12 : vector<2048x1xi32>
    %jit3A_14 = arith.constant -1.000000e+00 : f32
    %broadcast_in_dim3A_15 = vector.broadcast %jit3A_14 : f32 to vector<2048x1xf32>
    %select_n3A_16 = arith.select %eq3A_13, %get3A_10, %broadcast_in_dim3A_15 : vector<2048x1xi1>, vector<2048x1xf32>
    %iota3A = tpu.iota {dimensions = array<i32: 1>} : vector<2048x768xi32>
    %convert_element_type3A = arith.sitofp %iota3A : vector<2048x768xi32> to vector<2048x768xf32>
    %eq3A_17 = vector.broadcast %select_n3A : vector<2048x1xf32> to vector<2048x768xf32>
    %eq3A_18 = arith.cmpf oeq, %eq3A_17, %convert_element_type3A : vector<2048x768xf32>
    %eq3A_19 = vector.broadcast %select_n3A_16 : vector<2048x1xf32> to vector<2048x768xf32>
    %eq3A_20 = arith.cmpf oeq, %eq3A_19, %convert_element_type3A : vector<2048x768xf32>
    %or3A = arith.ori %eq3A_18, %eq3A_20 : vector<2048x768xi1>
    %convert_element_type3A_21 = arith.extui %or3A : vector<2048x768xi1> to vector<2048x768xi32>
    %convert_element_type3A_22 = arith.sitofp %convert_element_type3A_21 : vector<2048x768xi32> to vector<2048x768xf32>
    %convert_element_type3A_23 = arith.truncf %convert_element_type3A_22 : vector<2048x768xf32> to vector<2048x768xbf16>
    %get3A_24 = arith.constant 0 : index
    %get3A_25 = arith.constant 0 : index
    %get3A_26 = vector.load %arg3[%get3A_24, %get3A_25] : memref<2048x1024xbf16, #tpu.memory_space<vmem>>, vector<2048x1024xbf16>
    %dot_general3A = arith.constant dense<0.000000e+00> : vector<768x1024xf32>
    %dot_general3A_27 = tpu.matmul %convert_element_type3A_23, %get3A_26, %dot_general3A {dimension_numbers = #tpu.dot_dimension_numbers<[0], [0], [1], [1], [0, 1, 1, 1], [], []>, transpose_lhs_hint = false} : vector<2048x768xbf16>, vector<2048x1024xbf16>, vector<768x1024xf32> -> vector<768x1024xf32>
    %convert_element_type3A_28 = arith.truncf %dot_general3A_27 : vector<768x1024xf32> to vector<768x1024xbf16>
    %swap3A = arith.constant 0 : index
    %swap3A_29 = arith.constant 0 : index
    %swap3A_30 = arith.constant 0 : index
    %swap3A_31 = vector.load %arg4[%swap3A, %swap3A_29, %swap3A_30] : memref<1x768x1024xbf16, #tpu.memory_space<vmem>>, vector<1x768x1024xbf16>
    %swap3A_32 = vector.shape_cast %swap3A_31 : vector<1x768x1024xbf16> to vector<768x1024xbf16>
    %swap3A_33 = vector.shape_cast %convert_element_type3A_28 : vector<768x1024xbf16> to vector<1x768x1024xbf16>
    tpu.vector_store %arg4[%swap3A, %swap3A_29, %swap3A_30], %swap3A_33 {strides = array<i32>} : memref<1x768x1024xbf16, #tpu.memory_space<vmem>>, vector<1x768x1024xbf16>,
    return
  }
  func.func @transform_0(%arg0: i32) -> (i32, i32) {
    %c0_i32 = arith.constant 0 : i32
    %c0_i32_0 = arith.constant 0 : i32
    %c0_i32_1 = arith.constant 0 : i32
    return %c0_i32, %c0_i32_0 : i32, i32
  }
  func.func @transform_1(%arg0: i32) -> (i32, i32) {
    %c0_i32 = arith.constant 0 : i32
    %c0_i32_0 = arith.constant 0 : i32
    %c0_i32_1 = arith.constant 0 : i32
    return %c0_i32, %c0_i32_0 : i32, i32
  }
  func.func @transform_2(%arg0: i32) -> (i32, i32) {
    %c0_i32 = arith.constant 0 : i32
    %c0_i32_0 = arith.constant 0 : i32
    %c0_i32_1 = arith.constant 0 : i32
    return %c0_i32, %c0_i32_0 : i32, i32
  }
  func.func @transform_3(%arg0: i32) -> (i32, i32, i32) {
    %c0_i32 = arith.constant 0 : i32
    %c0_i32_0 = arith.constant 0 : i32
    %c0_i32_1 = arith.constant 0 : i32
    return %arg0, %c0_i32, %c0_i32_0 : i32, i32, i32
  }
}

module attributes {stable_mosaic.version = 14 : i64} {
  func.func @_ffn_body(%arg0: i32, %arg1: i32, %arg2: memref<1x768x1024xbf16, #tpu.memory_space<vmem>>, %arg3: memref<1x1024x1024xf32, #tpu.memory_space<vmem>>, %arg4: memref<1x1x1024xf32, #tpu.memory_space<vmem>>, %arg5: memref<1x1024x1024xf32, #tpu.memory_space<vmem>>, %arg6: memref<1x1x1024xf32, #tpu.memory_space<vmem>>, %arg7: memref<1x768x1024xf32, #tpu.memory_space<vmem>>) attributes {dimension_semantics = [#tpu.dimension_semantics<arbitrary>, #tpu.dimension_semantics<arbitrary>], iteration_bounds = array<i64: 8, 4>, scalar_prefetch = 0 : i64, scratch_operands = 0 : i64, tpu.core_type = #tpu.core_type<tc>, window_params = [{transform_indices = @transform_0, window_bounds = array<i64: 1, 768, 1024>}, {transform_indices = @transform_1, window_bounds = array<i64: 1, 1024, 1024>}, {transform_indices = @transform_2, window_bounds = array<i64: 1, 1, 1024>}, {transform_indices = @transform_3, window_bounds = array<i64: 1, 1024, 1024>}, {transform_indices = @transform_4, window_bounds = array<i64: 1, 1, 1024>}, {transform_indices = @transform_5, window_bounds = array<i64: 1, 768, 1024>}]} {
    %get3A = arith.constant 0 : index
    %get3A_0 = arith.constant 0 : index
    %get3A_1 = arith.constant 0 : index
    %get3A_2 = vector.load %arg2[%get3A, %get3A_0, %get3A_1] : memref<1x768x1024xbf16, #tpu.memory_space<vmem>>, vector<1x768x1024xbf16>
    %get3A_3 = vector.shape_cast %get3A_2 : vector<1x768x1024xbf16> to vector<768x1024xbf16>
    %get3A_4 = arith.constant 0 : index
    %get3A_5 = arith.constant 0 : index
    %get3A_6 = arith.constant 0 : index
    %get3A_7 = vector.load %arg3[%get3A_4, %get3A_5, %get3A_6] : memref<1x1024x1024xf32, #tpu.memory_space<vmem>>, vector<1x1024x1024xf32>
    %get3A_8 = vector.shape_cast %get3A_7 : vector<1x1024x1024xf32> to vector<1024x1024xf32>
    %convert_element_type3A = arith.truncf %get3A_8 : vector<1024x1024xf32> to vector<1024x1024xbf16>
    %dot_general3A = arith.constant dense<0.000000e+00> : vector<768x1024xf32>
    %dot_general3A_9 = tpu.matmul %get3A_3, %convert_element_type3A, %dot_general3A {dimension_numbers = #tpu.dot_dimension_numbers<[1], [0], [0], [1], [0, 0, 1, 1], [], []>, transpose_lhs_hint = false} : vector<768x1024xbf16>, vector<1024x1024xbf16>, vector<768x1024xf32> -> vector<768x1024xf32>
    %get3A_10 = arith.constant 0 : index
    %get3A_11 = arith.constant 0 : index
    %get3A_12 = arith.constant 0 : index
    %get3A_13 = vector.load %arg4[%get3A_10, %get3A_11, %get3A_12] : memref<1x1x1024xf32, #tpu.memory_space<vmem>>, vector<1x1x1024xf32>
    %get3A_14 = vector.shape_cast %get3A_13 : vector<1x1x1024xf32> to vector<1x1024xf32>
    %add3A = vector.broadcast %get3A_14 : vector<1x1024xf32> to vector<768x1024xf32>
    %add3A_15 = arith.addf %dot_general3A_9, %add3A : vector<768x1024xf32>
    %integer_pow3A = arith.mulf %add3A_15, %add3A_15 : vector<768x1024xf32>
    %integer_pow3A_16 = arith.mulf %add3A_15, %integer_pow3A : vector<768x1024xf32>
    %mul3A = arith.constant 4.471500e-02 : f32
    %mul3A_17 = vector.broadcast %mul3A : f32 to vector<768x1024xf32>
    %mul3A_18 = arith.mulf %mul3A_17, %integer_pow3A_16 : vector<768x1024xf32>
    %add3A_19 = arith.addf %add3A_15, %mul3A_18 : vector<768x1024xf32>
    %mul3A_20 = arith.constant 0.797884583 : f32
    %mul3A_21 = vector.broadcast %mul3A_20 : f32 to vector<768x1024xf32>
    %mul3A_22 = arith.mulf %mul3A_21, %add3A_19 : vector<768x1024xf32>
    %tanh3A = math.tanh %mul3A_22 : vector<768x1024xf32>
    %add3A_23 = arith.constant 1.000000e+00 : f32
    %add3A_24 = vector.broadcast %add3A_23 : f32 to vector<768x1024xf32>
    %add3A_25 = arith.addf %add3A_24, %tanh3A : vector<768x1024xf32>
    %mul3A_26 = arith.constant 5.000000e-01 : f32
    %mul3A_27 = vector.broadcast %mul3A_26 : f32 to vector<768x1024xf32>
    %mul3A_28 = arith.mulf %mul3A_27, %add3A_25 : vector<768x1024xf32>
    %mul3A_29 = arith.mulf %add3A_15, %mul3A_28 : vector<768x1024xf32>
    %convert_element_type3A_30 = arith.truncf %mul3A_29 : vector<768x1024xf32> to vector<768x1024xbf16>
    %get3A_31 = arith.constant 0 : index
    %get3A_32 = arith.constant 0 : index
    %get3A_33 = arith.constant 0 : index
    %get3A_34 = vector.load %arg5[%get3A_31, %get3A_32, %get3A_33] : memref<1x1024x1024xf32, #tpu.memory_space<vmem>>, vector<1x1024x1024xf32>
    %get3A_35 = vector.shape_cast %get3A_34 : vector<1x1024x1024xf32> to vector<1024x1024xf32>
    %convert_element_type3A_36 = arith.truncf %get3A_35 : vector<1024x1024xf32> to vector<1024x1024xbf16>
    %dot_general3A_37 = arith.constant dense<0.000000e+00> : vector<768x1024xf32>
    %dot_general3A_38 = tpu.matmul %convert_element_type3A_30, %convert_element_type3A_36, %dot_general3A_37 {dimension_numbers = #tpu.dot_dimension_numbers<[1], [0], [0], [1], [0, 0, 1, 1], [], []>, transpose_lhs_hint = false} : vector<768x1024xbf16>, vector<1024x1024xbf16>, vector<768x1024xf32> -> vector<768x1024xf32>
    %eq3A = arith.constant 0 : i32
    %eq3A_39 = arith.cmpi eq, %arg1, %eq3A : i32
    %convert_element_type3A_40 = arith.extui %eq3A_39 : i1 to i32
    %cond3A = arith.constant 0 : i32
    %cond3A_41 = arith.cmpi ne, %convert_element_type3A_40, %cond3A : i32
    scf.if %cond3A_41 {
      %get3A_46 = arith.constant 0 : index
      %get3A_47 = arith.constant 0 : index
      %get3A_48 = arith.constant 0 : index
      %get3A_49 = vector.load %arg6[%get3A_46, %get3A_47, %get3A_48] : memref<1x1x1024xf32, #tpu.memory_space<vmem>>, vector<1x1x1024xf32>
      %get3A_50 = vector.shape_cast %get3A_49 : vector<1x1x1024xf32> to vector<1x1024xf32>
      %add3A_51 = vector.broadcast %get3A_50 : vector<1x1024xf32> to vector<768x1024xf32>
      %add3A_52 = arith.addf %dot_general3A_38, %add3A_51 : vector<768x1024xf32>
      %swap3A = arith.constant 0 : index
      %swap3A_53 = arith.constant 0 : index
      %swap3A_54 = arith.constant 0 : index
      %swap3A_55 = vector.load %arg7[%swap3A, %swap3A_53, %swap3A_54] : memref<1x768x1024xf32, #tpu.memory_space<vmem>>, vector<1x768x1024xf32>
      %swap3A_56 = vector.shape_cast %swap3A_55 : vector<1x768x1024xf32> to vector<768x1024xf32>
      %swap3A_57 = vector.shape_cast %add3A_52 : vector<768x1024xf32> to vector<1x768x1024xf32>
      tpu.vector_store %arg7[%swap3A, %swap3A_53, %swap3A_54], %swap3A_57 {strides = array<i32>} : memref<1x768x1024xf32, #tpu.memory_space<vmem>>, vector<1x768x1024xf32>,
    } else {
    }
    %gt3A = arith.constant 0 : i32
    %gt3A_42 = arith.cmpi sgt, %arg1, %gt3A : i32
    %convert_element_type3A_43 = arith.extui %gt3A_42 : i1 to i32
    %cond3A_44 = arith.constant 0 : i32
    %cond3A_45 = arith.cmpi ne, %convert_element_type3A_43, %cond3A_44 : i32
    scf.if %cond3A_45 {
      %get3A_46 = arith.constant 0 : index
      %get3A_47 = arith.constant 0 : index
      %get3A_48 = arith.constant 0 : index
      %get3A_49 = vector.load %arg7[%get3A_46, %get3A_47, %get3A_48] : memref<1x768x1024xf32, #tpu.memory_space<vmem>>, vector<1x768x1024xf32>
      %get3A_50 = vector.shape_cast %get3A_49 : vector<1x768x1024xf32> to vector<768x1024xf32>
      %add3A_51 = arith.addf %get3A_50, %dot_general3A_38 : vector<768x1024xf32>
      %swap3A = arith.constant 0 : index
      %swap3A_52 = arith.constant 0 : index
      %swap3A_53 = arith.constant 0 : index
      %swap3A_54 = vector.load %arg7[%swap3A, %swap3A_52, %swap3A_53] : memref<1x768x1024xf32, #tpu.memory_space<vmem>>, vector<1x768x1024xf32>
      %swap3A_55 = vector.shape_cast %swap3A_54 : vector<1x768x1024xf32> to vector<768x1024xf32>
      %swap3A_56 = vector.shape_cast %add3A_51 : vector<768x1024xf32> to vector<1x768x1024xf32>
      tpu.vector_store %arg7[%swap3A, %swap3A_52, %swap3A_53], %swap3A_56 {strides = array<i32>} : memref<1x768x1024xf32, #tpu.memory_space<vmem>>, vector<1x768x1024xf32>,
    } else {
    }
    return
  }
  func.func @transform_0(%arg0: i32, %arg1: i32) -> (i32, i32, i32) {
    %c0_i32 = arith.constant 0 : i32
    %c0_i32_0 = arith.constant 0 : i32
    %c0_i32_1 = arith.constant 0 : i32
    return %arg0, %c0_i32, %c0_i32_0 : i32, i32, i32
  }
  func.func @transform_1(%arg0: i32, %arg1: i32) -> (i32, i32, i32) {
    %c0_i32 = arith.constant 0 : i32
    %c0_i32_0 = arith.constant 0 : i32
    return %arg0, %c0_i32, %arg1 : i32, i32, i32
  }
  func.func @transform_2(%arg0: i32, %arg1: i32) -> (i32, i32, i32) {
    %c0_i32 = arith.constant 0 : i32
    %c0_i32_0 = arith.constant 0 : i32
    return %arg0, %c0_i32, %arg1 : i32, i32, i32
  }
  func.func @transform_3(%arg0: i32, %arg1: i32) -> (i32, i32, i32) {
    %c0_i32 = arith.constant 0 : i32
    %c0_i32_0 = arith.constant 0 : i32
    return %arg0, %arg1, %c0_i32 : i32, i32, i32
  }
  func.func @transform_4(%arg0: i32, %arg1: i32) -> (i32, i32, i32) {
    %c0_i32 = arith.constant 0 : i32
    %c0_i32_0 = arith.constant 0 : i32
    %c0_i32_1 = arith.constant 0 : i32
    return %arg0, %c0_i32, %c0_i32_0 : i32, i32, i32
  }
  func.func @transform_5(%arg0: i32, %arg1: i32) -> (i32, i32, i32) {
    %c0_i32 = arith.constant 0 : i32
    %c0_i32_0 = arith.constant 0 : i32
    %c0_i32_1 = arith.constant 0 : i32
    return %arg0, %c0_i32, %c0_i32_0 : i32, i32, i32
  }
}

</mosaic_0001>

<sc_bundles>
// kernel: kernel.9.cloned.1.call-start
scs
__scs_entry_jumppad:
0x0: {  	(pc) =	sbr.rel $0x88, $3  }
0x1: {  	(tag) =	ssettag $0x0;
	lr =	simm.s32 $0x1  }
0x2: {  	[smem:$0x3F90] =	sst lr;
	_ =	strace $0xD0000000  }
0x3: {  	_ = 	snop  }
0x4: {  	_ = 	snop  }
0x5: {  	_ = 	snop  }
0x6: {  	_ = 	snop  }
0x7: {  	_ = 	snop  }
__scs_overlays_trampoline_lowered:
0x8: {  	[smem:$0x3F9F] =	sst s0  }
0x9: {  	[smem:$0x3FA0] =	sst s1  }
0xa: {  	[smem:$0x3FA1] =	sst s2  }
0xb: {  	[smem:$0x3FA2] =	sst s3  }
0xc: {  	[smem:$0x3FA3] =	sst s4  }
0xd: {  	[smem:$0x3FA4] =	sst s5  }
0xe: {  	[smem:$0x3FA5] =	sst s6  }
0xf: {  	[smem:$0x3FA6] =	sst s7  }
0x10: {  	[smem:$0x3FA7] =	sst s8  }
0x11: {  	[smem:$0x3FA8] =	sst s9;
	s0 =	simm.s32 @!p0 $0x0  }
0x12: {  	s1 =	sld [smem:$0x3F8E];
	s0 =	simm.s32 @p0 $0x1  }
0x13: {  	[smem:$0x3FA9] =	sst s0;
	s0 =	simm.s32 @!p1 $0x0  }
0x14: {  	s2 =	sld [smem:$0x3F8D];
	s0 =	simm.s32 @p1 $0x1  }
0x15: {  	[smem:$0x3FAA] =	sst s0;
	s0 =	simm.s32 @!p2 $0x0  }
0x16: {  	s3 =	sld [smem:$0x3FDB];
	s0 =	simm.s32 @p2 $0x1  }
0x17: {  	s4 =	simm.s32 $0x1BF5;
	[smem:$0x3FAC] =	sst s0  }
0x18: {  	s0 =	sld [smem:$0x3F8F];
	_ =	swait.ge [sflag:s4], $0x0  }
0x19: {  	s7 =	sld [smem:$0x3F90]  }
0x1a: {  	s8 =	sadd.s32 $0xFFFFE003, lr  }
0x1b: {  	s9 =	sadd.s32 $0xFFFFFEF7, lr;
	s5 =	simm.s32 $0xFFFFFFFF;
	p2 =	slt.u32 s8, $0xFFFFF086  }
0x1c: {  	p1 =	slt.u32 s9, $0xF7A;
	s5 =	simm.s32 @!p2 $0x0  }
0x1d: {  	s5 =	simm.s32 @p1 $0x1;
	p0 =	seq.s32 s7, s2  }
0x1e: {  	s7 =	smul.u32 @!p0 $0xF7A, s2;
	p2 =	seq.s32 @!p0 s5, $0x0  }
0x1f: {  	s9 =	smul.u32 $0xF7A, s1;
	s8 =	simm.s32 @!p0 $0x1BF5;
	p2 =	por !p2, p0  }
0x20: {  	[sflag:s8] =	ssyncset.s32 @!p0 $0xFFFFF086;
	s6 =	sadd.s32 @!p0 s3, s7;
	s7 =	simm.s32 @!p0 $0x108  }
0x21: {  	s3 =	sadd.s32 s3, s9;
	s6 =	sadd.s32 @!p0 $0x88, s6;
	s7 =	simm.s32 @p2 $0x1082  }
0x22: {  	[simem:s7], [sflag:s8] =	dma.local @!p0 [hbm:s6], $0xF7A  }
0x23: {  	s9 =	sor.u32 $0xD0000000, s2;
	s6 =	simm.s32 $0x108;
	_ =	swait.ge @!p0 [sflag:s8], $0x0  }
0x24: {  	s3 =	sadd.s32 $0x88, s3;
	s6 =	simm.s32 @!p1 $0x1082;
	[sflag:s4] =	ssyncset.s32 $0xFFFFF086  }
0x25: {  	[simem:s6], [sflag:s4] =	dma.local [hbm:s3], $0xF7A  }
0x26: {  	[smem:$0x3F90] =	sst s1;
	(tag) =	ssettag s2;
	_ =	strace s9  }
0x27: {  	s1 =	sld [smem:$0x3FA0]  }
0x28: {  	s2 =	sld [smem:$0x3FA1]  }
0x29: {  	s4 =	sld [smem:$0x3FA3]  }
0x2a: {  	p0 =	seq.s32 s5, $0x0;
	s5 =	sld [smem:$0x3FA4]  }
0x2b: {  	s6 =	sld [smem:$0x3FA5]  }
0x2c: {  	s7 =	sld [smem:$0x3FA6]  }
0x2d: {  	s3 =	simm.s32 $0x108;
	s8 =	sld [smem:$0x3FA7]  }
0x2e: {  	s3 =	simm.s32 @!p0 $0x1082;
	s9 =	sld [smem:$0x3FA8]  }
0x2f: {  	lr =	sadd.s32 s0, s3;
	s0 =	sld [smem:$0x3F9F]  }
0x30: {  	s3 =	sld [smem:$0x3FA2]  }
0x31: {  	[smem:$0x3FAB] =	sst s10  }
0x32: {  	s10 =	sld [smem:$0x3FA9];
	_ =	sdelay $0x3  }
0x33: {  	p0 =	seq.s32 s10, $0x1;
	s10 =	sld [smem:$0x3FAB];
	_ =	sdelay $0x3  }
0x34: {  	[smem:$0x3FAB] =	sst s10  }
0x35: {  	s10 =	sld [smem:$0x3FAA];
	_ =	sdelay $0x3  }
0x36: {  	p1 =	seq.s32 s10, $0x1;
	s10 =	sld [smem:$0x3FAB];
	_ =	sdelay $0x3  }
0x37: {  	[smem:$0x3FAB] =	sst s10  }
0x38: {  	s10 =	sld [smem:$0x3FAC]  }
0x39: {  	_ = 	snop;
	(pc) =	sbr.ind lr, $3  }
0x3a: {  	_ = 	snop  }
0x3b: {  	_ = 	snop  }
0x3c: {  	p2 =	seq.s32 s10, $0x1;
	s10 =	sld [smem:$0x3FAB]  }
0x3d: {  	_ =	shalt  }
0x3e: {  	_ =	shalt  }
0x3f: {  	_ =	shalt  }
0x40: {  	_ =	shalt  }
0x41: {  	_ =	shalt  }
0x42: {  	_ =	shalt  }
0x43: {  	_ =	shalt  }
0x44: {  	_ =	shalt  }
0x45: {  	_ =	shalt  }
0x46: {  	_ =	shalt  }
0x47: {  	_ =	shalt  }
0x48: {  	_ =	shalt  }
0x49: {  	_ =	shalt  }
0x4a: {  	_ =	shalt  }
0x4b: {  	_ =	shalt  }
0x4c: {  	_ =	shalt  }
0x4d: {  	_ =	shalt  }
0x4e: {  	_ =	shalt  }
0x4f: {  	_ =	shalt  }
0x50: {  	_ =	shalt  }
0x51: {  	_ =	shalt  }
0x52: {  	_ =	shalt  }
0x53: {  	_ =	shalt  }
0x54: {  	_ =	shalt  }
0x55: {  	_ =	shalt  }
0x56: {  	_ =	shalt  }
0x57: {  	_ =	shalt  }
0x58: {  	_ =	shalt  }
0x59: {  	_ =	shalt  }
0x5a: {  	_ =	shalt  }
0x5b: {  	_ =	shalt  }
0x5c: {  	_ =	shalt  }
0x5d: {  	_ =	shalt  }
0x5e: {  	_ =	shalt  }
0x5f: {  	_ =	shalt  }
0x60: {  	_ =	shalt  }
0x61: {  	_ =	shalt  }
0x62: {  	_ =	shalt  }
0x63: {  	_ =	shalt  }
0x64: {  	_ =	shalt  }
0x65: {  	_ =	shalt  }
0x66: {  	_ =	shalt  }
0x67: {  	_ =	shalt  }
0x68: {  	_ =	shalt  }
0x69: {  	_ =	shalt  }
0x6a: {  	_ =	shalt  }
0x6b: {  	_ =	shalt  }
0x6c: {  	_ =	shalt  }
0x6d: {  	_ =	shalt  }
0x6e: {  	_ =	shalt  }
0x6f: {  	_ =	shalt  }
0x70: {  	_ =	shalt  }
0x71: {  	_ =	shalt  }
0x72: {  	_ =	shalt  }
0x73: {  	_ =	shalt  }
0x74: {  	_ =	shalt  }
0x75: {  	_ =	shalt  }
0x76: {  	_ =	shalt  }
0x77: {  	_ =	shalt  }
0x78: {  	_ =	shalt  }
0x79: {  	_ =	shalt  }
0x7a: {  	_ =	shalt  }
0x7b: {  	_ =	shalt  }
0x7c: {  	_ =	shalt  }
0x7d: {  	_ =	shalt  }
0x7e: {  	_ =	shalt  }
0x7f: {  	_ =	shalt  }
0x80: {  	_ =	shalt  }
0x81: {  	_ =	shalt  }
0x82: {  	_ =	shalt  }
0x83: {  	_ =	shalt  }
0x84: {  	_ =	shalt  }
0x85: {  	_ =	shalt  }
0x86: {  	_ =	shalt  }
0x87: {  	_ =	shalt  }
.Lfunc_end0:
.L_simem_size_0:
called_computation_lowered:
.L_overlay_start_0:
0x88: {  	s2 =	sld [smem:$0x3FD9]  }
0x89: {  	s3 =	sld [smem:$0x3FFE];
	_ =	sdelay $0x1  }
0x8a: {  	s1 =	srdreg.scid  }
0x8b: {  	s0 =	sand.u32 $0x1, s1  }
0x8c: {  	s14 =	sshll.u32 s0, $0xA;
	s2 =	sadd.s32 s3, s2  }
0x8d: {  	s2 =	sadd.s32 s2, s14  }
0x8e: {  	[smem:$0x3FB7] =	sst s2  }
0x8f: {  	_ = 	snop  }
0x90: {  	s2 =	sld [smem:$0x3FD0];
	_ =	sdelay $0x2  }
0x91: {  	s15 =	simm.s32 $0xA;
	s4 =	simm.s32 $0x10  }
0x92: {  	[smem:s4], [sflag:s15] =	dma.local [hbm:s2], $0x1  }
0x93: {  	_ =	swait.eq [sflag:s15], $0x1  }
0x94: {  	[sflag:s15] =	ssyncset.done $0x0  }
0x95: {  	[sflag:s15] =	ssyncadd.s32 $0xFFFFFFFF  }
0x96: {  	s16 =	sld [smem:$0x10];
	(tm) =	ssettm $0x1  }
0x97: {  	s17 =	sld [smem:$0x3FFB];
	_ =	sdelay $0x3  }
0x98: {  	_ =	strace s17  }
0x99: {  	s3 =	sld [smem:$0x3FFC];
	_ =	sdelay $0x3  }
0x9a: {  	_ =	strace s3  }
0x9b: {  	s3 =	sld [smem:$0x3FFD];
	_ =	sdelay $0x3  }
0x9c: {  	_ =	strace s3  }
0x9d: {  	_ =	strace $0x8FFFFFFF  }
0x9e: {  	s18 =	sld [smem:$0x3FDB];
	_ =	sdelay $0x1  }
0x9f: {  	s19 =	simm.s32 $_scs_section_size  }
0xa0: {  	s5 =	simm.s32 $_size__tile_overlayer_lowered;
	s6 =	simm.s32 $_tile_overlayer_lowered  }
0xa1: {  	s22 =	simm.s32 $0x1BFF;
	s21 =	sshll.u32 s6, $0x1;
	s3 =	sadd.s32 s19, s18  }
0xa2: {  	s7 =	simm.s32 $0x0;
	s20 =	sshll.u32 s5, $0x1;
	s5 =	sadd.s32 s21, s3  }
0xa3: {  	[timem:s7], [sflag:s22] =	dma.local [hbm:s5], s20  }
0xa4: {  	_ =	swait.ge [sflag:s22], s20  }
0xa5: {  	s4 =	ssub.s32 $0x0, s20;
	[sflag:s22] =	ssyncset.done $0x0  }
0xa6: {  	[sflag:s22] =	ssyncadd.s32 s4;
	_ =	sdelay $0x1  }
0xa7: {  	s23 =	simm.s32 $0x1B8B  }
0xa8: {  	_ =	swait.ge [sflag:s23], $0x1  }
0xa9: {  	[sflag:s23] =	ssyncset.done $0x0  }
0xaa: {  	s25 =	simm.s32 $0x1B8E;
	s24 =	sld [smem:$0x3FFE];
	[sflag:s23] =	ssyncadd.s32 $0xFFFFFFFF  }
0xab: {  	s26 =	simm.s32 $execute0_lowered;
	[smem:$0x3FD2] =	sst s25  }
0xac: {  	s5 =	sshll.u32 s26, $0x1;
	_ =	strace $0x80000046;
	[dreg:$0x1] =	wrdreg $0xFFFFFFFF  }
0xad: {  	s28 =	simm.s32 $_size_execute0_lowered;
	s3 =	sadd.s32 s3, s5;
	[dreg:$0x0] =	wrdreg $0x0  }
0xae: {  	s5 =	sshll.u32 s28, $0x1;
	[dreg:$0x2] =	wrdreg s3  }
0xaf: {  	[dreg:$0x3] =	wrdreg s5  }
0xb0: {  	[dreg:$0x4] =	wrdreg $0xC0  }
0xb1: {  	_ =	task [dreg:s7], $0x5FFFF  }
0xb2: {  	[dreg:$0x1] =	wrdreg $0xFFFFFFFF  }
0xb3: {  	[dreg:$0x0] =	wrdreg $0x60  }
0xb4: {  	[dreg:$0x2] =	wrdreg s24  }
0xb5: {  	[dreg:$0x3] =	wrdreg s16  }
0xb6: {  	[dreg:$0x4] =	wrdreg $0x9  }
0xb7: {  	_ =	task.clear_ibuf [dreg:s7], $0x5FFFF;
	_ =	strace $0x90000046  }
0xb8: {  	s29 =	simm.s32 $0x9;
	_ =	strace $0x80000048  }
0xb9: {  	_ =	swait.ge [sflag:s29], $0x1  }
0xba: {  	[sflag:s29] =	ssyncadd.s32 $0xFFFFFFFF  }
0xbb: {  	_ =	strace $0x90000048  }
0xbc: {  	_ =	sfence  }
0xbd: {  	s30 =	sld [smem:$0x0];
	_ =	sdelay $0x2  }
0xbe: {  	s31 =	sshll.u32 s1, $0xD;
	s1 =	sshrl.u32 s1, $0x2  }
0xbf: {  	s3 =	sand.u32 $0x4000, s31;
	s1 =	sadd.s32 s1, s30  }
0xc0: {  	s0 =	sor.u32 s3, s0;
	s1 =	sshll.u32 s1, $0x11  }
0xc1: {  	s0 =	sor.u32 s1, s0  }
0xc2: {  	s0 =	sadd.s32 $0x8F2B, s0  }
0xc3: {  	[sflag:s0] =	ssyncadd.remote.s32 $0x1  }
0xc4: {  	_ =	sfence.sel $0xFFFF  }
0xc5: {  	[dreg:$0x0] =	wrdreg $0xFFFFFFFF;
	(pc) =	sbr.abs _section_cstart, $3  }
0xc6: {  	[dreg:$0x1] =	wrdreg $0xFFFFFFFF  }
0xc7: {  	_ =	task.clear_ibuf [dreg:s7], $0x2FFFF;
	_ =	strace $0x9FFFFFFF  }
0xc8: {  	(tm) =	ssettm $0x7FFFFFFF  }
0xc9: {  	_ =	shalt  }
tec
execute0_lowered:
.L_overlay_start_1:
0x0: {  	(tag) =	ssettag $0x1  }
0x1: {  	s0 =	rddreg [dreg:$0x0]  }
0x2: {  	s3 =	rddreg [dreg:$0x1];
	s1 =	simm.s32 $0x0  }
0x3: {  	s6 =	srdreg.scid;
	s8 =	stileid.u32;
	s28 =	simm.s32 $0xC100  }
0x4: {  	s29 =	simm.s32 $0xD100;
	s30 =	simm.s32 $0xE100;
	s31 =	simm.s32 $0xE900  }
0x5: {  	s15 =	simm.s32 $0x1;
	[smem:$0x7FF] =	sst s1;
	s2 =	sadd.s32 $0x42C00, s0  }
0x6: {  	s4 =	sadd.s32 $0x2800, s0;
	s5 =	sadd.s32 $0x42A00, s0;
	s9 =	sadd.s32 $0x42800, s0  }
0x7: {  	s6 =	sand.u32 $0x1, s6;
	s8 =	sshll.u32 s8, $0x7;
	s10 =	sadd.s32 $0x10AC00, s0  }
0x8: {  	s13 =	sadd.s32 $0x102C00, s0;
	s7 =	ssub.s32 $0x2, s6;
	s6 =	sshll.u32 s6, $0x6  }
0x9: {  	_ =	strace $0x80000047;
	s11 =	sshrl.u32 s7, $0x1;
	s12 =	sor.u32 s6, s8  }
0xa: {  	s8 =	sadd.s32 $0x42F00, s0;
	s11 =	ssub.s32 s7, s11;
	s6 =	sshrl.u32 s12, $0x3  }
0xb: {  	s7 =	sadd.s32 $0x42E00, s0;
	s19 =	sshll.u32 s12, $0x4;
	s20 =	sshll.u32 s12, $0x7  }
0xc: {  	s12 =	sor.u32 $0x20, s12;
	s18 =	sadd.s32 s5, s6;
	s6 =	sadd.s32 s9, s6  }
0xd: {  	s14 =	sadd.s32 s10, s19;
	s21 =	sadd.s32 s4, s20;
	[dreg:$0x3] =	wrdreg s18  }
0xe: {  	s22 =	sshrl.u32 s12, $0x3;
	s23 =	sshll.u32 s12, $0x4;
	[dreg:$0x4] =	wrdreg s6  }
0xf: {  	s25 =	sshll.u32 s12, $0x7;
	s26 =	smax.u32 s11, $0x1;
	[dreg:$0x5] =	wrdreg s14  }
0x10: {  	s11 =	simm.s32 $0xD900;
	s12 =	simm.s32 $0xF100;
	[dreg:$0x7] =	wrdreg s21  }
0x11: {  	s6 =	sadd.s32 $0x42D00, s0;
	s0 =	sadd.s32 s13, s19;
	[dreg:$0xf] =	wrdreg s26  }
0x12: {  	s14 =	sadd.s32 s3, s20;
	s5 =	sadd.s32 s5, s22;
	[dreg:$0x6] =	wrdreg s0  }
0x13: {  	s24 =	sadd.s32 s10, s23;
	s4 =	sadd.s32 s4, s25;
	[dreg:$0x8] =	wrdreg s14  }
0x14: {  	s20 =	simm.s32 $0x3;
	s26 =	simm.s32 $0xB900;
	[dreg:$0x9] =	wrdreg s5  }
0x15: {  	s10 =	simm.s32 $0xC900;
	s21 =	simm.s32 $0x2;
	[dreg:$0xb] =	wrdreg s24  }
0x16: {  	v0 =	vlaneseq.u32;
	s0 =	sadd.s32 s9, s22;
	s5 =	sadd.s32 s13, s23;
	[dreg:$0xd] =	wrdreg s4  }
0x17: {  	v1 =	vand.u32 $0x7, v0;
	v63 =	vshrl.u32 v0, $0x3;
	s13 =	simm.s32 $0x10100;
	s4 =	simm.s32 $0x11100;
	[dreg:$0xa] =	wrdreg s0  }
0x18: {  	v0 =	vor.u32 $0x8, v0;
	[tilespmem:$0x1FFD0] =	vst v1;
	v1 =	vmul.u32 $0x8, v63;
	s14 =	simm.s32 $0x11900;
	s22 =	simm.s32 $0x0;
	[dreg:$0xc] =	wrdreg s5  }
0x19: {  	[tilespmem:$0x1FFF0] =	vst v0;
	s0 =	sadd.s32 s3, s25;
	s25 =	simm.s32 $0xB100;
	s3 =	simm.s32 $0x10900  }
0x1a: {  	vm0 =	vmmov $0xffff;
	[tilespmem:$0x1FFE0] =	vst v1;
	s5 =	simm.s32 $0x12100;
	[dreg:$0xe] =	wrdreg s0;
	s0 =	simm.s32 $0xF900  }
.LBB2_1:
0x1b: {  	s9 =	rddreg [dreg:$0x3]  }
0x1c: {  	[tilespmem:s1], [sflag:$0x3] =	stream.linear.gather [hbm4b:s9+s1], $0x20, $0x38;
	[tilespmem:$0x1A100] =	vst v63  }
0x1d: {  	_ =	swait.ge [sflag:s20], $0x20  }
0x1e: {  	[sflag:s20] =	ssyncset.done $0x0  }
0x1f: {  	s16 =	simm.s32 $0x80;
	s17 =	rddreg [dreg:$0x4];
	[sflag:s20] =	ssyncadd.s32 $0xFFFFFFE0  }
0x20: {  	[tilespmem:s16], [sflag:$0x3] =	stream.linear.gather [hbm4b:s17+s1], $0x20, $0x38;
	[tilespmem:$0x1A100] =	vst v63  }
0x21: {  	_ =	swait.ge [sflag:s20], $0x20  }
0x22: {  	[sflag:s20] =	ssyncset.done $0x0  }
0x23: {  	[sflag:s20] =	ssyncadd.s32 $0xFFFFFFE0  }
0x24: {  	v0 =	vld [tilespmem:$0x0];
	_ =	sdelay $0x2  }
0x25: {  	v2 =	vld [tilespmem:$0x1FFD0];
	_ =	sdelay $0x1  }
0x26: {  	v3 =	vld [tilespmem:$0x1FFE0];
	v1 =	vshll.u32 v0, $0x3  }
0x27: {  	v0 =	vand.u32 $0x7, v0;
	v1 =	vand.u32 $0xFFFFFFC0, v1  }
0x28: {  	v0 =	vor.u32 v0, v1  }
0x29: {  	v1 =	vperm.xlane v0, v2;
	_ =	sdelay $0x1  }
0x2a: {  	v1 =	vadd.s32 v3, v1  }
0x2b: {  	v4 =	vld [tilespmem:$0x1FFF0];
	_ =	sdelay $0x2  }
0x2c: {  	s18 =	simm.s32 $0x2100  }
0x2d: {  	[tilespmem:s18], [sflag:$0x1] =	stream.indirect_vreg.gather [hbm4b:s2+s1], $0x80, v1, vm0, $0xb8;
	[tilespmem:$0x1A100] =	vst v63  }
0x2e: {  	s19 =	simm.s32 $0x2900;
	v0 =	vperm.xlane v0, v4  }
0x2f: {  	[tilespmem:s19], [sflag:$0x1] =	stream.indirect_vreg.gather [hbm4b:s6+s1], $0x80, v1, vm0, $0xb8;
	[tilespmem:$0x1A100] =	vst v63  }
0x30: {  	s23 =	simm.s32 $0x3100;
	v0 =	vadd.s32 v3, v0  }
0x31: {  	[tilespmem:s23], [sflag:$0x1] =	stream.indirect_vreg.gather [hbm4b:s7+s1], $0x80, v1, vm0, $0xb8;
	[tilespmem:$0x1A100] =	vst v63  }
0x32: {  	s24 =	simm.s32 $0x3900  }
0x33: {  	[tilespmem:s24], [sflag:$0x1] =	stream.indirect_vreg.gather [hbm4b:s8+s1], $0x80, v1, vm0, $0xb8;
	[tilespmem:$0x1A100] =	vst v63  }
0x34: {  	s16 =	simm.s32 $0x4100  }
0x35: {  	[tilespmem:s16], [sflag:$0x1] =	stream.indirect_vreg.gather [hbm4b:s2+s1], $0x80, v0, vm0, $0xb8;
	[tilespmem:$0x1A100] =	vst v63  }
0x36: {  	s17 =	simm.s32 $0x4900  }
0x37: {  	[tilespmem:s17], [sflag:$0x1] =	stream.indirect_vreg.gather [hbm4b:s6+s1], $0x80, v0, vm0, $0xb8;
	[tilespmem:$0x1A100] =	vst v63  }
0x38: {  	s18 =	simm.s32 $0x5100  }
0x39: {  	[tilespmem:s18], [sflag:$0x1] =	stream.indirect_vreg.gather [hbm4b:s7+s1], $0x80, v0, vm0, $0xb8;
	[tilespmem:$0x1A100] =	vst v63  }
0x3a: {  	s19 =	simm.s32 $0x5900  }
0x3b: {  	[tilespmem:s19], [sflag:$0x1] =	stream.indirect_vreg.gather [hbm4b:s8+s1], $0x80, v0, vm0, $0xb8;
	[tilespmem:$0x1A100] =	vst v63  }
0x3c: {  	v0 =	vld [tilespmem:$0x10];
	_ =	sdelay $0x4  }
0x3d: {  	v61 =	vshll.u32 v0, $0x3  }
0x3e: {  	v0 =	vand.u32 $0x7, v0;
	v1 =	vand.u32 $0xFFFFFFC0, v61  }
0x3f: {  	v0 =	vor.u32 v0, v1  }
0x40: {  	v1 =	vperm.xlane v0, v2;
	_ =	sdelay $0x1  }
0x41: {  	v1 =	vadd.s32 v3, v1;
	_ =	sdelay $0x3  }
0x42: {  	s23 =	simm.s32 $0x6100  }
0x43: {  	[tilespmem:s23], [sflag:$0x1] =	stream.indirect_vreg.gather [hbm4b:s2+s1], $0x80, v1, vm0, $0xb8;
	[tilespmem:$0x1A100] =	vst v63  }
0x44: {  	s24 =	simm.s32 $0x6900;
	v0 =	vperm.xlane v0, v4  }
0x45: {  	[tilespmem:s24], [sflag:$0x1] =	stream.indirect_vreg.gather [hbm4b:s6+s1], $0x80, v1, vm0, $0xb8;
	[tilespmem:$0x1A100] =	vst v63  }
0x46: {  	s16 =	simm.s32 $0x7100;
	v0 =	vadd.s32 v3, v0  }
0x47: {  	[tilespmem:s16], [sflag:$0x1] =	stream.indirect_vreg.gather [hbm4b:s7+s1], $0x80, v1, vm0, $0xb8;
	[tilespmem:$0x1A100] =	vst v63  }
0x48: {  	s17 =	simm.s32 $0x7900  }
0x49: {  	[tilespmem:s17], [sflag:$0x1] =	stream.indirect_vreg.gather [hbm4b:s8+s1], $0x80, v1, vm0, $0xb8;
	[tilespmem:$0x1A100] =	vst v63  }
0x4a: {  	s18 =	simm.s32 $0x8100  }
0x4b: {  	[tilespmem:s18], [sflag:$0x1] =	stream.indirect_vreg.gather [hbm4b:s2+s1], $0x80, v0, vm0, $0xb8;
	[tilespmem:$0x1A100] =	vst v63  }
0x4c: {  	s19 =	simm.s32 $0x8900  }
0x4d: {  	[tilespmem:s19], [sflag:$0x1] =	stream.indirect_vreg.gather [hbm4b:s6+s1], $0x80, v0, vm0, $0xb8;
	[tilespmem:$0x1A100] =	vst v63  }
0x4e: {  	s23 =	simm.s32 $0x9100  }
0x4f: {  	[tilespmem:s23], [sflag:$0x1] =	stream.indirect_vreg.gather [hbm4b:s7+s1], $0x80, v0, vm0, $0xb8;
	[tilespmem:$0x1A100] =	vst v63  }
0x50: {  	s24 =	simm.s32 $0x9900  }
0x51: {  	[tilespmem:s24], [sflag:$0x1] =	stream.indirect_vreg.gather [hbm4b:s8+s1], $0x80, v0, vm0, $0xb8;
	[tilespmem:$0x1A100] =	vst v63  }
0x52: {  	v0 =	vld [tilespmem:$0x80];
	_ =	sdelay $0x4  }
0x53: {  	v62 =	vshll.u32 v0, $0x3  }
0x54: {  	v0 =	vand.u32 $0x7, v0;
	v1 =	vand.u32 $0xFFFFFFC0, v62  }
0x55: {  	v0 =	vor.u32 v0, v1  }
0x56: {  	v1 =	vperm.xlane v0, v2;
	_ =	sdelay $0x1  }
0x57: {  	v1 =	vadd.s32 v3, v1;
	_ =	sdelay $0x3  }
0x58: {  	s16 =	simm.s32 $0xA100  }
0x59: {  	[tilespmem:s16], [sflag:$0x2] =	stream.indirect_vreg.gather [hbm4b:s2+s1], $0x80, v1, vm0, $0xb8;
	[tilespmem:$0x1A100] =	vst v63  }
0x5a: {  	s17 =	simm.s32 $0xA900;
	v0 =	vperm.xlane v0, v4  }
0x5b: {  	[tilespmem:s17], [sflag:$0x2] =	stream.indirect_vreg.gather [hbm4b:s6+s1], $0x80, v1, vm0, $0xb8;
	[tilespmem:$0x1A100] =	vst v63  }
0x5c: {  	v0 =	vadd.s32 v3, v0  }
0x5d: {  	[tilespmem:s25], [sflag:$0x2] =	stream.indirect_vreg.gather [hbm4b:s7+s1], $0x80, v1, vm0, $0xb8;
	[tilespmem:$0x1A100] =	vst v63  }
0x5e: {  	_ = 	snop  }
0x5f: {  	[tilespmem:s26], [sflag:$0x2] =	stream.indirect_vreg.gather [hbm4b:s8+s1], $0x80, v1, vm0, $0xb8;
	[tilespmem:$0x1A100] =	vst v63  }
0x60: {  	_ = 	snop  }
0x61: {  	[tilespmem:s28], [sflag:$0x2] =	stream.indirect_vreg.gather [hbm4b:s2+s1], $0x80, v0, vm0, $0xb8;
	[tilespmem:$0x1A100] =	vst v63  }
0x62: {  	_ = 	snop  }
0x63: {  	[tilespmem:s10], [sflag:$0x2] =	stream.indirect_vreg.gather [hbm4b:s6+s1], $0x80, v0, vm0, $0xb8;
	[tilespmem:$0x1A100] =	vst v63  }
0x64: {  	_ = 	snop  }
0x65: {  	[tilespmem:s29], [sflag:$0x2] =	stream.indirect_vreg.gather [hbm4b:s7+s1], $0x80, v0, vm0, $0xb8;
	[tilespmem:$0x1A100] =	vst v63  }
0x66: {  	_ = 	snop  }
0x67: {  	[tilespmem:s11], [sflag:$0x2] =	stream.indirect_vreg.gather [hbm4b:s8+s1], $0x80, v0, vm0, $0xb8;
	[tilespmem:$0x1A100] =	vst v63  }
0x68: {  	v0 =	vld [tilespmem:$0x90];
	_ =	sdelay $0x4  }
0x69: {  	v63 =	vshll.u32 v0, $0x3  }
0x6a: {  	v0 =	vand.u32 $0x7, v0;
	v1 =	vand.u32 $0xFFFFFFC0, v63  }
0x6b: {  	v0 =	vor.u32 v0, v1  }
0x6c: {  	v1 =	vperm.xlane v0, v2;
	_ =	sdelay $0x1  }
0x6d: {  	v1 =	vadd.s32 v3, v1;
	_ =	sdelay $0x4  }
0x6e: {  	[tilespmem:s30], [sflag:$0x2] =	stream.indirect_vreg.gather [hbm4b:s2+s1], $0x80, v1, vm0, $0xb8;
	[tilespmem:$0x1A100] =	vst v63  }
0x6f: {  	v0 =	vperm.xlane v0, v4  }
0x70: {  	[tilespmem:s31], [sflag:$0x2] =	stream.indirect_vreg.gather [hbm4b:s6+s1], $0x80, v1, vm0, $0xb8;
	[tilespmem:$0x1A100] =	vst v63  }
0x71: {  	v0 =	vadd.s32 v3, v0  }
0x72: {  	[tilespmem:s12], [sflag:$0x2] =	stream.indirect_vreg.gather [hbm4b:s7+s1], $0x80, v1, vm0, $0xb8;
	[tilespmem:$0x1A100] =	vst v63  }
0x73: {  	_ = 	snop  }
0x74: {  	[tilespmem:s0], [sflag:$0x2] =	stream.indirect_vreg.gather [hbm4b:s8+s1], $0x80, v1, vm0, $0xb8;
	[tilespmem:$0x1A100] =	vst v63  }
0x75: {  	_ = 	snop  }
0x76: {  	[tilespmem:s13], [sflag:$0x2] =	stream.indirect_vreg.gather [hbm4b:s2+s1], $0x80, v0, vm0, $0xb8;
	[tilespmem:$0x1A100] =	vst v63  }
0x77: {  	_ = 	snop  }
0x78: {  	[tilespmem:s3], [sflag:$0x2] =	stream.indirect_vreg.gather [hbm4b:s6+s1], $0x80, v0, vm0, $0xb8;
	[tilespmem:$0x1A100] =	vst v63  }
0x79: {  	_ = 	snop  }
0x7a: {  	[tilespmem:s4], [sflag:$0x2] =	stream.indirect_vreg.gather [hbm4b:s7+s1], $0x80, v0, vm0, $0xb8;
	[tilespmem:$0x1A100] =	vst v63  }
0x7b: {  	_ = 	snop  }
0x7c: {  	[tilespmem:s14], [sflag:$0x2] =	stream.indirect_vreg.gather [hbm4b:s8+s1], $0x80, v0, vm0, $0xb8;
	[tilespmem:$0x1A100] =	vst v63  }
0x7d: {  	s18 =	rddreg [dreg:$0x5];
	s16 =	simm.s32 $0x100  }
0x7e: {  	[tilespmem:s16], [sflag:$0x3] =	stream.linear.gather [hbm4b:s18+s1], $0x1000, $0x38;
	[tilespmem:$0x1A100] =	vst v63  }
0x7f: {  	_ =	swait.ge [sflag:s20], $0x1000  }
0x80: {  	[sflag:s20] =	ssyncset.done $0x0  }
0x81: {  	s23 =	simm.s32 $0x1100;
	s19 =	rddreg [dreg:$0x6];
	[sflag:s20] =	ssyncadd.s32 $0xFFFFF000  }
0x82: {  	[tilespmem:s23], [sflag:$0x3] =	stream.linear.gather [hbm4b:s19+s1], $0x1000, $0x38;
	[tilespmem:$0x1A100] =	vst v63  }
0x83: {  	_ =	swait.ge [sflag:s20], $0x1000  }
0x84: {  	[sflag:s20] =	ssyncset.done $0x0  }
0x85: {  	s24 =	rddreg [dreg:$0x7];
	[sflag:s20] =	ssyncadd.s32 $0xFFFFF000  }
0x86: {  	[tilespmem:s5], [sflag:$0x3] =	stream.linear.gather [hbm4b:s24+s1], $0x8000, $0x38;
	[tilespmem:$0x1A100] =	vst v63  }
0x87: {  	_ =	swait.ge [sflag:s20], $0x8000  }
0x88: {  	[sflag:s20] =	ssyncset.done $0x0  }
0x89: {  	[sflag:s20] =	ssyncadd.s32 $0xFFFF8000  }
0x8a: {  	_ =	swait.ge [sflag:s15], $0x8000  }
0x8b: {  	[sflag:s15] =	ssyncset.done $0x0  }
0x8c: {  	[sflag:s15] =	ssyncadd.s32 $0xFFFF8000  }
0x8d: {  	_ =	swait.ge [sflag:s21], $0x8000  }
0x8e: {  	s17 =	simm.s32 $0x0;
	[sflag:s21] =	ssyncset.done $0x0  }
0x8f: {  	s18 =	simm.s32 $0x0;
	s24 =	simm.s32 $0x0;
	[sflag:s21] =	ssyncadd.s32 $0xFFFF8000  }
.LBB2_2:
0x90: {  	v3 =	vld [tilespmem:s16+$0x0];
	s9 =	sand.u32 $0x6000, s24;
	s19 =	sand.u32 $0x380, s18  }
0x91: {  	v4 =	vld [tilespmem:s23+$0x0];
	s9 =	sor.u32 s19, s9  }
0x92: {  	v20 =	vld [tilespmem:s9+$0x12100]  }
0x93: {  	v27 =	vld [tilespmem:s9+$0x2100]  }
0x94: {  	v28 =	vld [tilespmem:s9+$0xA100]  }
0x95: {  	v29 =	vld [tilespmem:s9+$0x12110]  }
0x96: {  	v30 =	vld [tilespmem:s9+$0x2110]  }
0x97: {  	v34 =	vld [tilespmem:s9+$0xA110]  }
0x98: {  	v40 =	vld [tilespmem:s9+$0x12120]  }
0x99: {  	v41 =	vld [tilespmem:s9+$0x2120]  }
0x9a: {  	v44 =	vld [tilespmem:s9+$0xA120]  }
0x9b: {  	v49 =	vld [tilespmem:s9+$0x12130]  }
0x9c: {  	v59 =	vld [tilespmem:s9+$0x2130]  }
0x9d: {  	v10 =	vld [tilespmem:s9+$0xA130]  }
0x9e: {  	v5 =	vld [tilespmem:s9+$0x12140]  }
0x9f: {  	v0 =	vld [tilespmem:s9+$0x2140]  }
0xa0: {  	v11 =	vld [tilespmem:s9+$0xA140]  }
0xa1: {  	v7 =	vld [tilespmem:s9+$0x12150]  }
0xa2: {  	v1 =	vld [tilespmem:s9+$0x2150]  }
0xa3: {  	v6 =	vld [tilespmem:s9+$0xA150]  }
0xa4: {  	v18 =	vld [tilespmem:s9+$0x12160]  }
0xa5: {  	v9 =	vld [tilespmem:s9+$0x2160]  }
0xa6: {  	v19 =	vld [tilespmem:s9+$0xA160]  }
0xa7: {  	v13 =	vld [tilespmem:s9+$0x12170]  }
0xa8: {  	v2 =	vld [tilespmem:s9+$0x2170]  }
0xa9: {  	v21 =	vld [tilespmem:s9+$0xA170]  }
0xaa: {  	v15 =	vld [tilespmem:s9+$0x12500]  }
0xab: {  	v63 =	vld [tilespmem:s9+$0xA960]  }
0xac: {  	v8 =	vld [tilespmem:s9+$0x2500]  }
0xad: {  	v14 =	vld [tilespmem:s9+$0xA500]  }
0xae: {  	v32 =	vld [tilespmem:s9+$0x12510]  }
0xaf: {  	v17 =	vld [tilespmem:s9+$0x2510]  }
0xb0: {  	[tilespmem:$0x1FDB0] =	vst v63;
	v63 =	vld [tilespmem:s9+$0x12970]  }
0xb1: {  	v33 =	vld [tilespmem:s9+$0xA510]  }
0xb2: {  	v23 =	vld [tilespmem:s9+$0x12520]  }
0xb3: {  	v12 =	vld [tilespmem:s9+$0x2520]  }
0xb4: {  	v35 =	vld [tilespmem:s9+$0xA520]  }
0xb5: {  	[tilespmem:$0x1FDA0] =	vst v63;
	v63 =	vld [tilespmem:s9+$0x2970]  }
0xb6: {  	v25 =	vld [tilespmem:s9+$0x12530]  }
0xb7: {  	v16 =	vld [tilespmem:s9+$0x2530]  }
0xb8: {  	v24 =	vld [tilespmem:s9+$0xA530]  }
0xb9: {  	v43 =	vld [tilespmem:s9+$0x12540]  }
0xba: {  	[tilespmem:$0x1FD60] =	vst v63;
	v63 =	vld [tilespmem:s9+$0xA970]  }
0xbb: {  	v31 =	vld [tilespmem:s9+$0x2540]  }
0xbc: {  	v45 =	vld [tilespmem:s9+$0xA540]  }
0xbd: {  	v52 =	vld [tilespmem:s9+$0x12550]  }
0xbe: {  	v22 =	vld [tilespmem:s9+$0x2550]  }
0xbf: {  	[tilespmem:$0x1FDC0] =	vst v63;
	v63 =	vld [tilespmem:s9+$0x12D00]  }
0xc0: {  	v58 =	vld [tilespmem:s9+$0xA550]  }
0xc1: {  	v38 =	vld [tilespmem:s9+$0x12560]  }
0xc2: {  	v26 =	vld [tilespmem:s9+$0x2560]  }
0xc3: {  	v39 =	vld [tilespmem:s9+$0xA560]  }
0xc4: {  	[tilespmem:$0x1FE00] =	vst v63;
	v63 =	vld [tilespmem:s9+$0x2D00]  }
0xc5: {  	v56 =	vld [tilespmem:s9+$0x12570]  }
0xc6: {  	v42 =	vld [tilespmem:s9+$0x2570]  }
0xc7: {  	v60 =	vld [tilespmem:s9+$0xA570]  }
0xc8: {  	v46 =	vld [tilespmem:s9+$0x12900]  }
0xc9: {  	[tilespmem:$0x1FDD0] =	vst v63;
	v63 =	vld [tilespmem:s9+$0xAD00]  }
0xca: {  	v36 =	vld [tilespmem:s9+$0x2900]  }
0xcb: {  	v53 =	vld [tilespmem:s9+$0xA900]  }
0xcc: {  	v50 =	vld [tilespmem:s9+$0x12910]  }
0xcd: {  	v37 =	vld [tilespmem:s9+$0x2910]  }
0xce: {  	[tilespmem:$0x1FE20] =	vst v63;
	v63 =	vld [tilespmem:s9+$0x12D10]  }
0xcf: {  	v47 =	vld [tilespmem:s9+$0xA910]  }
0xd0: {  	v48 =	vld [tilespmem:s9+$0x12920]  }
0xd1: {  	v54 =	vld [tilespmem:s9+$0x2920]  }
0xd2: {  	v62 =	vld [tilespmem:s9+$0xA920]  }
0xd3: {  	[tilespmem:$0x1FE10] =	vst v63;
	v63 =	vld [tilespmem:s9+$0x2D10]  }
0xd4: {  	v55 =	vld [tilespmem:s9+$0x12930]  }
0xd5: {  	v51 =	vld [tilespmem:s9+$0xA930]  }
0xd6: {  	v57 =	vld [tilespmem:s9+$0x12940]  }
0xd7: {  	v61 =	vld [tilespmem:s9+$0x12950]  }
0xd8: {  	[tilespmem:$0x1FDE0] =	vst v63;
	v63 =	vld [tilespmem:s9+$0xAD10]  }
0xd9: {  	[tilespmem:$0x1FD20] =	vst v48;
	v48 =	vld [tilespmem:s9+$0x2930]  }
0xda: {  	[tilespmem:$0x1FD40] =	vst v51;
	v51 =	vld [tilespmem:s9+$0x2940]  }
0xdb: {  	[tilespmem:$0x1FD30] =	vst v62;
	v62 =	vld [tilespmem:s9+$0xA940];
	v27 =	vmul.f32 v27, v3;
	v30 =	vmul.f32 v30, v3  }
0xdc: {  	[tilespmem:$0x1FD70] =	vst v61;
	v61 =	vld [tilespmem:s9+$0x2950];
	v41 =	vmul.f32 v41, v3;
	v2 =	vmul.f32 v2, v3  }
0xdd: {  	v20 =	vadd.f32 v27, v20;
	v27 =	vadd.f32 v30, v29;
	v30 =	vmul.f32 v34, v4;
	[tilespmem:$0x1FE40] =	vst v63;
	v63 =	vld [tilespmem:s9+$0x12D20]  }
0xde: {  	v34 =	vmul.f32 v44, v4;
	v44 =	vmul.f32 v59, v3;
	v59 =	vld [tilespmem:s9+$0x13120]  }
0xdf: {  	v1 =	vmul.f32 v1, v3;
	v29 =	vadd.f32 v41, v40;
	v41 =	vmul.f32 v10, v4;
	v10 =	vld [tilespmem:s9+$0x13130]  }
0xe0: {  	v2 =	vadd.f32 v2, v13;
	v13 =	vld [tilespmem:s9+$0xB140]  }
0xe1: {  	v28 =	vmul.f32 v28, v4;
	v1 =	vadd.f32 v1, v7;
	v7 =	vld [tilespmem:s9+$0x3510]  }
0xe2: {  	[tilespmem:$0x1FE30] =	vst v63;
	v63 =	vld [tilespmem:s9+$0x2D20]  }
0xe3: {  	v20 =	vadd.f32 v28, v20;
	v28 =	vld [tilespmem:s9+$0x3120]  }
0xe4: {  	v40 =	vadd.f32 v44, v49;
	v44 =	vld [tilespmem:s9+$0xB120]  }
0xe5: {  	v27 =	vadd.f32 v30, v27;
	v30 =	vadd.f32 v34, v29;
	v29 =	vld [tilespmem:s9+$0xB130]  }
0xe6: {  	v6 =	vmul.f32 v6, v4;
	[tilespmem:$0x1FD50] =	vst v61;
	v61 =	vld [tilespmem:s9+$0xA950]  }
0xe7: {  	v0 =	vmul.f32 v0, v3;
	v49 =	vmul.f32 v11, v4;
	[tilespmem:$0x1FDF0] =	vst v63;
	v63 =	vld [tilespmem:s9+$0xAD20]  }
0xe8: {  	v1 =	vadd.f32 v6, v1;
	v34 =	vmul.f32 v8, v3;
	v11 =	vadd.f32 v41, v40;
	v40 =	vld [tilespmem:s9+$0x3130]  }
0xe9: {  	v0 =	vadd.f32 v0, v5;
	v41 =	vmul.f32 v19, v4;
	v19 =	vmul.f32 v12, v3;
	v12 =	vld [tilespmem:s9+$0x13150]  }
0xea: {  	[tilespmem:s9+$0x12150] =	vst v1;
	v1 =	vld [tilespmem:s9+$0x13520]  }
0xeb: {  	[tilespmem:$0x1FFA0] =	vst v59;
	v59 =	vmul.f32 v9, v3;
	v9 =	vadd.f32 v49, v0;
	v0 =	vadd.f32 v34, v15;
	v34 =	vld [tilespmem:s9+$0x3140]  }
0xec: {  	v49 =	vmul.f32 v21, v4;
	[tilespmem:$0x1FE50] =	vst v63;
	v63 =	vld [tilespmem:s9+$0x12D30]  }
0xed: {  	[tilespmem:$0x1FFB0] =	vst v44;
	v44 =	vld [tilespmem:s9+$0x13140]  }
0xee: {  	v15 =	vadd.f32 v49, v2;
	v49 =	vld [tilespmem:s9+$0x3150]  }
0xef: {  	v5 =	vadd.f32 v59, v18;
	[tilespmem:s9+$0x12140] =	vst v9;
	v9 =	vld [tilespmem:s9+$0x3520]  }
0xf0: {  	v59 =	vmul.f32 v14, v4;
	v18 =	vmul.f32 v17, v3;
	[tilespmem:$0x1FD90] =	vst v61;
	v61 =	vld [tilespmem:s9+$0x12960]  }
0xf1: {  	v21 =	vmul.f32 v16, v3;
	v6 =	vadd.f32 v41, v5;
	[tilespmem:$0x1FE90] =	vst v63;
	v63 =	vld [tilespmem:s9+$0x2D30]  }
0xf2: {  	v8 =	vadd.f32 v59, v0;
	v2 =	vadd.f32 v18, v32;
	v59 =	vmul.f32 v35, v4;
	v41 =	vld [tilespmem:s9+$0xB150]  }
0xf3: {  	v32 =	vadd.f32 v19, v23;
	v23 =	vmul.f32 v31, v3;
	v31 =	vmul.f32 v45, v4;
	v45 =	vld [tilespmem:s9+$0xB170]  }
0xf4: {  	v35 =	vmul.f32 v42, v3;
	v42 =	vmul.f32 v60, v4;
	v60 =	vld [tilespmem:s9+$0xB500]  }
0xf5: {  	v5 =	vld [tilespmem:s9+$0x13510]  }
0xf6: {  	v0 =	vadd.f32 v21, v25;
	v21 =	vmul.f32 v24, v4;
	v24 =	vmul.f32 v22, v3;
	[tilespmem:$0x1FE60] =	vst v63;
	v63 =	vld [tilespmem:s9+$0xAD30]  }
0xf7: {  	v14 =	vadd.f32 v59, v32;
	v59 =	vld [tilespmem:s9+$0x3160]  }
0xf8: {  	v25 =	vmul.f32 v26, v3;
	v26 =	vadd.f32 v24, v52;
	v52 =	vld [tilespmem:s9+$0xB160]  }
0xf9: {  	v32 =	vmul.f32 v58, v4;
	v58 =	vld [tilespmem:s9+$0x3170]  }
0xfa: {  	[tilespmem:s9+$0x12160] =	vst v6;
	v6 =	vld [tilespmem:s9+$0xB520]  }
0xfb: {  	[tilespmem:$0x1FEB0] =	vst v63;
	v63 =	vld [tilespmem:s9+$0x12D40]  }
0xfc: {  	v36 =	vmul.f32 v36, v3;
	[tilespmem:s9+$0x12500] =	vst v8;
	v8 =	vld [tilespmem:s9+$0x13530]  }
0xfd: {  	v16 =	vadd.f32 v21, v0;
	v0 =	vadd.f32 v25, v38;
	v38 =	vmul.f32 v37, v3;
	[tilespmem:$0x1FD80] =	vst v61;
	v61 =	vld [tilespmem:s9+$0x2960]  }
0xfe: {  	[tilespmem:$0x1FFC0] =	vst v44;
	v44 =	vmul.f32 v33, v4;
	v18 =	vadd.f32 v32, v26;
	v32 =	vld [tilespmem:$0x1FD20]  }
0xff: {  	v33 =	vmul.f32 v39, v4;
	v39 =	vadd.f32 v36, v46;
	v46 =	vadd.f32 v38, v50;
	v38 =	vld [tilespmem:$0x1FD40]  }
0x100: {  	[tilespmem:$0x1FEA0] =	vst v63;
	v63 =	vld [tilespmem:s9+$0x2D40]  }
0x101: {  	v17 =	vadd.f32 v44, v2;
	v44 =	vld [tilespmem:s9+$0x13160]  }
0x102: {  	[tilespmem:s9+$0x12110] =	vst v27;
	v27 =	vmul.f32 v48, v3;
	v2 =	vadd.f32 v23, v43;
	v43 =	vld [tilespmem:s9+$0x13170]  }
0x103: {  	v19 =	vadd.f32 v33, v0;
	v0 =	vld [tilespmem:s9+$0x3500]  }
0x104: {  	v7 =	vmul.f32 v7, v3;
	v33 =	vadd.f32 v27, v55;
	v55 =	vld [tilespmem:$0x1FD80]  }
0x105: {  	v9 =	vmul.f32 v9, v3;
	[tilespmem:$0x1FE70] =	vst v63;
	v63 =	vld [tilespmem:s9+$0xAD40]  }
0x106: {  	v50 =	vmul.f32 v53, v4;
	v53 =	vmul.f32 v47, v4;
	v5 =	vadd.f32 v7, v5;
	v7 =	vld [tilespmem:s9+$0x13930]  }
0x107: {  	v1 =	vadd.f32 v9, v1;
	v9 =	vld [tilespmem:s9+$0x13940]  }
0x108: {  	[tilespmem:s9+$0x12100] =	vst v20;
	v20 =	vadd.f32 v53, v46;
	v46 =	vld [tilespmem:$0x1FD50]  }
0x109: {  	v22 =	vadd.f32 v50, v39;
	v50 =	vld [tilespmem:$0x1FD60]  }
0x10a: {  	[tilespmem:$0x1FED0] =	vst v63;
	v63 =	vld [tilespmem:s9+$0x12D50]  }
0x10b: {  	v53 =	vld [tilespmem:$0x1FD70]  }
0x10c: {  	v21 =	vadd.f32 v31, v2;
	v2 =	vadd.f32 v35, v56;
	v56 =	vld [tilespmem:s9+$0x13500]  }
0x10d: {  	v35 =	vld [tilespmem:$0x1FD30]  }
0x10e: {  	v24 =	vadd.f32 v42, v2;
	v2 =	vld [tilespmem:s9+$0xB510]  }
0x10f: {  	v31 =	vmul.f32 v51, v3;
	[tilespmem:$0x1FEC0] =	vst v63;
	v63 =	vld [tilespmem:s9+$0x2D50]  }
0x110: {  	v26 =	vmul.f32 v54, v3;
	v48 =	vmul.f32 v61, v3;
	v61 =	vld [tilespmem:$0x1FD90]  }
0x111: {  	v37 =	vadd.f32 v31, v57;
	v39 =	vmul.f32 v38, v4;
	v31 =	vld [tilespmem:s9+$0xB530]  }
0x112: {  	[tilespmem:s9+$0x12130] =	vst v11;
	v11 =	vadd.f32 v26, v32;
	v32 =	vld [tilespmem:s9+$0x13540]  }
0x113: {  	v42 =	vmul.f32 v62, v4;
	v23 =	vadd.f32 v39, v33;
	v33 =	vld [tilespmem:$0x1FDA0]  }
0x114: {  	[tilespmem:$0x1FE80] =	vst v63;
	v63 =	vld [tilespmem:s9+$0xAD50]  }
0x115: {  	v0 =	vmul.f32 v0, v3;
	v25 =	vadd.f32 v42, v37;
	v37 =	vld [tilespmem:$0x1FDC0]  }
0x116: {  	v47 =	vmul.f32 v46, v3;
	v36 =	vmul.f32 v35, v4;
	v35 =	vld [tilespmem:$0x1FDB0]  }
0x117: {  	v0 =	vadd.f32 v0, v56;
	v56 =	vld [tilespmem:s9+$0xB960]  }
0x118: {  	v54 =	vadd.f32 v47, v53;
	v47 =	vld [tilespmem:$0x1FE00]  }
0x119: {  	[tilespmem:$0x1FEE0] =	vst v63;
	v63 =	vld [tilespmem:s9+$0x12D60]  }
0x11a: {  	v39 =	vld [tilespmem:$0x1FDD0]  }
0x11b: {  	v57 =	vadd.f32 v48, v55;
	v48 =	vld [tilespmem:$0x1FE10]  }
0x11c: {  	v42 =	vld [tilespmem:$0x1FDE0]  }
0x11d: {  	v46 =	vld [tilespmem:$0x1FDF0]  }
0x11e: {  	v51 =	vmul.f32 v50, v3;
	[tilespmem:$0x1FF20] =	vst v63;
	v63 =	vld [tilespmem:s9+$0x2D60]  }
0x11f: {  	[tilespmem:s9+$0x12120] =	vst v30;
	v53 =	vld [tilespmem:$0x1FE40]  }
0x120: {  	[tilespmem:s9+$0x12170] =	vst v15;
	v62 =	vmul.f32 v61, v4;
	v27 =	vadd.f32 v51, v33;
	v51 =	vld [tilespmem:$0x1FE30]  }
0x121: {  	[tilespmem:s9+$0x12520] =	vst v14;
	v11 =	vadd.f32 v36, v11;
	v38 =	vmul.f32 v37, v4;
	v33 =	vld [tilespmem:s9+$0x3530]  }
0x122: {  	[tilespmem:s9+$0x12510] =	vst v17;
	v15 =	vadd.f32 v62, v54;
	v37 =	vld [tilespmem:s9+$0xB540];
	v36 =	vmul.f32 v35, v4;
	v17 =	vmul.f32 v39, v3  }
0x123: {  	v26 =	vadd.f32 v38, v27;
	v30 =	vmul.f32 v42, v3;
	v27 =	vmul.f32 v46, v3;
	[tilespmem:$0x1FEF0] =	vst v63;
	v63 =	vld [tilespmem:s9+$0xAD60]  }
0x124: {  	[tilespmem:s9+$0x12530] =	vst v16;
	v14 =	vadd.f32 v36, v57;
	v16 =	vadd.f32 v17, v47;
	v54 =	vld [tilespmem:$0x1FE50]  }
0x125: {  	[tilespmem:s9+$0x12540] =	vst v21;
	v36 =	vld [tilespmem:s9+$0x3540];
	v17 =	vadd.f32 v30, v48;
	v21 =	vadd.f32 v27, v51;
	v27 =	vmul.f32 v53, v4  }
0x126: {  	v50 =	vld [tilespmem:$0x1FE20]  }
0x127: {  	v17 =	vadd.f32 v27, v17;
	v27 =	vld [tilespmem:s9+$0x13550]  }
0x128: {  	[tilespmem:$0x1FF30] =	vst v63;
	v63 =	vld [tilespmem:s9+$0x12D70]  }
0x129: {  	v35 =	vmul.f32 v54, v4;
	v57 =	vld [tilespmem:$0x1FE70]  }
0x12a: {  	v62 =	vld [tilespmem:$0x1FE90]  }
0x12b: {  	[tilespmem:s9+$0x12560] =	vst v19;
	v19 =	vadd.f32 v35, v21;
	v35 =	vld [tilespmem:$0x1FEA0]  }
0x12c: {  	v30 =	vmul.f32 v50, v4;
	v55 =	vld [tilespmem:$0x1FE60]  }
0x12d: {  	[tilespmem:$0x1FF40] =	vst v63;
	v63 =	vld [tilespmem:s9+$0x2D70]  }
0x12e: {  	v16 =	vadd.f32 v30, v16;
	v38 =	vld [tilespmem:$0x1FEB0];
	v30 =	vmul.f32 v57, v3  }
0x12f: {  	v42 =	vld [tilespmem:$0x1FED0]  }
0x130: {  	[tilespmem:s9+$0x12570] =	vst v24;
	v24 =	vadd.f32 v30, v35;
	v35 =	vld [tilespmem:s9+$0x3550]  }
0x131: {  	v61 =	vld [tilespmem:$0x1FE80]  }
0x132: {  	[tilespmem:$0x1FF00] =	vst v63;
	v63 =	vld [tilespmem:s9+$0xAD70]  }
0x133: {  	v39 =	vld [tilespmem:$0x1FEC0]  }
0x134: {  	[tilespmem:s9+$0x12900] =	vst v22;
	v22 =	vmul.f32 v42, v4;
	v46 =	vld [tilespmem:$0x1FEE0]  }
0x135: {  	v42 =	vld [tilespmem:s9+$0x13560]  }
0x136: {  	[tilespmem:s9+$0x12920] =	vst v11;
	v11 =	vadd.f32 v22, v24;
	v24 =	vld [tilespmem:s9+$0x3560];
	v21 =	vmul.f32 v61, v3  }
0x137: {  	[tilespmem:$0x1FF50] =	vst v63;
	v63 =	vld [tilespmem:s9+$0x13100]  }
0x138: {  	v21 =	vadd.f32 v21, v39;
	v39 =	vld [tilespmem:s9+$0xB550]  }
0x139: {  	v30 =	vmul.f32 v38, v4;
	v38 =	vmul.f32 v46, v4;
	v51 =	vld [tilespmem:$0x1FF20]  }
0x13a: {  	v47 =	vld [tilespmem:$0x1FEF0]  }
0x13b: {  	v21 =	vadd.f32 v38, v21;
	v38 =	vld [tilespmem:s9+$0xB560]  }
0x13c: {  	[tilespmem:$0x1FF60] =	vst v63;
	v63 =	vld [tilespmem:s9+$0x3100]  }
0x13d: {  	v53 =	vld [tilespmem:$0x1FF30]  }
0x13e: {  	[tilespmem:s9+$0x12550] =	vst v18;
	v48 =	vld [tilespmem:$0x1FF00]  }
0x13f: {  	[tilespmem:s9+$0x12910] =	vst v20;
	v18 =	vmul.f32 v55, v3;
	v20 =	vmul.f32 v47, v3;
	v47 =	vld [tilespmem:s9+$0x13570]  }
0x140: {  	v54 =	vld [tilespmem:$0x1FF40]  }
0x141: {  	v18 =	vadd.f32 v18, v62;
	[tilespmem:$0x1FF10] =	vst v63;
	v63 =	vld [tilespmem:s9+$0xB100]  }
0x142: {  	[tilespmem:s9+$0x12970] =	vst v26;
	v26 =	vld [tilespmem:s9+$0xB910]  }
0x143: {  	v18 =	vadd.f32 v30, v18;
	v30 =	vmul.f32 v48, v3;
	v55 =	vld [tilespmem:$0x1FF50]  }
0x144: {  	v48 =	vmul.f32 v28, v3;
	v28 =	vld [tilespmem:s9+$0x3570]  }
0x145: {  	v30 =	vadd.f32 v30, v54;
	v54 =	vld [tilespmem:$0x1FFA0]  }
0x146: {  	[tilespmem:$0x1FF70] =	vst v63;
	v63 =	vld [tilespmem:s9+$0x13110]  }
0x147: {  	v57 =	vld [tilespmem:$0x1FF60]  }
0x148: {  	[tilespmem:s9+$0x12940] =	vst v25;
	v25 =	vmul.f32 v55, v4;
	v55 =	vld [tilespmem:$0x1FFB0]  }
0x149: {  	[tilespmem:s9+$0x12930] =	vst v23;
	v50 =	vld [tilespmem:$0x1FF10]  }
0x14a: {  	[tilespmem:s9+$0x12960] =	vst v14;
	v14 =	vadd.f32 v25, v30;
	v30 =	vld [tilespmem:s9+$0xB570]  }
0x14b: {  	v20 =	vadd.f32 v20, v51;
	v23 =	vmul.f32 v53, v4;
	[tilespmem:$0x1FF90] =	vst v63;
	v63 =	vld [tilespmem:s9+$0x3110]  }
0x14c: {  	v13 =	vmul.f32 v13, v4;
	v6 =	vmul.f32 v6, v4;
	[tilespmem:s9+$0x12950] =	vst v15;
	v61 =	vld [tilespmem:$0x1FF70]  }
0x14d: {  	v2 =	vmul.f32 v2, v4;
	v15 =	vadd.f32 v23, v20;
	[tilespmem:s9+$0x12D00] =	vst v16;
	v23 =	vadd.f32 v48, v54;
	v48 =	vld [tilespmem:$0x1FFC0]  }
0x14e: {  	v54 =	vld [tilespmem:s9+$0x3920];
	[tilespmem:s9+$0x12D10] =	vst v17;
	v22 =	vmul.f32 v50, v3;
	v50 =	vmul.f32 v40, v3  }
0x14f: {  	v1 =	vadd.f32 v6, v1;
	v25 =	vmul.f32 v37, v4;
	v37 =	vld [tilespmem:s9+$0x13950];
	v16 =	vmul.f32 v55, v4;
	[tilespmem:s9+$0x12D20] =	vst v19  }
0x150: {  	v22 =	vadd.f32 v22, v57;
	v10 =	vadd.f32 v50, v10;
	v57 =	vmul.f32 v29, v4;
	[tilespmem:$0x1FF80] =	vst v63;
	v63 =	vld [tilespmem:s9+$0xB110]  }
0x151: {  	v16 =	vadd.f32 v16, v23;
	v50 =	vmul.f32 v41, v4;
	v46 =	vmul.f32 v61, v4;
	[tilespmem:s9+$0x12D30] =	vst v18;
	v62 =	vld [tilespmem:$0x1FF80]  }
0x152: {  	v23 =	vld [tilespmem:s9+$0x13910];
	v41 =	vmul.f32 v39, v4;
	v10 =	vadd.f32 v57, v10;
	v57 =	vmul.f32 v45, v4;
	[tilespmem:s9+$0x12D40] =	vst v11  }
0x153: {  	v45 =	vmul.f32 v30, v4;
	v51 =	vld [tilespmem:$0x1FF90];
	v22 =	vadd.f32 v46, v22;
	v46 =	vmul.f32 v59, v3;
	[tilespmem:s9+$0x12D50] =	vst v21  }
0x154: {  	v2 =	vadd.f32 v2, v5;
	v40 =	vld [tilespmem:s9+$0x13900];
	v59 =	vmul.f32 v33, v3;
	v33 =	vmul.f32 v24, v3;
	[tilespmem:s9+$0x12D60] =	vst v15  }
0x155: {  	v29 =	vld [tilespmem:s9+$0x3900];
	v19 =	vadd.f32 v46, v44;
	[tilespmem:s9+$0x12D70] =	vst v14;
	v53 =	vmul.f32 v63, v4;
	v63 =	vmul.f32 v49, v3  }
0x156: {  	v24 =	vld [tilespmem:s9+$0xB970];
	[tilespmem:s9+$0x13100] =	vst v22;
	v8 =	vadd.f32 v59, v8;
	v20 =	vmul.f32 v62, v3;
	v62 =	vmul.f32 v34, v3  }
0x157: {  	[tilespmem:s9+$0x13120] =	vst v16;
	v44 =	vmul.f32 v38, v4;
	v49 =	vld [tilespmem:s9+$0x3910];
	v12 =	vadd.f32 v63, v12;
	v63 =	vmul.f32 v31, v4  }
0x158: {  	[tilespmem:s9+$0x13130] =	vst v10;
	v46 =	vld [tilespmem:s9+$0xB950];
	v20 =	vadd.f32 v20, v51;
	v18 =	vadd.f32 v62, v48;
	v51 =	vmul.f32 v52, v4  }
0x159: {  	v21 =	vld [tilespmem:s9+$0x13920];
	[tilespmem:s9+$0x13510] =	vst v2;
	v52 =	vmul.f32 v58, v3;
	v11 =	vadd.f32 v50, v12;
	v8 =	vadd.f32 v63, v8  }
0x15a: {  	[tilespmem:s9+$0x13520] =	vst v1;
	v34 =	vld [tilespmem:s9+$0xB900];
	v58 =	vmul.f32 v60, v4;
	v61 =	vadd.f32 v53, v20;
	v13 =	vadd.f32 v13, v18  }
0x15b: {  	v60 =	vld [tilespmem:s9+$0x3930];
	v48 =	vmul.f32 v29, v3;
	v53 =	vadd.f32 v51, v19;
	v55 =	vadd.f32 v52, v43;
	[tilespmem:s9+$0x13150] =	vst v11  }
0x15c: {  	v19 =	vld [tilespmem:s9+$0xB920];
	v0 =	vadd.f32 v58, v0;
	v49 =	vmul.f32 v49, v3;
	v52 =	vmul.f32 v54, v3;
	[tilespmem:s9+$0x13530] =	vst v8  }
0x15d: {  	v62 =	vld [tilespmem:s9+$0xB930];
	v58 =	vmul.f32 v26, v4;
	v11 =	vadd.f32 v33, v42;
	v33 =	vmul.f32 v46, v4;
	[tilespmem:s9+$0x13110] =	vst v61  }
0x15e: {  	v43 =	vld [tilespmem:s9+$0x3950];
	v14 =	vadd.f32 v57, v55;
	v61 =	vmul.f32 v36, v3;
	[tilespmem:s9+$0x13140] =	vst v13;
	v36 =	vmul.f32 v28, v3  }
0x15f: {  	v31 =	vld [tilespmem:s9+$0x3940];
	[tilespmem:s9+$0x13500] =	vst v0;
	v54 =	vadd.f32 v49, v23;
	v57 =	vmul.f32 v34, v4;
	v0 =	vadd.f32 v44, v11  }
0x160: {  	v59 =	vld [tilespmem:s9+$0x3970];
	[tilespmem:s9+$0x13160] =	vst v53;
	v55 =	vmul.f32 v60, v3;
	v5 =	vadd.f32 v61, v32;
	v32 =	vmul.f32 v35, v3  }
0x161: {  	v53 =	vld [tilespmem:s9+$0x3960];
	[tilespmem:s9+$0x13170] =	vst v14;
	v10 =	vadd.f32 v36, v47;
	v60 =	vmul.f32 v19, v4;
	v19 =	vadd.f32 v58, v54  }
0x162: {  	v35 =	vld [tilespmem:s9+$0xB940];
	v61 =	vmul.f32 v62, v4;
	v7 =	vadd.f32 v55, v7;
	[tilespmem:s9+$0x13560] =	vst v0;
	v5 =	vadd.f32 v25, v5  }
0x163: {  	v50 =	vld [tilespmem:s9+$0x13960];
	v28 =	vmul.f32 v43, v3;
	v6 =	vadd.f32 v32, v27;
	v51 =	vadd.f32 v45, v10;
	[tilespmem:s9+$0x13910] =	vst v19  }
0x164: {  	v23 =	vmul.f32 v31, v3;
	v62 =	vld [tilespmem:s9+$0x13970];
	v10 =	vadd.f32 v52, v21;
	v27 =	vadd.f32 v61, v7;
	[tilespmem:s9+$0x13540] =	vst v5  }
0x165: {  	v34 =	vmul.f32 v59, v3;
	v32 =	vadd.f32 v28, v37;
	v47 =	vadd.f32 v41, v6;
	[tilespmem:s9+$0x13570] =	vst v51  }
0x166: {  	v31 =	vmul.f32 v53, v3;
	v6 =	vadd.f32 v48, v40;
	v26 =	vadd.f32 v60, v10;
	[tilespmem:s9+$0x13930] =	vst v27  }
0x167: {  	v29 =	vadd.f32 v23, v9;
	v30 =	vmul.f32 v35, v4;
	v37 =	vadd.f32 v33, v32;
	[tilespmem:s9+$0x13550] =	vst v47  }
0x168: {  	v36 =	vmul.f32 v56, v4;
	v35 =	vadd.f32 v31, v50;
	v63 =	vadd.f32 v57, v6;
	[tilespmem:s9+$0x13920] =	vst v26  }
0x169: {  	v39 =	vmul.f32 v24, v4;
	v38 =	vadd.f32 v34, v62;
	v0 =	vadd.f32 v30, v29;
	[tilespmem:s9+$0x13950] =	vst v37  }
0x16a: {  	s19 =	sand.u32 $0x7, s17;
	v40 =	vadd.f32 v36, v35;
	[tilespmem:s9+$0x13900] =	vst v63  }
0x16b: {  	s19 =	sshll.u32 s19, $0x7;
	v41 =	vadd.f32 v39, v38;
	[tilespmem:s9+$0x13940] =	vst v0  }
0x16c: {  	s19 =	sadd.s32 s19, s24;
	[tilespmem:s9+$0x13960] =	vst v40  }
0x16d: {  	[tilespmem:s9+$0x13970] =	vst v41;
	s9 =	sor.u32 $0x1C00, s19  }
0x16e: {  	v0 =	vld [tilespmem:s9+$0x2100]  }
0x16f: {  	v1 =	vld [tilespmem:s9+$0x12100]  }
0x170: {  	v2 =	vld [tilespmem:s9+$0xA100];
	_ =	sdelay $0x2  }
0x171: {  	v0 =	vmul.f32 v0, v3;
	_ =	sdelay $0x1  }
0x172: {  	v42 =	vmul.f32 v2, v4;
	v0 =	vadd.f32 v0, v1;
	_ =	sdelay $0x1  }
0x173: {  	v0 =	vadd.f32 v42, v0;
	_ =	sdelay $0x1  }
0x174: {  	[tilespmem:s9+$0x12100] =	vst v0;
	s9 =	sor.u32 $0x1C10, s19  }
0x175: {  	v0 =	vld [tilespmem:s9+$0x2100]  }
0x176: {  	v43 =	vld [tilespmem:s9+$0x12100]  }
0x177: {  	v44 =	vld [tilespmem:s9+$0xA100];
	_ =	sdelay $0x2  }
0x178: {  	v0 =	vmul.f32 v0, v3;
	_ =	sdelay $0x1  }
0x179: {  	v45 =	vmul.f32 v44, v4;
	v0 =	vadd.f32 v0, v43;
	_ =	sdelay $0x1  }
0x17a: {  	v0 =	vadd.f32 v45, v0;
	_ =	sdelay $0x1  }
0x17b: {  	[tilespmem:s9+$0x12100] =	vst v0;
	s9 =	sor.u32 $0x1C20, s19  }
0x17c: {  	v0 =	vld [tilespmem:s9+$0x2100]  }
0x17d: {  	v46 =	vld [tilespmem:s9+$0x12100]  }
0x17e: {  	v47 =	vld [tilespmem:s9+$0xA100];
	_ =	sdelay $0x2  }
0x17f: {  	v0 =	vmul.f32 v0, v3;
	_ =	sdelay $0x1  }
0x180: {  	v48 =	vmul.f32 v47, v4;
	v0 =	vadd.f32 v0, v46;
	_ =	sdelay $0x1  }
0x181: {  	v0 =	vadd.f32 v48, v0;
	_ =	sdelay $0x1  }
0x182: {  	[tilespmem:s9+$0x12100] =	vst v0;
	s9 =	sor.u32 $0x1C30, s19  }
0x183: {  	v0 =	vld [tilespmem:s9+$0x2100]  }
0x184: {  	v49 =	vld [tilespmem:s9+$0x12100]  }
0x185: {  	v50 =	vld [tilespmem:s9+$0xA100];
	_ =	sdelay $0x2  }
0x186: {  	v0 =	vmul.f32 v0, v3;
	_ =	sdelay $0x1  }
0x187: {  	v51 =	vmul.f32 v50, v4;
	v0 =	vadd.f32 v0, v49;
	_ =	sdelay $0x1  }
0x188: {  	v0 =	vadd.f32 v51, v0;
	_ =	sdelay $0x1  }
0x189: {  	[tilespmem:s9+$0x12100] =	vst v0;
	s9 =	sor.u32 $0x1C40, s19  }
0x18a: {  	v0 =	vld [tilespmem:s9+$0x2100]  }
0x18b: {  	v52 =	vld [tilespmem:s9+$0x12100]  }
0x18c: {  	v53 =	vld [tilespmem:s9+$0xA100];
	_ =	sdelay $0x2  }
0x18d: {  	v0 =	vmul.f32 v0, v3;
	_ =	sdelay $0x1  }
0x18e: {  	v54 =	vmul.f32 v53, v4;
	v0 =	vadd.f32 v0, v52;
	_ =	sdelay $0x1  }
0x18f: {  	v0 =	vadd.f32 v54, v0;
	_ =	sdelay $0x1  }
0x190: {  	[tilespmem:s9+$0x12100] =	vst v0;
	s9 =	sor.u32 $0x1C50, s19  }
0x191: {  	v0 =	vld [tilespmem:s9+$0x2100]  }
0x192: {  	v55 =	vld [tilespmem:s9+$0x12100]  }
0x193: {  	v56 =	vld [tilespmem:s9+$0xA100];
	_ =	sdelay $0x2  }
0x194: {  	v0 =	vmul.f32 v0, v3;
	_ =	sdelay $0x1  }
0x195: {  	v57 =	vmul.f32 v56, v4;
	v0 =	vadd.f32 v0, v55;
	_ =	sdelay $0x1  }
0x196: {  	v0 =	vadd.f32 v57, v0;
	_ =	sdelay $0x1  }
0x197: {  	[tilespmem:s9+$0x12100] =	vst v0;
	s9 =	sor.u32 $0x1C60, s19  }
0x198: {  	v0 =	vld [tilespmem:s9+$0x2100]  }
0x199: {  	v58 =	vld [tilespmem:s9+$0x12100]  }
0x19a: {  	v59 =	vld [tilespmem:s9+$0xA100];
	_ =	sdelay $0x2  }
0x19b: {  	v0 =	vmul.f32 v0, v3;
	_ =	sdelay $0x1  }
0x19c: {  	v60 =	vmul.f32 v59, v4;
	v0 =	vadd.f32 v0, v58;
	_ =	sdelay $0x1  }
0x19d: {  	v0 =	vadd.f32 v60, v0;
	_ =	sdelay $0x1  }
0x19e: {  	s19 =	sor.u32 $0x1C70, s19;
	[tilespmem:s9+$0x12100] =	vst v0  }
0x19f: {  	v0 =	vld [tilespmem:s19+$0x2100]  }
0x1a0: {  	v61 =	vld [tilespmem:s19+$0x12100]  }
0x1a1: {  	v62 =	vld [tilespmem:s19+$0xA100];
	_ =	sdelay $0x2  }
0x1a2: {  	v0 =	vmul.f32 v0, v3  }
0x1a3: {  	p0 =	sne.s32 s18, $0xF80  }
.Ltmp0:
0x1a4: {  	v63 =	vmul.f32 v62, v4;
	v0 =	vadd.f32 v0, v61;
	(pc) =	sbr.rel @p0 .LBB2_2-.Ltmp0, $4  }
0x1a5: {  	_ = 	snop  }
0x1a6: {  	v0 =	vadd.f32 v63, v0  }
0x1a7: {  	s16 =	sadd.s32 $0x80, s16;
	s23 =	sadd.s32 $0x80, s23  }
0x1a8: {  	s18 =	sadd.s32 $0x80, s18;
	s17 =	sadd.s32 $0x1, s17;
	s24 =	sadd.s32 $0x400, s24;
	[tilespmem:s19+$0x12100] =	vst v0  }
0x1a9: {  	s16 =	simm.s32 $0x0;
	s9 =	rddreg [dreg:$0x8]  }
0x1aa: {  	[hbm4b:s9+s16] =	stream.linear.scatter [tilespmem:s5], [sflag:$0x3], $0x8000, $0x38;
	[tilespmem:$0x1A100] =	vst v63  }
0x1ab: {  	_ =	swait.ge [sflag:s20], $0x8000  }
0x1ac: {  	[sflag:s20] =	ssyncset.done $0x0  }
0x1ad: {  	s18 =	rddreg [dreg:$0x9];
	[sflag:s20] =	ssyncadd.s32 $0xFFFF8000  }
0x1ae: {  	[tilespmem:s16], [sflag:$0x3] =	stream.linear.gather [hbm4b:s18+s16], $0x20, $0x38;
	[tilespmem:$0x1A100] =	vst v63  }
0x1af: {  	_ =	swait.ge [sflag:s20], $0x20  }
0x1b0: {  	[sflag:s20] =	ssyncset.done $0x0  }
0x1b1: {  	s17 =	simm.s32 $0x80;
	s19 =	rddreg [dreg:$0xa];
	[sflag:s20] =	ssyncadd.s32 $0xFFFFFFE0  }
0x1b2: {  	[tilespmem:s17], [sflag:$0x3] =	stream.linear.gather [hbm4b:s19+s16], $0x20, $0x38;
	[tilespmem:$0x1A100] =	vst v63  }
0x1b3: {  	_ =	swait.ge [sflag:s20], $0x20  }
0x1b4: {  	[sflag:s20] =	ssyncset.done $0x0  }
0x1b5: {  	[sflag:s20] =	ssyncadd.s32 $0xFFFFFFE0  }
0x1b6: {  	v0 =	vld [tilespmem:$0x0];
	_ =	sdelay $0x2  }
0x1b7: {  	v2 =	vld [tilespmem:$0x1FFD0];
	_ =	sdelay $0x1  }
0x1b8: {  	v3 =	vld [tilespmem:$0x1FFE0];
	v1 =	vshll.u32 v0, $0x3  }
0x1b9: {  	v0 =	vand.u32 $0x7, v0;
	v1 =	vand.u32 $0xFFFFFFC0, v1  }
0x1ba: {  	v0 =	vor.u32 v0, v1  }
0x1bb: {  	v1 =	vperm.xlane v0, v2;
	_ =	sdelay $0x1  }
0x1bc: {  	v1 =	vadd.s32 v3, v1  }
0x1bd: {  	v4 =	vld [tilespmem:$0x1FFF0];
	_ =	sdelay $0x2  }
0x1be: {  	s23 =	simm.s32 $0x2100  }
0x1bf: {  	[tilespmem:s23], [sflag:$0x1] =	stream.indirect_vreg.gather [hbm4b:s2+s16], $0x80, v1, vm0, $0xb8;
	[tilespmem:$0x1A100] =	vst v63  }
0x1c0: {  	s24 =	simm.s32 $0x2900;
	v0 =	vperm.xlane v0, v4  }
0x1c1: {  	[tilespmem:s24], [sflag:$0x1] =	stream.indirect_vreg.gather [hbm4b:s6+s16], $0x80, v1, vm0, $0xb8;
	[tilespmem:$0x1A100] =	vst v63  }
0x1c2: {  	s17 =	simm.s32 $0x3100;
	v0 =	vadd.s32 v3, v0  }
0x1c3: {  	[tilespmem:s17], [sflag:$0x1] =	stream.indirect_vreg.gather [hbm4b:s7+s16], $0x80, v1, vm0, $0xb8;
	[tilespmem:$0x1A100] =	vst v63  }
0x1c4: {  	s18 =	simm.s32 $0x3900  }
0x1c5: {  	[tilespmem:s18], [sflag:$0x1] =	stream.indirect_vreg.gather [hbm4b:s8+s16], $0x80, v1, vm0, $0xb8;
	[tilespmem:$0x1A100] =	vst v63  }
0x1c6: {  	s19 =	simm.s32 $0x4100  }
0x1c7: {  	[tilespmem:s19], [sflag:$0x1] =	stream.indirect_vreg.gather [hbm4b:s2+s16], $0x80, v0, vm0, $0xb8;
	[tilespmem:$0x1A100] =	vst v63  }
0x1c8: {  	s23 =	simm.s32 $0x4900  }
0x1c9: {  	[tilespmem:s23], [sflag:$0x1] =	stream.indirect_vreg.gather [hbm4b:s6+s16], $0x80, v0, vm0, $0xb8;
	[tilespmem:$0x1A100] =	vst v63  }
0x1ca: {  	s24 =	simm.s32 $0x5100  }
0x1cb: {  	[tilespmem:s24], [sflag:$0x1] =	stream.indirect_vreg.gather [hbm4b:s7+s16], $0x80, v0, vm0, $0xb8;
	[tilespmem:$0x1A100] =	vst v63  }
0x1cc: {  	s17 =	simm.s32 $0x5900  }
0x1cd: {  	[tilespmem:s17], [sflag:$0x1] =	stream.indirect_vreg.gather [hbm4b:s8+s16], $0x80, v0, vm0, $0xb8;
	[tilespmem:$0x1A100] =	vst v63  }
0x1ce: {  	v0 =	vld [tilespmem:$0x10];
	_ =	sdelay $0x4  }
0x1cf: {  	v61 =	vshll.u32 v0, $0x3  }
0x1d0: {  	v0 =	vand.u32 $0x7, v0;
	v1 =	vand.u32 $0xFFFFFFC0, v61  }
0x1d1: {  	v0 =	vor.u32 v0, v1  }
0x1d2: {  	v1 =	vperm.xlane v0, v2;
	_ =	sdelay $0x1  }
0x1d3: {  	v1 =	vadd.s32 v3, v1;
	_ =	sdelay $0x3  }
0x1d4: {  	s18 =	simm.s32 $0x6100  }
0x1d5: {  	[tilespmem:s18], [sflag:$0x1] =	stream.indirect_vreg.gather [hbm4b:s2+s16], $0x80, v1, vm0, $0xb8;
	[tilespmem:$0x1A100] =	vst v63  }
0x1d6: {  	s19 =	simm.s32 $0x6900;
	v0 =	vperm.xlane v0, v4  }
0x1d7: {  	[tilespmem:s19], [sflag:$0x1] =	stream.indirect_vreg.gather [hbm4b:s6+s16], $0x80, v1, vm0, $0xb8;
	[tilespmem:$0x1A100] =	vst v63  }
0x1d8: {  	s23 =	simm.s32 $0x7100;
	v0 =	vadd.s32 v3, v0  }
0x1d9: {  	[tilespmem:s23], [sflag:$0x1] =	stream.indirect_vreg.gather [hbm4b:s7+s16], $0x80, v1, vm0, $0xb8;
	[tilespmem:$0x1A100] =	vst v63  }
0x1da: {  	s24 =	simm.s32 $0x7900  }
0x1db: {  	[tilespmem:s24], [sflag:$0x1] =	stream.indirect_vreg.gather [hbm4b:s8+s16], $0x80, v1, vm0, $0xb8;
	[tilespmem:$0x1A100] =	vst v63  }
0x1dc: {  	s17 =	simm.s32 $0x8100  }
0x1dd: {  	[tilespmem:s17], [sflag:$0x1] =	stream.indirect_vreg.gather [hbm4b:s2+s16], $0x80, v0, vm0, $0xb8;
	[tilespmem:$0x1A100] =	vst v63  }
0x1de: {  	s18 =	simm.s32 $0x8900  }
0x1df: {  	[tilespmem:s18], [sflag:$0x1] =	stream.indirect_vreg.gather [hbm4b:s6+s16], $0x80, v0, vm0, $0xb8;
	[tilespmem:$0x1A100] =	vst v63  }
0x1e0: {  	s19 =	simm.s32 $0x9100  }
0x1e1: {  	[tilespmem:s19], [sflag:$0x1] =	stream.indirect_vreg.gather [hbm4b:s7+s16], $0x80, v0, vm0, $0xb8;
	[tilespmem:$0x1A100] =	vst v63  }
0x1e2: {  	s23 =	simm.s32 $0x9900  }
0x1e3: {  	[tilespmem:s23], [sflag:$0x1] =	stream.indirect_vreg.gather [hbm4b:s8+s16], $0x80, v0, vm0, $0xb8;
	[tilespmem:$0x1A100] =	vst v63  }
0x1e4: {  	v0 =	vld [tilespmem:$0x80];
	_ =	sdelay $0x4  }
0x1e5: {  	v62 =	vshll.u32 v0, $0x3  }
0x1e6: {  	v0 =	vand.u32 $0x7, v0;
	v1 =	vand.u32 $0xFFFFFFC0, v62  }
0x1e7: {  	v0 =	vor.u32 v0, v1  }
0x1e8: {  	v1 =	vperm.xlane v0, v2;
	_ =	sdelay $0x1  }
0x1e9: {  	v1 =	vadd.s32 v3, v1;
	_ =	sdelay $0x3  }
0x1ea: {  	s24 =	simm.s32 $0xA100  }
0x1eb: {  	[tilespmem:s24], [sflag:$0x2] =	stream.indirect_vreg.gather [hbm4b:s2+s16], $0x80, v1, vm0, $0xb8;
	[tilespmem:$0x1A100] =	vst v63  }
0x1ec: {  	s17 =	simm.s32 $0xA900;
	v0 =	vperm.xlane v0, v4  }
0x1ed: {  	[tilespmem:s17], [sflag:$0x2] =	stream.indirect_vreg.gather [hbm4b:s6+s16], $0x80, v1, vm0, $0xb8;
	[tilespmem:$0x1A100] =	vst v63  }
0x1ee: {  	v0 =	vadd.s32 v3, v0  }
0x1ef: {  	[tilespmem:s25], [sflag:$0x2] =	stream.indirect_vreg.gather [hbm4b:s7+s16], $0x80, v1, vm0, $0xb8;
	[tilespmem:$0x1A100] =	vst v63  }
0x1f0: {  	_ = 	snop  }
0x1f1: {  	[tilespmem:s26], [sflag:$0x2] =	stream.indirect_vreg.gather [hbm4b:s8+s16], $0x80, v1, vm0, $0xb8;
	[tilespmem:$0x1A100] =	vst v63  }
0x1f2: {  	_ = 	snop  }
0x1f3: {  	[tilespmem:s28], [sflag:$0x2] =	stream.indirect_vreg.gather [hbm4b:s2+s16], $0x80, v0, vm0, $0xb8;
	[tilespmem:$0x1A100] =	vst v63  }
0x1f4: {  	_ = 	snop  }
0x1f5: {  	[tilespmem:s10], [sflag:$0x2] =	stream.indirect_vreg.gather [hbm4b:s6+s16], $0x80, v0, vm0, $0xb8;
	[tilespmem:$0x1A100] =	vst v63  }
0x1f6: {  	_ = 	snop  }
0x1f7: {  	[tilespmem:s29], [sflag:$0x2] =	stream.indirect_vreg.gather [hbm4b:s7+s16], $0x80, v0, vm0, $0xb8;
	[tilespmem:$0x1A100] =	vst v63  }
0x1f8: {  	_ = 	snop  }
0x1f9: {  	[tilespmem:s11], [sflag:$0x2] =	stream.indirect_vreg.gather [hbm4b:s8+s16], $0x80, v0, vm0, $0xb8;
	[tilespmem:$0x1A100] =	vst v63  }
0x1fa: {  	v0 =	vld [tilespmem:$0x90];
	_ =	sdelay $0x4  }
0x1fb: {  	v63 =	vshll.u32 v0, $0x3  }
0x1fc: {  	v0 =	vand.u32 $0x7, v0;
	v1 =	vand.u32 $0xFFFFFFC0, v63  }
0x1fd: {  	v0 =	vor.u32 v0, v1  }
0x1fe: {  	v1 =	vperm.xlane v0, v2;
	_ =	sdelay $0x1  }
0x1ff: {  	v1 =	vadd.s32 v3, v1;
	_ =	sdelay $0x4  }
0x200: {  	[tilespmem:s30], [sflag:$0x2] =	stream.indirect_vreg.gather [hbm4b:s2+s16], $0x80, v1, vm0, $0xb8;
	[tilespmem:$0x1A100] =	vst v63  }
0x201: {  	v0 =	vperm.xlane v0, v4  }
0x202: {  	[tilespmem:s31], [sflag:$0x2] =	stream.indirect_vreg.gather [hbm4b:s6+s16], $0x80, v1, vm0, $0xb8;
	[tilespmem:$0x1A100] =	vst v63  }
0x203: {  	v0 =	vadd.s32 v3, v0  }
0x204: {  	[tilespmem:s12], [sflag:$0x2] =	stream.indirect_vreg.gather [hbm4b:s7+s16], $0x80, v1, vm0, $0xb8;
	[tilespmem:$0x1A100] =	vst v63  }
0x205: {  	_ = 	snop  }
0x206: {  	[tilespmem:s0], [sflag:$0x2] =	stream.indirect_vreg.gather [hbm4b:s8+s16], $0x80, v1, vm0, $0xb8;
	[tilespmem:$0x1A100] =	vst v63  }
0x207: {  	_ = 	snop  }
0x208: {  	[tilespmem:s13], [sflag:$0x2] =	stream.indirect_vreg.gather [hbm4b:s2+s16], $0x80, v0, vm0, $0xb8;
	[tilespmem:$0x1A100] =	vst v63  }
0x209: {  	_ = 	snop  }
0x20a: {  	[tilespmem:s3], [sflag:$0x2] =	stream.indirect_vreg.gather [hbm4b:s6+s16], $0x80, v0, vm0, $0xb8;
	[tilespmem:$0x1A100] =	vst v63  }
0x20b: {  	_ = 	snop  }
0x20c: {  	[tilespmem:s4], [sflag:$0x2] =	stream.indirect_vreg.gather [hbm4b:s7+s16], $0x80, v0, vm0, $0xb8;
	[tilespmem:$0x1A100] =	vst v63  }
0x20d: {  	_ = 	snop  }
0x20e: {  	[tilespmem:s14], [sflag:$0x2] =	stream.indirect_vreg.gather [hbm4b:s8+s16], $0x80, v0, vm0, $0xb8;
	[tilespmem:$0x1A100] =	vst v63  }
0x20f: {  	s18 =	rddreg [dreg:$0xb];
	s23 =	simm.s32 $0x100  }
0x210: {  	[tilespmem:s23], [sflag:$0x3] =	stream.linear.gather [hbm4b:s18+s16], $0x1000, $0x38;
	[tilespmem:$0x1A100] =	vst v63  }
0x211: {  	_ =	swait.ge [sflag:s20], $0x1000  }
0x212: {  	[sflag:s20] =	ssyncset.done $0x0  }
0x213: {  	s17 =	simm.s32 $0x1100;
	s19 =	rddreg [dreg:$0xc];
	[sflag:s20] =	ssyncadd.s32 $0xFFFFF000  }
0x214: {  	[tilespmem:s17], [sflag:$0x3] =	stream.linear.gather [hbm4b:s19+s16], $0x1000, $0x38;
	[tilespmem:$0x1A100] =	vst v63  }
0x215: {  	_ =	swait.ge [sflag:s20], $0x1000  }
0x216: {  	[sflag:s20] =	ssyncset.done $0x0  }
0x217: {  	s24 =	rddreg [dreg:$0xd];
	[sflag:s20] =	ssyncadd.s32 $0xFFFFF000  }
0x218: {  	[tilespmem:s5], [sflag:$0x3] =	stream.linear.gather [hbm4b:s24+s16], $0x8000, $0x38;
	[tilespmem:$0x1A100] =	vst v63  }
0x219: {  	_ =	swait.ge [sflag:s20], $0x8000  }
0x21a: {  	[sflag:s20] =	ssyncset.done $0x0  }
0x21b: {  	[sflag:s20] =	ssyncadd.s32 $0xFFFF8000  }
0x21c: {  	_ =	swait.ge [sflag:s15], $0x8000  }
0x21d: {  	[sflag:s15] =	ssyncset.done $0x0  }
0x21e: {  	[sflag:s15] =	ssyncadd.s32 $0xFFFF8000  }
0x21f: {  	_ =	swait.ge [sflag:s21], $0x8000  }
0x220: {  	[sflag:s21] =	ssyncset.done $0x0  }
0x221: {  	s18 =	simm.s32 $0x0;
	s24 =	simm.s32 $0x0;
	[sflag:s21] =	ssyncadd.s32 $0xFFFF8000  }
.LBB2_4:
0x222: {  	v3 =	vld [tilespmem:s23+$0x0];
	s9 =	sand.u32 $0x6000, s24;
	s19 =	sand.u32 $0x380, s18  }
0x223: {  	v4 =	vld [tilespmem:s17+$0x0];
	s9 =	sor.u32 s19, s9  }
0x224: {  	v20 =	vld [tilespmem:s9+$0x12100]  }
0x225: {  	v27 =	vld [tilespmem:s9+$0x2100]  }
0x226: {  	v28 =	vld [tilespmem:s9+$0xA100]  }
0x227: {  	v29 =	vld [tilespmem:s9+$0x12110]  }
0x228: {  	v30 =	vld [tilespmem:s9+$0x2110]  }
0x229: {  	v34 =	vld [tilespmem:s9+$0xA110]  }
0x22a: {  	v40 =	vld [tilespmem:s9+$0x12120]  }
0x22b: {  	v41 =	vld [tilespmem:s9+$0x2120]  }
0x22c: {  	v44 =	vld [tilespmem:s9+$0xA120]  }
0x22d: {  	v49 =	vld [tilespmem:s9+$0x12130]  }
0x22e: {  	v59 =	vld [tilespmem:s9+$0x2130]  }
0x22f: {  	v10 =	vld [tilespmem:s9+$0xA130]  }
0x230: {  	v5 =	vld [tilespmem:s9+$0x12140]  }
0x231: {  	v0 =	vld [tilespmem:s9+$0x2140]  }
0x232: {  	v11 =	vld [tilespmem:s9+$0xA140]  }
0x233: {  	v7 =	vld [tilespmem:s9+$0x12150]  }
0x234: {  	v1 =	vld [tilespmem:s9+$0x2150]  }
0x235: {  	v6 =	vld [tilespmem:s9+$0xA150]  }
0x236: {  	v18 =	vld [tilespmem:s9+$0x12160]  }
0x237: {  	v9 =	vld [tilespmem:s9+$0x2160]  }
0x238: {  	v19 =	vld [tilespmem:s9+$0xA160]  }
0x239: {  	v13 =	vld [tilespmem:s9+$0x12170]  }
0x23a: {  	v2 =	vld [tilespmem:s9+$0x2170]  }
0x23b: {  	v21 =	vld [tilespmem:s9+$0xA170]  }
0x23c: {  	v15 =	vld [tilespmem:s9+$0x12500]  }
0x23d: {  	v63 =	vld [tilespmem:s9+$0xA960]  }
0x23e: {  	v8 =	vld [tilespmem:s9+$0x2500]  }
0x23f: {  	v14 =	vld [tilespmem:s9+$0xA500]  }
0x240: {  	v32 =	vld [tilespmem:s9+$0x12510]  }
0x241: {  	v17 =	vld [tilespmem:s9+$0x2510]  }
0x242: {  	[tilespmem:$0x1FB00] =	vst v63;
	v63 =	vld [tilespmem:s9+$0x12970]  }
0x243: {  	v33 =	vld [tilespmem:s9+$0xA510]  }
0x244: {  	v23 =	vld [tilespmem:s9+$0x12520]  }
0x245: {  	v12 =	vld [tilespmem:s9+$0x2520]  }
0x246: {  	v35 =	vld [tilespmem:s9+$0xA520]  }
0x247: {  	[tilespmem:$0x1FAF0] =	vst v63;
	v63 =	vld [tilespmem:s9+$0x2970]  }
0x248: {  	v25 =	vld [tilespmem:s9+$0x12530]  }
0x249: {  	v16 =	vld [tilespmem:s9+$0x2530]  }
0x24a: {  	v24 =	vld [tilespmem:s9+$0xA530]  }
0x24b: {  	v43 =	vld [tilespmem:s9+$0x12540]  }
0x24c: {  	[tilespmem:$0x1FAB0] =	vst v63;
	v63 =	vld [tilespmem:s9+$0xA970]  }
0x24d: {  	v31 =	vld [tilespmem:s9+$0x2540]  }
0x24e: {  	v45 =	vld [tilespmem:s9+$0xA540]  }
0x24f: {  	v52 =	vld [tilespmem:s9+$0x12550]  }
0x250: {  	v22 =	vld [tilespmem:s9+$0x2550]  }
0x251: {  	[tilespmem:$0x1FB10] =	vst v63;
	v63 =	vld [tilespmem:s9+$0x12D00]  }
0x252: {  	v58 =	vld [tilespmem:s9+$0xA550]  }
0x253: {  	v38 =	vld [tilespmem:s9+$0x12560]  }
0x254: {  	v26 =	vld [tilespmem:s9+$0x2560]  }
0x255: {  	v39 =	vld [tilespmem:s9+$0xA560]  }
0x256: {  	[tilespmem:$0x1FB50] =	vst v63;
	v63 =	vld [tilespmem:s9+$0x2D00]  }
0x257: {  	v56 =	vld [tilespmem:s9+$0x12570]  }
0x258: {  	v42 =	vld [tilespmem:s9+$0x2570]  }
0x259: {  	v60 =	vld [tilespmem:s9+$0xA570]  }
0x25a: {  	v46 =	vld [tilespmem:s9+$0x12900]  }
0x25b: {  	[tilespmem:$0x1FB20] =	vst v63;
	v63 =	vld [tilespmem:s9+$0xAD00]  }
0x25c: {  	v36 =	vld [tilespmem:s9+$0x2900]  }
0x25d: {  	v53 =	vld [tilespmem:s9+$0xA900]  }
0x25e: {  	v50 =	vld [tilespmem:s9+$0x12910]  }
0x25f: {  	v37 =	vld [tilespmem:s9+$0x2910]  }
0x260: {  	[tilespmem:$0x1FB70] =	vst v63;
	v63 =	vld [tilespmem:s9+$0x12D10]  }
0x261: {  	v47 =	vld [tilespmem:s9+$0xA910]  }
0x262: {  	v48 =	vld [tilespmem:s9+$0x12920]  }
0x263: {  	v54 =	vld [tilespmem:s9+$0x2920]  }
0x264: {  	v62 =	vld [tilespmem:s9+$0xA920]  }
0x265: {  	[tilespmem:$0x1FB60] =	vst v63;
	v63 =	vld [tilespmem:s9+$0x2D10]  }
0x266: {  	v55 =	vld [tilespmem:s9+$0x12930]  }
0x267: {  	v51 =	vld [tilespmem:s9+$0xA930]  }
0x268: {  	v57 =	vld [tilespmem:s9+$0x12940]  }
0x269: {  	v61 =	vld [tilespmem:s9+$0x12950]  }
0x26a: {  	[tilespmem:$0x1FB30] =	vst v63;
	v63 =	vld [tilespmem:s9+$0xAD10]  }
0x26b: {  	[tilespmem:$0x1FA70] =	vst v48;
	v48 =	vld [tilespmem:s9+$0x2930]  }
0x26c: {  	[tilespmem:$0x1FA90] =	vst v51;
	v51 =	vld [tilespmem:s9+$0x2940]  }
0x26d: {  	[tilespmem:$0x1FA80] =	vst v62;
	v62 =	vld [tilespmem:s9+$0xA940];
	v27 =	vmul.f32 v27, v3;
	v30 =	vmul.f32 v30, v3  }
0x26e: {  	[tilespmem:$0x1FAC0] =	vst v61;
	v61 =	vld [tilespmem:s9+$0x2950];
	v41 =	vmul.f32 v41, v3;
	v2 =	vmul.f32 v2, v3  }
0x26f: {  	v20 =	vadd.f32 v27, v20;
	v27 =	vadd.f32 v30, v29;
	v30 =	vmul.f32 v34, v4;
	[tilespmem:$0x1FB90] =	vst v63;
	v63 =	vld [tilespmem:s9+$0x12D20]  }
0x270: {  	v34 =	vmul.f32 v44, v4;
	v44 =	vmul.f32 v59, v3;
	v59 =	vld [tilespmem:s9+$0x13120]  }
0x271: {  	v1 =	vmul.f32 v1, v3;
	v29 =	vadd.f32 v41, v40;
	v41 =	vmul.f32 v10, v4;
	v10 =	vld [tilespmem:s9+$0x13130]  }
0x272: {  	v2 =	vadd.f32 v2, v13;
	v13 =	vld [tilespmem:s9+$0xB140]  }
0x273: {  	v28 =	vmul.f32 v28, v4;
	v1 =	vadd.f32 v1, v7;
	v7 =	vld [tilespmem:s9+$0x3510]  }
0x274: {  	[tilespmem:$0x1FB80] =	vst v63;
	v63 =	vld [tilespmem:s9+$0x2D20]  }
0x275: {  	v20 =	vadd.f32 v28, v20;
	v28 =	vld [tilespmem:s9+$0x3120]  }
0x276: {  	v40 =	vadd.f32 v44, v49;
	v44 =	vld [tilespmem:s9+$0xB120]  }
0x277: {  	v27 =	vadd.f32 v30, v27;
	v30 =	vadd.f32 v34, v29;
	v29 =	vld [tilespmem:s9+$0xB130]  }
0x278: {  	v6 =	vmul.f32 v6, v4;
	[tilespmem:$0x1FAA0] =	vst v61;
	v61 =	vld [tilespmem:s9+$0xA950]  }
0x279: {  	v0 =	vmul.f32 v0, v3;
	v49 =	vmul.f32 v11, v4;
	[tilespmem:$0x1FB40] =	vst v63;
	v63 =	vld [tilespmem:s9+$0xAD20]  }
0x27a: {  	v1 =	vadd.f32 v6, v1;
	v34 =	vmul.f32 v8, v3;
	v11 =	vadd.f32 v41, v40;
	v40 =	vld [tilespmem:s9+$0x3130]  }
0x27b: {  	v0 =	vadd.f32 v0, v5;
	v41 =	vmul.f32 v19, v4;
	v19 =	vmul.f32 v12, v3;
	v12 =	vld [tilespmem:s9+$0x13150]  }
0x27c: {  	[tilespmem:s9+$0x12150] =	vst v1;
	v1 =	vld [tilespmem:s9+$0x13520]  }
0x27d: {  	[tilespmem:$0x1FCF0] =	vst v59;
	v59 =	vmul.f32 v9, v3;
	v9 =	vadd.f32 v49, v0;
	v0 =	vadd.f32 v34, v15;
	v34 =	vld [tilespmem:s9+$0x3140]  }
0x27e: {  	v49 =	vmul.f32 v21, v4;
	[tilespmem:$0x1FBA0] =	vst v63;
	v63 =	vld [tilespmem:s9+$0x12D30]  }
0x27f: {  	[tilespmem:$0x1FD00] =	vst v44;
	v44 =	vld [tilespmem:s9+$0x13140]  }
0x280: {  	v15 =	vadd.f32 v49, v2;
	v49 =	vld [tilespmem:s9+$0x3150]  }
0x281: {  	v5 =	vadd.f32 v59, v18;
	[tilespmem:s9+$0x12140] =	vst v9;
	v9 =	vld [tilespmem:s9+$0x3520]  }
0x282: {  	v59 =	vmul.f32 v14, v4;
	v18 =	vmul.f32 v17, v3;
	[tilespmem:$0x1FAE0] =	vst v61;
	v61 =	vld [tilespmem:s9+$0x12960]  }
0x283: {  	v21 =	vmul.f32 v16, v3;
	v6 =	vadd.f32 v41, v5;
	[tilespmem:$0x1FBE0] =	vst v63;
	v63 =	vld [tilespmem:s9+$0x2D30]  }
0x284: {  	v8 =	vadd.f32 v59, v0;
	v2 =	vadd.f32 v18, v32;
	v59 =	vmul.f32 v35, v4;
	v41 =	vld [tilespmem:s9+$0xB150]  }
0x285: {  	v32 =	vadd.f32 v19, v23;
	v23 =	vmul.f32 v31, v3;
	v31 =	vmul.f32 v45, v4;
	v45 =	vld [tilespmem:s9+$0xB170]  }
0x286: {  	v35 =	vmul.f32 v42, v3;
	v42 =	vmul.f32 v60, v4;
	v60 =	vld [tilespmem:s9+$0xB500]  }
0x287: {  	v5 =	vld [tilespmem:s9+$0x13510]  }
0x288: {  	v0 =	vadd.f32 v21, v25;
	v21 =	vmul.f32 v24, v4;
	v24 =	vmul.f32 v22, v3;
	[tilespmem:$0x1FBB0] =	vst v63;
	v63 =	vld [tilespmem:s9+$0xAD30]  }
0x289: {  	v14 =	vadd.f32 v59, v32;
	v59 =	vld [tilespmem:s9+$0x3160]  }
0x28a: {  	v25 =	vmul.f32 v26, v3;
	v26 =	vadd.f32 v24, v52;
	v52 =	vld [tilespmem:s9+$0xB160]  }
0x28b: {  	v32 =	vmul.f32 v58, v4;
	v58 =	vld [tilespmem:s9+$0x3170]  }
0x28c: {  	[tilespmem:s9+$0x12160] =	vst v6;
	v6 =	vld [tilespmem:s9+$0xB520]  }
0x28d: {  	[tilespmem:$0x1FC00] =	vst v63;
	v63 =	vld [tilespmem:s9+$0x12D40]  }
0x28e: {  	v36 =	vmul.f32 v36, v3;
	[tilespmem:s9+$0x12500] =	vst v8;
	v8 =	vld [tilespmem:s9+$0x13530]  }
0x28f: {  	v16 =	vadd.f32 v21, v0;
	v0 =	vadd.f32 v25, v38;
	v38 =	vmul.f32 v37, v3;
	[tilespmem:$0x1FAD0] =	vst v61;
	v61 =	vld [tilespmem:s9+$0x2960]  }
0x290: {  	[tilespmem:$0x1FD10] =	vst v44;
	v44 =	vmul.f32 v33, v4;
	v18 =	vadd.f32 v32, v26;
	v32 =	vld [tilespmem:$0x1FA70]  }
0x291: {  	v33 =	vmul.f32 v39, v4;
	v39 =	vadd.f32 v36, v46;
	v46 =	vadd.f32 v38, v50;
	v38 =	vld [tilespmem:$0x1FA90]  }
0x292: {  	[tilespmem:$0x1FBF0] =	vst v63;
	v63 =	vld [tilespmem:s9+$0x2D40]  }
0x293: {  	v17 =	vadd.f32 v44, v2;
	v44 =	vld [tilespmem:s9+$0x13160]  }
0x294: {  	[tilespmem:s9+$0x12110] =	vst v27;
	v27 =	vmul.f32 v48, v3;
	v2 =	vadd.f32 v23, v43;
	v43 =	vld [tilespmem:s9+$0x13170]  }
0x295: {  	v19 =	vadd.f32 v33, v0;
	v0 =	vld [tilespmem:s9+$0x3500]  }
0x296: {  	v7 =	vmul.f32 v7, v3;
	v33 =	vadd.f32 v27, v55;
	v55 =	vld [tilespmem:$0x1FAD0]  }
0x297: {  	v9 =	vmul.f32 v9, v3;
	[tilespmem:$0x1FBC0] =	vst v63;
	v63 =	vld [tilespmem:s9+$0xAD40]  }
0x298: {  	v50 =	vmul.f32 v53, v4;
	v53 =	vmul.f32 v47, v4;
	v5 =	vadd.f32 v7, v5;
	v7 =	vld [tilespmem:s9+$0x13930]  }
0x299: {  	v1 =	vadd.f32 v9, v1;
	v9 =	vld [tilespmem:s9+$0x13940]  }
0x29a: {  	[tilespmem:s9+$0x12100] =	vst v20;
	v20 =	vadd.f32 v53, v46;
	v46 =	vld [tilespmem:$0x1FAA0]  }
0x29b: {  	v22 =	vadd.f32 v50, v39;
	v50 =	vld [tilespmem:$0x1FAB0]  }
0x29c: {  	[tilespmem:$0x1FC20] =	vst v63;
	v63 =	vld [tilespmem:s9+$0x12D50]  }
0x29d: {  	v53 =	vld [tilespmem:$0x1FAC0]  }
0x29e: {  	v21 =	vadd.f32 v31, v2;
	v2 =	vadd.f32 v35, v56;
	v56 =	vld [tilespmem:s9+$0x13500]  }
0x29f: {  	v35 =	vld [tilespmem:$0x1FA80]  }
0x2a0: {  	v24 =	vadd.f32 v42, v2;
	v2 =	vld [tilespmem:s9+$0xB510]  }
0x2a1: {  	v31 =	vmul.f32 v51, v3;
	[tilespmem:$0x1FC10] =	vst v63;
	v63 =	vld [tilespmem:s9+$0x2D50]  }
0x2a2: {  	v26 =	vmul.f32 v54, v3;
	v48 =	vmul.f32 v61, v3;
	v61 =	vld [tilespmem:$0x1FAE0]  }
0x2a3: {  	v37 =	vadd.f32 v31, v57;
	v39 =	vmul.f32 v38, v4;
	v31 =	vld [tilespmem:s9+$0xB530]  }
0x2a4: {  	[tilespmem:s9+$0x12130] =	vst v11;
	v11 =	vadd.f32 v26, v32;
	v32 =	vld [tilespmem:s9+$0x13540]  }
0x2a5: {  	v42 =	vmul.f32 v62, v4;
	v23 =	vadd.f32 v39, v33;
	v33 =	vld [tilespmem:$0x1FAF0]  }
0x2a6: {  	[tilespmem:$0x1FBD0] =	vst v63;
	v63 =	vld [tilespmem:s9+$0xAD50]  }
0x2a7: {  	v0 =	vmul.f32 v0, v3;
	v25 =	vadd.f32 v42, v37;
	v37 =	vld [tilespmem:$0x1FB10]  }
0x2a8: {  	v47 =	vmul.f32 v46, v3;
	v36 =	vmul.f32 v35, v4;
	v35 =	vld [tilespmem:$0x1FB00]  }
0x2a9: {  	v0 =	vadd.f32 v0, v56;
	v56 =	vld [tilespmem:s9+$0xB960]  }
0x2aa: {  	v54 =	vadd.f32 v47, v53;
	v47 =	vld [tilespmem:$0x1FB50]  }
0x2ab: {  	[tilespmem:$0x1FC30] =	vst v63;
	v63 =	vld [tilespmem:s9+$0x12D60]  }
0x2ac: {  	v39 =	vld [tilespmem:$0x1FB20]  }
0x2ad: {  	v57 =	vadd.f32 v48, v55;
	v48 =	vld [tilespmem:$0x1FB60]  }
0x2ae: {  	v42 =	vld [tilespmem:$0x1FB30]  }
0x2af: {  	v46 =	vld [tilespmem:$0x1FB40]  }
0x2b0: {  	v51 =	vmul.f32 v50, v3;
	[tilespmem:$0x1FC70] =	vst v63;
	v63 =	vld [tilespmem:s9+$0x2D60]  }
0x2b1: {  	[tilespmem:s9+$0x12120] =	vst v30;
	v53 =	vld [tilespmem:$0x1FB90]  }
0x2b2: {  	[tilespmem:s9+$0x12170] =	vst v15;
	v62 =	vmul.f32 v61, v4;
	v27 =	vadd.f32 v51, v33;
	v51 =	vld [tilespmem:$0x1FB80]  }
0x2b3: {  	[tilespmem:s9+$0x12520] =	vst v14;
	v11 =	vadd.f32 v36, v11;
	v38 =	vmul.f32 v37, v4;
	v33 =	vld [tilespmem:s9+$0x3530]  }
0x2b4: {  	[tilespmem:s9+$0x12510] =	vst v17;
	v15 =	vadd.f32 v62, v54;
	v37 =	vld [tilespmem:s9+$0xB540];
	v36 =	vmul.f32 v35, v4;
	v17 =	vmul.f32 v39, v3  }
0x2b5: {  	v26 =	vadd.f32 v38, v27;
	v30 =	vmul.f32 v42, v3;
	v27 =	vmul.f32 v46, v3;
	[tilespmem:$0x1FC40] =	vst v63;
	v63 =	vld [tilespmem:s9+$0xAD60]  }
0x2b6: {  	[tilespmem:s9+$0x12530] =	vst v16;
	v14 =	vadd.f32 v36, v57;
	v16 =	vadd.f32 v17, v47;
	v54 =	vld [tilespmem:$0x1FBA0]  }
0x2b7: {  	[tilespmem:s9+$0x12540] =	vst v21;
	v36 =	vld [tilespmem:s9+$0x3540];
	v17 =	vadd.f32 v30, v48;
	v21 =	vadd.f32 v27, v51;
	v27 =	vmul.f32 v53, v4  }
0x2b8: {  	v50 =	vld [tilespmem:$0x1FB70]  }
0x2b9: {  	v17 =	vadd.f32 v27, v17;
	v27 =	vld [tilespmem:s9+$0x13550]  }
0x2ba: {  	[tilespmem:$0x1FC80] =	vst v63;
	v63 =	vld [tilespmem:s9+$0x12D70]  }
0x2bb: {  	v35 =	vmul.f32 v54, v4;
	v57 =	vld [tilespmem:$0x1FBC0]  }
0x2bc: {  	v62 =	vld [tilespmem:$0x1FBE0]  }
0x2bd: {  	[tilespmem:s9+$0x12560] =	vst v19;
	v19 =	vadd.f32 v35, v21;
	v35 =	vld [tilespmem:$0x1FBF0]  }
0x2be: {  	v30 =	vmul.f32 v50, v4;
	v55 =	vld [tilespmem:$0x1FBB0]  }
0x2bf: {  	[tilespmem:$0x1FC90] =	vst v63;
	v63 =	vld [tilespmem:s9+$0x2D70]  }
0x2c0: {  	v16 =	vadd.f32 v30, v16;
	v38 =	vld [tilespmem:$0x1FC00];
	v30 =	vmul.f32 v57, v3  }
0x2c1: {  	v42 =	vld [tilespmem:$0x1FC20]  }
0x2c2: {  	[tilespmem:s9+$0x12570] =	vst v24;
	v24 =	vadd.f32 v30, v35;
	v35 =	vld [tilespmem:s9+$0x3550]  }
0x2c3: {  	v61 =	vld [tilespmem:$0x1FBD0]  }
0x2c4: {  	[tilespmem:$0x1FC50] =	vst v63;
	v63 =	vld [tilespmem:s9+$0xAD70]  }
0x2c5: {  	v39 =	vld [tilespmem:$0x1FC10]  }
0x2c6: {  	[tilespmem:s9+$0x12900] =	vst v22;
	v22 =	vmul.f32 v42, v4;
	v46 =	vld [tilespmem:$0x1FC30]  }
0x2c7: {  	v42 =	vld [tilespmem:s9+$0x13560]  }
0x2c8: {  	[tilespmem:s9+$0x12920] =	vst v11;
	v11 =	vadd.f32 v22, v24;
	v24 =	vld [tilespmem:s9+$0x3560];
	v21 =	vmul.f32 v61, v3  }
0x2c9: {  	[tilespmem:$0x1FCA0] =	vst v63;
	v63 =	vld [tilespmem:s9+$0x13100]  }
0x2ca: {  	v21 =	vadd.f32 v21, v39;
	v39 =	vld [tilespmem:s9+$0xB550]  }
0x2cb: {  	v30 =	vmul.f32 v38, v4;
	v38 =	vmul.f32 v46, v4;
	v51 =	vld [tilespmem:$0x1FC70]  }
0x2cc: {  	v47 =	vld [tilespmem:$0x1FC40]  }
0x2cd: {  	v21 =	vadd.f32 v38, v21;
	v38 =	vld [tilespmem:s9+$0xB560]  }
0x2ce: {  	[tilespmem:$0x1FCB0] =	vst v63;
	v63 =	vld [tilespmem:s9+$0x3100]  }
0x2cf: {  	v53 =	vld [tilespmem:$0x1FC80]  }
0x2d0: {  	[tilespmem:s9+$0x12550] =	vst v18;
	v48 =	vld [tilespmem:$0x1FC50]  }
0x2d1: {  	[tilespmem:s9+$0x12910] =	vst v20;
	v18 =	vmul.f32 v55, v3;
	v20 =	vmul.f32 v47, v3;
	v47 =	vld [tilespmem:s9+$0x13570]  }
0x2d2: {  	v54 =	vld [tilespmem:$0x1FC90]  }
0x2d3: {  	v18 =	vadd.f32 v18, v62;
	[tilespmem:$0x1FC60] =	vst v63;
	v63 =	vld [tilespmem:s9+$0xB100]  }
0x2d4: {  	[tilespmem:s9+$0x12970] =	vst v26;
	v26 =	vld [tilespmem:s9+$0xB910]  }
0x2d5: {  	v18 =	vadd.f32 v30, v18;
	v30 =	vmul.f32 v48, v3;
	v55 =	vld [tilespmem:$0x1FCA0]  }
0x2d6: {  	v48 =	vmul.f32 v28, v3;
	v28 =	vld [tilespmem:s9+$0x3570]  }
0x2d7: {  	v30 =	vadd.f32 v30, v54;
	v54 =	vld [tilespmem:$0x1FCF0]  }
0x2d8: {  	[tilespmem:$0x1FCC0] =	vst v63;
	v63 =	vld [tilespmem:s9+$0x13110]  }
0x2d9: {  	v57 =	vld [tilespmem:$0x1FCB0]  }
0x2da: {  	[tilespmem:s9+$0x12940] =	vst v25;
	v25 =	vmul.f32 v55, v4;
	v55 =	vld [tilespmem:$0x1FD00]  }
0x2db: {  	[tilespmem:s9+$0x12930] =	vst v23;
	v50 =	vld [tilespmem:$0x1FC60]  }
0x2dc: {  	[tilespmem:s9+$0x12960] =	vst v14;
	v14 =	vadd.f32 v25, v30;
	v30 =	vld [tilespmem:s9+$0xB570]  }
0x2dd: {  	v20 =	vadd.f32 v20, v51;
	v23 =	vmul.f32 v53, v4;
	[tilespmem:$0x1FCE0] =	vst v63;
	v63 =	vld [tilespmem:s9+$0x3110]  }
0x2de: {  	v13 =	vmul.f32 v13, v4;
	v6 =	vmul.f32 v6, v4;
	[tilespmem:s9+$0x12950] =	vst v15;
	v61 =	vld [tilespmem:$0x1FCC0]  }
0x2df: {  	v2 =	vmul.f32 v2, v4;
	v15 =	vadd.f32 v23, v20;
	[tilespmem:s9+$0x12D00] =	vst v16;
	v23 =	vadd.f32 v48, v54;
	v48 =	vld [tilespmem:$0x1FD10]  }
0x2e0: {  	v54 =	vld [tilespmem:s9+$0x3920];
	[tilespmem:s9+$0x12D10] =	vst v17;
	v22 =	vmul.f32 v50, v3;
	v50 =	vmul.f32 v40, v3  }
0x2e1: {  	v1 =	vadd.f32 v6, v1;
	v25 =	vmul.f32 v37, v4;
	v37 =	vld [tilespmem:s9+$0x13950];
	v16 =	vmul.f32 v55, v4;
	[tilespmem:s9+$0x12D20] =	vst v19  }
0x2e2: {  	v22 =	vadd.f32 v22, v57;
	v10 =	vadd.f32 v50, v10;
	v57 =	vmul.f32 v29, v4;
	[tilespmem:$0x1FCD0] =	vst v63;
	v63 =	vld [tilespmem:s9+$0xB110]  }
0x2e3: {  	v16 =	vadd.f32 v16, v23;
	v50 =	vmul.f32 v41, v4;
	v46 =	vmul.f32 v61, v4;
	[tilespmem:s9+$0x12D30] =	vst v18;
	v62 =	vld [tilespmem:$0x1FCD0]  }
0x2e4: {  	v23 =	vld [tilespmem:s9+$0x13910];
	v41 =	vmul.f32 v39, v4;
	v10 =	vadd.f32 v57, v10;
	v57 =	vmul.f32 v45, v4;
	[tilespmem:s9+$0x12D40] =	vst v11  }
0x2e5: {  	v45 =	vmul.f32 v30, v4;
	v51 =	vld [tilespmem:$0x1FCE0];
	v22 =	vadd.f32 v46, v22;
	v46 =	vmul.f32 v59, v3;
	[tilespmem:s9+$0x12D50] =	vst v21  }
0x2e6: {  	v2 =	vadd.f32 v2, v5;
	v40 =	vld [tilespmem:s9+$0x13900];
	v59 =	vmul.f32 v33, v3;
	v33 =	vmul.f32 v24, v3;
	[tilespmem:s9+$0x12D60] =	vst v15  }
0x2e7: {  	v29 =	vld [tilespmem:s9+$0x3900];
	v19 =	vadd.f32 v46, v44;
	[tilespmem:s9+$0x12D70] =	vst v14;
	v53 =	vmul.f32 v63, v4;
	v63 =	vmul.f32 v49, v3  }
0x2e8: {  	v24 =	vld [tilespmem:s9+$0xB970];
	[tilespmem:s9+$0x13100] =	vst v22;
	v8 =	vadd.f32 v59, v8;
	v20 =	vmul.f32 v62, v3;
	v62 =	vmul.f32 v34, v3  }
0x2e9: {  	[tilespmem:s9+$0x13120] =	vst v16;
	v44 =	vmul.f32 v38, v4;
	v49 =	vld [tilespmem:s9+$0x3910];
	v12 =	vadd.f32 v63, v12;
	v63 =	vmul.f32 v31, v4  }
0x2ea: {  	[tilespmem:s9+$0x13130] =	vst v10;
	v46 =	vld [tilespmem:s9+$0xB950];
	v20 =	vadd.f32 v20, v51;
	v18 =	vadd.f32 v62, v48;
	v51 =	vmul.f32 v52, v4  }
0x2eb: {  	v21 =	vld [tilespmem:s9+$0x13920];
	[tilespmem:s9+$0x13510] =	vst v2;
	v52 =	vmul.f32 v58, v3;
	v11 =	vadd.f32 v50, v12;
	v8 =	vadd.f32 v63, v8  }
0x2ec: {  	[tilespmem:s9+$0x13520] =	vst v1;
	v34 =	vld [tilespmem:s9+$0xB900];
	v58 =	vmul.f32 v60, v4;
	v61 =	vadd.f32 v53, v20;
	v13 =	vadd.f32 v13, v18  }
0x2ed: {  	v60 =	vld [tilespmem:s9+$0x3930];
	v48 =	vmul.f32 v29, v3;
	v53 =	vadd.f32 v51, v19;
	v55 =	vadd.f32 v52, v43;
	[tilespmem:s9+$0x13150] =	vst v11  }
0x2ee: {  	v19 =	vld [tilespmem:s9+$0xB920];
	v0 =	vadd.f32 v58, v0;
	v49 =	vmul.f32 v49, v3;
	v52 =	vmul.f32 v54, v3;
	[tilespmem:s9+$0x13530] =	vst v8  }
0x2ef: {  	v62 =	vld [tilespmem:s9+$0xB930];
	v58 =	vmul.f32 v26, v4;
	v11 =	vadd.f32 v33, v42;
	v33 =	vmul.f32 v46, v4;
	[tilespmem:s9+$0x13110] =	vst v61  }
0x2f0: {  	v43 =	vld [tilespmem:s9+$0x3950];
	v14 =	vadd.f32 v57, v55;
	v61 =	vmul.f32 v36, v3;
	[tilespmem:s9+$0x13140] =	vst v13;
	v36 =	vmul.f32 v28, v3  }
0x2f1: {  	v31 =	vld [tilespmem:s9+$0x3940];
	[tilespmem:s9+$0x13500] =	vst v0;
	v54 =	vadd.f32 v49, v23;
	v57 =	vmul.f32 v34, v4;
	v0 =	vadd.f32 v44, v11  }
0x2f2: {  	v59 =	vld [tilespmem:s9+$0x3970];
	[tilespmem:s9+$0x13160] =	vst v53;
	v55 =	vmul.f32 v60, v3;
	v5 =	vadd.f32 v61, v32;
	v32 =	vmul.f32 v35, v3  }
0x2f3: {  	v53 =	vld [tilespmem:s9+$0x3960];
	[tilespmem:s9+$0x13170] =	vst v14;
	v10 =	vadd.f32 v36, v47;
	v60 =	vmul.f32 v19, v4;
	v19 =	vadd.f32 v58, v54  }
0x2f4: {  	v35 =	vld [tilespmem:s9+$0xB940];
	v61 =	vmul.f32 v62, v4;
	v7 =	vadd.f32 v55, v7;
	[tilespmem:s9+$0x13560] =	vst v0;
	v5 =	vadd.f32 v25, v5  }
0x2f5: {  	v50 =	vld [tilespmem:s9+$0x13960];
	v28 =	vmul.f32 v43, v3;
	v6 =	vadd.f32 v32, v27;
	v51 =	vadd.f32 v45, v10;
	[tilespmem:s9+$0x13910] =	vst v19  }
0x2f6: {  	v23 =	vmul.f32 v31, v3;
	v62 =	vld [tilespmem:s9+$0x13970];
	v10 =	vadd.f32 v52, v21;
	v27 =	vadd.f32 v61, v7;
	[tilespmem:s9+$0x13540] =	vst v5  }
0x2f7: {  	v34 =	vmul.f32 v59, v3;
	v32 =	vadd.f32 v28, v37;
	v47 =	vadd.f32 v41, v6;
	[tilespmem:s9+$0x13570] =	vst v51  }
0x2f8: {  	v31 =	vmul.f32 v53, v3;
	v6 =	vadd.f32 v48, v40;
	v26 =	vadd.f32 v60, v10;
	[tilespmem:s9+$0x13930] =	vst v27  }
0x2f9: {  	v29 =	vadd.f32 v23, v9;
	v30 =	vmul.f32 v35, v4;
	v37 =	vadd.f32 v33, v32;
	[tilespmem:s9+$0x13550] =	vst v47  }
0x2fa: {  	v36 =	vmul.f32 v56, v4;
	v35 =	vadd.f32 v31, v50;
	v63 =	vadd.f32 v57, v6;
	[tilespmem:s9+$0x13920] =	vst v26  }
0x2fb: {  	v39 =	vmul.f32 v24, v4;
	v38 =	vadd.f32 v34, v62;
	v0 =	vadd.f32 v30, v29;
	[tilespmem:s9+$0x13950] =	vst v37  }
0x2fc: {  	s19 =	sand.u32 $0x7, s16;
	v40 =	vadd.f32 v36, v35;
	[tilespmem:s9+$0x13900] =	vst v63  }
0x2fd: {  	s19 =	sshll.u32 s19, $0x7;
	v41 =	vadd.f32 v39, v38;
	[tilespmem:s9+$0x13940] =	vst v0  }
0x2fe: {  	s19 =	sadd.s32 s19, s24;
	[tilespmem:s9+$0x13960] =	vst v40  }
0x2ff: {  	[tilespmem:s9+$0x13970] =	vst v41;
	s9 =	sor.u32 $0x1C00, s19  }
0x300: {  	v0 =	vld [tilespmem:s9+$0x2100]  }
0x301: {  	v1 =	vld [tilespmem:s9+$0x12100]  }
0x302: {  	v2 =	vld [tilespmem:s9+$0xA100];
	_ =	sdelay $0x2  }
0x303: {  	v0 =	vmul.f32 v0, v3;
	_ =	sdelay $0x1  }
0x304: {  	v42 =	vmul.f32 v2, v4;
	v0 =	vadd.f32 v0, v1;
	_ =	sdelay $0x1  }
0x305: {  	v0 =	vadd.f32 v42, v0;
	_ =	sdelay $0x1  }
0x306: {  	[tilespmem:s9+$0x12100] =	vst v0;
	s9 =	sor.u32 $0x1C10, s19  }
0x307: {  	v0 =	vld [tilespmem:s9+$0x2100]  }
0x308: {  	v43 =	vld [tilespmem:s9+$0x12100]  }
0x309: {  	v44 =	vld [tilespmem:s9+$0xA100];
	_ =	sdelay $0x2  }
0x30a: {  	v0 =	vmul.f32 v0, v3;
	_ =	sdelay $0x1  }
0x30b: {  	v45 =	vmul.f32 v44, v4;
	v0 =	vadd.f32 v0, v43;
	_ =	sdelay $0x1  }
0x30c: {  	v0 =	vadd.f32 v45, v0;
	_ =	sdelay $0x1  }
0x30d: {  	[tilespmem:s9+$0x12100] =	vst v0;
	s9 =	sor.u32 $0x1C20, s19  }
0x30e: {  	v0 =	vld [tilespmem:s9+$0x2100]  }
0x30f: {  	v46 =	vld [tilespmem:s9+$0x12100]  }
0x310: {  	v47 =	vld [tilespmem:s9+$0xA100];
	_ =	sdelay $0x2  }
0x311: {  	v0 =	vmul.f32 v0, v3;
	_ =	sdelay $0x1  }
0x312: {  	v48 =	vmul.f32 v47, v4;
	v0 =	vadd.f32 v0, v46;
	_ =	sdelay $0x1  }
0x313: {  	v0 =	vadd.f32 v48, v0;
	_ =	sdelay $0x1  }
0x314: {  	[tilespmem:s9+$0x12100] =	vst v0;
	s9 =	sor.u32 $0x1C30, s19  }
0x315: {  	v0 =	vld [tilespmem:s9+$0x2100]  }
0x316: {  	v49 =	vld [tilespmem:s9+$0x12100]  }
0x317: {  	v50 =	vld [tilespmem:s9+$0xA100];
	_ =	sdelay $0x2  }
0x318: {  	v0 =	vmul.f32 v0, v3;
	_ =	sdelay $0x1  }
0x319: {  	v51 =	vmul.f32 v50, v4;
	v0 =	vadd.f32 v0, v49;
	_ =	sdelay $0x1  }
0x31a: {  	v0 =	vadd.f32 v51, v0;
	_ =	sdelay $0x1  }
0x31b: {  	[tilespmem:s9+$0x12100] =	vst v0;
	s9 =	sor.u32 $0x1C40, s19  }
0x31c: {  	v0 =	vld [tilespmem:s9+$0x2100]  }
0x31d: {  	v52 =	vld [tilespmem:s9+$0x12100]  }
0x31e: {  	v53 =	vld [tilespmem:s9+$0xA100];
	_ =	sdelay $0x2  }
0x31f: {  	v0 =	vmul.f32 v0, v3;
	_ =	sdelay $0x1  }
0x320: {  	v54 =	vmul.f32 v53, v4;
	v0 =	vadd.f32 v0, v52;
	_ =	sdelay $0x1  }
0x321: {  	v0 =	vadd.f32 v54, v0;
	_ =	sdelay $0x1  }
0x322: {  	[tilespmem:s9+$0x12100] =	vst v0;
	s9 =	sor.u32 $0x1C50, s19  }
0x323: {  	v0 =	vld [tilespmem:s9+$0x2100]  }
0x324: {  	v55 =	vld [tilespmem:s9+$0x12100]  }
0x325: {  	v56 =	vld [tilespmem:s9+$0xA100];
	_ =	sdelay $0x2  }
0x326: {  	v0 =	vmul.f32 v0, v3;
	_ =	sdelay $0x1  }
0x327: {  	v57 =	vmul.f32 v56, v4;
	v0 =	vadd.f32 v0, v55;
	_ =	sdelay $0x1  }
0x328: {  	v0 =	vadd.f32 v57, v0;
	_ =	sdelay $0x1  }
0x329: {  	[tilespmem:s9+$0x12100] =	vst v0;
	s9 =	sor.u32 $0x1C60, s19  }
0x32a: {  	v0 =	vld [tilespmem:s9+$0x2100]  }
0x32b: {  	v58 =	vld [tilespmem:s9+$0x12100]  }
0x32c: {  	v59 =	vld [tilespmem:s9+$0xA100];
	_ =	sdelay $0x2  }
0x32d: {  	v0 =	vmul.f32 v0, v3;
	_ =	sdelay $0x1  }
0x32e: {  	v60 =	vmul.f32 v59, v4;
	v0 =	vadd.f32 v0, v58;
	_ =	sdelay $0x1  }
0x32f: {  	v0 =	vadd.f32 v60, v0;
	_ =	sdelay $0x1  }
0x330: {  	s19 =	sor.u32 $0x1C70, s19;
	[tilespmem:s9+$0x12100] =	vst v0  }
0x331: {  	v0 =	vld [tilespmem:s19+$0x2100]  }
0x332: {  	v61 =	vld [tilespmem:s19+$0x12100]  }
0x333: {  	v62 =	vld [tilespmem:s19+$0xA100];
	_ =	sdelay $0x2  }
0x334: {  	v0 =	vmul.f32 v0, v3  }
0x335: {  	p0 =	sne.s32 s18, $0xF80  }
.Ltmp1:
0x336: {  	v63 =	vmul.f32 v62, v4;
	v0 =	vadd.f32 v0, v61;
	(pc) =	sbr.rel @p0 .LBB2_4-.Ltmp1, $4  }
0x337: {  	_ = 	snop  }
0x338: {  	v0 =	vadd.f32 v63, v0  }
0x339: {  	s23 =	sadd.s32 $0x80, s23;
	s17 =	sadd.s32 $0x80, s17  }
0x33a: {  	s18 =	sadd.s32 $0x80, s18;
	s16 =	sadd.s32 $0x1, s16;
	s24 =	sadd.s32 $0x400, s24;
	[tilespmem:s19+$0x12100] =	vst v0  }
0x33b: {  	s9 =	rddreg [dreg:$0xe]  }
0x33c: {  	[hbm4b:s9+s1] =	stream.linear.scatter [tilespmem:s5], [sflag:$0x3], $0x8000, $0x38;
	[tilespmem:$0x1A100] =	vst v63  }
0x33d: {  	_ =	swait.ge [sflag:s20], $0x8000  }
0x33e: {  	s22 =	sadd.s32 $0x1, s22;
	s24 =	rddreg [dreg:$0xf]  }
0x33f: {  	p0 =	sne.s32 s22, s24  }
.Ltmp2:
0x340: {  	_ = 	snop;
	(pc) =	sbr.rel @p0 .LBB2_1-.Ltmp2, $3  }
0x341: {  	_ =	sdelay $0x1  }
0x342: {  	[sflag:s20] =	ssyncset.done $0x0  }
0x343: {  	[sflag:s20] =	ssyncadd.s32 $0xFFFF8000  }
0x344: {  	_ =	sfence.sel $0x180000  }
0x345: {  	[bflag:$0x0] =	sbarrier.arrive $0xFFFF  }
0x346: {  	_ =	strace $0x90000047  }
0x347: {  	s0 =	stileid.u32;
	[bflag:$0x2] =	sbarrier.arrive $0xFFFF  }
0x348: {  	p0 =	sne.s32 s0, $0x0;
	s0 =	rddreg [dreg:$0x2]  }
0x349: {  	s0 =	sadd.s32 @!p0 $0x100000, s0  }
0x34a: {  	[sflag:s0] =	ssyncadd.tile.s32 @!p0 $0x1;
	_ =	shalt  }
.Lfunc_end2:
_tile_overlayer_lowered:
.L_overlay_start_2:
0x34b: {  	(tag) =	ssettag $0x2  }
0x34c: {  	s0 =	rddreg [dreg:$0x0];
	s2 =	stileid.u32  }
0x34d: {  	s1 =	rddreg [dreg:$0x1];
	p0 =	sne.s32 s2, $0x0  }
0x34e: {  	s3 =	rddreg [dreg:$0x2];
	[bflag:$0x3] =	sbarrier.arrive $0xFFFF;
	s2 =	simm.s32 @!p0 $0x1C03  }
0x34f: {  	[timem:s3], [sflag:s2] =	dma.local @!p0 [hbm:s0], s1  }
0x350: {  	s0 =	simm.s32 @!p0 $0x3  }
0x351: {  	_ =	swait.ge @!p0 [sflag:s0], s1  }
0x352: {  	s1 =	ssub.s32 @!p0 $0x0, s1;
	[sflag:s0] =	ssyncset.done @!p0 $0x0  }
0x353: {  	[sflag:s0] =	ssyncadd.s32 @!p0 s1  }
0x354: {  	[bflag:$0x3] =	sbarrier.arrive $0xFFFF  }
0x355: {  	_ =	shalt  }

</sc_bundles>
